<compile_context>
chip_gen: v7x
topology: tpu7x:2x2x1
jax: 0.10.2.dev20260603
libtpu: 0.0.44.dev20260713+nightly
codegen_flags: <defaults>
</compile_context>

<pallas_src>
import functools

import jax
import jax.numpy as jnp
from jax import lax
from jax.experimental import pallas as pl
from jax.experimental.pallas import tpu as pltpu
from jax.experimental.pallas import tpu_sc as plsc

_B = 8
_A = 70400
_NTILE = _A // 128
_NTEC = 32
_TPT = 16
_NCHUNK = 9
_NG = 16

_R = 1.0 / 9.0
_TWO_PI = 6.283185307179586
_INV_2PI = 1.0 / _TWO_PI

_S = (0.9994499856355578, -0.16583822059568304, 0.007998520295566622,
      -0.00014773645596884532)
_L = (2.211703120015675e-05, 0.9990104466294578, -0.4891568472023055,
      0.28330432451742465, -0.13011941539128902, 0.030102625011688023)


def _floor(x):
    f = x.astype(jnp.int32).astype(jnp.float32)
    return jnp.where(f > x, f - 1.0, f)


def _log1p_poly(u):
    r = jnp.full_like(u, _L[5])
    for c in (_L[4], _L[3], _L[2], _L[1], _L[0]):
        r = r * u + c
    return r


def _sin_poly(x):
    n = _floor(x * _INV_2PI + 0.5)
    y = x - n * _TWO_PI
    y2 = y * y
    r = jnp.full_like(y, _S[3])
    for c in (_S[2], _S[1], _S[0]):
        r = r * y2 + c
    return y * r


def _huber(d):
    ad = jnp.abs(d)
    q = jnp.minimum(ad, _R)
    return 4.5 * q * q + (ad - q)


def _sc_body(box_hbm, cls_hbm, dir_hbm, reg_hbm, anc_hbm, lab_hbm, out_hbm,
             bx0, rg0, an0, cl0, dr0, lb0,
             bx1, rg1, an1, cl1, dr1, lb1,
             acc_scr, sem0, sem1):
    cid = lax.axis_index("c")
    sid = lax.axis_index("s")
    wid = cid * 16 + sid
    tail_t = _NTEC * _TPT + 2 * jnp.minimum(wid, 18)
    tail_scale = jnp.where(wid < 19, 1.0, 0.0)

    bufs0 = (bx0, rg0, an0, cl0, dr0, lb0)
    bufs1 = (bx1, rg1, an1, cl1, dr1, lb1)

    def _tile_of(c):
        return jnp.where(c < 8, wid * _TPT + 2 * c, tail_t)

    def _copies(c, bufs, sem):
        t = _tile_of(c)
        bx, rg, an, cl, dr, lb = bufs
        return (
            pltpu.make_async_copy(box_hbm.at[:, pl.ds(t, 2), :, :], bx, sem),
            pltpu.make_async_copy(reg_hbm.at[:, pl.ds(t, 2), :, :], rg, sem),
            pltpu.make_async_copy(anc_hbm.at[6, pl.ds(t, 2), :, :], an, sem),
            pltpu.make_async_copy(cls_hbm.at[:, pl.ds(t, 2), 0, :], cl, sem),
            pltpu.make_async_copy(dir_hbm.at[:, pl.ds(t, 2), :, :], dr, sem),
            pltpu.make_async_copy(lab_hbm.at[pl.ds(t, 2), :, :], lb, sem),
        )

    def _start(c, bufs, sem):
        for cp in _copies(c, bufs, sem):
            cp.start()

    def _wait(c, bufs, sem):
        for cp in _copies(c, bufs, sem):
            cp.wait()

    def _group_body(bufs, b):
        bx, rg, an, cl, dr, lb = bufs

        def step(g, accs):
            acc_loc, acc_cls, acc_dir, acc_np = accs
            ti = jax.lax.shift_right_logical(g, 3)
            s = jax.lax.bitwise_and(g, 7) * 16

            lab = lb[ti, b, pl.ds(s, 16)]
            pos = lab.astype(jnp.float32)

            loc = None
            for c in range(6):
                d = bx[c, ti, b, pl.ds(s, 16)] - rg[c, ti, b, pl.ds(s, 16)]
                h = _huber(d)
                loc = h if loc is None else loc + h
            r6 = rg[6, ti, b, pl.ds(s, 16)]
            loc = loc + _huber(_sin_poly(bx[6, ti, b, pl.ds(s, 16)] - r6))
            acc_loc = acc_loc + loc * pos

            cv = cl[b, ti, pl.ds(s, 16)]
            e = jnp.exp(-jnp.abs(cv))
            ce = jnp.maximum(cv, 0.0) - cv * pos + _log1p_poly(e)
            inv = 1.0 / (1.0 + e)
            p = jnp.where(cv >= 0, inv, e * inv)
            pt = jnp.where(pos > 0.5, p, 1.0 - p)
            om = 1.0 - pt
            aw = 0.75 - 0.5 * pos
            acc_cls = acc_cls + om * om * aw * ce

            rot = r6 + an[ti, b, pl.ds(s, 16)]
            u = rot * _INV_2PI
            hi = (u - _floor(u)) >= 0.5
            d0 = dr[b, ti, 0, pl.ds(s, 16)]
            d1 = dr[b, ti, 1, pl.ds(s, 16)]
            lse = jnp.maximum(d0, d1) + _log1p_poly(jnp.exp(-jnp.abs(d0 - d1)))
            dsel = jnp.where(hi, d1, d0)
            acc_dir = acc_dir + (lse - dsel) * pos

            acc_np = acc_np + pos
            return (acc_loc, acc_cls, acc_dir, acc_np)

        def body(i, accs):
            return step(2 * i + 1, step(2 * i, accs))

        return body

    def _compute(bufs, scale=None):
        zero = jnp.zeros((16,), jnp.float32)

        def bbody(b, carry):
            accs = lax.fori_loop(0, _NG // 2, _group_body(bufs, b),
                                 (zero, zero, zero, zero))
            for j in range(4):
                a = accs[j] if scale is None else accs[j] * scale
                acc_scr[b * 4 + j] = acc_scr[b * 4 + j] + a
            return carry

        lax.fori_loop(0, _B, bbody, 0)

    for i in range(_B * 4):
        acc_scr[i] = jnp.zeros((16,), jnp.float32)

    _start(0, bufs0, sem0)

    def outer(i, carry):
        c0 = 2 * i
        _start(c0 + 1, bufs1, sem1)
        _wait(c0, bufs0, sem0)
        _compute(bufs0)

        @pl.when(c0 + 2 < _NCHUNK)
        def _():
            _start(c0 + 2, bufs0, sem0)

        _wait(c0 + 1, bufs1, sem1)
        _compute(bufs1)
        return carry

    lax.fori_loop(0, (_NCHUNK - 1) // 2, outer, 0)

    _wait(_NCHUNK - 1, bufs0, sem0)
    _compute(bufs0, scale=tail_scale)

    pltpu.sync_copy(acc_scr, out_hbm.at[wid])


def kernel(box_preds, cls_preds, dir_cls_preds, reg_targets, anchors, labels):
    mesh = plsc.VectorSubcoreMesh(core_axis_name="c", subcore_axis_name="s")
    f32 = jnp.float32
    call = functools.partial(
        pl.kernel, mesh=mesh,
        out_type=jax.ShapeDtypeStruct((_NTEC, _B * 4, 16), f32),
        scratch_types=(
            [pltpu.VMEM((7, 2, 8, 128), f32), pltpu.VMEM((7, 2, 8, 128), f32),
             pltpu.VMEM((2, 8, 128), f32), pltpu.VMEM((8, 2, 128), f32),
             pltpu.VMEM((8, 2, 2, 128), f32),
             pltpu.VMEM((2, 8, 128), jnp.int32)] * 2
            + [pltpu.VMEM((_B * 4, 16), f32),
               pltpu.SemaphoreType.DMA, pltpu.SemaphoreType.DMA]),
    )(_sc_body)
    box_v = box_preds.transpose(2, 0, 1).reshape(7, 8, _NTILE, 128)
    box_v = box_v.transpose(0, 2, 1, 3)
    reg_v = reg_targets.transpose(2, 0, 1).reshape(7, 8, _NTILE, 128)
    reg_v = reg_v.transpose(0, 2, 1, 3)
    anc_v = anchors.transpose(2, 0, 1).reshape(7, 8, _NTILE, 128)
    anc_v = anc_v.transpose(0, 2, 1, 3)
    cls_v = cls_preds.reshape(_B, _NTILE, 1, 128)
    dir_v = dir_cls_preds.reshape(_B, _NTILE, 128, 2).transpose(0, 1, 3, 2)
    lab_v = labels.reshape(_B, _NTILE, 128).transpose(1, 0, 2)
    part = call(box_v, cls_v, dir_v, reg_v, anc_v, lab_v)
    ps = part.sum(-1).reshape(_NTEC, _B, 4).sum(0)
    norm = jnp.maximum(ps[:, 3], 1.0)
    return ((2.0 * ps[:, 0] + ps[:, 1] + 0.2 * ps[:, 2]) / norm).sum() / _B

# --- scband reference (transcript-rebuilt; emitter-appended) ---
"""Pipeline reference for scband-voxel-net-78176994722177 (READ-ONLY COPY).

The authoritative reference and input builder live on the scoring server;
editing this copy changes nothing except your own understanding.
"""

import jax, jax.numpy as jnp
import numpy as np

B = 8
A = 70400
NUM_CLASS = 1
CODE = 7
NUM_DIR_BINS = 2
SIGMA = 3.0
GAMMA = 2.0
ALPHA = 0.25
POS_CLS_W = 1.0
NEG_CLS_W = 1.0
CLS_W = 1.0
LOC_W = 2.0
DIR_W = 0.2
DIR_OFFSET = 0.0


def setup_inputs(seed: int = 0) -> dict:
    key = jax.random.key(seed)
    k1, k2, k3, k4, k5, k6 = jax.random.split(key, 6)
    box_preds = jax.random.normal(k1, (B, A, CODE), dtype=jnp.float32)
    cls_preds = jax.random.normal(k2, (B, A, NUM_CLASS), dtype=jnp.float32)
    dir_cls_preds = jax.random.normal(k3, (B, A, NUM_DIR_BINS), dtype=jnp.float32)
    reg_targets = jax.random.normal(k4, (B, A, CODE), dtype=jnp.float32)
    anchors = jax.random.normal(k5, (B, A, CODE), dtype=jnp.float32)
    labels = jax.random.randint(k6, (B, A), 0, 2, dtype=jnp.int32)
    return {"box_preds": box_preds, "cls_preds": cls_preds, "dir_cls_preds": dir_cls_preds,
            "reg_targets": reg_targets, "anchors": anchors, "labels": labels}


def _limit_period(val, offset, period):
    return val - jnp.floor(val / period + offset) * period


def reference(box_preds, cls_preds, dir_cls_preds, reg_targets, anchors, labels):
    f32 = jnp.float32
    # prepare_loss_weights (NormByNumPositives)
    cared = labels >= 0
    positives = labels > 0
    negatives = labels == 0
    cls_weights = negatives.astype(f32) * NEG_CLS_W + POS_CLS_W * positives.astype(f32)
    reg_weights = positives.astype(f32)
    pos_normalizer = jnp.clip(positives.sum(axis=1, keepdims=True).astype(f32), 1.0, None)
    reg_weights = reg_weights / pos_normalizer
    cls_weights = cls_weights / pos_normalizer
    # cls targets (cared mask), one-hot with background stripped
    cls_targets = labels * cared.astype(labels.dtype)
    one_hot_targets = jax.nn.one_hot(cls_targets, NUM_CLASS + 1, dtype=f32)[..., 1:]
    # add_sin_difference (encode_rad_error_by_sin, factor=1.0)
    r1 = box_preds[..., 6:7]
    r2 = reg_targets[..., 6:7]
    rad_pred_encoding = jnp.sin(r1) * jnp.cos(r2)
    rad_tg_encoding = jnp.cos(r1) * jnp.sin(r2)
    bp = jnp.concatenate([box_preds[..., :6], rad_pred_encoding, box_preds[..., 7:]], axis=-1)
    rt = jnp.concatenate([reg_targets[..., :6], rad_tg_encoding, reg_targets[..., 7:]], axis=-1)
    # WeightedSmoothL1LocalizationLoss
    diff = bp - rt
    abs_diff = jnp.abs(diff)
    abs_diff_lt = abs_diff < (1.0 / (SIGMA ** 2))
    loc_losses = jnp.where(abs_diff_lt, 0.5 * (SIGMA ** 2) * diff * diff,
                           abs_diff - 0.5 / (SIGMA ** 2))
    loc_losses = loc_losses * reg_weights[..., None]
    # SigmoidFocalClassificationLoss
    per_entry_ce = (jnp.clip(cls_preds, 0.0, None) - cls_preds * one_hot_targets
                    + jnp.log1p(jnp.exp(-jnp.abs(cls_preds))))
    p = jax.nn.sigmoid(cls_preds)
    p_t = one_hot_targets * p + (1.0 - one_hot_targets) * (1.0 - p)
    modulating = jnp.power(1.0 - p_t, GAMMA)
    alpha_w = one_hot_targets * ALPHA + (1.0 - one_hot_targets) * (1.0 - ALPHA)
    cls_losses = modulating * alpha_w * per_entry_ce * cls_weights[..., None]
    # get_direction_target + WeightedSoftmaxClassificationLoss
    rot_gt = reg_targets[..., 6] + anchors[..., 6]
    offset_rot = _limit_period(rot_gt - DIR_OFFSET, 0.0, 2.0 * np.pi)
    dir_cls_targets = jnp.floor(offset_rot / (2.0 * np.pi / NUM_DIR_BINS)).astype(jnp.int32)
    dir_cls_targets = jnp.clip(dir_cls_targets, 0, NUM_DIR_BINS - 1)
    dir_one_hot = jax.nn.one_hot(dir_cls_targets, NUM_DIR_BINS, dtype=f32)
    dir_weights = positives.astype(f32)
    dir_weights = dir_weights / jnp.clip(dir_weights.sum(axis=-1, keepdims=True), 1.0, None)
    dir_logp = jax.nn.log_softmax(dir_cls_preds, axis=-1)
    dir_loss = -(dir_one_hot * dir_logp).sum(axis=-1) * dir_weights
    # reduce and combine
    loc_loss_reduced = loc_losses.sum() / B * LOC_W
    cls_loss_reduced = cls_losses.sum() / B * CLS_W
    dir_loss_reduced = dir_loss.sum() / B * DIR_W
    return loc_loss_reduced + cls_loss_reduced + dir_loss_reduced

if __name__ == "__main__":
    import jax
    _d = setup_inputs()
    print(jax.jit(kernel)(*tuple(_d.values())))

</pallas_src>

<mosaic_0001>
#map = affine_map<(d0, d1) -> (0, 0, 0, 0)>
#map1 = affine_map<(d0, d1) -> (0, 0, 0)>
module attributes {stable_mosaic.version = 14 : i64} {
  func.func @_sc_body(%arg0: i32, %arg1: i32, %arg2: memref<7x550x8x128xf32, #tpu.memory_space<hbm>>, %arg3: memref<8x550x1x128xf32, #tpu.memory_space<hbm>>, %arg4: memref<8x550x2x128xf32, #tpu.memory_space<hbm>>, %arg5: memref<7x550x8x128xf32, #tpu.memory_space<hbm>>, %arg6: memref<7x550x8x128xf32, #tpu.memory_space<hbm>>, %arg7: memref<550x8x128xi32, #tpu.memory_space<hbm>>, %arg8: memref<32x32x16xf32, #tpu.memory_space<hbm>>, %arg9: memref<7x2x8x128xf32, #tpu.memory_space<vmem>>, %arg10: memref<7x2x8x128xf32, #tpu.memory_space<vmem>>, %arg11: memref<2x8x128xf32, #tpu.memory_space<vmem>>, %arg12: memref<8x2x128xf32, #tpu.memory_space<vmem>>, %arg13: memref<8x2x2x128xf32, #tpu.memory_space<vmem>>, %arg14: memref<2x8x128xi32, #tpu.memory_space<vmem>>, %arg15: memref<7x2x8x128xf32, #tpu.memory_space<vmem>>, %arg16: memref<7x2x8x128xf32, #tpu.memory_space<vmem>>, %arg17: memref<2x8x128xf32, #tpu.memory_space<vmem>>, %arg18: memref<8x2x128xf32, #tpu.memory_space<vmem>>, %arg19: memref<8x2x2x128xf32, #tpu.memory_space<vmem>>, %arg20: memref<2x8x128xi32, #tpu.memory_space<vmem>>, %arg21: memref<32x16xf32, #tpu.memory_space<vmem>>, %arg22: memref<!tpu.dma_semaphore, #tpu.memory_space<semaphore_mem>>, %arg23: memref<!tpu.dma_semaphore, #tpu.memory_space<semaphore_mem>>) attributes {dimension_semantics = [#tpu.dimension_semantics<core_parallel>, #tpu.dimension_semantics<subcore_parallel>], iteration_bounds = array<i64: 2, 16>, scalar_prefetch = 0 : i64, scratch_operands = 15 : i64, tpu.core_type = #tpu.core_type<sc_vector_subcore>, window_params = [{transform_indices = #map}, {transform_indices = #map}, {transform_indices = #map}, {transform_indices = #map}, {transform_indices = #map}, {transform_indices = #map1}, {transform_indices = #map1}]} {
    %mul3A = arith.constant 16 : i32
    %mul3A_0 = arith.muli %arg0, %mul3A : i32
    %add3A = arith.addi %mul3A_0, %arg1 : i32
    %min3A = arith.constant 18 : i32
    %min3A_1 = arith.minsi %add3A, %min3A : i32
    %mul3A_2 = arith.constant 2 : i32
    %mul3A_3 = arith.muli %mul3A_2, %min3A_1 : i32
    %add3A_4 = arith.constant 512 : i32
    %add3A_5 = arith.addi %add3A_4, %mul3A_3 : i32
    %lt3A = arith.constant 19 : i32
    %lt3A_6 = arith.cmpi slt, %add3A, %lt3A : i32
    %jit3A = arith.constant 1.000000e+00 : f32
    %jit3A_7 = arith.constant 0.000000e+00 : f32
    %select_n3A = arith.select %lt3A_6, %jit3A, %jit3A_7 : f32
    %broadcast_in_dim3A = arith.constant 0.000000e+00 : f32
    %broadcast_in_dim3A_8 = vector.broadcast %broadcast_in_dim3A : f32 to vector<16xf32>
    %swap3A = arith.constant 0 : i32
    %swap3A_9 = arith.index_cast %swap3A : i32 to index
    %swap3A_10 = arith.constant 0 : index
    %swap3A_11 = tpu.vector_load %arg21[%swap3A_9, %swap3A_10] {strides = array<i32>} : memref<32x16xf32, #tpu.memory_space<vmem>>, vector<1x16xf32>,
    %swap3A_12 = vector.shape_cast %swap3A_11 : vector<1x16xf32> to vector<16xf32>
    %swap3A_13 = vector.shape_cast %broadcast_in_dim3A_8 : vector<16xf32> to vector<1x16xf32>
    tpu.vector_store %arg21[%swap3A_9, %swap3A_10], %swap3A_13 {strides = array<i32>} : memref<32x16xf32, #tpu.memory_space<vmem>>, vector<1x16xf32>,
    %broadcast_in_dim3A_14 = arith.constant 0.000000e+00 : f32
    %broadcast_in_dim3A_15 = vector.broadcast %broadcast_in_dim3A_14 : f32 to vector<16xf32>
    %swap3A_16 = arith.constant 1 : i32
    %swap3A_17 = arith.index_cast %swap3A_16 : i32 to index
    %swap3A_18 = arith.constant 0 : index
    %swap3A_19 = tpu.vector_load %arg21[%swap3A_17, %swap3A_18] {strides = array<i32>} : memref<32x16xf32, #tpu.memory_space<vmem>>, vector<1x16xf32>,
    %swap3A_20 = vector.shape_cast %swap3A_19 : vector<1x16xf32> to vector<16xf32>
    %swap3A_21 = vector.shape_cast %broadcast_in_dim3A_15 : vector<16xf32> to vector<1x16xf32>
    tpu.vector_store %arg21[%swap3A_17, %swap3A_18], %swap3A_21 {strides = array<i32>} : memref<32x16xf32, #tpu.memory_space<vmem>>, vector<1x16xf32>,
    %broadcast_in_dim3A_22 = arith.constant 0.000000e+00 : f32
    %broadcast_in_dim3A_23 = vector.broadcast %broadcast_in_dim3A_22 : f32 to vector<16xf32>
    %swap3A_24 = arith.constant 2 : i32
    %swap3A_25 = arith.index_cast %swap3A_24 : i32 to index
    %swap3A_26 = arith.constant 0 : index
    %swap3A_27 = tpu.vector_load %arg21[%swap3A_25, %swap3A_26] {strides = array<i32>} : memref<32x16xf32, #tpu.memory_space<vmem>>, vector<1x16xf32>,
    %swap3A_28 = vector.shape_cast %swap3A_27 : vector<1x16xf32> to vector<16xf32>
    %swap3A_29 = vector.shape_cast %broadcast_in_dim3A_23 : vector<16xf32> to vector<1x16xf32>
    tpu.vector_store %arg21[%swap3A_25, %swap3A_26], %swap3A_29 {strides = array<i32>} : memref<32x16xf32, #tpu.memory_space<vmem>>, vector<1x16xf32>,
    %broadcast_in_dim3A_30 = arith.constant 0.000000e+00 : f32
    %broadcast_in_dim3A_31 = vector.broadcast %broadcast_in_dim3A_30 : f32 to vector<16xf32>
    %swap3A_32 = arith.constant 3 : i32
    %swap3A_33 = arith.index_cast %swap3A_32 : i32 to index
    %swap3A_34 = arith.constant 0 : index
    %swap3A_35 = tpu.vector_load %arg21[%swap3A_33, %swap3A_34] {strides = array<i32>} : memref<32x16xf32, #tpu.memory_space<vmem>>, vector<1x16xf32>,
    %swap3A_36 = vector.shape_cast %swap3A_35 : vector<1x16xf32> to vector<16xf32>
    %swap3A_37 = vector.shape_cast %broadcast_in_dim3A_31 : vector<16xf32> to vector<1x16xf32>
    tpu.vector_store %arg21[%swap3A_33, %swap3A_34], %swap3A_37 {strides = array<i32>} : memref<32x16xf32, #tpu.memory_space<vmem>>, vector<1x16xf32>,
    %broadcast_in_dim3A_38 = arith.constant 0.000000e+00 : f32
    %broadcast_in_dim3A_39 = vector.broadcast %broadcast_in_dim3A_38 : f32 to vector<16xf32>
    %swap3A_40 = arith.constant 4 : i32
    %swap3A_41 = arith.index_cast %swap3A_40 : i32 to index
    %swap3A_42 = arith.constant 0 : index
    %swap3A_43 = tpu.vector_load %arg21[%swap3A_41, %swap3A_42] {strides = array<i32>} : memref<32x16xf32, #tpu.memory_space<vmem>>, vector<1x16xf32>,
    %swap3A_44 = vector.shape_cast %swap3A_43 : vector<1x16xf32> to vector<16xf32>
    %swap3A_45 = vector.shape_cast %broadcast_in_dim3A_39 : vector<16xf32> to vector<1x16xf32>
    tpu.vector_store %arg21[%swap3A_41, %swap3A_42], %swap3A_45 {strides = array<i32>} : memref<32x16xf32, #tpu.memory_space<vmem>>, vector<1x16xf32>,
    %broadcast_in_dim3A_46 = arith.constant 0.000000e+00 : f32
    %broadcast_in_dim3A_47 = vector.broadcast %broadcast_in_dim3A_46 : f32 to vector<16xf32>
    %swap3A_48 = arith.constant 5 : i32
    %swap3A_49 = arith.index_cast %swap3A_48 : i32 to index
    %swap3A_50 = arith.constant 0 : index
    %swap3A_51 = tpu.vector_load %arg21[%swap3A_49, %swap3A_50] {strides = array<i32>} : memref<32x16xf32, #tpu.memory_space<vmem>>, vector<1x16xf32>,
    %swap3A_52 = vector.shape_cast %swap3A_51 : vector<1x16xf32> to vector<16xf32>
    %swap3A_53 = vector.shape_cast %broadcast_in_dim3A_47 : vector<16xf32> to vector<1x16xf32>
    tpu.vector_store %arg21[%swap3A_49, %swap3A_50], %swap3A_53 {strides = array<i32>} : memref<32x16xf32, #tpu.memory_space<vmem>>, vector<1x16xf32>,
    %broadcast_in_dim3A_54 = arith.constant 0.000000e+00 : f32
    %broadcast_in_dim3A_55 = vector.broadcast %broadcast_in_dim3A_54 : f32 to vector<16xf32>
    %swap3A_56 = arith.constant 6 : i32
    %swap3A_57 = arith.index_cast %swap3A_56 : i32 to index
    %swap3A_58 = arith.constant 0 : index
    %swap3A_59 = tpu.vector_load %arg21[%swap3A_57, %swap3A_58] {strides = array<i32>} : memref<32x16xf32, #tpu.memory_space<vmem>>, vector<1x16xf32>,
    %swap3A_60 = vector.shape_cast %swap3A_59 : vector<1x16xf32> to vector<16xf32>
    %swap3A_61 = vector.shape_cast %broadcast_in_dim3A_55 : vector<16xf32> to vector<1x16xf32>
    tpu.vector_store %arg21[%swap3A_57, %swap3A_58], %swap3A_61 {strides = array<i32>} : memref<32x16xf32, #tpu.memory_space<vmem>>, vector<1x16xf32>,
    %broadcast_in_dim3A_62 = arith.constant 0.000000e+00 : f32
    %broadcast_in_dim3A_63 = vector.broadcast %broadcast_in_dim3A_62 : f32 to vector<16xf32>
    %swap3A_64 = arith.constant 7 : i32
    %swap3A_65 = arith.index_cast %swap3A_64 : i32 to index
    %swap3A_66 = arith.constant 0 : index
    %swap3A_67 = tpu.vector_load %arg21[%swap3A_65, %swap3A_66] {strides = array<i32>} : memref<32x16xf32, #tpu.memory_space<vmem>>, vector<1x16xf32>,
    %swap3A_68 = vector.shape_cast %swap3A_67 : vector<1x16xf32> to vector<16xf32>
    %swap3A_69 = vector.shape_cast %broadcast_in_dim3A_63 : vector<16xf32> to vector<1x16xf32>
    tpu.vector_store %arg21[%swap3A_65, %swap3A_66], %swap3A_69 {strides = array<i32>} : memref<32x16xf32, #tpu.memory_space<vmem>>, vector<1x16xf32>,
    %broadcast_in_dim3A_70 = arith.constant 0.000000e+00 : f32
    %broadcast_in_dim3A_71 = vector.broadcast %broadcast_in_dim3A_70 : f32 to vector<16xf32>
    %swap3A_72 = arith.constant 8 : i32
    %swap3A_73 = arith.index_cast %swap3A_72 : i32 to index
    %swap3A_74 = arith.constant 0 : index
    %swap3A_75 = tpu.vector_load %arg21[%swap3A_73, %swap3A_74] {strides = array<i32>} : memref<32x16xf32, #tpu.memory_space<vmem>>, vector<1x16xf32>,
    %swap3A_76 = vector.shape_cast %swap3A_75 : vector<1x16xf32> to vector<16xf32>
    %swap3A_77 = vector.shape_cast %broadcast_in_dim3A_71 : vector<16xf32> to vector<1x16xf32>
    tpu.vector_store %arg21[%swap3A_73, %swap3A_74], %swap3A_77 {strides = array<i32>} : memref<32x16xf32, #tpu.memory_space<vmem>>, vector<1x16xf32>,
    %broadcast_in_dim3A_78 = arith.constant 0.000000e+00 : f32
    %broadcast_in_dim3A_79 = vector.broadcast %broadcast_in_dim3A_78 : f32 to vector<16xf32>
    %swap3A_80 = arith.constant 9 : i32
    %swap3A_81 = arith.index_cast %swap3A_80 : i32 to index
    %swap3A_82 = arith.constant 0 : index
    %swap3A_83 = tpu.vector_load %arg21[%swap3A_81, %swap3A_82] {strides = array<i32>} : memref<32x16xf32, #tpu.memory_space<vmem>>, vector<1x16xf32>,
    %swap3A_84 = vector.shape_cast %swap3A_83 : vector<1x16xf32> to vector<16xf32>
    %swap3A_85 = vector.shape_cast %broadcast_in_dim3A_79 : vector<16xf32> to vector<1x16xf32>
    tpu.vector_store %arg21[%swap3A_81, %swap3A_82], %swap3A_85 {strides = array<i32>} : memref<32x16xf32, #tpu.memory_space<vmem>>, vector<1x16xf32>,
    %broadcast_in_dim3A_86 = arith.constant 0.000000e+00 : f32
    %broadcast_in_dim3A_87 = vector.broadcast %broadcast_in_dim3A_86 : f32 to vector<16xf32>
    %swap3A_88 = arith.constant 10 : i32
    %swap3A_89 = arith.index_cast %swap3A_88 : i32 to index
    %swap3A_90 = arith.constant 0 : index
    %swap3A_91 = tpu.vector_load %arg21[%swap3A_89, %swap3A_90] {strides = array<i32>} : memref<32x16xf32, #tpu.memory_space<vmem>>, vector<1x16xf32>,
    %swap3A_92 = vector.shape_cast %swap3A_91 : vector<1x16xf32> to vector<16xf32>
    %swap3A_93 = vector.shape_cast %broadcast_in_dim3A_87 : vector<16xf32> to vector<1x16xf32>
    tpu.vector_store %arg21[%swap3A_89, %swap3A_90], %swap3A_93 {strides = array<i32>} : memref<32x16xf32, #tpu.memory_space<vmem>>, vector<1x16xf32>,
    %broadcast_in_dim3A_94 = arith.constant 0.000000e+00 : f32
    %broadcast_in_dim3A_95 = vector.broadcast %broadcast_in_dim3A_94 : f32 to vector<16xf32>
    %swap3A_96 = arith.constant 11 : i32
    %swap3A_97 = arith.index_cast %swap3A_96 : i32 to index
    %swap3A_98 = arith.constant 0 : index
    %swap3A_99 = tpu.vector_load %arg21[%swap3A_97, %swap3A_98] {strides = array<i32>} : memref<32x16xf32, #tpu.memory_space<vmem>>, vector<1x16xf32>,
    %swap3A_100 = vector.shape_cast %swap3A_99 : vector<1x16xf32> to vector<16xf32>
    %swap3A_101 = vector.shape_cast %broadcast_in_dim3A_95 : vector<16xf32> to vector<1x16xf32>
    tpu.vector_store %arg21[%swap3A_97, %swap3A_98], %swap3A_101 {strides = array<i32>} : memref<32x16xf32, #tpu.memory_space<vmem>>, vector<1x16xf32>,
    %broadcast_in_dim3A_102 = arith.constant 0.000000e+00 : f32
    %broadcast_in_dim3A_103 = vector.broadcast %broadcast_in_dim3A_102 : f32 to vector<16xf32>
    %swap3A_104 = arith.constant 12 : i32
    %swap3A_105 = arith.index_cast %swap3A_104 : i32 to index
    %swap3A_106 = arith.constant 0 : index
    %swap3A_107 = tpu.vector_load %arg21[%swap3A_105, %swap3A_106] {strides = array<i32>} : memref<32x16xf32, #tpu.memory_space<vmem>>, vector<1x16xf32>,
    %swap3A_108 = vector.shape_cast %swap3A_107 : vector<1x16xf32> to vector<16xf32>
    %swap3A_109 = vector.shape_cast %broadcast_in_dim3A_103 : vector<16xf32> to vector<1x16xf32>
    tpu.vector_store %arg21[%swap3A_105, %swap3A_106], %swap3A_109 {strides = array<i32>} : memref<32x16xf32, #tpu.memory_space<vmem>>, vector<1x16xf32>,
    %broadcast_in_dim3A_110 = arith.constant 0.000000e+00 : f32
    %broadcast_in_dim3A_111 = vector.broadcast %broadcast_in_dim3A_110 : f32 to vector<16xf32>
    %swap3A_112 = arith.constant 13 : i32
    %swap3A_113 = arith.index_cast %swap3A_112 : i32 to index
    %swap3A_114 = arith.constant 0 : index
    %swap3A_115 = tpu.vector_load %arg21[%swap3A_113, %swap3A_114] {strides = array<i32>} : memref<32x16xf32, #tpu.memory_space<vmem>>, vector<1x16xf32>,
    %swap3A_116 = vector.shape_cast %swap3A_115 : vector<1x16xf32> to vector<16xf32>
    %swap3A_117 = vector.shape_cast %broadcast_in_dim3A_111 : vector<16xf32> to vector<1x16xf32>
    tpu.vector_store %arg21[%swap3A_113, %swap3A_114], %swap3A_117 {strides = array<i32>} : memref<32x16xf32, #tpu.memory_space<vmem>>, vector<1x16xf32>,
    %broadcast_in_dim3A_118 = arith.constant 0.000000e+00 : f32
    %broadcast_in_dim3A_119 = vector.broadcast %broadcast_in_dim3A_118 : f32 to vector<16xf32>
    %swap3A_120 = arith.constant 14 : i32
    %swap3A_121 = arith.index_cast %swap3A_120 : i32 to index
    %swap3A_122 = arith.constant 0 : index
    %swap3A_123 = tpu.vector_load %arg21[%swap3A_121, %swap3A_122] {strides = array<i32>} : memref<32x16xf32, #tpu.memory_space<vmem>>, vector<1x16xf32>,
    %swap3A_124 = vector.shape_cast %swap3A_123 : vector<1x16xf32> to vector<16xf32>
    %swap3A_125 = vector.shape_cast %broadcast_in_dim3A_119 : vector<16xf32> to vector<1x16xf32>
    tpu.vector_store %arg21[%swap3A_121, %swap3A_122], %swap3A_125 {strides = array<i32>} : memref<32x16xf32, #tpu.memory_space<vmem>>, vector<1x16xf32>,
    %broadcast_in_dim3A_126 = arith.constant 0.000000e+00 : f32
    %broadcast_in_dim3A_127 = vector.broadcast %broadcast_in_dim3A_126 : f32 to vector<16xf32>
    %swap3A_128 = arith.constant 15 : i32
    %swap3A_129 = arith.index_cast %swap3A_128 : i32 to index
    %swap3A_130 = arith.constant 0 : index
    %swap3A_131 = tpu.vector_load %arg21[%swap3A_129, %swap3A_130] {strides = array<i32>} : memref<32x16xf32, #tpu.memory_space<vmem>>, vector<1x16xf32>,
    %swap3A_132 = vector.shape_cast %swap3A_131 : vector<1x16xf32> to vector<16xf32>
    %swap3A_133 = vector.shape_cast %broadcast_in_dim3A_127 : vector<16xf32> to vector<1x16xf32>
    tpu.vector_store %arg21[%swap3A_129, %swap3A_130], %swap3A_133 {strides = array<i32>} : memref<32x16xf32, #tpu.memory_space<vmem>>, vector<1x16xf32>,
    %broadcast_in_dim3A_134 = arith.constant 0.000000e+00 : f32
    %broadcast_in_dim3A_135 = vector.broadcast %broadcast_in_dim3A_134 : f32 to vector<16xf32>
    %swap3A_136 = arith.constant 16 : i32
    %swap3A_137 = arith.index_cast %swap3A_136 : i32 to index
    %swap3A_138 = arith.constant 0 : index
    %swap3A_139 = tpu.vector_load %arg21[%swap3A_137, %swap3A_138] {strides = array<i32>} : memref<32x16xf32, #tpu.memory_space<vmem>>, vector<1x16xf32>,
    %swap3A_140 = vector.shape_cast %swap3A_139 : vector<1x16xf32> to vector<16xf32>
    %swap3A_141 = vector.shape_cast %broadcast_in_dim3A_135 : vector<16xf32> to vector<1x16xf32>
    tpu.vector_store %arg21[%swap3A_137, %swap3A_138], %swap3A_141 {strides = array<i32>} : memref<32x16xf32, #tpu.memory_space<vmem>>, vector<1x16xf32>,
    %broadcast_in_dim3A_142 = arith.constant 0.000000e+00 : f32
    %broadcast_in_dim3A_143 = vector.broadcast %broadcast_in_dim3A_142 : f32 to vector<16xf32>
    %swap3A_144 = arith.constant 17 : i32
    %swap3A_145 = arith.index_cast %swap3A_144 : i32 to index
    %swap3A_146 = arith.constant 0 : index
    %swap3A_147 = tpu.vector_load %arg21[%swap3A_145, %swap3A_146] {strides = array<i32>} : memref<32x16xf32, #tpu.memory_space<vmem>>, vector<1x16xf32>,
    %swap3A_148 = vector.shape_cast %swap3A_147 : vector<1x16xf32> to vector<16xf32>
    %swap3A_149 = vector.shape_cast %broadcast_in_dim3A_143 : vector<16xf32> to vector<1x16xf32>
    tpu.vector_store %arg21[%swap3A_145, %swap3A_146], %swap3A_149 {strides = array<i32>} : memref<32x16xf32, #tpu.memory_space<vmem>>, vector<1x16xf32>,
    %broadcast_in_dim3A_150 = arith.constant 0.000000e+00 : f32
    %broadcast_in_dim3A_151 = vector.broadcast %broadcast_in_dim3A_150 : f32 to vector<16xf32>
    %swap3A_152 = arith.constant 18 : i32
    %swap3A_153 = arith.index_cast %swap3A_152 : i32 to index
    %swap3A_154 = arith.constant 0 : index
    %swap3A_155 = tpu.vector_load %arg21[%swap3A_153, %swap3A_154] {strides = array<i32>} : memref<32x16xf32, #tpu.memory_space<vmem>>, vector<1x16xf32>,
    %swap3A_156 = vector.shape_cast %swap3A_155 : vector<1x16xf32> to vector<16xf32>
    %swap3A_157 = vector.shape_cast %broadcast_in_dim3A_151 : vector<16xf32> to vector<1x16xf32>
    tpu.vector_store %arg21[%swap3A_153, %swap3A_154], %swap3A_157 {strides = array<i32>} : memref<32x16xf32, #tpu.memory_space<vmem>>, vector<1x16xf32>,
    %broadcast_in_dim3A_158 = arith.constant 0.000000e+00 : f32
    %broadcast_in_dim3A_159 = vector.broadcast %broadcast_in_dim3A_158 : f32 to vector<16xf32>
    %swap3A_160 = arith.constant 19 : i32
    %swap3A_161 = arith.index_cast %swap3A_160 : i32 to index
    %swap3A_162 = arith.constant 0 : index
    %swap3A_163 = tpu.vector_load %arg21[%swap3A_161, %swap3A_162] {strides = array<i32>} : memref<32x16xf32, #tpu.memory_space<vmem>>, vector<1x16xf32>,
    %swap3A_164 = vector.shape_cast %swap3A_163 : vector<1x16xf32> to vector<16xf32>
    %swap3A_165 = vector.shape_cast %broadcast_in_dim3A_159 : vector<16xf32> to vector<1x16xf32>
    tpu.vector_store %arg21[%swap3A_161, %swap3A_162], %swap3A_165 {strides = array<i32>} : memref<32x16xf32, #tpu.memory_space<vmem>>, vector<1x16xf32>,
    %broadcast_in_dim3A_166 = arith.constant 0.000000e+00 : f32
    %broadcast_in_dim3A_167 = vector.broadcast %broadcast_in_dim3A_166 : f32 to vector<16xf32>
    %swap3A_168 = arith.constant 20 : i32
    %swap3A_169 = arith.index_cast %swap3A_168 : i32 to index
    %swap3A_170 = arith.constant 0 : index
    %swap3A_171 = tpu.vector_load %arg21[%swap3A_169, %swap3A_170] {strides = array<i32>} : memref<32x16xf32, #tpu.memory_space<vmem>>, vector<1x16xf32>,
    %swap3A_172 = vector.shape_cast %swap3A_171 : vector<1x16xf32> to vector<16xf32>
    %swap3A_173 = vector.shape_cast %broadcast_in_dim3A_167 : vector<16xf32> to vector<1x16xf32>
    tpu.vector_store %arg21[%swap3A_169, %swap3A_170], %swap3A_173 {strides = array<i32>} : memref<32x16xf32, #tpu.memory_space<vmem>>, vector<1x16xf32>,
    %broadcast_in_dim3A_174 = arith.constant 0.000000e+00 : f32
    %broadcast_in_dim3A_175 = vector.broadcast %broadcast_in_dim3A_174 : f32 to vector<16xf32>
    %swap3A_176 = arith.constant 21 : i32
    %swap3A_177 = arith.index_cast %swap3A_176 : i32 to index
    %swap3A_178 = arith.constant 0 : index
    %swap3A_179 = tpu.vector_load %arg21[%swap3A_177, %swap3A_178] {strides = array<i32>} : memref<32x16xf32, #tpu.memory_space<vmem>>, vector<1x16xf32>,
    %swap3A_180 = vector.shape_cast %swap3A_179 : vector<1x16xf32> to vector<16xf32>
    %swap3A_181 = vector.shape_cast %broadcast_in_dim3A_175 : vector<16xf32> to vector<1x16xf32>
    tpu.vector_store %arg21[%swap3A_177, %swap3A_178], %swap3A_181 {strides = array<i32>} : memref<32x16xf32, #tpu.memory_space<vmem>>, vector<1x16xf32>,
    %broadcast_in_dim3A_182 = arith.constant 0.000000e+00 : f32
    %broadcast_in_dim3A_183 = vector.broadcast %broadcast_in_dim3A_182 : f32 to vector<16xf32>
    %swap3A_184 = arith.constant 22 : i32
    %swap3A_185 = arith.index_cast %swap3A_184 : i32 to index
    %swap3A_186 = arith.constant 0 : index
    %swap3A_187 = tpu.vector_load %arg21[%swap3A_185, %swap3A_186] {strides = array<i32>} : memref<32x16xf32, #tpu.memory_space<vmem>>, vector<1x16xf32>,
    %swap3A_188 = vector.shape_cast %swap3A_187 : vector<1x16xf32> to vector<16xf32>
    %swap3A_189 = vector.shape_cast %broadcast_in_dim3A_183 : vector<16xf32> to vector<1x16xf32>
    tpu.vector_store %arg21[%swap3A_185, %swap3A_186], %swap3A_189 {strides = array<i32>} : memref<32x16xf32, #tpu.memory_space<vmem>>, vector<1x16xf32>,
    %broadcast_in_dim3A_190 = arith.constant 0.000000e+00 : f32
    %broadcast_in_dim3A_191 = vector.broadcast %broadcast_in_dim3A_190 : f32 to vector<16xf32>
    %swap3A_192 = arith.constant 23 : i32
    %swap3A_193 = arith.index_cast %swap3A_192 : i32 to index
    %swap3A_194 = arith.constant 0 : index
    %swap3A_195 = tpu.vector_load %arg21[%swap3A_193, %swap3A_194] {strides = array<i32>} : memref<32x16xf32, #tpu.memory_space<vmem>>, vector<1x16xf32>,
    %swap3A_196 = vector.shape_cast %swap3A_195 : vector<1x16xf32> to vector<16xf32>
    %swap3A_197 = vector.shape_cast %broadcast_in_dim3A_191 : vector<16xf32> to vector<1x16xf32>
    tpu.vector_store %arg21[%swap3A_193, %swap3A_194], %swap3A_197 {strides = array<i32>} : memref<32x16xf32, #tpu.memory_space<vmem>>, vector<1x16xf32>,
    %broadcast_in_dim3A_198 = arith.constant 0.000000e+00 : f32
    %broadcast_in_dim3A_199 = vector.broadcast %broadcast_in_dim3A_198 : f32 to vector<16xf32>
    %swap3A_200 = arith.constant 24 : i32
    %swap3A_201 = arith.index_cast %swap3A_200 : i32 to index
    %swap3A_202 = arith.constant 0 : index
    %swap3A_203 = tpu.vector_load %arg21[%swap3A_201, %swap3A_202] {strides = array<i32>} : memref<32x16xf32, #tpu.memory_space<vmem>>, vector<1x16xf32>,
    %swap3A_204 = vector.shape_cast %swap3A_203 : vector<1x16xf32> to vector<16xf32>
    %swap3A_205 = vector.shape_cast %broadcast_in_dim3A_199 : vector<16xf32> to vector<1x16xf32>
    tpu.vector_store %arg21[%swap3A_201, %swap3A_202], %swap3A_205 {strides = array<i32>} : memref<32x16xf32, #tpu.memory_space<vmem>>, vector<1x16xf32>,
    %broadcast_in_dim3A_206 = arith.constant 0.000000e+00 : f32
    %broadcast_in_dim3A_207 = vector.broadcast %broadcast_in_dim3A_206 : f32 to vector<16xf32>
    %swap3A_208 = arith.constant 25 : i32
    %swap3A_209 = arith.index_cast %swap3A_208 : i32 to index
    %swap3A_210 = arith.constant 0 : index
    %swap3A_211 = tpu.vector_load %arg21[%swap3A_209, %swap3A_210] {strides = array<i32>} : memref<32x16xf32, #tpu.memory_space<vmem>>, vector<1x16xf32>,
    %swap3A_212 = vector.shape_cast %swap3A_211 : vector<1x16xf32> to vector<16xf32>
    %swap3A_213 = vector.shape_cast %broadcast_in_dim3A_207 : vector<16xf32> to vector<1x16xf32>
    tpu.vector_store %arg21[%swap3A_209, %swap3A_210], %swap3A_213 {strides = array<i32>} : memref<32x16xf32, #tpu.memory_space<vmem>>, vector<1x16xf32>,
    %broadcast_in_dim3A_214 = arith.constant 0.000000e+00 : f32
    %broadcast_in_dim3A_215 = vector.broadcast %broadcast_in_dim3A_214 : f32 to vector<16xf32>
    %swap3A_216 = arith.constant 26 : i32
    %swap3A_217 = arith.index_cast %swap3A_216 : i32 to index
    %swap3A_218 = arith.constant 0 : index
    %swap3A_219 = tpu.vector_load %arg21[%swap3A_217, %swap3A_218] {strides = array<i32>} : memref<32x16xf32, #tpu.memory_space<vmem>>, vector<1x16xf32>,
    %swap3A_220 = vector.shape_cast %swap3A_219 : vector<1x16xf32> to vector<16xf32>
    %swap3A_221 = vector.shape_cast %broadcast_in_dim3A_215 : vector<16xf32> to vector<1x16xf32>
    tpu.vector_store %arg21[%swap3A_217, %swap3A_218], %swap3A_221 {strides = array<i32>} : memref<32x16xf32, #tpu.memory_space<vmem>>, vector<1x16xf32>,
    %broadcast_in_dim3A_222 = arith.constant 0.000000e+00 : f32
    %broadcast_in_dim3A_223 = vector.broadcast %broadcast_in_dim3A_222 : f32 to vector<16xf32>
    %swap3A_224 = arith.constant 27 : i32
    %swap3A_225 = arith.index_cast %swap3A_224 : i32 to index
    %swap3A_226 = arith.constant 0 : index
    %swap3A_227 = tpu.vector_load %arg21[%swap3A_225, %swap3A_226] {strides = array<i32>} : memref<32x16xf32, #tpu.memory_space<vmem>>, vector<1x16xf32>,
    %swap3A_228 = vector.shape_cast %swap3A_227 : vector<1x16xf32> to vector<16xf32>
    %swap3A_229 = vector.shape_cast %broadcast_in_dim3A_223 : vector<16xf32> to vector<1x16xf32>
    tpu.vector_store %arg21[%swap3A_225, %swap3A_226], %swap3A_229 {strides = array<i32>} : memref<32x16xf32, #tpu.memory_space<vmem>>, vector<1x16xf32>,
    %broadcast_in_dim3A_230 = arith.constant 0.000000e+00 : f32
    %broadcast_in_dim3A_231 = vector.broadcast %broadcast_in_dim3A_230 : f32 to vector<16xf32>
    %swap3A_232 = arith.constant 28 : i32
    %swap3A_233 = arith.index_cast %swap3A_232 : i32 to index
    %swap3A_234 = arith.constant 0 : index
    %swap3A_235 = tpu.vector_load %arg21[%swap3A_233, %swap3A_234] {strides = array<i32>} : memref<32x16xf32, #tpu.memory_space<vmem>>, vector<1x16xf32>,
    %swap3A_236 = vector.shape_cast %swap3A_235 : vector<1x16xf32> to vector<16xf32>
    %swap3A_237 = vector.shape_cast %broadcast_in_dim3A_231 : vector<16xf32> to vector<1x16xf32>
    tpu.vector_store %arg21[%swap3A_233, %swap3A_234], %swap3A_237 {strides = array<i32>} : memref<32x16xf32, #tpu.memory_space<vmem>>, vector<1x16xf32>,
    %broadcast_in_dim3A_238 = arith.constant 0.000000e+00 : f32
    %broadcast_in_dim3A_239 = vector.broadcast %broadcast_in_dim3A_238 : f32 to vector<16xf32>
    %swap3A_240 = arith.constant 29 : i32
    %swap3A_241 = arith.index_cast %swap3A_240 : i32 to index
    %swap3A_242 = arith.constant 0 : index
    %swap3A_243 = tpu.vector_load %arg21[%swap3A_241, %swap3A_242] {strides = array<i32>} : memref<32x16xf32, #tpu.memory_space<vmem>>, vector<1x16xf32>,
    %swap3A_244 = vector.shape_cast %swap3A_243 : vector<1x16xf32> to vector<16xf32>
    %swap3A_245 = vector.shape_cast %broadcast_in_dim3A_239 : vector<16xf32> to vector<1x16xf32>
    tpu.vector_store %arg21[%swap3A_241, %swap3A_242], %swap3A_245 {strides = array<i32>} : memref<32x16xf32, #tpu.memory_space<vmem>>, vector<1x16xf32>,
    %broadcast_in_dim3A_246 = arith.constant 0.000000e+00 : f32
    %broadcast_in_dim3A_247 = vector.broadcast %broadcast_in_dim3A_246 : f32 to vector<16xf32>
    %swap3A_248 = arith.constant 30 : i32
    %swap3A_249 = arith.index_cast %swap3A_248 : i32 to index
    %swap3A_250 = arith.constant 0 : index
    %swap3A_251 = tpu.vector_load %arg21[%swap3A_249, %swap3A_250] {strides = array<i32>} : memref<32x16xf32, #tpu.memory_space<vmem>>, vector<1x16xf32>,
    %swap3A_252 = vector.shape_cast %swap3A_251 : vector<1x16xf32> to vector<16xf32>
    %swap3A_253 = vector.shape_cast %broadcast_in_dim3A_247 : vector<16xf32> to vector<1x16xf32>
    tpu.vector_store %arg21[%swap3A_249, %swap3A_250], %swap3A_253 {strides = array<i32>} : memref<32x16xf32, #tpu.memory_space<vmem>>, vector<1x16xf32>,
    %broadcast_in_dim3A_254 = arith.constant 0.000000e+00 : f32
    %broadcast_in_dim3A_255 = vector.broadcast %broadcast_in_dim3A_254 : f32 to vector<16xf32>
    %swap3A_256 = arith.constant 31 : i32
    %swap3A_257 = arith.index_cast %swap3A_256 : i32 to index
    %swap3A_258 = arith.constant 0 : index
    %swap3A_259 = tpu.vector_load %arg21[%swap3A_257, %swap3A_258] {strides = array<i32>} : memref<32x16xf32, #tpu.memory_space<vmem>>, vector<1x16xf32>,
    %swap3A_260 = vector.shape_cast %swap3A_259 : vector<1x16xf32> to vector<16xf32>
    %swap3A_261 = vector.shape_cast %broadcast_in_dim3A_255 : vector<16xf32> to vector<1x16xf32>
    tpu.vector_store %arg21[%swap3A_257, %swap3A_258], %swap3A_261 {strides = array<i32>} : memref<32x16xf32, #tpu.memory_space<vmem>>, vector<1x16xf32>,
    %mul3A_262 = arith.constant 16 : i32
    %mul3A_263 = arith.muli %add3A, %mul3A_262 : i32
    %add3A_264 = arith.constant 0 : i32
    %add3A_265 = arith.addi %mul3A_263, %add3A_264 : i32
    %jit3A_266 = arith.constant true
    %select_n3A_267 = arith.select %jit3A_266, %add3A_265, %add3A_5 : i32
    %dma_start3A = arith.constant 0 : i32
    %dma_start3A_268 = arith.constant 0 : i32
    %dma_start3A_269 = arith.constant 0 : i32
    %dma_start3A_270 = tpu.memref_slice %arg2[%dma_start3A, %select_n3A_267, %dma_start3A_268, %dma_start3A_269] : memref<7x550x8x128xf32, #tpu.memory_space<hbm>> -> memref<7x2x8x128xf32, #tpu.memory_space<hbm>>
    %dma_start3A_271 = arith.constant 0 : i32
    %dma_start3A_272 = arith.constant 0 : i32
    %dma_start3A_273 = arith.constant 0 : i32
    %dma_start3A_274 = tpu.memref_slice %arg2[%dma_start3A_271, %select_n3A_267, %dma_start3A_272, %dma_start3A_273] : memref<7x550x8x128xf32, #tpu.memory_space<hbm>> -> memref<7x2x8x128xf32, #tpu.memory_space<hbm>>
    tpu.enqueue_dma source(%dma_start3A_274 : memref<7x2x8x128xf32, #tpu.memory_space<hbm>>) target(%arg9 : memref<7x2x8x128xf32, #tpu.memory_space<vmem>>) target_semaphore(%arg22 : memref<!tpu.dma_semaphore, #tpu.memory_space<semaphore_mem>>)
    %dma_start3A_275 = arith.constant 0 : i32
    %dma_start3A_276 = arith.constant 0 : i32
    %dma_start3A_277 = arith.constant 0 : i32
    %dma_start3A_278 = tpu.memref_slice %arg5[%dma_start3A_275, %select_n3A_267, %dma_start3A_276, %dma_start3A_277] : memref<7x550x8x128xf32, #tpu.memory_space<hbm>> -> memref<7x2x8x128xf32, #tpu.memory_space<hbm>>
    %dma_start3A_279 = arith.constant 0 : i32
    %dma_start3A_280 = arith.constant 0 : i32
    %dma_start3A_281 = arith.constant 0 : i32
    %dma_start3A_282 = tpu.memref_slice %arg5[%dma_start3A_279, %select_n3A_267, %dma_start3A_280, %dma_start3A_281] : memref<7x550x8x128xf32, #tpu.memory_space<hbm>> -> memref<7x2x8x128xf32, #tpu.memory_space<hbm>>
    tpu.enqueue_dma source(%dma_start3A_282 : memref<7x2x8x128xf32, #tpu.memory_space<hbm>>) target(%arg10 : memref<7x2x8x128xf32, #tpu.memory_space<vmem>>) target_semaphore(%arg22 : memref<!tpu.dma_semaphore, #tpu.memory_space<semaphore_mem>>)
    %dma_start3A_283 = arith.constant 6 : i32
    %dma_start3A_284 = arith.constant 0 : i32
    %dma_start3A_285 = arith.constant 0 : i32
    %dma_start3A_286 = tpu.memref_slice %arg6[%dma_start3A_283, %select_n3A_267, %dma_start3A_284, %dma_start3A_285] : memref<7x550x8x128xf32, #tpu.memory_space<hbm>> -> memref<1x2x8x128xf32, #tpu.memory_space<hbm>>
    %dma_start3A_287 = tpu.memref_squeeze %dma_start3A_286 : memref<1x2x8x128xf32, #tpu.memory_space<hbm>> -> memref<2x8x128xf32, #tpu.memory_space<hbm>>
    %dma_start3A_288 = arith.constant 0 : i32
    %dma_start3A_289 = arith.constant 0 : i32
    %dma_start3A_290 = tpu.memref_slice %arg6[%dma_start3A_283, %select_n3A_267, %dma_start3A_288, %dma_start3A_289] : memref<7x550x8x128xf32, #tpu.memory_space<hbm>> -> memref<1x2x8x128xf32, #tpu.memory_space<hbm>>
    %dma_start3A_291 = tpu.memref_squeeze %dma_start3A_290 : memref<1x2x8x128xf32, #tpu.memory_space<hbm>> -> memref<2x8x128xf32, #tpu.memory_space<hbm>>
    tpu.enqueue_dma source(%dma_start3A_291 : memref<2x8x128xf32, #tpu.memory_space<hbm>>) target(%arg11 : memref<2x8x128xf32, #tpu.memory_space<vmem>>) target_semaphore(%arg22 : memref<!tpu.dma_semaphore, #tpu.memory_space<semaphore_mem>>)
    %dma_start3A_292 = arith.constant 0 : i32
    %dma_start3A_293 = arith.constant 0 : i32
    %dma_start3A_294 = arith.constant 0 : i32
    %dma_start3A_295 = tpu.memref_slice %arg3[%dma_start3A_293, %select_n3A_267, %dma_start3A_292, %dma_start3A_294] : memref<8x550x1x128xf32, #tpu.memory_space<hbm>> -> memref<8x2x1x128xf32, #tpu.memory_space<hbm>>
    %dma_start3A_296 = tpu.memref_squeeze %dma_start3A_295 : memref<8x2x1x128xf32, #tpu.memory_space<hbm>> -> memref<8x2x128xf32, #tpu.memory_space<hbm>>
    %dma_start3A_297 = arith.constant 0 : i32
    %dma_start3A_298 = arith.constant 0 : i32
    %dma_start3A_299 = tpu.memref_slice %arg3[%dma_start3A_297, %select_n3A_267, %dma_start3A_292, %dma_start3A_298] : memref<8x550x1x128xf32, #tpu.memory_space<hbm>> -> memref<8x2x1x128xf32, #tpu.memory_space<hbm>>
    %dma_start3A_300 = tpu.memref_squeeze %dma_start3A_299 : memref<8x2x1x128xf32, #tpu.memory_space<hbm>> -> memref<8x2x128xf32, #tpu.memory_space<hbm>>
    tpu.enqueue_dma source(%dma_start3A_300 : memref<8x2x128xf32, #tpu.memory_space<hbm>>) target(%arg12 : memref<8x2x128xf32, #tpu.memory_space<vmem>>) target_semaphore(%arg22 : memref<!tpu.dma_semaphore, #tpu.memory_space<semaphore_mem>>)
    %dma_start3A_301 = arith.constant 0 : i32
    %dma_start3A_302 = arith.constant 0 : i32
    %dma_start3A_303 = arith.constant 0 : i32
    %dma_start3A_304 = tpu.memref_slice %arg4[%dma_start3A_301, %select_n3A_267, %dma_start3A_302, %dma_start3A_303] : memref<8x550x2x128xf32, #tpu.memory_space<hbm>> -> memref<8x2x2x128xf32, #tpu.memory_space<hbm>>
    %dma_start3A_305 = arith.constant 0 : i32
    %dma_start3A_306 = arith.constant 0 : i32
    %dma_start3A_307 = arith.constant 0 : i32
    %dma_start3A_308 = tpu.memref_slice %arg4[%dma_start3A_305, %select_n3A_267, %dma_start3A_306, %dma_start3A_307] : memref<8x550x2x128xf32, #tpu.memory_space<hbm>> -> memref<8x2x2x128xf32, #tpu.memory_space<hbm>>
    tpu.enqueue_dma source(%dma_start3A_308 : memref<8x2x2x128xf32, #tpu.memory_space<hbm>>) target(%arg13 : memref<8x2x2x128xf32, #tpu.memory_space<vmem>>) target_semaphore(%arg22 : memref<!tpu.dma_semaphore, #tpu.memory_space<semaphore_mem>>)
    %dma_start3A_309 = arith.constant 0 : i32
    %dma_start3A_310 = arith.constant 0 : i32
    %dma_start3A_311 = tpu.memref_slice %arg7[%select_n3A_267, %dma_start3A_309, %dma_start3A_310] : memref<550x8x128xi32, #tpu.memory_space<hbm>> -> memref<2x8x128xi32, #tpu.memory_space<hbm>>
    %dma_start3A_312 = arith.constant 0 : i32
    %dma_start3A_313 = arith.constant 0 : i32
    %dma_start3A_314 = tpu.memref_slice %arg7[%select_n3A_267, %dma_start3A_312, %dma_start3A_313] : memref<550x8x128xi32, #tpu.memory_space<hbm>> -> memref<2x8x128xi32, #tpu.memory_space<hbm>>
    tpu.enqueue_dma source(%dma_start3A_314 : memref<2x8x128xi32, #tpu.memory_space<hbm>>) target(%arg14 : memref<2x8x128xi32, #tpu.memory_space<vmem>>) target_semaphore(%arg22 : memref<!tpu.dma_semaphore, #tpu.memory_space<semaphore_mem>>)
    %scan3A = arith.constant 0 : i32
    %scan3A_315 = arith.constant 0 : i32
    %scan3A_316 = arith.constant 4 : i32
    %scan3A_317 = arith.addi %scan3A_315, %scan3A_316 : i32
    %scan3A_318 = arith.constant 1 : i32
    scf.for %scan3A_381 = %scan3A_315 to %scan3A_317 step %scan3A_318  : i32 {
      %mul3A_382 = arith.constant 2 : i32
      %mul3A_383 = arith.muli %mul3A_382, %scan3A_381 : i32
      %add3A_384 = arith.constant 1 : i32
      %add3A_385 = arith.addi %mul3A_383, %add3A_384 : i32
      %lt3A_386 = arith.constant 8 : i32
      %lt3A_387 = arith.cmpi slt, %add3A_385, %lt3A_386 : i32
      %mul3A_388 = arith.constant 16 : i32
      %mul3A_389 = arith.muli %add3A, %mul3A_388 : i32
      %mul3A_390 = arith.constant 2 : i32
      %mul3A_391 = arith.muli %mul3A_390, %add3A_385 : i32
      %add3A_392 = arith.addi %mul3A_389, %mul3A_391 : i32
      %select_n3A_393 = arith.select %lt3A_387, %add3A_392, %add3A_5 : i32
      %dma_start3A_394 = arith.constant 0 : i32
      %dma_start3A_395 = arith.constant 0 : i32
      %dma_start3A_396 = arith.constant 0 : i32
      %dma_start3A_397 = tpu.memref_slice %arg2[%dma_start3A_394, %select_n3A_393, %dma_start3A_395, %dma_start3A_396] : memref<7x550x8x128xf32, #tpu.memory_space<hbm>> -> memref<7x2x8x128xf32, #tpu.memory_space<hbm>>
      %dma_start3A_398 = arith.constant 0 : i32
      %dma_start3A_399 = arith.constant 0 : i32
      %dma_start3A_400 = arith.constant 0 : i32
      %dma_start3A_401 = tpu.memref_slice %arg2[%dma_start3A_398, %select_n3A_393, %dma_start3A_399, %dma_start3A_400] : memref<7x550x8x128xf32, #tpu.memory_space<hbm>> -> memref<7x2x8x128xf32, #tpu.memory_space<hbm>>
      tpu.enqueue_dma source(%dma_start3A_401 : memref<7x2x8x128xf32, #tpu.memory_space<hbm>>) target(%arg15 : memref<7x2x8x128xf32, #tpu.memory_space<vmem>>) target_semaphore(%arg23 : memref<!tpu.dma_semaphore, #tpu.memory_space<semaphore_mem>>)
      %dma_start3A_402 = arith.constant 0 : i32
      %dma_start3A_403 = arith.constant 0 : i32
      %dma_start3A_404 = arith.constant 0 : i32
      %dma_start3A_405 = tpu.memref_slice %arg5[%dma_start3A_402, %select_n3A_393, %dma_start3A_403, %dma_start3A_404] : memref<7x550x8x128xf32, #tpu.memory_space<hbm>> -> memref<7x2x8x128xf32, #tpu.memory_space<hbm>>
      %dma_start3A_406 = arith.constant 0 : i32
      %dma_start3A_407 = arith.constant 0 : i32
      %dma_start3A_408 = arith.constant 0 : i32
      %dma_start3A_409 = tpu.memref_slice %arg5[%dma_start3A_406, %select_n3A_393, %dma_start3A_407, %dma_start3A_408] : memref<7x550x8x128xf32, #tpu.memory_space<hbm>> -> memref<7x2x8x128xf32, #tpu.memory_space<hbm>>
      tpu.enqueue_dma source(%dma_start3A_409 : memref<7x2x8x128xf32, #tpu.memory_space<hbm>>) target(%arg16 : memref<7x2x8x128xf32, #tpu.memory_space<vmem>>) target_semaphore(%arg23 : memref<!tpu.dma_semaphore, #tpu.memory_space<semaphore_mem>>)
      %dma_start3A_410 = arith.constant 6 : i32
      %dma_start3A_411 = arith.constant 0 : i32
      %dma_start3A_412 = arith.constant 0 : i32
      %dma_start3A_413 = tpu.memref_slice %arg6[%dma_start3A_410, %select_n3A_393, %dma_start3A_411, %dma_start3A_412] : memref<7x550x8x128xf32, #tpu.memory_space<hbm>> -> memref<1x2x8x128xf32, #tpu.memory_space<hbm>>
      %dma_start3A_414 = tpu.memref_squeeze %dma_start3A_413 : memref<1x2x8x128xf32, #tpu.memory_space<hbm>> -> memref<2x8x128xf32, #tpu.memory_space<hbm>>
      %dma_start3A_415 = arith.constant 0 : i32
      %dma_start3A_416 = arith.constant 0 : i32
      %dma_start3A_417 = tpu.memref_slice %arg6[%dma_start3A_410, %select_n3A_393, %dma_start3A_415, %dma_start3A_416] : memref<7x550x8x128xf32, #tpu.memory_space<hbm>> -> memref<1x2x8x128xf32, #tpu.memory_space<hbm>>
      %dma_start3A_418 = tpu.memref_squeeze %dma_start3A_417 : memref<1x2x8x128xf32, #tpu.memory_space<hbm>> -> memref<2x8x128xf32, #tpu.memory_space<hbm>>
      tpu.enqueue_dma source(%dma_start3A_418 : memref<2x8x128xf32, #tpu.memory_space<hbm>>) target(%arg17 : memref<2x8x128xf32, #tpu.memory_space<vmem>>) target_semaphore(%arg23 : memref<!tpu.dma_semaphore, #tpu.memory_space<semaphore_mem>>)
      %dma_start3A_419 = arith.constant 0 : i32
      %dma_start3A_420 = arith.constant 0 : i32
      %dma_start3A_421 = arith.constant 0 : i32
      %dma_start3A_422 = tpu.memref_slice %arg3[%dma_start3A_420, %select_n3A_393, %dma_start3A_419, %dma_start3A_421] : memref<8x550x1x128xf32, #tpu.memory_space<hbm>> -> memref<8x2x1x128xf32, #tpu.memory_space<hbm>>
      %dma_start3A_423 = tpu.memref_squeeze %dma_start3A_422 : memref<8x2x1x128xf32, #tpu.memory_space<hbm>> -> memref<8x2x128xf32, #tpu.memory_space<hbm>>
      %dma_start3A_424 = arith.constant 0 : i32
      %dma_start3A_425 = arith.constant 0 : i32
      %dma_start3A_426 = tpu.memref_slice %arg3[%dma_start3A_424, %select_n3A_393, %dma_start3A_419, %dma_start3A_425] : memref<8x550x1x128xf32, #tpu.memory_space<hbm>> -> memref<8x2x1x128xf32, #tpu.memory_space<hbm>>
      %dma_start3A_427 = tpu.memref_squeeze %dma_start3A_426 : memref<8x2x1x128xf32, #tpu.memory_space<hbm>> -> memref<8x2x128xf32, #tpu.memory_space<hbm>>
      tpu.enqueue_dma source(%dma_start3A_427 : memref<8x2x128xf32, #tpu.memory_space<hbm>>) target(%arg18 : memref<8x2x128xf32, #tpu.memory_space<vmem>>) target_semaphore(%arg23 : memref<!tpu.dma_semaphore, #tpu.memory_space<semaphore_mem>>)
      %dma_start3A_428 = arith.constant 0 : i32
      %dma_start3A_429 = arith.constant 0 : i32
      %dma_start3A_430 = arith.constant 0 : i32
      %dma_start3A_431 = tpu.memref_slice %arg4[%dma_start3A_428, %select_n3A_393, %dma_start3A_429, %dma_start3A_430] : memref<8x550x2x128xf32, #tpu.memory_space<hbm>> -> memref<8x2x2x128xf32, #tpu.memory_space<hbm>>
      %dma_start3A_432 = arith.constant 0 : i32
      %dma_start3A_433 = arith.constant 0 : i32
      %dma_start3A_434 = arith.constant 0 : i32
      %dma_start3A_435 = tpu.memref_slice %arg4[%dma_start3A_432, %select_n3A_393, %dma_start3A_433, %dma_start3A_434] : memref<8x550x2x128xf32, #tpu.memory_space<hbm>> -> memref<8x2x2x128xf32, #tpu.memory_space<hbm>>
      tpu.enqueue_dma source(%dma_start3A_435 : memref<8x2x2x128xf32, #tpu.memory_space<hbm>>) target(%arg19 : memref<8x2x2x128xf32, #tpu.memory_space<vmem>>) target_semaphore(%arg23 : memref<!tpu.dma_semaphore, #tpu.memory_space<semaphore_mem>>)
      %dma_start3A_436 = arith.constant 0 : i32
      %dma_start3A_437 = arith.constant 0 : i32
      %dma_start3A_438 = tpu.memref_slice %arg7[%select_n3A_393, %dma_start3A_436, %dma_start3A_437] : memref<550x8x128xi32, #tpu.memory_space<hbm>> -> memref<2x8x128xi32, #tpu.memory_space<hbm>>
      %dma_start3A_439 = arith.constant 0 : i32
      %dma_start3A_440 = arith.constant 0 : i32
      %dma_start3A_441 = tpu.memref_slice %arg7[%select_n3A_393, %dma_start3A_439, %dma_start3A_440] : memref<550x8x128xi32, #tpu.memory_space<hbm>> -> memref<2x8x128xi32, #tpu.memory_space<hbm>>
      tpu.enqueue_dma source(%dma_start3A_441 : memref<2x8x128xi32, #tpu.memory_space<hbm>>) target(%arg20 : memref<2x8x128xi32, #tpu.memory_space<vmem>>) target_semaphore(%arg23 : memref<!tpu.dma_semaphore, #tpu.memory_space<semaphore_mem>>)
      %lt3A_442 = arith.constant 8 : i32
      %lt3A_443 = arith.cmpi slt, %mul3A_383, %lt3A_442 : i32
      %mul3A_444 = arith.constant 16 : i32
      %mul3A_445 = arith.muli %add3A, %mul3A_444 : i32
      %mul3A_446 = arith.constant 2 : i32
      %mul3A_447 = arith.muli %mul3A_446, %mul3A_383 : i32
      %add3A_448 = arith.addi %mul3A_445, %mul3A_447 : i32
      %select_n3A_449 = arith.select %lt3A_443, %add3A_448, %add3A_5 : i32
      %dma_wait3A_450 = arith.constant 0 : i32
      %dma_wait3A_451 = arith.constant 0 : i32
      %dma_wait3A_452 = arith.constant 0 : i32
      %dma_wait3A_453 = tpu.memref_slice %arg2[%dma_wait3A_450, %select_n3A_449, %dma_wait3A_451, %dma_wait3A_452] : memref<7x550x8x128xf32, #tpu.memory_space<hbm>> -> memref<7x2x8x128xf32, #tpu.memory_space<hbm>>
      %dma_wait3A_454 = arith.constant 0 : i32
      %dma_wait3A_455 = arith.constant 0 : i32
      %dma_wait3A_456 = arith.constant 0 : i32
      %dma_wait3A_457 = tpu.memref_slice %arg2[%dma_wait3A_454, %select_n3A_449, %dma_wait3A_455, %dma_wait3A_456] : memref<7x550x8x128xf32, #tpu.memory_space<hbm>> -> memref<7x2x8x128xf32, #tpu.memory_space<hbm>>
      tpu.wait_dma2 semaphore(%arg22 : memref<!tpu.dma_semaphore, #tpu.memory_space<semaphore_mem>>) src(%dma_wait3A_457 : memref<7x2x8x128xf32, #tpu.memory_space<hbm>>) dst(%arg9 : memref<7x2x8x128xf32, #tpu.memory_space<vmem>>)
      %dma_wait3A_458 = arith.constant 0 : i32
      %dma_wait3A_459 = arith.constant 0 : i32
      %dma_wait3A_460 = arith.constant 0 : i32
      %dma_wait3A_461 = tpu.memref_slice %arg5[%dma_wait3A_458, %select_n3A_449, %dma_wait3A_459, %dma_wait3A_460] : memref<7x550x8x128xf32, #tpu.memory_space<hbm>> -> memref<7x2x8x128xf32, #tpu.memory_space<hbm>>
      %dma_wait3A_462 = arith.constant 0 : i32
      %dma_wait3A_463 = arith.constant 0 : i32
      %dma_wait3A_464 = arith.constant 0 : i32
      %dma_wait3A_465 = tpu.memref_slice %arg5[%dma_wait3A_462, %select_n3A_449, %dma_wait3A_463, %dma_wait3A_464] : memref<7x550x8x128xf32, #tpu.memory_space<hbm>> -> memref<7x2x8x128xf32, #tpu.memory_space<hbm>>
      tpu.wait_dma2 semaphore(%arg22 : memref<!tpu.dma_semaphore, #tpu.memory_space<semaphore_mem>>) src(%dma_wait3A_465 : memref<7x2x8x128xf32, #tpu.memory_space<hbm>>) dst(%arg10 : memref<7x2x8x128xf32, #tpu.memory_space<vmem>>)
      %dma_wait3A_466 = arith.constant 6 : i32
      %dma_wait3A_467 = arith.constant 0 : i32
      %dma_wait3A_468 = arith.constant 0 : i32
      %dma_wait3A_469 = tpu.memref_slice %arg6[%dma_wait3A_466, %select_n3A_449, %dma_wait3A_467, %dma_wait3A_468] : memref<7x550x8x128xf32, #tpu.memory_space<hbm>> -> memref<1x2x8x128xf32, #tpu.memory_space<hbm>>
      %dma_wait3A_470 = tpu.memref_squeeze %dma_wait3A_469 : memref<1x2x8x128xf32, #tpu.memory_space<hbm>> -> memref<2x8x128xf32, #tpu.memory_space<hbm>>
      %dma_wait3A_471 = arith.constant 0 : i32
      %dma_wait3A_472 = arith.constant 0 : i32
      %dma_wait3A_473 = tpu.memref_slice %arg6[%dma_wait3A_466, %select_n3A_449, %dma_wait3A_471, %dma_wait3A_472] : memref<7x550x8x128xf32, #tpu.memory_space<hbm>> -> memref<1x2x8x128xf32, #tpu.memory_space<hbm>>
      %dma_wait3A_474 = tpu.memref_squeeze %dma_wait3A_473 : memref<1x2x8x128xf32, #tpu.memory_space<hbm>> -> memref<2x8x128xf32, #tpu.memory_space<hbm>>
      tpu.wait_dma2 semaphore(%arg22 : memref<!tpu.dma_semaphore, #tpu.memory_space<semaphore_mem>>) src(%dma_wait3A_474 : memref<2x8x128xf32, #tpu.memory_space<hbm>>) dst(%arg11 : memref<2x8x128xf32, #tpu.memory_space<vmem>>)
      %dma_wait3A_475 = arith.constant 0 : i32
      %dma_wait3A_476 = arith.constant 0 : i32
      %dma_wait3A_477 = arith.constant 0 : i32
      %dma_wait3A_478 = tpu.memref_slice %arg3[%dma_wait3A_476, %select_n3A_449, %dma_wait3A_475, %dma_wait3A_477] : memref<8x550x1x128xf32, #tpu.memory_space<hbm>> -> memref<8x2x1x128xf32, #tpu.memory_space<hbm>>
      %dma_wait3A_479 = tpu.memref_squeeze %dma_wait3A_478 : memref<8x2x1x128xf32, #tpu.memory_space<hbm>> -> memref<8x2x128xf32, #tpu.memory_space<hbm>>
      %dma_wait3A_480 = arith.constant 0 : i32
      %dma_wait3A_481 = arith.constant 0 : i32
      %dma_wait3A_482 = tpu.memref_slice %arg3[%dma_wait3A_480, %select_n3A_449, %dma_wait3A_475, %dma_wait3A_481] : memref<8x550x1x128xf32, #tpu.memory_space<hbm>> -> memref<8x2x1x128xf32, #tpu.memory_space<hbm>>
      %dma_wait3A_483 = tpu.memref_squeeze %dma_wait3A_482 : memref<8x2x1x128xf32, #tpu.memory_space<hbm>> -> memref<8x2x128xf32, #tpu.memory_space<hbm>>
      tpu.wait_dma2 semaphore(%arg22 : memref<!tpu.dma_semaphore, #tpu.memory_space<semaphore_mem>>) src(%dma_wait3A_483 : memref<8x2x128xf32, #tpu.memory_space<hbm>>) dst(%arg12 : memref<8x2x128xf32, #tpu.memory_space<vmem>>)
      %dma_wait3A_484 = arith.constant 0 : i32
      %dma_wait3A_485 = arith.constant 0 : i32
      %dma_wait3A_486 = arith.constant 0 : i32
      %dma_wait3A_487 = tpu.memref_slice %arg4[%dma_wait3A_484, %select_n3A_449, %dma_wait3A_485, %dma_wait3A_486] : memref<8x550x2x128xf32, #tpu.memory_space<hbm>> -> memref<8x2x2x128xf32, #tpu.memory_space<hbm>>
      %dma_wait3A_488 = arith.constant 0 : i32
      %dma_wait3A_489 = arith.constant 0 : i32
      %dma_wait3A_490 = arith.constant 0 : i32
      %dma_wait3A_491 = tpu.memref_slice %arg4[%dma_wait3A_488, %select_n3A_449, %dma_wait3A_489, %dma_wait3A_490] : memref<8x550x2x128xf32, #tpu.memory_space<hbm>> -> memref<8x2x2x128xf32, #tpu.memory_space<hbm>>
      tpu.wait_dma2 semaphore(%arg22 : memref<!tpu.dma_semaphore, #tpu.memory_space<semaphore_mem>>) src(%dma_wait3A_491 : memref<8x2x2x128xf32, #tpu.memory_space<hbm>>) dst(%arg13 : memref<8x2x2x128xf32, #tpu.memory_space<vmem>>)
      %dma_wait3A_492 = arith.constant 0 : i32
      %dma_wait3A_493 = arith.constant 0 : i32
      %dma_wait3A_494 = tpu.memref_slice %arg7[%select_n3A_449, %dma_wait3A_492, %dma_wait3A_493] : memref<550x8x128xi32, #tpu.memory_space<hbm>> -> memref<2x8x128xi32, #tpu.memory_space<hbm>>
      %dma_wait3A_495 = arith.constant 0 : i32
      %dma_wait3A_496 = arith.constant 0 : i32
      %dma_wait3A_497 = tpu.memref_slice %arg7[%select_n3A_449, %dma_wait3A_495, %dma_wait3A_496] : memref<550x8x128xi32, #tpu.memory_space<hbm>> -> memref<2x8x128xi32, #tpu.memory_space<hbm>>
      tpu.wait_dma2 semaphore(%arg22 : memref<!tpu.dma_semaphore, #tpu.memory_space<semaphore_mem>>) src(%dma_wait3A_497 : memref<2x8x128xi32, #tpu.memory_space<hbm>>) dst(%arg14 : memref<2x8x128xi32, #tpu.memory_space<vmem>>)
      %broadcast_in_dim3A_498 = arith.constant 0.000000e+00 : f32
      %broadcast_in_dim3A_499 = vector.broadcast %broadcast_in_dim3A_498 : f32 to vector<16xf32>
      %scan3A_500 = arith.constant 0 : i32
      %scan3A_501 = arith.constant 0 : i32
      %scan3A_502 = arith.constant 8 : i32
      %scan3A_503 = arith.addi %scan3A_501, %scan3A_502 : i32
      %scan3A_504 = arith.constant 1 : i32
      scf.for %scan3A_577 = %scan3A_501 to %scan3A_503 step %scan3A_504  : i32 {
        %scan3A_578 = arith.constant 0 : i32
        %scan3A_579 = arith.constant 8 : i32
        %scan3A_580 = arith.addi %scan3A_578, %scan3A_579 : i32
        %scan3A_581 = arith.constant 1 : i32
        %scan3A_582:4 = scf.for %scan3A_655 = %scan3A_578 to %scan3A_580 step %scan3A_581 iter_args(%scan3A_656 = %broadcast_in_dim3A_499, %scan3A_657 = %broadcast_in_dim3A_499, %scan3A_658 = %broadcast_in_dim3A_499, %scan3A_659 = %broadcast_in_dim3A_499) -> (vector<16xf32>, vector<16xf32>, vector<16xf32>, vector<16xf32>)  : i32 {
          %mul3A_660 = arith.constant 2 : i32
          %mul3A_661 = arith.muli %mul3A_660, %scan3A_655 : i32
          %add3A_662 = arith.constant 1 : i32
          %add3A_663 = arith.addi %mul3A_661, %add3A_662 : i32
          %mul3A_664 = arith.constant 2 : i32
          %mul3A_665 = arith.muli %mul3A_664, %scan3A_655 : i32
          %shift_right_logical3A = arith.constant 3 : i32
          %shift_right_logical3A_666 = arith.shrui %mul3A_665, %shift_right_logical3A : i32
          %and3A = arith.constant 7 : i32
          %and3A_667 = arith.andi %mul3A_665, %and3A : i32
          %mul3A_668 = arith.constant 16 : i32
          %mul3A_669 = arith.muli %and3A_667, %mul3A_668 : i32
          %get3A_670 = arith.index_cast %shift_right_logical3A_666 : i32 to index
          %get3A_671 = arith.index_cast %scan3A_577 : i32 to index
          %get3A_672 = arith.index_cast %mul3A_669 : i32 to index
          %get3A_673 = tpu.vector_load %arg14[%get3A_670, %get3A_671, %get3A_672] {strides = array<i32>} : memref<2x8x128xi32, #tpu.memory_space<vmem>>, vector<1x1x16xi32>,
          %get3A_674 = vector.shape_cast %get3A_673 : vector<1x1x16xi32> to vector<16xi32>
          %convert_element_type3A_675 = arith.sitofp %get3A_674 : vector<16xi32> to vector<16xf32>
          %get3A_676 = arith.constant 0 : i32
          %get3A_677 = arith.index_cast %get3A_676 : i32 to index
          %get3A_678 = arith.index_cast %shift_right_logical3A_666 : i32 to index
          %get3A_679 = arith.index_cast %scan3A_577 : i32 to index
          %get3A_680 = arith.index_cast %mul3A_669 : i32 to index
          %get3A_681 = tpu.vector_load %arg9[%get3A_677, %get3A_678, %get3A_679, %get3A_680] {strides = array<i32>} : memref<7x2x8x128xf32, #tpu.memory_space<vmem>>, vector<1x1x1x16xf32>,
          %get3A_682 = vector.shape_cast %get3A_681 : vector<1x1x1x16xf32> to vector<16xf32>
          %get3A_683 = arith.constant 0 : i32
          %get3A_684 = arith.index_cast %get3A_683 : i32 to index
          %get3A_685 = arith.index_cast %shift_right_logical3A_666 : i32 to index
          %get3A_686 = arith.index_cast %scan3A_577 : i32 to index
          %get3A_687 = arith.index_cast %mul3A_669 : i32 to index
          %get3A_688 = tpu.vector_load %arg10[%get3A_684, %get3A_685, %get3A_686, %get3A_687] {strides = array<i32>} : memref<7x2x8x128xf32, #tpu.memory_space<vmem>>, vector<1x1x1x16xf32>,
          %get3A_689 = vector.shape_cast %get3A_688 : vector<1x1x1x16xf32> to vector<16xf32>
          %sub3A = arith.subf %get3A_682, %get3A_689 : vector<16xf32>
          %abs3A = math.absf %sub3A : vector<16xf32>
          %min3A_690 = arith.constant 0.111111112 : f32
          %min3A_691 = vector.broadcast %min3A_690 : f32 to vector<16xf32>
          %min3A_692 = arith.minimumf %abs3A, %min3A_691 : vector<16xf32>
          %mul3A_693 = arith.constant 4.500000e+00 : f32
          %mul3A_694 = vector.broadcast %mul3A_693 : f32 to vector<16xf32>
          %mul3A_695 = arith.mulf %mul3A_694, %min3A_692 : vector<16xf32>
          %mul3A_696 = arith.mulf %mul3A_695, %min3A_692 : vector<16xf32>
          %sub3A_697 = arith.subf %abs3A, %min3A_692 : vector<16xf32>
          %add3A_698 = arith.addf %mul3A_696, %sub3A_697 : vector<16xf32>
          %get3A_699 = arith.constant 1 : i32
          %get3A_700 = arith.index_cast %get3A_699 : i32 to index
          %get3A_701 = arith.index_cast %shift_right_logical3A_666 : i32 to index
          %get3A_702 = arith.index_cast %scan3A_577 : i32 to index
          %get3A_703 = arith.index_cast %mul3A_669 : i32 to index
          %get3A_704 = tpu.vector_load %arg9[%get3A_700, %get3A_701, %get3A_702, %get3A_703] {strides = array<i32>} : memref<7x2x8x128xf32, #tpu.memory_space<vmem>>, vector<1x1x1x16xf32>,
          %get3A_705 = vector.shape_cast %get3A_704 : vector<1x1x1x16xf32> to vector<16xf32>
          %get3A_706 = arith.constant 1 : i32
          %get3A_707 = arith.index_cast %get3A_706 : i32 to index
          %get3A_708 = arith.index_cast %shift_right_logical3A_666 : i32 to index
          %get3A_709 = arith.index_cast %scan3A_577 : i32 to index
          %get3A_710 = arith.index_cast %mul3A_669 : i32 to index
          %get3A_711 = tpu.vector_load %arg10[%get3A_707, %get3A_708, %get3A_709, %get3A_710] {strides = array<i32>} : memref<7x2x8x128xf32, #tpu.memory_space<vmem>>, vector<1x1x1x16xf32>,
          %get3A_712 = vector.shape_cast %get3A_711 : vector<1x1x1x16xf32> to vector<16xf32>
          %sub3A_713 = arith.subf %get3A_705, %get3A_712 : vector<16xf32>
          %abs3A_714 = math.absf %sub3A_713 : vector<16xf32>
          %min3A_715 = arith.constant 0.111111112 : f32
          %min3A_716 = vector.broadcast %min3A_715 : f32 to vector<16xf32>
          %min3A_717 = arith.minimumf %abs3A_714, %min3A_716 : vector<16xf32>
          %mul3A_718 = arith.constant 4.500000e+00 : f32
          %mul3A_719 = vector.broadcast %mul3A_718 : f32 to vector<16xf32>
          %mul3A_720 = arith.mulf %mul3A_719, %min3A_717 : vector<16xf32>
          %mul3A_721 = arith.mulf %mul3A_720, %min3A_717 : vector<16xf32>
          %sub3A_722 = arith.subf %abs3A_714, %min3A_717 : vector<16xf32>
          %add3A_723 = arith.addf %mul3A_721, %sub3A_722 : vector<16xf32>
          %add3A_724 = arith.addf %add3A_698, %add3A_723 : vector<16xf32>
          %get3A_725 = arith.constant 2 : i32
          %get3A_726 = arith.index_cast %get3A_725 : i32 to index
          %get3A_727 = arith.index_cast %shift_right_logical3A_666 : i32 to index
          %get3A_728 = arith.index_cast %scan3A_577 : i32 to index
          %get3A_729 = arith.index_cast %mul3A_669 : i32 to index
          %get3A_730 = tpu.vector_load %arg9[%get3A_726, %get3A_727, %get3A_728, %get3A_729] {strides = array<i32>} : memref<7x2x8x128xf32, #tpu.memory_space<vmem>>, vector<1x1x1x16xf32>,
          %get3A_731 = vector.shape_cast %get3A_730 : vector<1x1x1x16xf32> to vector<16xf32>
          %get3A_732 = arith.constant 2 : i32
          %get3A_733 = arith.index_cast %get3A_732 : i32 to index
          %get3A_734 = arith.index_cast %shift_right_logical3A_666 : i32 to index
          %get3A_735 = arith.index_cast %scan3A_577 : i32 to index
          %get3A_736 = arith.index_cast %mul3A_669 : i32 to index
          %get3A_737 = tpu.vector_load %arg10[%get3A_733, %get3A_734, %get3A_735, %get3A_736] {strides = array<i32>} : memref<7x2x8x128xf32, #tpu.memory_space<vmem>>, vector<1x1x1x16xf32>,
          %get3A_738 = vector.shape_cast %get3A_737 : vector<1x1x1x16xf32> to vector<16xf32>
          %sub3A_739 = arith.subf %get3A_731, %get3A_738 : vector<16xf32>
          %abs3A_740 = math.absf %sub3A_739 : vector<16xf32>
          %min3A_741 = arith.constant 0.111111112 : f32
          %min3A_742 = vector.broadcast %min3A_741 : f32 to vector<16xf32>
          %min3A_743 = arith.minimumf %abs3A_740, %min3A_742 : vector<16xf32>
          %mul3A_744 = arith.constant 4.500000e+00 : f32
          %mul3A_745 = vector.broadcast %mul3A_744 : f32 to vector<16xf32>
          %mul3A_746 = arith.mulf %mul3A_745, %min3A_743 : vector<16xf32>
          %mul3A_747 = arith.mulf %mul3A_746, %min3A_743 : vector<16xf32>
          %sub3A_748 = arith.subf %abs3A_740, %min3A_743 : vector<16xf32>
          %add3A_749 = arith.addf %mul3A_747, %sub3A_748 : vector<16xf32>
          %add3A_750 = arith.addf %add3A_724, %add3A_749 : vector<16xf32>
          %get3A_751 = arith.constant 3 : i32
          %get3A_752 = arith.index_cast %get3A_751 : i32 to index
          %get3A_753 = arith.index_cast %shift_right_logical3A_666 : i32 to index
          %get3A_754 = arith.index_cast %scan3A_577 : i32 to index
          %get3A_755 = arith.index_cast %mul3A_669 : i32 to index
          %get3A_756 = tpu.vector_load %arg9[%get3A_752, %get3A_753, %get3A_754, %get3A_755] {strides = array<i32>} : memref<7x2x8x128xf32, #tpu.memory_space<vmem>>, vector<1x1x1x16xf32>,
          %get3A_757 = vector.shape_cast %get3A_756 : vector<1x1x1x16xf32> to vector<16xf32>
          %get3A_758 = arith.constant 3 : i32
          %get3A_759 = arith.index_cast %get3A_758 : i32 to index
          %get3A_760 = arith.index_cast %shift_right_logical3A_666 : i32 to index
          %get3A_761 = arith.index_cast %scan3A_577 : i32 to index
          %get3A_762 = arith.index_cast %mul3A_669 : i32 to index
          %get3A_763 = tpu.vector_load %arg10[%get3A_759, %get3A_760, %get3A_761, %get3A_762] {strides = array<i32>} : memref<7x2x8x128xf32, #tpu.memory_space<vmem>>, vector<1x1x1x16xf32>,
          %get3A_764 = vector.shape_cast %get3A_763 : vector<1x1x1x16xf32> to vector<16xf32>
          %sub3A_765 = arith.subf %get3A_757, %get3A_764 : vector<16xf32>
          %abs3A_766 = math.absf %sub3A_765 : vector<16xf32>
          %min3A_767 = arith.constant 0.111111112 : f32
          %min3A_768 = vector.broadcast %min3A_767 : f32 to vector<16xf32>
          %min3A_769 = arith.minimumf %abs3A_766, %min3A_768 : vector<16xf32>
          %mul3A_770 = arith.constant 4.500000e+00 : f32
          %mul3A_771 = vector.broadcast %mul3A_770 : f32 to vector<16xf32>
          %mul3A_772 = arith.mulf %mul3A_771, %min3A_769 : vector<16xf32>
          %mul3A_773 = arith.mulf %mul3A_772, %min3A_769 : vector<16xf32>
          %sub3A_774 = arith.subf %abs3A_766, %min3A_769 : vector<16xf32>
          %add3A_775 = arith.addf %mul3A_773, %sub3A_774 : vector<16xf32>
          %add3A_776 = arith.addf %add3A_750, %add3A_775 : vector<16xf32>
          %get3A_777 = arith.constant 4 : i32
          %get3A_778 = arith.index_cast %get3A_777 : i32 to index
          %get3A_779 = arith.index_cast %shift_right_logical3A_666 : i32 to index
          %get3A_780 = arith.index_cast %scan3A_577 : i32 to index
          %get3A_781 = arith.index_cast %mul3A_669 : i32 to index
          %get3A_782 = tpu.vector_load %arg9[%get3A_778, %get3A_779, %get3A_780, %get3A_781] {strides = array<i32>} : memref<7x2x8x128xf32, #tpu.memory_space<vmem>>, vector<1x1x1x16xf32>,
          %get3A_783 = vector.shape_cast %get3A_782 : vector<1x1x1x16xf32> to vector<16xf32>
          %get3A_784 = arith.constant 4 : i32
          %get3A_785 = arith.index_cast %get3A_784 : i32 to index
          %get3A_786 = arith.index_cast %shift_right_logical3A_666 : i32 to index
          %get3A_787 = arith.index_cast %scan3A_577 : i32 to index
          %get3A_788 = arith.index_cast %mul3A_669 : i32 to index
          %get3A_789 = tpu.vector_load %arg10[%get3A_785, %get3A_786, %get3A_787, %get3A_788] {strides = array<i32>} : memref<7x2x8x128xf32, #tpu.memory_space<vmem>>, vector<1x1x1x16xf32>,
          %get3A_790 = vector.shape_cast %get3A_789 : vector<1x1x1x16xf32> to vector<16xf32>
          %sub3A_791 = arith.subf %get3A_783, %get3A_790 : vector<16xf32>
          %abs3A_792 = math.absf %sub3A_791 : vector<16xf32>
          %min3A_793 = arith.constant 0.111111112 : f32
          %min3A_794 = vector.broadcast %min3A_793 : f32 to vector<16xf32>
          %min3A_795 = arith.minimumf %abs3A_792, %min3A_794 : vector<16xf32>
          %mul3A_796 = arith.constant 4.500000e+00 : f32
          %mul3A_797 = vector.broadcast %mul3A_796 : f32 to vector<16xf32>
          %mul3A_798 = arith.mulf %mul3A_797, %min3A_795 : vector<16xf32>
          %mul3A_799 = arith.mulf %mul3A_798, %min3A_795 : vector<16xf32>
          %sub3A_800 = arith.subf %abs3A_792, %min3A_795 : vector<16xf32>
          %add3A_801 = arith.addf %mul3A_799, %sub3A_800 : vector<16xf32>
          %add3A_802 = arith.addf %add3A_776, %add3A_801 : vector<16xf32>
          %get3A_803 = arith.constant 5 : i32
          %get3A_804 = arith.index_cast %get3A_803 : i32 to index
          %get3A_805 = arith.index_cast %shift_right_logical3A_666 : i32 to index
          %get3A_806 = arith.index_cast %scan3A_577 : i32 to index
          %get3A_807 = arith.index_cast %mul3A_669 : i32 to index
          %get3A_808 = tpu.vector_load %arg9[%get3A_804, %get3A_805, %get3A_806, %get3A_807] {strides = array<i32>} : memref<7x2x8x128xf32, #tpu.memory_space<vmem>>, vector<1x1x1x16xf32>,
          %get3A_809 = vector.shape_cast %get3A_808 : vector<1x1x1x16xf32> to vector<16xf32>
          %get3A_810 = arith.constant 5 : i32
          %get3A_811 = arith.index_cast %get3A_810 : i32 to index
          %get3A_812 = arith.index_cast %shift_right_logical3A_666 : i32 to index
          %get3A_813 = arith.index_cast %scan3A_577 : i32 to index
          %get3A_814 = arith.index_cast %mul3A_669 : i32 to index
          %get3A_815 = tpu.vector_load %arg10[%get3A_811, %get3A_812, %get3A_813, %get3A_814] {strides = array<i32>} : memref<7x2x8x128xf32, #tpu.memory_space<vmem>>, vector<1x1x1x16xf32>,
          %get3A_816 = vector.shape_cast %get3A_815 : vector<1x1x1x16xf32> to vector<16xf32>
          %sub3A_817 = arith.subf %get3A_809, %get3A_816 : vector<16xf32>
          %abs3A_818 = math.absf %sub3A_817 : vector<16xf32>
          %min3A_819 = arith.constant 0.111111112 : f32
          %min3A_820 = vector.broadcast %min3A_819 : f32 to vector<16xf32>
          %min3A_821 = arith.minimumf %abs3A_818, %min3A_820 : vector<16xf32>
          %mul3A_822 = arith.constant 4.500000e+00 : f32
          %mul3A_823 = vector.broadcast %mul3A_822 : f32 to vector<16xf32>
          %mul3A_824 = arith.mulf %mul3A_823, %min3A_821 : vector<16xf32>
          %mul3A_825 = arith.mulf %mul3A_824, %min3A_821 : vector<16xf32>
          %sub3A_826 = arith.subf %abs3A_818, %min3A_821 : vector<16xf32>
          %add3A_827 = arith.addf %mul3A_825, %sub3A_826 : vector<16xf32>
          %add3A_828 = arith.addf %add3A_802, %add3A_827 : vector<16xf32>
          %get3A_829 = arith.constant 6 : i32
          %get3A_830 = arith.index_cast %get3A_829 : i32 to index
          %get3A_831 = arith.index_cast %shift_right_logical3A_666 : i32 to index
          %get3A_832 = arith.index_cast %scan3A_577 : i32 to index
          %get3A_833 = arith.index_cast %mul3A_669 : i32 to index
          %get3A_834 = tpu.vector_load %arg10[%get3A_830, %get3A_831, %get3A_832, %get3A_833] {strides = array<i32>} : memref<7x2x8x128xf32, #tpu.memory_space<vmem>>, vector<1x1x1x16xf32>,
          %get3A_835 = vector.shape_cast %get3A_834 : vector<1x1x1x16xf32> to vector<16xf32>
          %get3A_836 = arith.constant 6 : i32
          %get3A_837 = arith.index_cast %get3A_836 : i32 to index
          %get3A_838 = arith.index_cast %shift_right_logical3A_666 : i32 to index
          %get3A_839 = arith.index_cast %scan3A_577 : i32 to index
          %get3A_840 = arith.index_cast %mul3A_669 : i32 to index
          %get3A_841 = tpu.vector_load %arg9[%get3A_837, %get3A_838, %get3A_839, %get3A_840] {strides = array<i32>} : memref<7x2x8x128xf32, #tpu.memory_space<vmem>>, vector<1x1x1x16xf32>,
          %get3A_842 = vector.shape_cast %get3A_841 : vector<1x1x1x16xf32> to vector<16xf32>
          %sub3A_843 = arith.subf %get3A_842, %get3A_835 : vector<16xf32>
          %mul3A_844 = arith.constant 0.159154937 : f32
          %mul3A_845 = vector.broadcast %mul3A_844 : f32 to vector<16xf32>
          %mul3A_846 = arith.mulf %sub3A_843, %mul3A_845 : vector<16xf32>
          %add3A_847 = arith.constant 5.000000e-01 : f32
          %add3A_848 = vector.broadcast %add3A_847 : f32 to vector<16xf32>
          %add3A_849 = arith.addf %mul3A_846, %add3A_848 : vector<16xf32>
          %convert_element_type3A_850 = arith.fptosi %add3A_849 : vector<16xf32> to vector<16xi32>
          %convert_element_type3A_851 = arith.sitofp %convert_element_type3A_850 : vector<16xi32> to vector<16xf32>
          %gt3A = arith.cmpf ogt, %convert_element_type3A_851, %add3A_849 : vector<16xf32>
          %sub3A_852 = arith.constant 1.000000e+00 : f32
          %sub3A_853 = vector.broadcast %sub3A_852 : f32 to vector<16xf32>
          %sub3A_854 = arith.subf %convert_element_type3A_851, %sub3A_853 : vector<16xf32>
          %select_n3A_855 = arith.select %gt3A, %sub3A_854, %convert_element_type3A_851 : vector<16xi1>, vector<16xf32>
          %mul3A_856 = arith.constant 6.28318548 : f32
          %mul3A_857 = vector.broadcast %mul3A_856 : f32 to vector<16xf32>
          %mul3A_858 = arith.mulf %select_n3A_855, %mul3A_857 : vector<16xf32>
          %sub3A_859 = arith.subf %sub3A_843, %mul3A_858 : vector<16xf32>
          %mul3A_860 = arith.mulf %sub3A_859, %sub3A_859 : vector<16xf32>
          %broadcast_in_dim3A_861 = arith.constant -1.47736457E-4 : f32
          %broadcast_in_dim3A_862 = vector.broadcast %broadcast_in_dim3A_861 : f32 to vector<16xf32>
          %mul3A_863 = arith.mulf %broadcast_in_dim3A_862, %mul3A_860 : vector<16xf32>
          %add3A_864 = arith.constant 0.0079985205 : f32
          %add3A_865 = vector.broadcast %add3A_864 : f32 to vector<16xf32>
          %add3A_866 = arith.addf %mul3A_863, %add3A_865 : vector<16xf32>
          %mul3A_867 = arith.mulf %add3A_866, %mul3A_860 : vector<16xf32>
          %add3A_868 = arith.constant -0.165838227 : f32
          %add3A_869 = vector.broadcast %add3A_868 : f32 to vector<16xf32>
          %add3A_870 = arith.addf %mul3A_867, %add3A_869 : vector<16xf32>
          %mul3A_871 = arith.mulf %add3A_870, %mul3A_860 : vector<16xf32>
          %add3A_872 = arith.constant 0.999449968 : f32
          %add3A_873 = vector.broadcast %add3A_872 : f32 to vector<16xf32>
          %add3A_874 = arith.addf %mul3A_871, %add3A_873 : vector<16xf32>
          %mul3A_875 = arith.mulf %sub3A_859, %add3A_874 : vector<16xf32>
          %abs3A_876 = math.absf %mul3A_875 : vector<16xf32>
          %min3A_877 = arith.constant 0.111111112 : f32
          %min3A_878 = vector.broadcast %min3A_877 : f32 to vector<16xf32>
          %min3A_879 = arith.minimumf %abs3A_876, %min3A_878 : vector<16xf32>
          %mul3A_880 = arith.constant 4.500000e+00 : f32
          %mul3A_881 = vector.broadcast %mul3A_880 : f32 to vector<16xf32>
          %mul3A_882 = arith.mulf %mul3A_881, %min3A_879 : vector<16xf32>
          %mul3A_883 = arith.mulf %mul3A_882, %min3A_879 : vector<16xf32>
          %sub3A_884 = arith.subf %abs3A_876, %min3A_879 : vector<16xf32>
          %add3A_885 = arith.addf %mul3A_883, %sub3A_884 : vector<16xf32>
          %add3A_886 = arith.addf %add3A_828, %add3A_885 : vector<16xf32>
          %mul3A_887 = arith.mulf %add3A_886, %convert_element_type3A_675 : vector<16xf32>
          %add3A_888 = arith.addf %scan3A_656, %mul3A_887 : vector<16xf32>
          %get3A_889 = arith.index_cast %scan3A_577 : i32 to index
          %get3A_890 = arith.index_cast %shift_right_logical3A_666 : i32 to index
          %get3A_891 = arith.index_cast %mul3A_669 : i32 to index
          %get3A_892 = tpu.vector_load %arg12[%get3A_889, %get3A_890, %get3A_891] {strides = array<i32>} : memref<8x2x128xf32, #tpu.memory_space<vmem>>, vector<1x1x16xf32>,
          %get3A_893 = vector.shape_cast %get3A_892 : vector<1x1x16xf32> to vector<16xf32>
          %abs3A_894 = math.absf %get3A_893 : vector<16xf32>
          %neg3A = arith.constant 0.000000e+00 : f32
          %neg3A_895 = vector.broadcast %neg3A : f32 to vector<16xf32>
          %neg3A_896 = arith.subf %neg3A_895, %abs3A_894 : vector<16xf32>
          %exp3A = math.exp %neg3A_896 : vector<16xf32>
          %max3A = arith.constant 0.000000e+00 : f32
          %max3A_897 = vector.broadcast %max3A : f32 to vector<16xf32>
          %max3A_898 = arith.maximumf %get3A_893, %max3A_897 : vector<16xf32>
          %mul3A_899 = arith.mulf %get3A_893, %convert_element_type3A_675 : vector<16xf32>
          %sub3A_900 = arith.subf %max3A_898, %mul3A_899 : vector<16xf32>
          %broadcast_in_dim3A_901 = arith.constant 0.0301026255 : f32
          %broadcast_in_dim3A_902 = vector.broadcast %broadcast_in_dim3A_901 : f32 to vector<16xf32>
          %mul3A_903 = arith.mulf %broadcast_in_dim3A_902, %exp3A : vector<16xf32>
          %add3A_904 = arith.constant -0.130119413 : f32
          %add3A_905 = vector.broadcast %add3A_904 : f32 to vector<16xf32>
          %add3A_906 = arith.addf %mul3A_903, %add3A_905 : vector<16xf32>
          %mul3A_907 = arith.mulf %add3A_906, %exp3A : vector<16xf32>
          %add3A_908 = arith.constant 0.283304334 : f32
          %add3A_909 = vector.broadcast %add3A_908 : f32 to vector<16xf32>
          %add3A_910 = arith.addf %mul3A_907, %add3A_909 : vector<16xf32>
          %mul3A_911 = arith.mulf %add3A_910, %exp3A : vector<16xf32>
          %add3A_912 = arith.constant -0.489156842 : f32
          %add3A_913 = vector.broadcast %add3A_912 : f32 to vector<16xf32>
          %add3A_914 = arith.addf %mul3A_911, %add3A_913 : vector<16xf32>
          %mul3A_915 = arith.mulf %add3A_914, %exp3A : vector<16xf32>
          %add3A_916 = arith.constant 0.999010443 : f32
          %add3A_917 = vector.broadcast %add3A_916 : f32 to vector<16xf32>
          %add3A_918 = arith.addf %mul3A_915, %add3A_917 : vector<16xf32>
          %mul3A_919 = arith.mulf %add3A_918, %exp3A : vector<16xf32>
          %add3A_920 = arith.constant 2.21170303E-5 : f32
          %add3A_921 = vector.broadcast %add3A_920 : f32 to vector<16xf32>
          %add3A_922 = arith.addf %mul3A_919, %add3A_921 : vector<16xf32>
          %add3A_923 = arith.addf %sub3A_900, %add3A_922 : vector<16xf32>
          %add3A_924 = arith.constant 1.000000e+00 : f32
          %add3A_925 = vector.broadcast %add3A_924 : f32 to vector<16xf32>
          %add3A_926 = arith.addf %add3A_925, %exp3A : vector<16xf32>
          %div3A = arith.constant 1.000000e+00 : f32
          %div3A_927 = vector.broadcast %div3A : f32 to vector<16xf32>
          %div3A_928 = arith.divf %div3A_927, %add3A_926 : vector<16xf32>
          %ge3A = arith.constant 0.000000e+00 : f32
          %ge3A_929 = vector.broadcast %ge3A : f32 to vector<16xf32>
          %ge3A_930 = arith.cmpf oge, %get3A_893, %ge3A_929 : vector<16xf32>
          %mul3A_931 = arith.mulf %exp3A, %div3A_928 : vector<16xf32>
          %select_n3A_932 = arith.select %ge3A_930, %div3A_928, %mul3A_931 : vector<16xi1>, vector<16xf32>
          %gt3A_933 = arith.constant 5.000000e-01 : f32
          %gt3A_934 = vector.broadcast %gt3A_933 : f32 to vector<16xf32>
          %gt3A_935 = arith.cmpf ogt, %convert_element_type3A_675, %gt3A_934 : vector<16xf32>
          %sub3A_936 = arith.constant 1.000000e+00 : f32
          %sub3A_937 = vector.broadcast %sub3A_936 : f32 to vector<16xf32>
          %sub3A_938 = arith.subf %sub3A_937, %select_n3A_932 : vector<16xf32>
          %select_n3A_939 = arith.select %gt3A_935, %select_n3A_932, %sub3A_938 : vector<16xi1>, vector<16xf32>
          %sub3A_940 = arith.constant 1.000000e+00 : f32
          %sub3A_941 = vector.broadcast %sub3A_940 : f32 to vector<16xf32>
          %sub3A_942 = arith.subf %sub3A_941, %select_n3A_939 : vector<16xf32>
          %mul3A_943 = arith.constant 5.000000e-01 : f32
          %mul3A_944 = vector.broadcast %mul3A_943 : f32 to vector<16xf32>
          %mul3A_945 = arith.mulf %mul3A_944, %convert_element_type3A_675 : vector<16xf32>
          %sub3A_946 = arith.constant 7.500000e-01 : f32
          %sub3A_947 = vector.broadcast %sub3A_946 : f32 to vector<16xf32>
          %sub3A_948 = arith.subf %sub3A_947, %mul3A_945 : vector<16xf32>
          %mul3A_949 = arith.mulf %sub3A_942, %sub3A_942 : vector<16xf32>
          %mul3A_950 = arith.mulf %mul3A_949, %sub3A_948 : vector<16xf32>
          %mul3A_951 = arith.mulf %mul3A_950, %add3A_923 : vector<16xf32>
          %add3A_952 = arith.addf %scan3A_657, %mul3A_951 : vector<16xf32>
          %get3A_953 = arith.index_cast %shift_right_logical3A_666 : i32 to index
          %get3A_954 = arith.index_cast %scan3A_577 : i32 to index
          %get3A_955 = arith.index_cast %mul3A_669 : i32 to index
          %get3A_956 = tpu.vector_load %arg11[%get3A_953, %get3A_954, %get3A_955] {strides = array<i32>} : memref<2x8x128xf32, #tpu.memory_space<vmem>>, vector<1x1x16xf32>,
          %get3A_957 = vector.shape_cast %get3A_956 : vector<1x1x16xf32> to vector<16xf32>
          %add3A_958 = arith.addf %get3A_835, %get3A_957 : vector<16xf32>
          %mul3A_959 = arith.constant 0.159154937 : f32
          %mul3A_960 = vector.broadcast %mul3A_959 : f32 to vector<16xf32>
          %mul3A_961 = arith.mulf %add3A_958, %mul3A_960 : vector<16xf32>
          %convert_element_type3A_962 = arith.fptosi %mul3A_961 : vector<16xf32> to vector<16xi32>
          %convert_element_type3A_963 = arith.sitofp %convert_element_type3A_962 : vector<16xi32> to vector<16xf32>
          %gt3A_964 = arith.cmpf ogt, %convert_element_type3A_963, %mul3A_961 : vector<16xf32>
          %sub3A_965 = arith.constant 1.000000e+00 : f32
          %sub3A_966 = vector.broadcast %sub3A_965 : f32 to vector<16xf32>
          %sub3A_967 = arith.subf %convert_element_type3A_963, %sub3A_966 : vector<16xf32>
          %select_n3A_968 = arith.select %gt3A_964, %sub3A_967, %convert_element_type3A_963 : vector<16xi1>, vector<16xf32>
          %sub3A_969 = arith.subf %mul3A_961, %select_n3A_968 : vector<16xf32>
          %ge3A_970 = arith.constant 5.000000e-01 : f32
          %ge3A_971 = vector.broadcast %ge3A_970 : f32 to vector<16xf32>
          %ge3A_972 = arith.cmpf oge, %sub3A_969, %ge3A_971 : vector<16xf32>
          %get3A_973 = arith.constant 0 : i32
          %get3A_974 = arith.index_cast %scan3A_577 : i32 to index
          %get3A_975 = arith.index_cast %shift_right_logical3A_666 : i32 to index
          %get3A_976 = arith.index_cast %get3A_973 : i32 to index
          %get3A_977 = arith.index_cast %mul3A_669 : i32 to index
          %get3A_978 = tpu.vector_load %arg13[%get3A_974, %get3A_975, %get3A_976, %get3A_977] {strides = array<i32>} : memref<8x2x2x128xf32, #tpu.memory_space<vmem>>, vector<1x1x1x16xf32>,
          %get3A_979 = vector.shape_cast %get3A_978 : vector<1x1x1x16xf32> to vector<16xf32>
          %get3A_980 = arith.constant 1 : i32
          %get3A_981 = arith.index_cast %scan3A_577 : i32 to index
          %get3A_982 = arith.index_cast %shift_right_logical3A_666 : i32 to index
          %get3A_983 = arith.index_cast %get3A_980 : i32 to index
          %get3A_984 = arith.index_cast %mul3A_669 : i32 to index
          %get3A_985 = tpu.vector_load %arg13[%get3A_981, %get3A_982, %get3A_983, %get3A_984] {strides = array<i32>} : memref<8x2x2x128xf32, #tpu.memory_space<vmem>>, vector<1x1x1x16xf32>,
          %get3A_986 = vector.shape_cast %get3A_985 : vector<1x1x1x16xf32> to vector<16xf32>
          %max3A_987 = arith.maximumf %get3A_979, %get3A_986 : vector<16xf32>
          %sub3A_988 = arith.subf %get3A_979, %get3A_986 : vector<16xf32>
          %abs3A_989 = math.absf %sub3A_988 : vector<16xf32>
          %neg3A_990 = arith.constant 0.000000e+00 : f32
          %neg3A_991 = vector.broadcast %neg3A_990 : f32 to vector<16xf32>
          %neg3A_992 = arith.subf %neg3A_991, %abs3A_989 : vector<16xf32>
          %exp3A_993 = math.exp %neg3A_992 : vector<16xf32>
          %broadcast_in_dim3A_994 = arith.constant 0.0301026255 : f32
          %broadcast_in_dim3A_995 = vector.broadcast %broadcast_in_dim3A_994 : f32 to vector<16xf32>
          %mul3A_996 = arith.mulf %broadcast_in_dim3A_995, %exp3A_993 : vector<16xf32>
          %add3A_997 = arith.constant -0.130119413 : f32
          %add3A_998 = vector.broadcast %add3A_997 : f32 to vector<16xf32>
          %add3A_999 = arith.addf %mul3A_996, %add3A_998 : vector<16xf32>
          %mul3A_1000 = arith.mulf %add3A_999, %exp3A_993 : vector<16xf32>
          %add3A_1001 = arith.constant 0.283304334 : f32
          %add3A_1002 = vector.broadcast %add3A_1001 : f32 to vector<16xf32>
          %add3A_1003 = arith.addf %mul3A_1000, %add3A_1002 : vector<16xf32>
          %mul3A_1004 = arith.mulf %add3A_1003, %exp3A_993 : vector<16xf32>
          %add3A_1005 = arith.constant -0.489156842 : f32
          %add3A_1006 = vector.broadcast %add3A_1005 : f32 to vector<16xf32>
          %add3A_1007 = arith.addf %mul3A_1004, %add3A_1006 : vector<16xf32>
          %mul3A_1008 = arith.mulf %add3A_1007, %exp3A_993 : vector<16xf32>
          %add3A_1009 = arith.constant 0.999010443 : f32
          %add3A_1010 = vector.broadcast %add3A_1009 : f32 to vector<16xf32>
          %add3A_1011 = arith.addf %mul3A_1008, %add3A_1010 : vector<16xf32>
          %mul3A_1012 = arith.mulf %add3A_1011, %exp3A_993 : vector<16xf32>
          %add3A_1013 = arith.constant 2.21170303E-5 : f32
          %add3A_1014 = vector.broadcast %add3A_1013 : f32 to vector<16xf32>
          %add3A_1015 = arith.addf %mul3A_1012, %add3A_1014 : vector<16xf32>
          %add3A_1016 = arith.addf %max3A_987, %add3A_1015 : vector<16xf32>
          %select_n3A_1017 = arith.select %ge3A_972, %get3A_986, %get3A_979 : vector<16xi1>, vector<16xf32>
          %sub3A_1018 = arith.subf %add3A_1016, %select_n3A_1017 : vector<16xf32>
          %mul3A_1019 = arith.mulf %sub3A_1018, %convert_element_type3A_675 : vector<16xf32>
          %add3A_1020 = arith.addf %scan3A_658, %mul3A_1019 : vector<16xf32>
          %add3A_1021 = arith.addf %scan3A_659, %convert_element_type3A_675 : vector<16xf32>
          %shift_right_logical3A_1022 = arith.constant 3 : i32
          %shift_right_logical3A_1023 = arith.shrui %add3A_663, %shift_right_logical3A_1022 : i32
          %and3A_1024 = arith.constant 7 : i32
          %and3A_1025 = arith.andi %add3A_663, %and3A_1024 : i32
          %mul3A_1026 = arith.constant 16 : i32
          %mul3A_1027 = arith.muli %and3A_1025, %mul3A_1026 : i32
          %get3A_1028 = arith.index_cast %shift_right_logical3A_1023 : i32 to index
          %get3A_1029 = arith.index_cast %scan3A_577 : i32 to index
          %get3A_1030 = arith.index_cast %mul3A_1027 : i32 to index
          %get3A_1031 = tpu.vector_load %arg14[%get3A_1028, %get3A_1029, %get3A_1030] {strides = array<i32>} : memref<2x8x128xi32, #tpu.memory_space<vmem>>, vector<1x1x16xi32>,
          %get3A_1032 = vector.shape_cast %get3A_1031 : vector<1x1x16xi32> to vector<16xi32>
          %convert_element_type3A_1033 = arith.sitofp %get3A_1032 : vector<16xi32> to vector<16xf32>
          %get3A_1034 = arith.constant 0 : i32
          %get3A_1035 = arith.index_cast %get3A_1034 : i32 to index
          %get3A_1036 = arith.index_cast %shift_right_logical3A_1023 : i32 to index
          %get3A_1037 = arith.index_cast %scan3A_577 : i32 to index
          %get3A_1038 = arith.index_cast %mul3A_1027 : i32 to index
          %get3A_1039 = tpu.vector_load %arg9[%get3A_1035, %get3A_1036, %get3A_1037, %get3A_1038] {strides = array<i32>} : memref<7x2x8x128xf32, #tpu.memory_space<vmem>>, vector<1x1x1x16xf32>,
          %get3A_1040 = vector.shape_cast %get3A_1039 : vector<1x1x1x16xf32> to vector<16xf32>
          %get3A_1041 = arith.constant 0 : i32
          %get3A_1042 = arith.index_cast %get3A_1041 : i32 to index
          %get3A_1043 = arith.index_cast %shift_right_logical3A_1023 : i32 to index
          %get3A_1044 = arith.index_cast %scan3A_577 : i32 to index
          %get3A_1045 = arith.index_cast %mul3A_1027 : i32 to index
          %get3A_1046 = tpu.vector_load %arg10[%get3A_1042, %get3A_1043, %get3A_1044, %get3A_1045] {strides = array<i32>} : memref<7x2x8x128xf32, #tpu.memory_space<vmem>>, vector<1x1x1x16xf32>,
          %get3A_1047 = vector.shape_cast %get3A_1046 : vector<1x1x1x16xf32> to vector<16xf32>
          %sub3A_1048 = arith.subf %get3A_1040, %get3A_1047 : vector<16xf32>
          %abs3A_1049 = math.absf %sub3A_1048 : vector<16xf32>
          %min3A_1050 = arith.constant 0.111111112 : f32
          %min3A_1051 = vector.broadcast %min3A_1050 : f32 to vector<16xf32>
          %min3A_1052 = arith.minimumf %abs3A_1049, %min3A_1051 : vector<16xf32>
          %mul3A_1053 = arith.constant 4.500000e+00 : f32
          %mul3A_1054 = vector.broadcast %mul3A_1053 : f32 to vector<16xf32>
          %mul3A_1055 = arith.mulf %mul3A_1054, %min3A_1052 : vector<16xf32>
          %mul3A_1056 = arith.mulf %mul3A_1055, %min3A_1052 : vector<16xf32>
          %sub3A_1057 = arith.subf %abs3A_1049, %min3A_1052 : vector<16xf32>
          %add3A_1058 = arith.addf %mul3A_1056, %sub3A_1057 : vector<16xf32>
          %get3A_1059 = arith.constant 1 : i32
          %get3A_1060 = arith.index_cast %get3A_1059 : i32 to index
          %get3A_1061 = arith.index_cast %shift_right_logical3A_1023 : i32 to index
          %get3A_1062 = arith.index_cast %scan3A_577 : i32 to index
          %get3A_1063 = arith.index_cast %mul3A_1027 : i32 to index
          %get3A_1064 = tpu.vector_load %arg9[%get3A_1060, %get3A_1061, %get3A_1062, %get3A_1063] {strides = array<i32>} : memref<7x2x8x128xf32, #tpu.memory_space<vmem>>, vector<1x1x1x16xf32>,
          %get3A_1065 = vector.shape_cast %get3A_1064 : vector<1x1x1x16xf32> to vector<16xf32>
          %get3A_1066 = arith.constant 1 : i32
          %get3A_1067 = arith.index_cast %get3A_1066 : i32 to index
          %get3A_1068 = arith.index_cast %shift_right_logical3A_1023 : i32 to index
          %get3A_1069 = arith.index_cast %scan3A_577 : i32 to index
          %get3A_1070 = arith.index_cast %mul3A_1027 : i32 to index
          %get3A_1071 = tpu.vector_load %arg10[%get3A_1067, %get3A_1068, %get3A_1069, %get3A_1070] {strides = array<i32>} : memref<7x2x8x128xf32, #tpu.memory_space<vmem>>, vector<1x1x1x16xf32>,
          %get3A_1072 = vector.shape_cast %get3A_1071 : vector<1x1x1x16xf32> to vector<16xf32>
          %sub3A_1073 = arith.subf %get3A_1065, %get3A_1072 : vector<16xf32>
          %abs3A_1074 = math.absf %sub3A_1073 : vector<16xf32>
          %min3A_1075 = arith.constant 0.111111112 : f32
          %min3A_1076 = vector.broadcast %min3A_1075 : f32 to vector<16xf32>
          %min3A_1077 = arith.minimumf %abs3A_1074, %min3A_1076 : vector<16xf32>
          %mul3A_1078 = arith.constant 4.500000e+00 : f32
          %mul3A_1079 = vector.broadcast %mul3A_1078 : f32 to vector<16xf32>
          %mul3A_1080 = arith.mulf %mul3A_1079, %min3A_1077 : vector<16xf32>
          %mul3A_1081 = arith.mulf %mul3A_1080, %min3A_1077 : vector<16xf32>
          %sub3A_1082 = arith.subf %abs3A_1074, %min3A_1077 : vector<16xf32>
          %add3A_1083 = arith.addf %mul3A_1081, %sub3A_1082 : vector<16xf32>
          %add3A_1084 = arith.addf %add3A_1058, %add3A_1083 : vector<16xf32>
          %get3A_1085 = arith.constant 2 : i32
          %get3A_1086 = arith.index_cast %get3A_1085 : i32 to index
          %get3A_1087 = arith.index_cast %shift_right_logical3A_1023 : i32 to index
          %get3A_1088 = arith.index_cast %scan3A_577 : i32 to index
          %get3A_1089 = arith.index_cast %mul3A_1027 : i32 to index
          %get3A_1090 = tpu.vector_load %arg9[%get3A_1086, %get3A_1087, %get3A_1088, %get3A_1089] {strides = array<i32>} : memref<7x2x8x128xf32, #tpu.memory_space<vmem>>, vector<1x1x1x16xf32>,
          %get3A_1091 = vector.shape_cast %get3A_1090 : vector<1x1x1x16xf32> to vector<16xf32>
          %get3A_1092 = arith.constant 2 : i32
          %get3A_1093 = arith.index_cast %get3A_1092 : i32 to index
          %get3A_1094 = arith.index_cast %shift_right_logical3A_1023 : i32 to index
          %get3A_1095 = arith.index_cast %scan3A_577 : i32 to index
          %get3A_1096 = arith.index_cast %mul3A_1027 : i32 to index
          %get3A_1097 = tpu.vector_load %arg10[%get3A_1093, %get3A_1094, %get3A_1095, %get3A_1096] {strides = array<i32>} : memref<7x2x8x128xf32, #tpu.memory_space<vmem>>, vector<1x1x1x16xf32>,
          %get3A_1098 = vector.shape_cast %get3A_1097 : vector<1x1x1x16xf32> to vector<16xf32>
          %sub3A_1099 = arith.subf %get3A_1091, %get3A_1098 : vector<16xf32>
          %abs3A_1100 = math.absf %sub3A_1099 : vector<16xf32>
          %min3A_1101 = arith.constant 0.111111112 : f32
          %min3A_1102 = vector.broadcast %min3A_1101 : f32 to vector<16xf32>
          %min3A_1103 = arith.minimumf %abs3A_1100, %min3A_1102 : vector<16xf32>
          %mul3A_1104 = arith.constant 4.500000e+00 : f32
          %mul3A_1105 = vector.broadcast %mul3A_1104 : f32 to vector<16xf32>
          %mul3A_1106 = arith.mulf %mul3A_1105, %min3A_1103 : vector<16xf32>
          %mul3A_1107 = arith.mulf %mul3A_1106, %min3A_1103 : vector<16xf32>
          %sub3A_1108 = arith.subf %abs3A_1100, %min3A_1103 : vector<16xf32>
          %add3A_1109 = arith.addf %mul3A_1107, %sub3A_1108 : vector<16xf32>
          %add3A_1110 = arith.addf %add3A_1084, %add3A_1109 : vector<16xf32>
          %get3A_1111 = arith.constant 3 : i32
          %get3A_1112 = arith.index_cast %get3A_1111 : i32 to index
          %get3A_1113 = arith.index_cast %shift_right_logical3A_1023 : i32 to index
          %get3A_1114 = arith.index_cast %scan3A_577 : i32 to index
          %get3A_1115 = arith.index_cast %mul3A_1027 : i32 to index
          %get3A_1116 = tpu.vector_load %arg9[%get3A_1112, %get3A_1113, %get3A_1114, %get3A_1115] {strides = array<i32>} : memref<7x2x8x128xf32, #tpu.memory_space<vmem>>, vector<1x1x1x16xf32>,
          %get3A_1117 = vector.shape_cast %get3A_1116 : vector<1x1x1x16xf32> to vector<16xf32>
          %get3A_1118 = arith.constant 3 : i32
          %get3A_1119 = arith.index_cast %get3A_1118 : i32 to index
          %get3A_1120 = arith.index_cast %shift_right_logical3A_1023 : i32 to index
          %get3A_1121 = arith.index_cast %scan3A_577 : i32 to index
          %get3A_1122 = arith.index_cast %mul3A_1027 : i32 to index
          %get3A_1123 = tpu.vector_load %arg10[%get3A_1119, %get3A_1120, %get3A_1121, %get3A_1122] {strides = array<i32>} : memref<7x2x8x128xf32, #tpu.memory_space<vmem>>, vector<1x1x1x16xf32>,
          %get3A_1124 = vector.shape_cast %get3A_1123 : vector<1x1x1x16xf32> to vector<16xf32>
          %sub3A_1125 = arith.subf %get3A_1117, %get3A_1124 : vector<16xf32>
          %abs3A_1126 = math.absf %sub3A_1125 : vector<16xf32>
          %min3A_1127 = arith.constant 0.111111112 : f32
          %min3A_1128 = vector.broadcast %min3A_1127 : f32 to vector<16xf32>
          %min3A_1129 = arith.minimumf %abs3A_1126, %min3A_1128 : vector<16xf32>
          %mul3A_1130 = arith.constant 4.500000e+00 : f32
          %mul3A_1131 = vector.broadcast %mul3A_1130 : f32 to vector<16xf32>
          %mul3A_1132 = arith.mulf %mul3A_1131, %min3A_1129 : vector<16xf32>
          %mul3A_1133 = arith.mulf %mul3A_1132, %min3A_1129 : vector<16xf32>
          %sub3A_1134 = arith.subf %abs3A_1126, %min3A_1129 : vector<16xf32>
          %add3A_1135 = arith.addf %mul3A_1133, %sub3A_1134 : vector<16xf32>
          %add3A_1136 = arith.addf %add3A_1110, %add3A_1135 : vector<16xf32>
          %get3A_1137 = arith.constant 4 : i32
          %get3A_1138 = arith.index_cast %get3A_1137 : i32 to index
          %get3A_1139 = arith.index_cast %shift_right_logical3A_1023 : i32 to index
          %get3A_1140 = arith.index_cast %scan3A_577 : i32 to index
          %get3A_1141 = arith.index_cast %mul3A_1027 : i32 to index
          %get3A_1142 = tpu.vector_load %arg9[%get3A_1138, %get3A_1139, %get3A_1140, %get3A_1141] {strides = array<i32>} : memref<7x2x8x128xf32, #tpu.memory_space<vmem>>, vector<1x1x1x16xf32>,
          %get3A_1143 = vector.shape_cast %get3A_1142 : vector<1x1x1x16xf32> to vector<16xf32>
          %get3A_1144 = arith.constant 4 : i32
          %get3A_1145 = arith.index_cast %get3A_1144 : i32 to index
          %get3A_1146 = arith.index_cast %shift_right_logical3A_1023 : i32 to index
          %get3A_1147 = arith.index_cast %scan3A_577 : i32 to index
          %get3A_1148 = arith.index_cast %mul3A_1027 : i32 to index
          %get3A_1149 = tpu.vector_load %arg10[%get3A_1145, %get3A_1146, %get3A_1147, %get3A_1148] {strides = array<i32>} : memref<7x2x8x128xf32, #tpu.memory_space<vmem>>, vector<1x1x1x16xf32>,
          %get3A_1150 = vector.shape_cast %get3A_1149 : vector<1x1x1x16xf32> to vector<16xf32>
          %sub3A_1151 = arith.subf %get3A_1143, %get3A_1150 : vector<16xf32>
          %abs3A_1152 = math.absf %sub3A_1151 : vector<16xf32>
          %min3A_1153 = arith.constant 0.111111112 : f32
          %min3A_1154 = vector.broadcast %min3A_1153 : f32 to vector<16xf32>
          %min3A_1155 = arith.minimumf %abs3A_1152, %min3A_1154 : vector<16xf32>
          %mul3A_1156 = arith.constant 4.500000e+00 : f32
          %mul3A_1157 = vector.broadcast %mul3A_1156 : f32 to vector<16xf32>
          %mul3A_1158 = arith.mulf %mul3A_1157, %min3A_1155 : vector<16xf32>
          %mul3A_1159 = arith.mulf %mul3A_1158, %min3A_1155 : vector<16xf32>
          %sub3A_1160 = arith.subf %abs3A_1152, %min3A_1155 : vector<16xf32>
          %add3A_1161 = arith.addf %mul3A_1159, %sub3A_1160 : vector<16xf32>
          %add3A_1162 = arith.addf %add3A_1136, %add3A_1161 : vector<16xf32>
          %get3A_1163 = arith.constant 5 : i32
          %get3A_1164 = arith.index_cast %get3A_1163 : i32 to index
          %get3A_1165 = arith.index_cast %shift_right_logical3A_1023 : i32 to index
          %get3A_1166 = arith.index_cast %scan3A_577 : i32 to index
          %get3A_1167 = arith.index_cast %mul3A_1027 : i32 to index
          %get3A_1168 = tpu.vector_load %arg9[%get3A_1164, %get3A_1165, %get3A_1166, %get3A_1167] {strides = array<i32>} : memref<7x2x8x128xf32, #tpu.memory_space<vmem>>, vector<1x1x1x16xf32>,
          %get3A_1169 = vector.shape_cast %get3A_1168 : vector<1x1x1x16xf32> to vector<16xf32>
          %get3A_1170 = arith.constant 5 : i32
          %get3A_1171 = arith.index_cast %get3A_1170 : i32 to index
          %get3A_1172 = arith.index_cast %shift_right_logical3A_1023 : i32 to index
          %get3A_1173 = arith.index_cast %scan3A_577 : i32 to index
          %get3A_1174 = arith.index_cast %mul3A_1027 : i32 to index
          %get3A_1175 = tpu.vector_load %arg10[%get3A_1171, %get3A_1172, %get3A_1173, %get3A_1174] {strides = array<i32>} : memref<7x2x8x128xf32, #tpu.memory_space<vmem>>, vector<1x1x1x16xf32>,
          %get3A_1176 = vector.shape_cast %get3A_1175 : vector<1x1x1x16xf32> to vector<16xf32>
          %sub3A_1177 = arith.subf %get3A_1169, %get3A_1176 : vector<16xf32>
          %abs3A_1178 = math.absf %sub3A_1177 : vector<16xf32>
          %min3A_1179 = arith.constant 0.111111112 : f32
          %min3A_1180 = vector.broadcast %min3A_1179 : f32 to vector<16xf32>
          %min3A_1181 = arith.minimumf %abs3A_1178, %min3A_1180 : vector<16xf32>
          %mul3A_1182 = arith.constant 4.500000e+00 : f32
          %mul3A_1183 = vector.broadcast %mul3A_1182 : f32 to vector<16xf32>
          %mul3A_1184 = arith.mulf %mul3A_1183, %min3A_1181 : vector<16xf32>
          %mul3A_1185 = arith.mulf %mul3A_1184, %min3A_1181 : vector<16xf32>
          %sub3A_1186 = arith.subf %abs3A_1178, %min3A_1181 : vector<16xf32>
          %add3A_1187 = arith.addf %mul3A_1185, %sub3A_1186 : vector<16xf32>
          %add3A_1188 = arith.addf %add3A_1162, %add3A_1187 : vector<16xf32>
          %get3A_1189 = arith.constant 6 : i32
          %get3A_1190 = arith.index_cast %get3A_1189 : i32 to index
          %get3A_1191 = arith.index_cast %shift_right_logical3A_1023 : i32 to index
          %get3A_1192 = arith.index_cast %scan3A_577 : i32 to index
          %get3A_1193 = arith.index_cast %mul3A_1027 : i32 to index
          %get3A_1194 = tpu.vector_load %arg10[%get3A_1190, %get3A_1191, %get3A_1192, %get3A_1193] {strides = array<i32>} : memref<7x2x8x128xf32, #tpu.memory_space<vmem>>, vector<1x1x1x16xf32>,
          %get3A_1195 = vector.shape_cast %get3A_1194 : vector<1x1x1x16xf32> to vector<16xf32>
          %get3A_1196 = arith.constant 6 : i32
          %get3A_1197 = arith.index_cast %get3A_1196 : i32 to index
          %get3A_1198 = arith.index_cast %shift_right_logical3A_1023 : i32 to index
          %get3A_1199 = arith.index_cast %scan3A_577 : i32 to index
          %get3A_1200 = arith.index_cast %mul3A_1027 : i32 to index
          %get3A_1201 = tpu.vector_load %arg9[%get3A_1197, %get3A_1198, %get3A_1199, %get3A_1200] {strides = array<i32>} : memref<7x2x8x128xf32, #tpu.memory_space<vmem>>, vector<1x1x1x16xf32>,
          %get3A_1202 = vector.shape_cast %get3A_1201 : vector<1x1x1x16xf32> to vector<16xf32>
          %sub3A_1203 = arith.subf %get3A_1202, %get3A_1195 : vector<16xf32>
          %mul3A_1204 = arith.constant 0.159154937 : f32
          %mul3A_1205 = vector.broadcast %mul3A_1204 : f32 to vector<16xf32>
          %mul3A_1206 = arith.mulf %sub3A_1203, %mul3A_1205 : vector<16xf32>
          %add3A_1207 = arith.constant 5.000000e-01 : f32
          %add3A_1208 = vector.broadcast %add3A_1207 : f32 to vector<16xf32>
          %add3A_1209 = arith.addf %mul3A_1206, %add3A_1208 : vector<16xf32>
          %convert_element_type3A_1210 = arith.fptosi %add3A_1209 : vector<16xf32> to vector<16xi32>
          %convert_element_type3A_1211 = arith.sitofp %convert_element_type3A_1210 : vector<16xi32> to vector<16xf32>
          %gt3A_1212 = arith.cmpf ogt, %convert_element_type3A_1211, %add3A_1209 : vector<16xf32>
          %sub3A_1213 = arith.constant 1.000000e+00 : f32
          %sub3A_1214 = vector.broadcast %sub3A_1213 : f32 to vector<16xf32>
          %sub3A_1215 = arith.subf %convert_element_type3A_1211, %sub3A_1214 : vector<16xf32>
          %select_n3A_1216 = arith.select %gt3A_1212, %sub3A_1215, %convert_element_type3A_1211 : vector<16xi1>, vector<16xf32>
          %mul3A_1217 = arith.constant 6.28318548 : f32
          %mul3A_1218 = vector.broadcast %mul3A_1217 : f32 to vector<16xf32>
          %mul3A_1219 = arith.mulf %select_n3A_1216, %mul3A_1218 : vector<16xf32>
          %sub3A_1220 = arith.subf %sub3A_1203, %mul3A_1219 : vector<16xf32>
          %mul3A_1221 = arith.mulf %sub3A_1220, %sub3A_1220 : vector<16xf32>
          %broadcast_in_dim3A_1222 = arith.constant -1.47736457E-4 : f32
          %broadcast_in_dim3A_1223 = vector.broadcast %broadcast_in_dim3A_1222 : f32 to vector<16xf32>
          %mul3A_1224 = arith.mulf %broadcast_in_dim3A_1223, %mul3A_1221 : vector<16xf32>
          %add3A_1225 = arith.constant 0.0079985205 : f32
          %add3A_1226 = vector.broadcast %add3A_1225 : f32 to vector<16xf32>
          %add3A_1227 = arith.addf %mul3A_1224, %add3A_1226 : vector<16xf32>
          %mul3A_1228 = arith.mulf %add3A_1227, %mul3A_1221 : vector<16xf32>
          %add3A_1229 = arith.constant -0.165838227 : f32
          %add3A_1230 = vector.broadcast %add3A_1229 : f32 to vector<16xf32>
          %add3A_1231 = arith.addf %mul3A_1228, %add3A_1230 : vector<16xf32>
          %mul3A_1232 = arith.mulf %add3A_1231, %mul3A_1221 : vector<16xf32>
          %add3A_1233 = arith.constant 0.999449968 : f32
          %add3A_1234 = vector.broadcast %add3A_1233 : f32 to vector<16xf32>
          %add3A_1235 = arith.addf %mul3A_1232, %add3A_1234 : vector<16xf32>
          %mul3A_1236 = arith.mulf %sub3A_1220, %add3A_1235 : vector<16xf32>
          %abs3A_1237 = math.absf %mul3A_1236 : vector<16xf32>
          %min3A_1238 = arith.constant 0.111111112 : f32
          %min3A_1239 = vector.broadcast %min3A_1238 : f32 to vector<16xf32>
          %min3A_1240 = arith.minimumf %abs3A_1237, %min3A_1239 : vector<16xf32>
          %mul3A_1241 = arith.constant 4.500000e+00 : f32
          %mul3A_1242 = vector.broadcast %mul3A_1241 : f32 to vector<16xf32>
          %mul3A_1243 = arith.mulf %mul3A_1242, %min3A_1240 : vector<16xf32>
          %mul3A_1244 = arith.mulf %mul3A_1243, %min3A_1240 : vector<16xf32>
          %sub3A_1245 = arith.subf %abs3A_1237, %min3A_1240 : vector<16xf32>
          %add3A_1246 = arith.addf %mul3A_1244, %sub3A_1245 : vector<16xf32>
          %add3A_1247 = arith.addf %add3A_1188, %add3A_1246 : vector<16xf32>
          %mul3A_1248 = arith.mulf %add3A_1247, %convert_element_type3A_1033 : vector<16xf32>
          %add3A_1249 = arith.addf %add3A_888, %mul3A_1248 : vector<16xf32>
          %get3A_1250 = arith.index_cast %scan3A_577 : i32 to index
          %get3A_1251 = arith.index_cast %shift_right_logical3A_1023 : i32 to index
          %get3A_1252 = arith.index_cast %mul3A_1027 : i32 to index
          %get3A_1253 = tpu.vector_load %arg12[%get3A_1250, %get3A_1251, %get3A_1252] {strides = array<i32>} : memref<8x2x128xf32, #tpu.memory_space<vmem>>, vector<1x1x16xf32>,
          %get3A_1254 = vector.shape_cast %get3A_1253 : vector<1x1x16xf32> to vector<16xf32>
          %abs3A_1255 = math.absf %get3A_1254 : vector<16xf32>
          %neg3A_1256 = arith.constant 0.000000e+00 : f32
          %neg3A_1257 = vector.broadcast %neg3A_1256 : f32 to vector<16xf32>
          %neg3A_1258 = arith.subf %neg3A_1257, %abs3A_1255 : vector<16xf32>
          %exp3A_1259 = math.exp %neg3A_1258 : vector<16xf32>
          %max3A_1260 = arith.constant 0.000000e+00 : f32
          %max3A_1261 = vector.broadcast %max3A_1260 : f32 to vector<16xf32>
          %max3A_1262 = arith.maximumf %get3A_1254, %max3A_1261 : vector<16xf32>
          %mul3A_1263 = arith.mulf %get3A_1254, %convert_element_type3A_1033 : vector<16xf32>
          %sub3A_1264 = arith.subf %max3A_1262, %mul3A_1263 : vector<16xf32>
          %broadcast_in_dim3A_1265 = arith.constant 0.0301026255 : f32
          %broadcast_in_dim3A_1266 = vector.broadcast %broadcast_in_dim3A_1265 : f32 to vector<16xf32>
          %mul3A_1267 = arith.mulf %broadcast_in_dim3A_1266, %exp3A_1259 : vector<16xf32>
          %add3A_1268 = arith.constant -0.130119413 : f32
          %add3A_1269 = vector.broadcast %add3A_1268 : f32 to vector<16xf32>
          %add3A_1270 = arith.addf %mul3A_1267, %add3A_1269 : vector<16xf32>
          %mul3A_1271 = arith.mulf %add3A_1270, %exp3A_1259 : vector<16xf32>
          %add3A_1272 = arith.constant 0.283304334 : f32
          %add3A_1273 = vector.broadcast %add3A_1272 : f32 to vector<16xf32>
          %add3A_1274 = arith.addf %mul3A_1271, %add3A_1273 : vector<16xf32>
          %mul3A_1275 = arith.mulf %add3A_1274, %exp3A_1259 : vector<16xf32>
          %add3A_1276 = arith.constant -0.489156842 : f32
          %add3A_1277 = vector.broadcast %add3A_1276 : f32 to vector<16xf32>
          %add3A_1278 = arith.addf %mul3A_1275, %add3A_1277 : vector<16xf32>
          %mul3A_1279 = arith.mulf %add3A_1278, %exp3A_1259 : vector<16xf32>
          %add3A_1280 = arith.constant 0.999010443 : f32
          %add3A_1281 = vector.broadcast %add3A_1280 : f32 to vector<16xf32>
          %add3A_1282 = arith.addf %mul3A_1279, %add3A_1281 : vector<16xf32>
          %mul3A_1283 = arith.mulf %add3A_1282, %exp3A_1259 : vector<16xf32>
          %add3A_1284 = arith.constant 2.21170303E-5 : f32
          %add3A_1285 = vector.broadcast %add3A_1284 : f32 to vector<16xf32>
          %add3A_1286 = arith.addf %mul3A_1283, %add3A_1285 : vector<16xf32>
          %add3A_1287 = arith.addf %sub3A_1264, %add3A_1286 : vector<16xf32>
          %add3A_1288 = arith.constant 1.000000e+00 : f32
          %add3A_1289 = vector.broadcast %add3A_1288 : f32 to vector<16xf32>
          %add3A_1290 = arith.addf %add3A_1289, %exp3A_1259 : vector<16xf32>
          %div3A_1291 = arith.constant 1.000000e+00 : f32
          %div3A_1292 = vector.broadcast %div3A_1291 : f32 to vector<16xf32>
          %div3A_1293 = arith.divf %div3A_1292, %add3A_1290 : vector<16xf32>
          %ge3A_1294 = arith.constant 0.000000e+00 : f32
          %ge3A_1295 = vector.broadcast %ge3A_1294 : f32 to vector<16xf32>
          %ge3A_1296 = arith.cmpf oge, %get3A_1254, %ge3A_1295 : vector<16xf32>
          %mul3A_1297 = arith.mulf %exp3A_1259, %div3A_1293 : vector<16xf32>
          %select_n3A_1298 = arith.select %ge3A_1296, %div3A_1293, %mul3A_1297 : vector<16xi1>, vector<16xf32>
          %gt3A_1299 = arith.constant 5.000000e-01 : f32
          %gt3A_1300 = vector.broadcast %gt3A_1299 : f32 to vector<16xf32>
          %gt3A_1301 = arith.cmpf ogt, %convert_element_type3A_1033, %gt3A_1300 : vector<16xf32>
          %sub3A_1302 = arith.constant 1.000000e+00 : f32
          %sub3A_1303 = vector.broadcast %sub3A_1302 : f32 to vector<16xf32>
          %sub3A_1304 = arith.subf %sub3A_1303, %select_n3A_1298 : vector<16xf32>
          %select_n3A_1305 = arith.select %gt3A_1301, %select_n3A_1298, %sub3A_1304 : vector<16xi1>, vector<16xf32>
          %sub3A_1306 = arith.constant 1.000000e+00 : f32
          %sub3A_1307 = vector.broadcast %sub3A_1306 : f32 to vector<16xf32>
          %sub3A_1308 = arith.subf %sub3A_1307, %select_n3A_1305 : vector<16xf32>
          %mul3A_1309 = arith.constant 5.000000e-01 : f32
          %mul3A_1310 = vector.broadcast %mul3A_1309 : f32 to vector<16xf32>
          %mul3A_1311 = arith.mulf %mul3A_1310, %convert_element_type3A_1033 : vector<16xf32>
          %sub3A_1312 = arith.constant 7.500000e-01 : f32
          %sub3A_1313 = vector.broadcast %sub3A_1312 : f32 to vector<16xf32>
          %sub3A_1314 = arith.subf %sub3A_1313, %mul3A_1311 : vector<16xf32>
          %mul3A_1315 = arith.mulf %sub3A_1308, %sub3A_1308 : vector<16xf32>
          %mul3A_1316 = arith.mulf %mul3A_1315, %sub3A_1314 : vector<16xf32>
          %mul3A_1317 = arith.mulf %mul3A_1316, %add3A_1287 : vector<16xf32>
          %add3A_1318 = arith.addf %add3A_952, %mul3A_1317 : vector<16xf32>
          %get3A_1319 = arith.index_cast %shift_right_logical3A_1023 : i32 to index
          %get3A_1320 = arith.index_cast %scan3A_577 : i32 to index
          %get3A_1321 = arith.index_cast %mul3A_1027 : i32 to index
          %get3A_1322 = tpu.vector_load %arg11[%get3A_1319, %get3A_1320, %get3A_1321] {strides = array<i32>} : memref<2x8x128xf32, #tpu.memory_space<vmem>>, vector<1x1x16xf32>,
          %get3A_1323 = vector.shape_cast %get3A_1322 : vector<1x1x16xf32> to vector<16xf32>
          %add3A_1324 = arith.addf %get3A_1195, %get3A_1323 : vector<16xf32>
          %mul3A_1325 = arith.constant 0.159154937 : f32
          %mul3A_1326 = vector.broadcast %mul3A_1325 : f32 to vector<16xf32>
          %mul3A_1327 = arith.mulf %add3A_1324, %mul3A_1326 : vector<16xf32>
          %convert_element_type3A_1328 = arith.fptosi %mul3A_1327 : vector<16xf32> to vector<16xi32>
          %convert_element_type3A_1329 = arith.sitofp %convert_element_type3A_1328 : vector<16xi32> to vector<16xf32>
          %gt3A_1330 = arith.cmpf ogt, %convert_element_type3A_1329, %mul3A_1327 : vector<16xf32>
          %sub3A_1331 = arith.constant 1.000000e+00 : f32
          %sub3A_1332 = vector.broadcast %sub3A_1331 : f32 to vector<16xf32>
          %sub3A_1333 = arith.subf %convert_element_type3A_1329, %sub3A_1332 : vector<16xf32>
          %select_n3A_1334 = arith.select %gt3A_1330, %sub3A_1333, %convert_element_type3A_1329 : vector<16xi1>, vector<16xf32>
          %sub3A_1335 = arith.subf %mul3A_1327, %select_n3A_1334 : vector<16xf32>
          %ge3A_1336 = arith.constant 5.000000e-01 : f32
          %ge3A_1337 = vector.broadcast %ge3A_1336 : f32 to vector<16xf32>
          %ge3A_1338 = arith.cmpf oge, %sub3A_1335, %ge3A_1337 : vector<16xf32>
          %get3A_1339 = arith.constant 0 : i32
          %get3A_1340 = arith.index_cast %scan3A_577 : i32 to index
          %get3A_1341 = arith.index_cast %shift_right_logical3A_1023 : i32 to index
          %get3A_1342 = arith.index_cast %get3A_1339 : i32 to index
          %get3A_1343 = arith.index_cast %mul3A_1027 : i32 to index
          %get3A_1344 = tpu.vector_load %arg13[%get3A_1340, %get3A_1341, %get3A_1342, %get3A_1343] {strides = array<i32>} : memref<8x2x2x128xf32, #tpu.memory_space<vmem>>, vector<1x1x1x16xf32>,
          %get3A_1345 = vector.shape_cast %get3A_1344 : vector<1x1x1x16xf32> to vector<16xf32>
          %get3A_1346 = arith.constant 1 : i32
          %get3A_1347 = arith.index_cast %scan3A_577 : i32 to index
          %get3A_1348 = arith.index_cast %shift_right_logical3A_1023 : i32 to index
          %get3A_1349 = arith.index_cast %get3A_1346 : i32 to index
          %get3A_1350 = arith.index_cast %mul3A_1027 : i32 to index
          %get3A_1351 = tpu.vector_load %arg13[%get3A_1347, %get3A_1348, %get3A_1349, %get3A_1350] {strides = array<i32>} : memref<8x2x2x128xf32, #tpu.memory_space<vmem>>, vector<1x1x1x16xf32>,
          %get3A_1352 = vector.shape_cast %get3A_1351 : vector<1x1x1x16xf32> to vector<16xf32>
          %max3A_1353 = arith.maximumf %get3A_1345, %get3A_1352 : vector<16xf32>
          %sub3A_1354 = arith.subf %get3A_1345, %get3A_1352 : vector<16xf32>
          %abs3A_1355 = math.absf %sub3A_1354 : vector<16xf32>
          %neg3A_1356 = arith.constant 0.000000e+00 : f32
          %neg3A_1357 = vector.broadcast %neg3A_1356 : f32 to vector<16xf32>
          %neg3A_1358 = arith.subf %neg3A_1357, %abs3A_1355 : vector<16xf32>
          %exp3A_1359 = math.exp %neg3A_1358 : vector<16xf32>
          %broadcast_in_dim3A_1360 = arith.constant 0.0301026255 : f32
          %broadcast_in_dim3A_1361 = vector.broadcast %broadcast_in_dim3A_1360 : f32 to vector<16xf32>
          %mul3A_1362 = arith.mulf %broadcast_in_dim3A_1361, %exp3A_1359 : vector<16xf32>
          %add3A_1363 = arith.constant -0.130119413 : f32
          %add3A_1364 = vector.broadcast %add3A_1363 : f32 to vector<16xf32>
          %add3A_1365 = arith.addf %mul3A_1362, %add3A_1364 : vector<16xf32>
          %mul3A_1366 = arith.mulf %add3A_1365, %exp3A_1359 : vector<16xf32>
          %add3A_1367 = arith.constant 0.283304334 : f32
          %add3A_1368 = vector.broadcast %add3A_1367 : f32 to vector<16xf32>
          %add3A_1369 = arith.addf %mul3A_1366, %add3A_1368 : vector<16xf32>
          %mul3A_1370 = arith.mulf %add3A_1369, %exp3A_1359 : vector<16xf32>
          %add3A_1371 = arith.constant -0.489156842 : f32
          %add3A_1372 = vector.broadcast %add3A_1371 : f32 to vector<16xf32>
          %add3A_1373 = arith.addf %mul3A_1370, %add3A_1372 : vector<16xf32>
          %mul3A_1374 = arith.mulf %add3A_1373, %exp3A_1359 : vector<16xf32>
          %add3A_1375 = arith.constant 0.999010443 : f32
          %add3A_1376 = vector.broadcast %add3A_1375 : f32 to vector<16xf32>
          %add3A_1377 = arith.addf %mul3A_1374, %add3A_1376 : vector<16xf32>
          %mul3A_1378 = arith.mulf %add3A_1377, %exp3A_1359 : vector<16xf32>
          %add3A_1379 = arith.constant 2.21170303E-5 : f32
          %add3A_1380 = vector.broadcast %add3A_1379 : f32 to vector<16xf32>
          %add3A_1381 = arith.addf %mul3A_1378, %add3A_1380 : vector<16xf32>
          %add3A_1382 = arith.addf %max3A_1353, %add3A_1381 : vector<16xf32>
          %select_n3A_1383 = arith.select %ge3A_1338, %get3A_1352, %get3A_1345 : vector<16xi1>, vector<16xf32>
          %sub3A_1384 = arith.subf %add3A_1382, %select_n3A_1383 : vector<16xf32>
          %mul3A_1385 = arith.mulf %sub3A_1384, %convert_element_type3A_1033 : vector<16xf32>
          %add3A_1386 = arith.addf %add3A_1020, %mul3A_1385 : vector<16xf32>
          %add3A_1387 = arith.addf %add3A_1021, %convert_element_type3A_1033 : vector<16xf32>
          scf.yield %add3A_1249, %add3A_1318, %add3A_1386, %add3A_1387 : vector<16xf32>, vector<16xf32>, vector<16xf32>, vector<16xf32>
        }
        %scan3A_583 = arith.constant 8 : i32
        %mul3A_584 = arith.constant 4 : i32
        %mul3A_585 = arith.muli %scan3A_577, %mul3A_584 : i32
        %add3A_586 = arith.constant 0 : i32
        %add3A_587 = arith.addi %mul3A_585, %add3A_586 : i32
        %get3A = arith.index_cast %add3A_587 : i32 to index
        %get3A_588 = arith.constant 0 : index
        %get3A_589 = tpu.vector_load %arg21[%get3A, %get3A_588] {strides = array<i32>} : memref<32x16xf32, #tpu.memory_space<vmem>>, vector<1x16xf32>,
        %get3A_590 = vector.shape_cast %get3A_589 : vector<1x16xf32> to vector<16xf32>
        %add3A_591 = arith.addf %get3A_590, %scan3A_582#0 : vector<16xf32>
        %mul3A_592 = arith.constant 4 : i32
        %mul3A_593 = arith.muli %scan3A_577, %mul3A_592 : i32
        %add3A_594 = arith.constant 0 : i32
        %add3A_595 = arith.addi %mul3A_593, %add3A_594 : i32
        %swap3A_596 = arith.index_cast %add3A_595 : i32 to index
        %swap3A_597 = arith.constant 0 : index
        %swap3A_598 = tpu.vector_load %arg21[%swap3A_596, %swap3A_597] {strides = array<i32>} : memref<32x16xf32, #tpu.memory_space<vmem>>, vector<1x16xf32>,
        %swap3A_599 = vector.shape_cast %swap3A_598 : vector<1x16xf32> to vector<16xf32>
        %swap3A_600 = vector.shape_cast %add3A_591 : vector<16xf32> to vector<1x16xf32>
        tpu.vector_store %arg21[%swap3A_596, %swap3A_597], %swap3A_600 {strides = array<i32>} : memref<32x16xf32, #tpu.memory_space<vmem>>, vector<1x16xf32>,
        %mul3A_601 = arith.constant 4 : i32
        %mul3A_602 = arith.muli %scan3A_577, %mul3A_601 : i32
        %add3A_603 = arith.constant 1 : i32
        %add3A_604 = arith.addi %mul3A_602, %add3A_603 : i32
        %get3A_605 = arith.index_cast %add3A_604 : i32 to index
        %get3A_606 = arith.constant 0 : index
        %get3A_607 = tpu.vector_load %arg21[%get3A_605, %get3A_606] {strides = array<i32>} : memref<32x16xf32, #tpu.memory_space<vmem>>, vector<1x16xf32>,
        %get3A_608 = vector.shape_cast %get3A_607 : vector<1x16xf32> to vector<16xf32>
        %add3A_609 = arith.addf %get3A_608, %scan3A_582#1 : vector<16xf32>
        %mul3A_610 = arith.constant 4 : i32
        %mul3A_611 = arith.muli %scan3A_577, %mul3A_610 : i32
        %add3A_612 = arith.constant 1 : i32
        %add3A_613 = arith.addi %mul3A_611, %add3A_612 : i32
        %swap3A_614 = arith.index_cast %add3A_613 : i32 to index
        %swap3A_615 = arith.constant 0 : index
        %swap3A_616 = tpu.vector_load %arg21[%swap3A_614, %swap3A_615] {strides = array<i32>} : memref<32x16xf32, #tpu.memory_space<vmem>>, vector<1x16xf32>,
        %swap3A_617 = vector.shape_cast %swap3A_616 : vector<1x16xf32> to vector<16xf32>
        %swap3A_618 = vector.shape_cast %add3A_609 : vector<16xf32> to vector<1x16xf32>
        tpu.vector_store %arg21[%swap3A_614, %swap3A_615], %swap3A_618 {strides = array<i32>} : memref<32x16xf32, #tpu.memory_space<vmem>>, vector<1x16xf32>,
        %mul3A_619 = arith.constant 4 : i32
        %mul3A_620 = arith.muli %scan3A_577, %mul3A_619 : i32
        %add3A_621 = arith.constant 2 : i32
        %add3A_622 = arith.addi %mul3A_620, %add3A_621 : i32
        %get3A_623 = arith.index_cast %add3A_622 : i32 to index
        %get3A_624 = arith.constant 0 : index
        %get3A_625 = tpu.vector_load %arg21[%get3A_623, %get3A_624] {strides = array<i32>} : memref<32x16xf32, #tpu.memory_space<vmem>>, vector<1x16xf32>,
        %get3A_626 = vector.shape_cast %get3A_625 : vector<1x16xf32> to vector<16xf32>
        %add3A_627 = arith.addf %get3A_626, %scan3A_582#2 : vector<16xf32>
        %mul3A_628 = arith.constant 4 : i32
        %mul3A_629 = arith.muli %scan3A_577, %mul3A_628 : i32
        %add3A_630 = arith.constant 2 : i32
        %add3A_631 = arith.addi %mul3A_629, %add3A_630 : i32
        %swap3A_632 = arith.index_cast %add3A_631 : i32 to index
        %swap3A_633 = arith.constant 0 : index
        %swap3A_634 = tpu.vector_load %arg21[%swap3A_632, %swap3A_633] {strides = array<i32>} : memref<32x16xf32, #tpu.memory_space<vmem>>, vector<1x16xf32>,
        %swap3A_635 = vector.shape_cast %swap3A_634 : vector<1x16xf32> to vector<16xf32>
        %swap3A_636 = vector.shape_cast %add3A_627 : vector<16xf32> to vector<1x16xf32>
        tpu.vector_store %arg21[%swap3A_632, %swap3A_633], %swap3A_636 {strides = array<i32>} : memref<32x16xf32, #tpu.memory_space<vmem>>, vector<1x16xf32>,
        %mul3A_637 = arith.constant 4 : i32
        %mul3A_638 = arith.muli %scan3A_577, %mul3A_637 : i32
        %add3A_639 = arith.constant 3 : i32
        %add3A_640 = arith.addi %mul3A_638, %add3A_639 : i32
        %get3A_641 = arith.index_cast %add3A_640 : i32 to index
        %get3A_642 = arith.constant 0 : index
        %get3A_643 = tpu.vector_load %arg21[%get3A_641, %get3A_642] {strides = array<i32>} : memref<32x16xf32, #tpu.memory_space<vmem>>, vector<1x16xf32>,
        %get3A_644 = vector.shape_cast %get3A_643 : vector<1x16xf32> to vector<16xf32>
        %add3A_645 = arith.addf %get3A_644, %scan3A_582#3 : vector<16xf32>
        %mul3A_646 = arith.constant 4 : i32
        %mul3A_647 = arith.muli %scan3A_577, %mul3A_646 : i32
        %add3A_648 = arith.constant 3 : i32
        %add3A_649 = arith.addi %mul3A_647, %add3A_648 : i32
        %swap3A_650 = arith.index_cast %add3A_649 : i32 to index
        %swap3A_651 = arith.constant 0 : index
        %swap3A_652 = tpu.vector_load %arg21[%swap3A_650, %swap3A_651] {strides = array<i32>} : memref<32x16xf32, #tpu.memory_space<vmem>>, vector<1x16xf32>,
        %swap3A_653 = vector.shape_cast %swap3A_652 : vector<1x16xf32> to vector<16xf32>
        %swap3A_654 = vector.shape_cast %add3A_645 : vector<16xf32> to vector<1x16xf32>
        tpu.vector_store %arg21[%swap3A_650, %swap3A_651], %swap3A_654 {strides = array<i32>} : memref<32x16xf32, #tpu.memory_space<vmem>>, vector<1x16xf32>,
      }
      %scan3A_505 = arith.constant 8 : i32
      %add3A_506 = arith.constant 2 : i32
      %add3A_507 = arith.addi %mul3A_383, %add3A_506 : i32
      %lt3A_508 = arith.constant 9 : i32
      %lt3A_509 = arith.cmpi slt, %add3A_507, %lt3A_508 : i32
      %convert_element_type3A = arith.extui %lt3A_509 : i1 to i32
      %cond3A = arith.constant 0 : i32
      %cond3A_510 = arith.cmpi ne, %convert_element_type3A, %cond3A : i32
      scf.if %cond3A_510 {
        %add3A_577 = arith.constant 2 : i32
        %add3A_578 = arith.addi %mul3A_383, %add3A_577 : i32
        %lt3A_579 = arith.constant 8 : i32
        %lt3A_580 = arith.cmpi slt, %add3A_578, %lt3A_579 : i32
        %mul3A_581 = arith.constant 16 : i32
        %mul3A_582 = arith.muli %add3A, %mul3A_581 : i32
        %mul3A_583 = arith.constant 2 : i32
        %mul3A_584 = arith.muli %mul3A_583, %add3A_578 : i32
        %add3A_585 = arith.addi %mul3A_582, %mul3A_584 : i32
        %select_n3A_586 = arith.select %lt3A_580, %add3A_585, %add3A_5 : i32
        %dma_start3A_587 = arith.constant 0 : i32
        %dma_start3A_588 = arith.constant 0 : i32
        %dma_start3A_589 = arith.constant 0 : i32
        %dma_start3A_590 = tpu.memref_slice %arg2[%dma_start3A_587, %select_n3A_586, %dma_start3A_588, %dma_start3A_589] : memref<7x550x8x128xf32, #tpu.memory_space<hbm>> -> memref<7x2x8x128xf32, #tpu.memory_space<hbm>>
        %dma_start3A_591 = arith.constant 0 : i32
        %dma_start3A_592 = arith.constant 0 : i32
        %dma_start3A_593 = arith.constant 0 : i32
        %dma_start3A_594 = tpu.memref_slice %arg2[%dma_start3A_591, %select_n3A_586, %dma_start3A_592, %dma_start3A_593] : memref<7x550x8x128xf32, #tpu.memory_space<hbm>> -> memref<7x2x8x128xf32, #tpu.memory_space<hbm>>
        tpu.enqueue_dma source(%dma_start3A_594 : memref<7x2x8x128xf32, #tpu.memory_space<hbm>>) target(%arg9 : memref<7x2x8x128xf32, #tpu.memory_space<vmem>>) target_semaphore(%arg22 : memref<!tpu.dma_semaphore, #tpu.memory_space<semaphore_mem>>)
        %dma_start3A_595 = arith.constant 0 : i32
        %dma_start3A_596 = arith.constant 0 : i32
        %dma_start3A_597 = arith.constant 0 : i32
        %dma_start3A_598 = tpu.memref_slice %arg5[%dma_start3A_595, %select_n3A_586, %dma_start3A_596, %dma_start3A_597] : memref<7x550x8x128xf32, #tpu.memory_space<hbm>> -> memref<7x2x8x128xf32, #tpu.memory_space<hbm>>
        %dma_start3A_599 = arith.constant 0 : i32
        %dma_start3A_600 = arith.constant 0 : i32
        %dma_start3A_601 = arith.constant 0 : i32
        %dma_start3A_602 = tpu.memref_slice %arg5[%dma_start3A_599, %select_n3A_586, %dma_start3A_600, %dma_start3A_601] : memref<7x550x8x128xf32, #tpu.memory_space<hbm>> -> memref<7x2x8x128xf32, #tpu.memory_space<hbm>>
        tpu.enqueue_dma source(%dma_start3A_602 : memref<7x2x8x128xf32, #tpu.memory_space<hbm>>) target(%arg10 : memref<7x2x8x128xf32, #tpu.memory_space<vmem>>) target_semaphore(%arg22 : memref<!tpu.dma_semaphore, #tpu.memory_space<semaphore_mem>>)
        %dma_start3A_603 = arith.constant 6 : i32
        %dma_start3A_604 = arith.constant 0 : i32
        %dma_start3A_605 = arith.constant 0 : i32
        %dma_start3A_606 = tpu.memref_slice %arg6[%dma_start3A_603, %select_n3A_586, %dma_start3A_604, %dma_start3A_605] : memref<7x550x8x128xf32, #tpu.memory_space<hbm>> -> memref<1x2x8x128xf32, #tpu.memory_space<hbm>>
        %dma_start3A_607 = tpu.memref_squeeze %dma_start3A_606 : memref<1x2x8x128xf32, #tpu.memory_space<hbm>> -> memref<2x8x128xf32, #tpu.memory_space<hbm>>
        %dma_start3A_608 = arith.constant 0 : i32
        %dma_start3A_609 = arith.constant 0 : i32
        %dma_start3A_610 = tpu.memref_slice %arg6[%dma_start3A_603, %select_n3A_586, %dma_start3A_608, %dma_start3A_609] : memref<7x550x8x128xf32, #tpu.memory_space<hbm>> -> memref<1x2x8x128xf32, #tpu.memory_space<hbm>>
        %dma_start3A_611 = tpu.memref_squeeze %dma_start3A_610 : memref<1x2x8x128xf32, #tpu.memory_space<hbm>> -> memref<2x8x128xf32, #tpu.memory_space<hbm>>
        tpu.enqueue_dma source(%dma_start3A_611 : memref<2x8x128xf32, #tpu.memory_space<hbm>>) target(%arg11 : memref<2x8x128xf32, #tpu.memory_space<vmem>>) target_semaphore(%arg22 : memref<!tpu.dma_semaphore, #tpu.memory_space<semaphore_mem>>)
        %dma_start3A_612 = arith.constant 0 : i32
        %dma_start3A_613 = arith.constant 0 : i32
        %dma_start3A_614 = arith.constant 0 : i32
        %dma_start3A_615 = tpu.memref_slice %arg3[%dma_start3A_613, %select_n3A_586, %dma_start3A_612, %dma_start3A_614] : memref<8x550x1x128xf32, #tpu.memory_space<hbm>> -> memref<8x2x1x128xf32, #tpu.memory_space<hbm>>
        %dma_start3A_616 = tpu.memref_squeeze %dma_start3A_615 : memref<8x2x1x128xf32, #tpu.memory_space<hbm>> -> memref<8x2x128xf32, #tpu.memory_space<hbm>>
        %dma_start3A_617 = arith.constant 0 : i32
        %dma_start3A_618 = arith.constant 0 : i32
        %dma_start3A_619 = tpu.memref_slice %arg3[%dma_start3A_617, %select_n3A_586, %dma_start3A_612, %dma_start3A_618] : memref<8x550x1x128xf32, #tpu.memory_space<hbm>> -> memref<8x2x1x128xf32, #tpu.memory_space<hbm>>
        %dma_start3A_620 = tpu.memref_squeeze %dma_start3A_619 : memref<8x2x1x128xf32, #tpu.memory_space<hbm>> -> memref<8x2x128xf32, #tpu.memory_space<hbm>>
        tpu.enqueue_dma source(%dma_start3A_620 : memref<8x2x128xf32, #tpu.memory_space<hbm>>) target(%arg12 : memref<8x2x128xf32, #tpu.memory_space<vmem>>) target_semaphore(%arg22 : memref<!tpu.dma_semaphore, #tpu.memory_space<semaphore_mem>>)
        %dma_start3A_621 = arith.constant 0 : i32
        %dma_start3A_622 = arith.constant 0 : i32
        %dma_start3A_623 = arith.constant 0 : i32
        %dma_start3A_624 = tpu.memref_slice %arg4[%dma_start3A_621, %select_n3A_586, %dma_start3A_622, %dma_start3A_623] : memref<8x550x2x128xf32, #tpu.memory_space<hbm>> -> memref<8x2x2x128xf32, #tpu.memory_space<hbm>>
        %dma_start3A_625 = arith.constant 0 : i32
        %dma_start3A_626 = arith.constant 0 : i32
        %dma_start3A_627 = arith.constant 0 : i32
        %dma_start3A_628 = tpu.memref_slice %arg4[%dma_start3A_625, %select_n3A_586, %dma_start3A_626, %dma_start3A_627] : memref<8x550x2x128xf32, #tpu.memory_space<hbm>> -> memref<8x2x2x128xf32, #tpu.memory_space<hbm>>
        tpu.enqueue_dma source(%dma_start3A_628 : memref<8x2x2x128xf32, #tpu.memory_space<hbm>>) target(%arg13 : memref<8x2x2x128xf32, #tpu.memory_space<vmem>>) target_semaphore(%arg22 : memref<!tpu.dma_semaphore, #tpu.memory_space<semaphore_mem>>)
        %dma_start3A_629 = arith.constant 0 : i32
        %dma_start3A_630 = arith.constant 0 : i32
        %dma_start3A_631 = tpu.memref_slice %arg7[%select_n3A_586, %dma_start3A_629, %dma_start3A_630] : memref<550x8x128xi32, #tpu.memory_space<hbm>> -> memref<2x8x128xi32, #tpu.memory_space<hbm>>
        %dma_start3A_632 = arith.constant 0 : i32
        %dma_start3A_633 = arith.constant 0 : i32
        %dma_start3A_634 = tpu.memref_slice %arg7[%select_n3A_586, %dma_start3A_632, %dma_start3A_633] : memref<550x8x128xi32, #tpu.memory_space<hbm>> -> memref<2x8x128xi32, #tpu.memory_space<hbm>>
        tpu.enqueue_dma source(%dma_start3A_634 : memref<2x8x128xi32, #tpu.memory_space<hbm>>) target(%arg14 : memref<2x8x128xi32, #tpu.memory_space<vmem>>) target_semaphore(%arg22 : memref<!tpu.dma_semaphore, #tpu.memory_space<semaphore_mem>>)
      } else {
      }
      %add3A_511 = arith.constant 1 : i32
      %add3A_512 = arith.addi %mul3A_383, %add3A_511 : i32
      %lt3A_513 = arith.constant 8 : i32
      %lt3A_514 = arith.cmpi slt, %add3A_512, %lt3A_513 : i32
      %mul3A_515 = arith.constant 16 : i32
      %mul3A_516 = arith.muli %add3A, %mul3A_515 : i32
      %mul3A_517 = arith.constant 2 : i32
      %mul3A_518 = arith.muli %mul3A_517, %add3A_512 : i32
      %add3A_519 = arith.addi %mul3A_516, %mul3A_518 : i32
      %select_n3A_520 = arith.select %lt3A_514, %add3A_519, %add3A_5 : i32
      %dma_wait3A_521 = arith.constant 0 : i32
      %dma_wait3A_522 = arith.constant 0 : i32
      %dma_wait3A_523 = arith.constant 0 : i32
      %dma_wait3A_524 = tpu.memref_slice %arg2[%dma_wait3A_521, %select_n3A_520, %dma_wait3A_522, %dma_wait3A_523] : memref<7x550x8x128xf32, #tpu.memory_space<hbm>> -> memref<7x2x8x128xf32, #tpu.memory_space<hbm>>
      %dma_wait3A_525 = arith.constant 0 : i32
      %dma_wait3A_526 = arith.constant 0 : i32
      %dma_wait3A_527 = arith.constant 0 : i32
      %dma_wait3A_528 = tpu.memref_slice %arg2[%dma_wait3A_525, %select_n3A_520, %dma_wait3A_526, %dma_wait3A_527] : memref<7x550x8x128xf32, #tpu.memory_space<hbm>> -> memref<7x2x8x128xf32, #tpu.memory_space<hbm>>
      tpu.wait_dma2 semaphore(%arg23 : memref<!tpu.dma_semaphore, #tpu.memory_space<semaphore_mem>>) src(%dma_wait3A_528 : memref<7x2x8x128xf32, #tpu.memory_space<hbm>>) dst(%arg15 : memref<7x2x8x128xf32, #tpu.memory_space<vmem>>)
      %dma_wait3A_529 = arith.constant 0 : i32
      %dma_wait3A_530 = arith.constant 0 : i32
      %dma_wait3A_531 = arith.constant 0 : i32
      %dma_wait3A_532 = tpu.memref_slice %arg5[%dma_wait3A_529, %select_n3A_520, %dma_wait3A_530, %dma_wait3A_531] : memref<7x550x8x128xf32, #tpu.memory_space<hbm>> -> memref<7x2x8x128xf32, #tpu.memory_space<hbm>>
      %dma_wait3A_533 = arith.constant 0 : i32
      %dma_wait3A_534 = arith.constant 0 : i32
      %dma_wait3A_535 = arith.constant 0 : i32
      %dma_wait3A_536 = tpu.memref_slice %arg5[%dma_wait3A_533, %select_n3A_520, %dma_wait3A_534, %dma_wait3A_535] : memref<7x550x8x128xf32, #tpu.memory_space<hbm>> -> memref<7x2x8x128xf32, #tpu.memory_space<hbm>>
      tpu.wait_dma2 semaphore(%arg23 : memref<!tpu.dma_semaphore, #tpu.memory_space<semaphore_mem>>) src(%dma_wait3A_536 : memref<7x2x8x128xf32, #tpu.memory_space<hbm>>) dst(%arg16 : memref<7x2x8x128xf32, #tpu.memory_space<vmem>>)
      %dma_wait3A_537 = arith.constant 6 : i32
      %dma_wait3A_538 = arith.constant 0 : i32
      %dma_wait3A_539 = arith.constant 0 : i32
      %dma_wait3A_540 = tpu.memref_slice %arg6[%dma_wait3A_537, %select_n3A_520, %dma_wait3A_538, %dma_wait3A_539] : memref<7x550x8x128xf32, #tpu.memory_space<hbm>> -> memref<1x2x8x128xf32, #tpu.memory_space<hbm>>
      %dma_wait3A_541 = tpu.memref_squeeze %dma_wait3A_540 : memref<1x2x8x128xf32, #tpu.memory_space<hbm>> -> memref<2x8x128xf32, #tpu.memory_space<hbm>>
      %dma_wait3A_542 = arith.constant 0 : i32
      %dma_wait3A_543 = arith.constant 0 : i32
      %dma_wait3A_544 = tpu.memref_slice %arg6[%dma_wait3A_537, %select_n3A_520, %dma_wait3A_542, %dma_wait3A_543] : memref<7x550x8x128xf32, #tpu.memory_space<hbm>> -> memref<1x2x8x128xf32, #tpu.memory_space<hbm>>
      %dma_wait3A_545 = tpu.memref_squeeze %dma_wait3A_544 : memref<1x2x8x128xf32, #tpu.memory_space<hbm>> -> memref<2x8x128xf32, #tpu.memory_space<hbm>>
      tpu.wait_dma2 semaphore(%arg23 : memref<!tpu.dma_semaphore, #tpu.memory_space<semaphore_mem>>) src(%dma_wait3A_545 : memref<2x8x128xf32, #tpu.memory_space<hbm>>) dst(%arg17 : memref<2x8x128xf32, #tpu.memory_space<vmem>>)
      %dma_wait3A_546 = arith.constant 0 : i32
      %dma_wait3A_547 = arith.constant 0 : i32
      %dma_wait3A_548 = arith.constant 0 : i32
      %dma_wait3A_549 = tpu.memref_slice %arg3[%dma_wait3A_547, %select_n3A_520, %dma_wait3A_546, %dma_wait3A_548] : memref<8x550x1x128xf32, #tpu.memory_space<hbm>> -> memref<8x2x1x128xf32, #tpu.memory_space<hbm>>
      %dma_wait3A_550 = tpu.memref_squeeze %dma_wait3A_549 : memref<8x2x1x128xf32, #tpu.memory_space<hbm>> -> memref<8x2x128xf32, #tpu.memory_space<hbm>>
      %dma_wait3A_551 = arith.constant 0 : i32
      %dma_wait3A_552 = arith.constant 0 : i32
      %dma_wait3A_553 = tpu.memref_slice %arg3[%dma_wait3A_551, %select_n3A_520, %dma_wait3A_546, %dma_wait3A_552] : memref<8x550x1x128xf32, #tpu.memory_space<hbm>> -> memref<8x2x1x128xf32, #tpu.memory_space<hbm>>
      %dma_wait3A_554 = tpu.memref_squeeze %dma_wait3A_553 : memref<8x2x1x128xf32, #tpu.memory_space<hbm>> -> memref<8x2x128xf32, #tpu.memory_space<hbm>>
      tpu.wait_dma2 semaphore(%arg23 : memref<!tpu.dma_semaphore, #tpu.memory_space<semaphore_mem>>) src(%dma_wait3A_554 : memref<8x2x128xf32, #tpu.memory_space<hbm>>) dst(%arg18 : memref<8x2x128xf32, #tpu.memory_space<vmem>>)
      %dma_wait3A_555 = arith.constant 0 : i32
      %dma_wait3A_556 = arith.constant 0 : i32
      %dma_wait3A_557 = arith.constant 0 : i32
      %dma_wait3A_558 = tpu.memref_slice %arg4[%dma_wait3A_555, %select_n3A_520, %dma_wait3A_556, %dma_wait3A_557] : memref<8x550x2x128xf32, #tpu.memory_space<hbm>> -> memref<8x2x2x128xf32, #tpu.memory_space<hbm>>
      %dma_wait3A_559 = arith.constant 0 : i32
      %dma_wait3A_560 = arith.constant 0 : i32
      %dma_wait3A_561 = arith.constant 0 : i32
      %dma_wait3A_562 = tpu.memref_slice %arg4[%dma_wait3A_559, %select_n3A_520, %dma_wait3A_560, %dma_wait3A_561] : memref<8x550x2x128xf32, #tpu.memory_space<hbm>> -> memref<8x2x2x128xf32, #tpu.memory_space<hbm>>
      tpu.wait_dma2 semaphore(%arg23 : memref<!tpu.dma_semaphore, #tpu.memory_space<semaphore_mem>>) src(%dma_wait3A_562 : memref<8x2x2x128xf32, #tpu.memory_space<hbm>>) dst(%arg19 : memref<8x2x2x128xf32, #tpu.memory_space<vmem>>)
      %dma_wait3A_563 = arith.constant 0 : i32
      %dma_wait3A_564 = arith.constant 0 : i32
      %dma_wait3A_565 = tpu.memref_slice %arg7[%select_n3A_520, %dma_wait3A_563, %dma_wait3A_564] : memref<550x8x128xi32, #tpu.memory_space<hbm>> -> memref<2x8x128xi32, #tpu.memory_space<hbm>>
      %dma_wait3A_566 = arith.constant 0 : i32
      %dma_wait3A_567 = arith.constant 0 : i32
      %dma_wait3A_568 = tpu.memref_slice %arg7[%select_n3A_520, %dma_wait3A_566, %dma_wait3A_567] : memref<550x8x128xi32, #tpu.memory_space<hbm>> -> memref<2x8x128xi32, #tpu.memory_space<hbm>>
      tpu.wait_dma2 semaphore(%arg23 : memref<!tpu.dma_semaphore, #tpu.memory_space<semaphore_mem>>) src(%dma_wait3A_568 : memref<2x8x128xi32, #tpu.memory_space<hbm>>) dst(%arg20 : memref<2x8x128xi32, #tpu.memory_space<vmem>>)
      %broadcast_in_dim3A_569 = arith.constant 0.000000e+00 : f32
      %broadcast_in_dim3A_570 = vector.broadcast %broadcast_in_dim3A_569 : f32 to vector<16xf32>
      %scan3A_571 = arith.constant 0 : i32
      %scan3A_572 = arith.constant 0 : i32
      %scan3A_573 = arith.constant 8 : i32
      %scan3A_574 = arith.addi %scan3A_572, %scan3A_573 : i32
      %scan3A_575 = arith.constant 1 : i32
      scf.for %scan3A_577 = %scan3A_572 to %scan3A_574 step %scan3A_575  : i32 {
        %scan3A_578 = arith.constant 0 : i32
        %scan3A_579 = arith.constant 8 : i32
        %scan3A_580 = arith.addi %scan3A_578, %scan3A_579 : i32
        %scan3A_581 = arith.constant 1 : i32
        %scan3A_582:4 = scf.for %scan3A_655 = %scan3A_578 to %scan3A_580 step %scan3A_581 iter_args(%scan3A_656 = %broadcast_in_dim3A_570, %scan3A_657 = %broadcast_in_dim3A_570, %scan3A_658 = %broadcast_in_dim3A_570, %scan3A_659 = %broadcast_in_dim3A_570) -> (vector<16xf32>, vector<16xf32>, vector<16xf32>, vector<16xf32>)  : i32 {
          %mul3A_660 = arith.constant 2 : i32
          %mul3A_661 = arith.muli %mul3A_660, %scan3A_655 : i32
          %add3A_662 = arith.constant 1 : i32
          %add3A_663 = arith.addi %mul3A_661, %add3A_662 : i32
          %mul3A_664 = arith.constant 2 : i32
          %mul3A_665 = arith.muli %mul3A_664, %scan3A_655 : i32
          %shift_right_logical3A = arith.constant 3 : i32
          %shift_right_logical3A_666 = arith.shrui %mul3A_665, %shift_right_logical3A : i32
          %and3A = arith.constant 7 : i32
          %and3A_667 = arith.andi %mul3A_665, %and3A : i32
          %mul3A_668 = arith.constant 16 : i32
          %mul3A_669 = arith.muli %and3A_667, %mul3A_668 : i32
          %get3A_670 = arith.index_cast %shift_right_logical3A_666 : i32 to index
          %get3A_671 = arith.index_cast %scan3A_577 : i32 to index
          %get3A_672 = arith.index_cast %mul3A_669 : i32 to index
          %get3A_673 = tpu.vector_load %arg20[%get3A_670, %get3A_671, %get3A_672] {strides = array<i32>} : memref<2x8x128xi32, #tpu.memory_space<vmem>>, vector<1x1x16xi32>,
          %get3A_674 = vector.shape_cast %get3A_673 : vector<1x1x16xi32> to vector<16xi32>
          %convert_element_type3A_675 = arith.sitofp %get3A_674 : vector<16xi32> to vector<16xf32>
          %get3A_676 = arith.constant 0 : i32
          %get3A_677 = arith.index_cast %get3A_676 : i32 to index
          %get3A_678 = arith.index_cast %shift_right_logical3A_666 : i32 to index
          %get3A_679 = arith.index_cast %scan3A_577 : i32 to index
          %get3A_680 = arith.index_cast %mul3A_669 : i32 to index
          %get3A_681 = tpu.vector_load %arg15[%get3A_677, %get3A_678, %get3A_679, %get3A_680] {strides = array<i32>} : memref<7x2x8x128xf32, #tpu.memory_space<vmem>>, vector<1x1x1x16xf32>,
          %get3A_682 = vector.shape_cast %get3A_681 : vector<1x1x1x16xf32> to vector<16xf32>
          %get3A_683 = arith.constant 0 : i32
          %get3A_684 = arith.index_cast %get3A_683 : i32 to index
          %get3A_685 = arith.index_cast %shift_right_logical3A_666 : i32 to index
          %get3A_686 = arith.index_cast %scan3A_577 : i32 to index
          %get3A_687 = arith.index_cast %mul3A_669 : i32 to index
          %get3A_688 = tpu.vector_load %arg16[%get3A_684, %get3A_685, %get3A_686, %get3A_687] {strides = array<i32>} : memref<7x2x8x128xf32, #tpu.memory_space<vmem>>, vector<1x1x1x16xf32>,
          %get3A_689 = vector.shape_cast %get3A_688 : vector<1x1x1x16xf32> to vector<16xf32>
          %sub3A = arith.subf %get3A_682, %get3A_689 : vector<16xf32>
          %abs3A = math.absf %sub3A : vector<16xf32>
          %min3A_690 = arith.constant 0.111111112 : f32
          %min3A_691 = vector.broadcast %min3A_690 : f32 to vector<16xf32>
          %min3A_692 = arith.minimumf %abs3A, %min3A_691 : vector<16xf32>
          %mul3A_693 = arith.constant 4.500000e+00 : f32
          %mul3A_694 = vector.broadcast %mul3A_693 : f32 to vector<16xf32>
          %mul3A_695 = arith.mulf %mul3A_694, %min3A_692 : vector<16xf32>
          %mul3A_696 = arith.mulf %mul3A_695, %min3A_692 : vector<16xf32>
          %sub3A_697 = arith.subf %abs3A, %min3A_692 : vector<16xf32>
          %add3A_698 = arith.addf %mul3A_696, %sub3A_697 : vector<16xf32>
          %get3A_699 = arith.constant 1 : i32
          %get3A_700 = arith.index_cast %get3A_699 : i32 to index
          %get3A_701 = arith.index_cast %shift_right_logical3A_666 : i32 to index
          %get3A_702 = arith.index_cast %scan3A_577 : i32 to index
          %get3A_703 = arith.index_cast %mul3A_669 : i32 to index
          %get3A_704 = tpu.vector_load %arg15[%get3A_700, %get3A_701, %get3A_702, %get3A_703] {strides = array<i32>} : memref<7x2x8x128xf32, #tpu.memory_space<vmem>>, vector<1x1x1x16xf32>,
          %get3A_705 = vector.shape_cast %get3A_704 : vector<1x1x1x16xf32> to vector<16xf32>
          %get3A_706 = arith.constant 1 : i32
          %get3A_707 = arith.index_cast %get3A_706 : i32 to index
          %get3A_708 = arith.index_cast %shift_right_logical3A_666 : i32 to index
          %get3A_709 = arith.index_cast %scan3A_577 : i32 to index
          %get3A_710 = arith.index_cast %mul3A_669 : i32 to index
          %get3A_711 = tpu.vector_load %arg16[%get3A_707, %get3A_708, %get3A_709, %get3A_710] {strides = array<i32>} : memref<7x2x8x128xf32, #tpu.memory_space<vmem>>, vector<1x1x1x16xf32>,
          %get3A_712 = vector.shape_cast %get3A_711 : vector<1x1x1x16xf32> to vector<16xf32>
          %sub3A_713 = arith.subf %get3A_705, %get3A_712 : vector<16xf32>
          %abs3A_714 = math.absf %sub3A_713 : vector<16xf32>
          %min3A_715 = arith.constant 0.111111112 : f32
          %min3A_716 = vector.broadcast %min3A_715 : f32 to vector<16xf32>
          %min3A_717 = arith.minimumf %abs3A_714, %min3A_716 : vector<16xf32>
          %mul3A_718 = arith.constant 4.500000e+00 : f32
          %mul3A_719 = vector.broadcast %mul3A_718 : f32 to vector<16xf32>
          %mul3A_720 = arith.mulf %mul3A_719, %min3A_717 : vector<16xf32>
          %mul3A_721 = arith.mulf %mul3A_720, %min3A_717 : vector<16xf32>
          %sub3A_722 = arith.subf %abs3A_714, %min3A_717 : vector<16xf32>
          %add3A_723 = arith.addf %mul3A_721, %sub3A_722 : vector<16xf32>
          %add3A_724 = arith.addf %add3A_698, %add3A_723 : vector<16xf32>
          %get3A_725 = arith.constant 2 : i32
          %get3A_726 = arith.index_cast %get3A_725 : i32 to index
          %get3A_727 = arith.index_cast %shift_right_logical3A_666 : i32 to index
          %get3A_728 = arith.index_cast %scan3A_577 : i32 to index
          %get3A_729 = arith.index_cast %mul3A_669 : i32 to index
          %get3A_730 = tpu.vector_load %arg15[%get3A_726, %get3A_727, %get3A_728, %get3A_729] {strides = array<i32>} : memref<7x2x8x128xf32, #tpu.memory_space<vmem>>, vector<1x1x1x16xf32>,
          %get3A_731 = vector.shape_cast %get3A_730 : vector<1x1x1x16xf32> to vector<16xf32>
          %get3A_732 = arith.constant 2 : i32
          %get3A_733 = arith.index_cast %get3A_732 : i32 to index
          %get3A_734 = arith.index_cast %shift_right_logical3A_666 : i32 to index
          %get3A_735 = arith.index_cast %scan3A_577 : i32 to index
          %get3A_736 = arith.index_cast %mul3A_669 : i32 to index
          %get3A_737 = tpu.vector_load %arg16[%get3A_733, %get3A_734, %get3A_735, %get3A_736] {strides = array<i32>} : memref<7x2x8x128xf32, #tpu.memory_space<vmem>>, vector<1x1x1x16xf32>,
          %get3A_738 = vector.shape_cast %get3A_737 : vector<1x1x1x16xf32> to vector<16xf32>
          %sub3A_739 = arith.subf %get3A_731, %get3A_738 : vector<16xf32>
          %abs3A_740 = math.absf %sub3A_739 : vector<16xf32>
          %min3A_741 = arith.constant 0.111111112 : f32
          %min3A_742 = vector.broadcast %min3A_741 : f32 to vector<16xf32>
          %min3A_743 = arith.minimumf %abs3A_740, %min3A_742 : vector<16xf32>
          %mul3A_744 = arith.constant 4.500000e+00 : f32
          %mul3A_745 = vector.broadcast %mul3A_744 : f32 to vector<16xf32>
          %mul3A_746 = arith.mulf %mul3A_745, %min3A_743 : vector<16xf32>
          %mul3A_747 = arith.mulf %mul3A_746, %min3A_743 : vector<16xf32>
          %sub3A_748 = arith.subf %abs3A_740, %min3A_743 : vector<16xf32>
          %add3A_749 = arith.addf %mul3A_747, %sub3A_748 : vector<16xf32>
          %add3A_750 = arith.addf %add3A_724, %add3A_749 : vector<16xf32>
          %get3A_751 = arith.constant 3 : i32
          %get3A_752 = arith.index_cast %get3A_751 : i32 to index
          %get3A_753 = arith.index_cast %shift_right_logical3A_666 : i32 to index
          %get3A_754 = arith.index_cast %scan3A_577 : i32 to index
          %get3A_755 = arith.index_cast %mul3A_669 : i32 to index
          %get3A_756 = tpu.vector_load %arg15[%get3A_752, %get3A_753, %get3A_754, %get3A_755] {strides = array<i32>} : memref<7x2x8x128xf32, #tpu.memory_space<vmem>>, vector<1x1x1x16xf32>,
          %get3A_757 = vector.shape_cast %get3A_756 : vector<1x1x1x16xf32> to vector<16xf32>
          %get3A_758 = arith.constant 3 : i32
          %get3A_759 = arith.index_cast %get3A_758 : i32 to index
          %get3A_760 = arith.index_cast %shift_right_logical3A_666 : i32 to index
          %get3A_761 = arith.index_cast %scan3A_577 : i32 to index
          %get3A_762 = arith.index_cast %mul3A_669 : i32 to index
          %get3A_763 = tpu.vector_load %arg16[%get3A_759, %get3A_760, %get3A_761, %get3A_762] {strides = array<i32>} : memref<7x2x8x128xf32, #tpu.memory_space<vmem>>, vector<1x1x1x16xf32>,
          %get3A_764 = vector.shape_cast %get3A_763 : vector<1x1x1x16xf32> to vector<16xf32>
          %sub3A_765 = arith.subf %get3A_757, %get3A_764 : vector<16xf32>
          %abs3A_766 = math.absf %sub3A_765 : vector<16xf32>
          %min3A_767 = arith.constant 0.111111112 : f32
          %min3A_768 = vector.broadcast %min3A_767 : f32 to vector<16xf32>
          %min3A_769 = arith.minimumf %abs3A_766, %min3A_768 : vector<16xf32>
          %mul3A_770 = arith.constant 4.500000e+00 : f32
          %mul3A_771 = vector.broadcast %mul3A_770 : f32 to vector<16xf32>
          %mul3A_772 = arith.mulf %mul3A_771, %min3A_769 : vector<16xf32>
          %mul3A_773 = arith.mulf %mul3A_772, %min3A_769 : vector<16xf32>
          %sub3A_774 = arith.subf %abs3A_766, %min3A_769 : vector<16xf32>
          %add3A_775 = arith.addf %mul3A_773, %sub3A_774 : vector<16xf32>
          %add3A_776 = arith.addf %add3A_750, %add3A_775 : vector<16xf32>
          %get3A_777 = arith.constant 4 : i32
          %get3A_778 = arith.index_cast %get3A_777 : i32 to index
          %get3A_779 = arith.index_cast %shift_right_logical3A_666 : i32 to index
          %get3A_780 = arith.index_cast %scan3A_577 : i32 to index
          %get3A_781 = arith.index_cast %mul3A_669 : i32 to index
          %get3A_782 = tpu.vector_load %arg15[%get3A_778, %get3A_779, %get3A_780, %get3A_781] {strides = array<i32>} : memref<7x2x8x128xf32, #tpu.memory_space<vmem>>, vector<1x1x1x16xf32>,
          %get3A_783 = vector.shape_cast %get3A_782 : vector<1x1x1x16xf32> to vector<16xf32>
          %get3A_784 = arith.constant 4 : i32
          %get3A_785 = arith.index_cast %get3A_784 : i32 to index
          %get3A_786 = arith.index_cast %shift_right_logical3A_666 : i32 to index
          %get3A_787 = arith.index_cast %scan3A_577 : i32 to index
          %get3A_788 = arith.index_cast %mul3A_669 : i32 to index
          %get3A_789 = tpu.vector_load %arg16[%get3A_785, %get3A_786, %get3A_787, %get3A_788] {strides = array<i32>} : memref<7x2x8x128xf32, #tpu.memory_space<vmem>>, vector<1x1x1x16xf32>,
          %get3A_790 = vector.shape_cast %get3A_789 : vector<1x1x1x16xf32> to vector<16xf32>
          %sub3A_791 = arith.subf %get3A_783, %get3A_790 : vector<16xf32>
          %abs3A_792 = math.absf %sub3A_791 : vector<16xf32>
          %min3A_793 = arith.constant 0.111111112 : f32
          %min3A_794 = vector.broadcast %min3A_793 : f32 to vector<16xf32>
          %min3A_795 = arith.minimumf %abs3A_792, %min3A_794 : vector<16xf32>
          %mul3A_796 = arith.constant 4.500000e+00 : f32
          %mul3A_797 = vector.broadcast %mul3A_796 : f32 to vector<16xf32>
          %mul3A_798 = arith.mulf %mul3A_797, %min3A_795 : vector<16xf32>
          %mul3A_799 = arith.mulf %mul3A_798, %min3A_795 : vector<16xf32>
          %sub3A_800 = arith.subf %abs3A_792, %min3A_795 : vector<16xf32>
          %add3A_801 = arith.addf %mul3A_799, %sub3A_800 : vector<16xf32>
          %add3A_802 = arith.addf %add3A_776, %add3A_801 : vector<16xf32>
          %get3A_803 = arith.constant 5 : i32
          %get3A_804 = arith.index_cast %get3A_803 : i32 to index
          %get3A_805 = arith.index_cast %shift_right_logical3A_666 : i32 to index
          %get3A_806 = arith.index_cast %scan3A_577 : i32 to index
          %get3A_807 = arith.index_cast %mul3A_669 : i32 to index
          %get3A_808 = tpu.vector_load %arg15[%get3A_804, %get3A_805, %get3A_806, %get3A_807] {strides = array<i32>} : memref<7x2x8x128xf32, #tpu.memory_space<vmem>>, vector<1x1x1x16xf32>,
          %get3A_809 = vector.shape_cast %get3A_808 : vector<1x1x1x16xf32> to vector<16xf32>
          %get3A_810 = arith.constant 5 : i32
          %get3A_811 = arith.index_cast %get3A_810 : i32 to index
          %get3A_812 = arith.index_cast %shift_right_logical3A_666 : i32 to index
          %get3A_813 = arith.index_cast %scan3A_577 : i32 to index
          %get3A_814 = arith.index_cast %mul3A_669 : i32 to index
          %get3A_815 = tpu.vector_load %arg16[%get3A_811, %get3A_812, %get3A_813, %get3A_814] {strides = array<i32>} : memref<7x2x8x128xf32, #tpu.memory_space<vmem>>, vector<1x1x1x16xf32>,
          %get3A_816 = vector.shape_cast %get3A_815 : vector<1x1x1x16xf32> to vector<16xf32>
          %sub3A_817 = arith.subf %get3A_809, %get3A_816 : vector<16xf32>
          %abs3A_818 = math.absf %sub3A_817 : vector<16xf32>
          %min3A_819 = arith.constant 0.111111112 : f32
          %min3A_820 = vector.broadcast %min3A_819 : f32 to vector<16xf32>
          %min3A_821 = arith.minimumf %abs3A_818, %min3A_820 : vector<16xf32>
          %mul3A_822 = arith.constant 4.500000e+00 : f32
          %mul3A_823 = vector.broadcast %mul3A_822 : f32 to vector<16xf32>
          %mul3A_824 = arith.mulf %mul3A_823, %min3A_821 : vector<16xf32>
          %mul3A_825 = arith.mulf %mul3A_824, %min3A_821 : vector<16xf32>
          %sub3A_826 = arith.subf %abs3A_818, %min3A_821 : vector<16xf32>
          %add3A_827 = arith.addf %mul3A_825, %sub3A_826 : vector<16xf32>
          %add3A_828 = arith.addf %add3A_802, %add3A_827 : vector<16xf32>
          %get3A_829 = arith.constant 6 : i32
          %get3A_830 = arith.index_cast %get3A_829 : i32 to index
          %get3A_831 = arith.index_cast %shift_right_logical3A_666 : i32 to index
          %get3A_832 = arith.index_cast %scan3A_577 : i32 to index
          %get3A_833 = arith.index_cast %mul3A_669 : i32 to index
          %get3A_834 = tpu.vector_load %arg16[%get3A_830, %get3A_831, %get3A_832, %get3A_833] {strides = array<i32>} : memref<7x2x8x128xf32, #tpu.memory_space<vmem>>, vector<1x1x1x16xf32>,
          %get3A_835 = vector.shape_cast %get3A_834 : vector<1x1x1x16xf32> to vector<16xf32>
          %get3A_836 = arith.constant 6 : i32
          %get3A_837 = arith.index_cast %get3A_836 : i32 to index
          %get3A_838 = arith.index_cast %shift_right_logical3A_666 : i32 to index
          %get3A_839 = arith.index_cast %scan3A_577 : i32 to index
          %get3A_840 = arith.index_cast %mul3A_669 : i32 to index
          %get3A_841 = tpu.vector_load %arg15[%get3A_837, %get3A_838, %get3A_839, %get3A_840] {strides = array<i32>} : memref<7x2x8x128xf32, #tpu.memory_space<vmem>>, vector<1x1x1x16xf32>,
          %get3A_842 = vector.shape_cast %get3A_841 : vector<1x1x1x16xf32> to vector<16xf32>
          %sub3A_843 = arith.subf %get3A_842, %get3A_835 : vector<16xf32>
          %mul3A_844 = arith.constant 0.159154937 : f32
          %mul3A_845 = vector.broadcast %mul3A_844 : f32 to vector<16xf32>
          %mul3A_846 = arith.mulf %sub3A_843, %mul3A_845 : vector<16xf32>
          %add3A_847 = arith.constant 5.000000e-01 : f32
          %add3A_848 = vector.broadcast %add3A_847 : f32 to vector<16xf32>
          %add3A_849 = arith.addf %mul3A_846, %add3A_848 : vector<16xf32>
          %convert_element_type3A_850 = arith.fptosi %add3A_849 : vector<16xf32> to vector<16xi32>
          %convert_element_type3A_851 = arith.sitofp %convert_element_type3A_850 : vector<16xi32> to vector<16xf32>
          %gt3A = arith.cmpf ogt, %convert_element_type3A_851, %add3A_849 : vector<16xf32>
          %sub3A_852 = arith.constant 1.000000e+00 : f32
          %sub3A_853 = vector.broadcast %sub3A_852 : f32 to vector<16xf32>
          %sub3A_854 = arith.subf %convert_element_type3A_851, %sub3A_853 : vector<16xf32>
          %select_n3A_855 = arith.select %gt3A, %sub3A_854, %convert_element_type3A_851 : vector<16xi1>, vector<16xf32>
          %mul3A_856 = arith.constant 6.28318548 : f32
          %mul3A_857 = vector.broadcast %mul3A_856 : f32 to vector<16xf32>
          %mul3A_858 = arith.mulf %select_n3A_855, %mul3A_857 : vector<16xf32>
          %sub3A_859 = arith.subf %sub3A_843, %mul3A_858 : vector<16xf32>
          %mul3A_860 = arith.mulf %sub3A_859, %sub3A_859 : vector<16xf32>
          %broadcast_in_dim3A_861 = arith.constant -1.47736457E-4 : f32
          %broadcast_in_dim3A_862 = vector.broadcast %broadcast_in_dim3A_861 : f32 to vector<16xf32>
          %mul3A_863 = arith.mulf %broadcast_in_dim3A_862, %mul3A_860 : vector<16xf32>
          %add3A_864 = arith.constant 0.0079985205 : f32
          %add3A_865 = vector.broadcast %add3A_864 : f32 to vector<16xf32>
          %add3A_866 = arith.addf %mul3A_863, %add3A_865 : vector<16xf32>
          %mul3A_867 = arith.mulf %add3A_866, %mul3A_860 : vector<16xf32>
          %add3A_868 = arith.constant -0.165838227 : f32
          %add3A_869 = vector.broadcast %add3A_868 : f32 to vector<16xf32>
          %add3A_870 = arith.addf %mul3A_867, %add3A_869 : vector<16xf32>
          %mul3A_871 = arith.mulf %add3A_870, %mul3A_860 : vector<16xf32>
          %add3A_872 = arith.constant 0.999449968 : f32
          %add3A_873 = vector.broadcast %add3A_872 : f32 to vector<16xf32>
          %add3A_874 = arith.addf %mul3A_871, %add3A_873 : vector<16xf32>
          %mul3A_875 = arith.mulf %sub3A_859, %add3A_874 : vector<16xf32>
          %abs3A_876 = math.absf %mul3A_875 : vector<16xf32>
          %min3A_877 = arith.constant 0.111111112 : f32
          %min3A_878 = vector.broadcast %min3A_877 : f32 to vector<16xf32>
          %min3A_879 = arith.minimumf %abs3A_876, %min3A_878 : vector<16xf32>
          %mul3A_880 = arith.constant 4.500000e+00 : f32
          %mul3A_881 = vector.broadcast %mul3A_880 : f32 to vector<16xf32>
          %mul3A_882 = arith.mulf %mul3A_881, %min3A_879 : vector<16xf32>
          %mul3A_883 = arith.mulf %mul3A_882, %min3A_879 : vector<16xf32>
          %sub3A_884 = arith.subf %abs3A_876, %min3A_879 : vector<16xf32>
          %add3A_885 = arith.addf %mul3A_883, %sub3A_884 : vector<16xf32>
          %add3A_886 = arith.addf %add3A_828, %add3A_885 : vector<16xf32>
          %mul3A_887 = arith.mulf %add3A_886, %convert_element_type3A_675 : vector<16xf32>
          %add3A_888 = arith.addf %scan3A_656, %mul3A_887 : vector<16xf32>
          %get3A_889 = arith.index_cast %scan3A_577 : i32 to index
          %get3A_890 = arith.index_cast %shift_right_logical3A_666 : i32 to index
          %get3A_891 = arith.index_cast %mul3A_669 : i32 to index
          %get3A_892 = tpu.vector_load %arg18[%get3A_889, %get3A_890, %get3A_891] {strides = array<i32>} : memref<8x2x128xf32, #tpu.memory_space<vmem>>, vector<1x1x16xf32>,
          %get3A_893 = vector.shape_cast %get3A_892 : vector<1x1x16xf32> to vector<16xf32>
          %abs3A_894 = math.absf %get3A_893 : vector<16xf32>
          %neg3A = arith.constant 0.000000e+00 : f32
          %neg3A_895 = vector.broadcast %neg3A : f32 to vector<16xf32>
          %neg3A_896 = arith.subf %neg3A_895, %abs3A_894 : vector<16xf32>
          %exp3A = math.exp %neg3A_896 : vector<16xf32>
          %max3A = arith.constant 0.000000e+00 : f32
          %max3A_897 = vector.broadcast %max3A : f32 to vector<16xf32>
          %max3A_898 = arith.maximumf %get3A_893, %max3A_897 : vector<16xf32>
          %mul3A_899 = arith.mulf %get3A_893, %convert_element_type3A_675 : vector<16xf32>
          %sub3A_900 = arith.subf %max3A_898, %mul3A_899 : vector<16xf32>
          %broadcast_in_dim3A_901 = arith.constant 0.0301026255 : f32
          %broadcast_in_dim3A_902 = vector.broadcast %broadcast_in_dim3A_901 : f32 to vector<16xf32>
          %mul3A_903 = arith.mulf %broadcast_in_dim3A_902, %exp3A : vector<16xf32>
          %add3A_904 = arith.constant -0.130119413 : f32
          %add3A_905 = vector.broadcast %add3A_904 : f32 to vector<16xf32>
          %add3A_906 = arith.addf %mul3A_903, %add3A_905 : vector<16xf32>
          %mul3A_907 = arith.mulf %add3A_906, %exp3A : vector<16xf32>
          %add3A_908 = arith.constant 0.283304334 : f32
          %add3A_909 = vector.broadcast %add3A_908 : f32 to vector<16xf32>
          %add3A_910 = arith.addf %mul3A_907, %add3A_909 : vector<16xf32>
          %mul3A_911 = arith.mulf %add3A_910, %exp3A : vector<16xf32>
          %add3A_912 = arith.constant -0.489156842 : f32
          %add3A_913 = vector.broadcast %add3A_912 : f32 to vector<16xf32>
          %add3A_914 = arith.addf %mul3A_911, %add3A_913 : vector<16xf32>
          %mul3A_915 = arith.mulf %add3A_914, %exp3A : vector<16xf32>
          %add3A_916 = arith.constant 0.999010443 : f32
          %add3A_917 = vector.broadcast %add3A_916 : f32 to vector<16xf32>
          %add3A_918 = arith.addf %mul3A_915, %add3A_917 : vector<16xf32>
          %mul3A_919 = arith.mulf %add3A_918, %exp3A : vector<16xf32>
          %add3A_920 = arith.constant 2.21170303E-5 : f32
          %add3A_921 = vector.broadcast %add3A_920 : f32 to vector<16xf32>
          %add3A_922 = arith.addf %mul3A_919, %add3A_921 : vector<16xf32>
          %add3A_923 = arith.addf %sub3A_900, %add3A_922 : vector<16xf32>
          %add3A_924 = arith.constant 1.000000e+00 : f32
          %add3A_925 = vector.broadcast %add3A_924 : f32 to vector<16xf32>
          %add3A_926 = arith.addf %add3A_925, %exp3A : vector<16xf32>
          %div3A = arith.constant 1.000000e+00 : f32
          %div3A_927 = vector.broadcast %div3A : f32 to vector<16xf32>
          %div3A_928 = arith.divf %div3A_927, %add3A_926 : vector<16xf32>
          %ge3A = arith.constant 0.000000e+00 : f32
          %ge3A_929 = vector.broadcast %ge3A : f32 to vector<16xf32>
          %ge3A_930 = arith.cmpf oge, %get3A_893, %ge3A_929 : vector<16xf32>
          %mul3A_931 = arith.mulf %exp3A, %div3A_928 : vector<16xf32>
          %select_n3A_932 = arith.select %ge3A_930, %div3A_928, %mul3A_931 : vector<16xi1>, vector<16xf32>
          %gt3A_933 = arith.constant 5.000000e-01 : f32
          %gt3A_934 = vector.broadcast %gt3A_933 : f32 to vector<16xf32>
          %gt3A_935 = arith.cmpf ogt, %convert_element_type3A_675, %gt3A_934 : vector<16xf32>
          %sub3A_936 = arith.constant 1.000000e+00 : f32
          %sub3A_937 = vector.broadcast %sub3A_936 : f32 to vector<16xf32>
          %sub3A_938 = arith.subf %sub3A_937, %select_n3A_932 : vector<16xf32>
          %select_n3A_939 = arith.select %gt3A_935, %select_n3A_932, %sub3A_938 : vector<16xi1>, vector<16xf32>
          %sub3A_940 = arith.constant 1.000000e+00 : f32
          %sub3A_941 = vector.broadcast %sub3A_940 : f32 to vector<16xf32>
          %sub3A_942 = arith.subf %sub3A_941, %select_n3A_939 : vector<16xf32>
          %mul3A_943 = arith.constant 5.000000e-01 : f32
          %mul3A_944 = vector.broadcast %mul3A_943 : f32 to vector<16xf32>
          %mul3A_945 = arith.mulf %mul3A_944, %convert_element_type3A_675 : vector<16xf32>
          %sub3A_946 = arith.constant 7.500000e-01 : f32
          %sub3A_947 = vector.broadcast %sub3A_946 : f32 to vector<16xf32>
          %sub3A_948 = arith.subf %sub3A_947, %mul3A_945 : vector<16xf32>
          %mul3A_949 = arith.mulf %sub3A_942, %sub3A_942 : vector<16xf32>
          %mul3A_950 = arith.mulf %mul3A_949, %sub3A_948 : vector<16xf32>
          %mul3A_951 = arith.mulf %mul3A_950, %add3A_923 : vector<16xf32>
          %add3A_952 = arith.addf %scan3A_657, %mul3A_951 : vector<16xf32>
          %get3A_953 = arith.index_cast %shift_right_logical3A_666 : i32 to index
          %get3A_954 = arith.index_cast %scan3A_577 : i32 to index
          %get3A_955 = arith.index_cast %mul3A_669 : i32 to index
          %get3A_956 = tpu.vector_load %arg17[%get3A_953, %get3A_954, %get3A_955] {strides = array<i32>} : memref<2x8x128xf32, #tpu.memory_space<vmem>>, vector<1x1x16xf32>,
          %get3A_957 = vector.shape_cast %get3A_956 : vector<1x1x16xf32> to vector<16xf32>
          %add3A_958 = arith.addf %get3A_835, %get3A_957 : vector<16xf32>
          %mul3A_959 = arith.constant 0.159154937 : f32
          %mul3A_960 = vector.broadcast %mul3A_959 : f32 to vector<16xf32>
          %mul3A_961 = arith.mulf %add3A_958, %mul3A_960 : vector<16xf32>
          %convert_element_type3A_962 = arith.fptosi %mul3A_961 : vector<16xf32> to vector<16xi32>
          %convert_element_type3A_963 = arith.sitofp %convert_element_type3A_962 : vector<16xi32> to vector<16xf32>
          %gt3A_964 = arith.cmpf ogt, %convert_element_type3A_963, %mul3A_961 : vector<16xf32>
          %sub3A_965 = arith.constant 1.000000e+00 : f32
          %sub3A_966 = vector.broadcast %sub3A_965 : f32 to vector<16xf32>
          %sub3A_967 = arith.subf %convert_element_type3A_963, %sub3A_966 : vector<16xf32>
          %select_n3A_968 = arith.select %gt3A_964, %sub3A_967, %convert_element_type3A_963 : vector<16xi1>, vector<16xf32>
          %sub3A_969 = arith.subf %mul3A_961, %select_n3A_968 : vector<16xf32>
          %ge3A_970 = arith.constant 5.000000e-01 : f32
          %ge3A_971 = vector.broadcast %ge3A_970 : f32 to vector<16xf32>
          %ge3A_972 = arith.cmpf oge, %sub3A_969, %ge3A_971 : vector<16xf32>
          %get3A_973 = arith.constant 0 : i32
          %get3A_974 = arith.index_cast %scan3A_577 : i32 to index
          %get3A_975 = arith.index_cast %shift_right_logical3A_666 : i32 to index
          %get3A_976 = arith.index_cast %get3A_973 : i32 to index
          %get3A_977 = arith.index_cast %mul3A_669 : i32 to index
          %get3A_978 = tpu.vector_load %arg19[%get3A_974, %get3A_975, %get3A_976, %get3A_977] {strides = array<i32>} : memref<8x2x2x128xf32, #tpu.memory_space<vmem>>, vector<1x1x1x16xf32>,
          %get3A_979 = vector.shape_cast %get3A_978 : vector<1x1x1x16xf32> to vector<16xf32>
          %get3A_980 = arith.constant 1 : i32
          %get3A_981 = arith.index_cast %scan3A_577 : i32 to index
          %get3A_982 = arith.index_cast %shift_right_logical3A_666 : i32 to index
          %get3A_983 = arith.index_cast %get3A_980 : i32 to index
          %get3A_984 = arith.index_cast %mul3A_669 : i32 to index
          %get3A_985 = tpu.vector_load %arg19[%get3A_981, %get3A_982, %get3A_983, %get3A_984] {strides = array<i32>} : memref<8x2x2x128xf32, #tpu.memory_space<vmem>>, vector<1x1x1x16xf32>,
          %get3A_986 = vector.shape_cast %get3A_985 : vector<1x1x1x16xf32> to vector<16xf32>
          %max3A_987 = arith.maximumf %get3A_979, %get3A_986 : vector<16xf32>
          %sub3A_988 = arith.subf %get3A_979, %get3A_986 : vector<16xf32>
          %abs3A_989 = math.absf %sub3A_988 : vector<16xf32>
          %neg3A_990 = arith.constant 0.000000e+00 : f32
          %neg3A_991 = vector.broadcast %neg3A_990 : f32 to vector<16xf32>
          %neg3A_992 = arith.subf %neg3A_991, %abs3A_989 : vector<16xf32>
          %exp3A_993 = math.exp %neg3A_992 : vector<16xf32>
          %broadcast_in_dim3A_994 = arith.constant 0.0301026255 : f32
          %broadcast_in_dim3A_995 = vector.broadcast %broadcast_in_dim3A_994 : f32 to vector<16xf32>
          %mul3A_996 = arith.mulf %broadcast_in_dim3A_995, %exp3A_993 : vector<16xf32>
          %add3A_997 = arith.constant -0.130119413 : f32
          %add3A_998 = vector.broadcast %add3A_997 : f32 to vector<16xf32>
          %add3A_999 = arith.addf %mul3A_996, %add3A_998 : vector<16xf32>
          %mul3A_1000 = arith.mulf %add3A_999, %exp3A_993 : vector<16xf32>
          %add3A_1001 = arith.constant 0.283304334 : f32
          %add3A_1002 = vector.broadcast %add3A_1001 : f32 to vector<16xf32>
          %add3A_1003 = arith.addf %mul3A_1000, %add3A_1002 : vector<16xf32>
          %mul3A_1004 = arith.mulf %add3A_1003, %exp3A_993 : vector<16xf32>
          %add3A_1005 = arith.constant -0.489156842 : f32
          %add3A_1006 = vector.broadcast %add3A_1005 : f32 to vector<16xf32>
          %add3A_1007 = arith.addf %mul3A_1004, %add3A_1006 : vector<16xf32>
          %mul3A_1008 = arith.mulf %add3A_1007, %exp3A_993 : vector<16xf32>
          %add3A_1009 = arith.constant 0.999010443 : f32
          %add3A_1010 = vector.broadcast %add3A_1009 : f32 to vector<16xf32>
          %add3A_1011 = arith.addf %mul3A_1008, %add3A_1010 : vector<16xf32>
          %mul3A_1012 = arith.mulf %add3A_1011, %exp3A_993 : vector<16xf32>
          %add3A_1013 = arith.constant 2.21170303E-5 : f32
          %add3A_1014 = vector.broadcast %add3A_1013 : f32 to vector<16xf32>
          %add3A_1015 = arith.addf %mul3A_1012, %add3A_1014 : vector<16xf32>
          %add3A_1016 = arith.addf %max3A_987, %add3A_1015 : vector<16xf32>
          %select_n3A_1017 = arith.select %ge3A_972, %get3A_986, %get3A_979 : vector<16xi1>, vector<16xf32>
          %sub3A_1018 = arith.subf %add3A_1016, %select_n3A_1017 : vector<16xf32>
          %mul3A_1019 = arith.mulf %sub3A_1018, %convert_element_type3A_675 : vector<16xf32>
          %add3A_1020 = arith.addf %scan3A_658, %mul3A_1019 : vector<16xf32>
          %add3A_1021 = arith.addf %scan3A_659, %convert_element_type3A_675 : vector<16xf32>
          %shift_right_logical3A_1022 = arith.constant 3 : i32
          %shift_right_logical3A_1023 = arith.shrui %add3A_663, %shift_right_logical3A_1022 : i32
          %and3A_1024 = arith.constant 7 : i32
          %and3A_1025 = arith.andi %add3A_663, %and3A_1024 : i32
          %mul3A_1026 = arith.constant 16 : i32
          %mul3A_1027 = arith.muli %and3A_1025, %mul3A_1026 : i32
          %get3A_1028 = arith.index_cast %shift_right_logical3A_1023 : i32 to index
          %get3A_1029 = arith.index_cast %scan3A_577 : i32 to index
          %get3A_1030 = arith.index_cast %mul3A_1027 : i32 to index
          %get3A_1031 = tpu.vector_load %arg20[%get3A_1028, %get3A_1029, %get3A_1030] {strides = array<i32>} : memref<2x8x128xi32, #tpu.memory_space<vmem>>, vector<1x1x16xi32>,
          %get3A_1032 = vector.shape_cast %get3A_1031 : vector<1x1x16xi32> to vector<16xi32>
          %convert_element_type3A_1033 = arith.sitofp %get3A_1032 : vector<16xi32> to vector<16xf32>
          %get3A_1034 = arith.constant 0 : i32
          %get3A_1035 = arith.index_cast %get3A_1034 : i32 to index
          %get3A_1036 = arith.index_cast %shift_right_logical3A_1023 : i32 to index
          %get3A_1037 = arith.index_cast %scan3A_577 : i32 to index
          %get3A_1038 = arith.index_cast %mul3A_1027 : i32 to index
          %get3A_1039 = tpu.vector_load %arg15[%get3A_1035, %get3A_1036, %get3A_1037, %get3A_1038] {strides = array<i32>} : memref<7x2x8x128xf32, #tpu.memory_space<vmem>>, vector<1x1x1x16xf32>,
          %get3A_1040 = vector.shape_cast %get3A_1039 : vector<1x1x1x16xf32> to vector<16xf32>
          %get3A_1041 = arith.constant 0 : i32
          %get3A_1042 = arith.index_cast %get3A_1041 : i32 to index
          %get3A_1043 = arith.index_cast %shift_right_logical3A_1023 : i32 to index
          %get3A_1044 = arith.index_cast %scan3A_577 : i32 to index
          %get3A_1045 = arith.index_cast %mul3A_1027 : i32 to index
          %get3A_1046 = tpu.vector_load %arg16[%get3A_1042, %get3A_1043, %get3A_1044, %get3A_1045] {strides = array<i32>} : memref<7x2x8x128xf32, #tpu.memory_space<vmem>>, vector<1x1x1x16xf32>,
          %get3A_1047 = vector.shape_cast %get3A_1046 : vector<1x1x1x16xf32> to vector<16xf32>
          %sub3A_1048 = arith.subf %get3A_1040, %get3A_1047 : vector<16xf32>
          %abs3A_1049 = math.absf %sub3A_1048 : vector<16xf32>
          %min3A_1050 = arith.constant 0.111111112 : f32
          %min3A_1051 = vector.broadcast %min3A_1050 : f32 to vector<16xf32>
          %min3A_1052 = arith.minimumf %abs3A_1049, %min3A_1051 : vector<16xf32>
          %mul3A_1053 = arith.constant 4.500000e+00 : f32
          %mul3A_1054 = vector.broadcast %mul3A_1053 : f32 to vector<16xf32>
          %mul3A_1055 = arith.mulf %mul3A_1054, %min3A_1052 : vector<16xf32>
          %mul3A_1056 = arith.mulf %mul3A_1055, %min3A_1052 : vector<16xf32>
          %sub3A_1057 = arith.subf %abs3A_1049, %min3A_1052 : vector<16xf32>
          %add3A_1058 = arith.addf %mul3A_1056, %sub3A_1057 : vector<16xf32>
          %get3A_1059 = arith.constant 1 : i32
          %get3A_1060 = arith.index_cast %get3A_1059 : i32 to index
          %get3A_1061 = arith.index_cast %shift_right_logical3A_1023 : i32 to index
          %get3A_1062 = arith.index_cast %scan3A_577 : i32 to index
          %get3A_1063 = arith.index_cast %mul3A_1027 : i32 to index
          %get3A_1064 = tpu.vector_load %arg15[%get3A_1060, %get3A_1061, %get3A_1062, %get3A_1063] {strides = array<i32>} : memref<7x2x8x128xf32, #tpu.memory_space<vmem>>, vector<1x1x1x16xf32>,
          %get3A_1065 = vector.shape_cast %get3A_1064 : vector<1x1x1x16xf32> to vector<16xf32>
          %get3A_1066 = arith.constant 1 : i32
          %get3A_1067 = arith.index_cast %get3A_1066 : i32 to index
          %get3A_1068 = arith.index_cast %shift_right_logical3A_1023 : i32 to index
          %get3A_1069 = arith.index_cast %scan3A_577 : i32 to index
          %get3A_1070 = arith.index_cast %mul3A_1027 : i32 to index
          %get3A_1071 = tpu.vector_load %arg16[%get3A_1067, %get3A_1068, %get3A_1069, %get3A_1070] {strides = array<i32>} : memref<7x2x8x128xf32, #tpu.memory_space<vmem>>, vector<1x1x1x16xf32>,
          %get3A_1072 = vector.shape_cast %get3A_1071 : vector<1x1x1x16xf32> to vector<16xf32>
          %sub3A_1073 = arith.subf %get3A_1065, %get3A_1072 : vector<16xf32>
          %abs3A_1074 = math.absf %sub3A_1073 : vector<16xf32>
          %min3A_1075 = arith.constant 0.111111112 : f32
          %min3A_1076 = vector.broadcast %min3A_1075 : f32 to vector<16xf32>
          %min3A_1077 = arith.minimumf %abs3A_1074, %min3A_1076 : vector<16xf32>
          %mul3A_1078 = arith.constant 4.500000e+00 : f32
          %mul3A_1079 = vector.broadcast %mul3A_1078 : f32 to vector<16xf32>
          %mul3A_1080 = arith.mulf %mul3A_1079, %min3A_1077 : vector<16xf32>
          %mul3A_1081 = arith.mulf %mul3A_1080, %min3A_1077 : vector<16xf32>
          %sub3A_1082 = arith.subf %abs3A_1074, %min3A_1077 : vector<16xf32>
          %add3A_1083 = arith.addf %mul3A_1081, %sub3A_1082 : vector<16xf32>
          %add3A_1084 = arith.addf %add3A_1058, %add3A_1083 : vector<16xf32>
          %get3A_1085 = arith.constant 2 : i32
          %get3A_1086 = arith.index_cast %get3A_1085 : i32 to index
          %get3A_1087 = arith.index_cast %shift_right_logical3A_1023 : i32 to index
          %get3A_1088 = arith.index_cast %scan3A_577 : i32 to index
          %get3A_1089 = arith.index_cast %mul3A_1027 : i32 to index
          %get3A_1090 = tpu.vector_load %arg15[%get3A_1086, %get3A_1087, %get3A_1088, %get3A_1089] {strides = array<i32>} : memref<7x2x8x128xf32, #tpu.memory_space<vmem>>, vector<1x1x1x16xf32>,
          %get3A_1091 = vector.shape_cast %get3A_1090 : vector<1x1x1x16xf32> to vector<16xf32>
          %get3A_1092 = arith.constant 2 : i32
          %get3A_1093 = arith.index_cast %get3A_1092 : i32 to index
          %get3A_1094 = arith.index_cast %shift_right_logical3A_1023 : i32 to index
          %get3A_1095 = arith.index_cast %scan3A_577 : i32 to index
          %get3A_1096 = arith.index_cast %mul3A_1027 : i32 to index
          %get3A_1097 = tpu.vector_load %arg16[%get3A_1093, %get3A_1094, %get3A_1095, %get3A_1096] {strides = array<i32>} : memref<7x2x8x128xf32, #tpu.memory_space<vmem>>, vector<1x1x1x16xf32>,
          %get3A_1098 = vector.shape_cast %get3A_1097 : vector<1x1x1x16xf32> to vector<16xf32>
          %sub3A_1099 = arith.subf %get3A_1091, %get3A_1098 : vector<16xf32>
          %abs3A_1100 = math.absf %sub3A_1099 : vector<16xf32>
          %min3A_1101 = arith.constant 0.111111112 : f32
          %min3A_1102 = vector.broadcast %min3A_1101 : f32 to vector<16xf32>
          %min3A_1103 = arith.minimumf %abs3A_1100, %min3A_1102 : vector<16xf32>
          %mul3A_1104 = arith.constant 4.500000e+00 : f32
          %mul3A_1105 = vector.broadcast %mul3A_1104 : f32 to vector<16xf32>
          %mul3A_1106 = arith.mulf %mul3A_1105, %min3A_1103 : vector<16xf32>
          %mul3A_1107 = arith.mulf %mul3A_1106, %min3A_1103 : vector<16xf32>
          %sub3A_1108 = arith.subf %abs3A_1100, %min3A_1103 : vector<16xf32>
          %add3A_1109 = arith.addf %mul3A_1107, %sub3A_1108 : vector<16xf32>
          %add3A_1110 = arith.addf %add3A_1084, %add3A_1109 : vector<16xf32>
          %get3A_1111 = arith.constant 3 : i32
          %get3A_1112 = arith.index_cast %get3A_1111 : i32 to index
          %get3A_1113 = arith.index_cast %shift_right_logical3A_1023 : i32 to index
          %get3A_1114 = arith.index_cast %scan3A_577 : i32 to index
          %get3A_1115 = arith.index_cast %mul3A_1027 : i32 to index
          %get3A_1116 = tpu.vector_load %arg15[%get3A_1112, %get3A_1113, %get3A_1114, %get3A_1115] {strides = array<i32>} : memref<7x2x8x128xf32, #tpu.memory_space<vmem>>, vector<1x1x1x16xf32>,
          %get3A_1117 = vector.shape_cast %get3A_1116 : vector<1x1x1x16xf32> to vector<16xf32>
          %get3A_1118 = arith.constant 3 : i32
          %get3A_1119 = arith.index_cast %get3A_1118 : i32 to index
          %get3A_1120 = arith.index_cast %shift_right_logical3A_1023 : i32 to index
          %get3A_1121 = arith.index_cast %scan3A_577 : i32 to index
          %get3A_1122 = arith.index_cast %mul3A_1027 : i32 to index
          %get3A_1123 = tpu.vector_load %arg16[%get3A_1119, %get3A_1120, %get3A_1121, %get3A_1122] {strides = array<i32>} : memref<7x2x8x128xf32, #tpu.memory_space<vmem>>, vector<1x1x1x16xf32>,
          %get3A_1124 = vector.shape_cast %get3A_1123 : vector<1x1x1x16xf32> to vector<16xf32>
          %sub3A_1125 = arith.subf %get3A_1117, %get3A_1124 : vector<16xf32>
          %abs3A_1126 = math.absf %sub3A_1125 : vector<16xf32>
          %min3A_1127 = arith.constant 0.111111112 : f32
          %min3A_1128 = vector.broadcast %min3A_1127 : f32 to vector<16xf32>
          %min3A_1129 = arith.minimumf %abs3A_1126, %min3A_1128 : vector<16xf32>
          %mul3A_1130 = arith.constant 4.500000e+00 : f32
          %mul3A_1131 = vector.broadcast %mul3A_1130 : f32 to vector<16xf32>
          %mul3A_1132 = arith.mulf %mul3A_1131, %min3A_1129 : vector<16xf32>
          %mul3A_1133 = arith.mulf %mul3A_1132, %min3A_1129 : vector<16xf32>
          %sub3A_1134 = arith.subf %abs3A_1126, %min3A_1129 : vector<16xf32>
          %add3A_1135 = arith.addf %mul3A_1133, %sub3A_1134 : vector<16xf32>
          %add3A_1136 = arith.addf %add3A_1110, %add3A_1135 : vector<16xf32>
          %get3A_1137 = arith.constant 4 : i32
          %get3A_1138 = arith.index_cast %get3A_1137 : i32 to index
          %get3A_1139 = arith.index_cast %shift_right_logical3A_1023 : i32 to index
          %get3A_1140 = arith.index_cast %scan3A_577 : i32 to index
          %get3A_1141 = arith.index_cast %mul3A_1027 : i32 to index
          %get3A_1142 = tpu.vector_load %arg15[%get3A_1138, %get3A_1139, %get3A_1140, %get3A_1141] {strides = array<i32>} : memref<7x2x8x128xf32, #tpu.memory_space<vmem>>, vector<1x1x1x16xf32>,
          %get3A_1143 = vector.shape_cast %get3A_1142 : vector<1x1x1x16xf32> to vector<16xf32>
          %get3A_1144 = arith.constant 4 : i32
          %get3A_1145 = arith.index_cast %get3A_1144 : i32 to index
          %get3A_1146 = arith.index_cast %shift_right_logical3A_1023 : i32 to index
          %get3A_1147 = arith.index_cast %scan3A_577 : i32 to index
          %get3A_1148 = arith.index_cast %mul3A_1027 : i32 to index
          %get3A_1149 = tpu.vector_load %arg16[%get3A_1145, %get3A_1146, %get3A_1147, %get3A_1148] {strides = array<i32>} : memref<7x2x8x128xf32, #tpu.memory_space<vmem>>, vector<1x1x1x16xf32>,
          %get3A_1150 = vector.shape_cast %get3A_1149 : vector<1x1x1x16xf32> to vector<16xf32>
          %sub3A_1151 = arith.subf %get3A_1143, %get3A_1150 : vector<16xf32>
          %abs3A_1152 = math.absf %sub3A_1151 : vector<16xf32>
          %min3A_1153 = arith.constant 0.111111112 : f32
          %min3A_1154 = vector.broadcast %min3A_1153 : f32 to vector<16xf32>
          %min3A_1155 = arith.minimumf %abs3A_1152, %min3A_1154 : vector<16xf32>
          %mul3A_1156 = arith.constant 4.500000e+00 : f32
          %mul3A_1157 = vector.broadcast %mul3A_1156 : f32 to vector<16xf32>
          %mul3A_1158 = arith.mulf %mul3A_1157, %min3A_1155 : vector<16xf32>
          %mul3A_1159 = arith.mulf %mul3A_1158, %min3A_1155 : vector<16xf32>
          %sub3A_1160 = arith.subf %abs3A_1152, %min3A_1155 : vector<16xf32>
          %add3A_1161 = arith.addf %mul3A_1159, %sub3A_1160 : vector<16xf32>
          %add3A_1162 = arith.addf %add3A_1136, %add3A_1161 : vector<16xf32>
          %get3A_1163 = arith.constant 5 : i32
          %get3A_1164 = arith.index_cast %get3A_1163 : i32 to index
          %get3A_1165 = arith.index_cast %shift_right_logical3A_1023 : i32 to index
          %get3A_1166 = arith.index_cast %scan3A_577 : i32 to index
          %get3A_1167 = arith.index_cast %mul3A_1027 : i32 to index
          %get3A_1168 = tpu.vector_load %arg15[%get3A_1164, %get3A_1165, %get3A_1166, %get3A_1167] {strides = array<i32>} : memref<7x2x8x128xf32, #tpu.memory_space<vmem>>, vector<1x1x1x16xf32>,
          %get3A_1169 = vector.shape_cast %get3A_1168 : vector<1x1x1x16xf32> to vector<16xf32>
          %get3A_1170 = arith.constant 5 : i32
          %get3A_1171 = arith.index_cast %get3A_1170 : i32 to index
          %get3A_1172 = arith.index_cast %shift_right_logical3A_1023 : i32 to index
          %get3A_1173 = arith.index_cast %scan3A_577 : i32 to index
          %get3A_1174 = arith.index_cast %mul3A_1027 : i32 to index
          %get3A_1175 = tpu.vector_load %arg16[%get3A_1171, %get3A_1172, %get3A_1173, %get3A_1174] {strides = array<i32>} : memref<7x2x8x128xf32, #tpu.memory_space<vmem>>, vector<1x1x1x16xf32>,
          %get3A_1176 = vector.shape_cast %get3A_1175 : vector<1x1x1x16xf32> to vector<16xf32>
          %sub3A_1177 = arith.subf %get3A_1169, %get3A_1176 : vector<16xf32>
          %abs3A_1178 = math.absf %sub3A_1177 : vector<16xf32>
          %min3A_1179 = arith.constant 0.111111112 : f32
          %min3A_1180 = vector.broadcast %min3A_1179 : f32 to vector<16xf32>
          %min3A_1181 = arith.minimumf %abs3A_1178, %min3A_1180 : vector<16xf32>
          %mul3A_1182 = arith.constant 4.500000e+00 : f32
          %mul3A_1183 = vector.broadcast %mul3A_1182 : f32 to vector<16xf32>
          %mul3A_1184 = arith.mulf %mul3A_1183, %min3A_1181 : vector<16xf32>
          %mul3A_1185 = arith.mulf %mul3A_1184, %min3A_1181 : vector<16xf32>
          %sub3A_1186 = arith.subf %abs3A_1178, %min3A_1181 : vector<16xf32>
          %add3A_1187 = arith.addf %mul3A_1185, %sub3A_1186 : vector<16xf32>
          %add3A_1188 = arith.addf %add3A_1162, %add3A_1187 : vector<16xf32>
          %get3A_1189 = arith.constant 6 : i32
          %get3A_1190 = arith.index_cast %get3A_1189 : i32 to index
          %get3A_1191 = arith.index_cast %shift_right_logical3A_1023 : i32 to index
          %get3A_1192 = arith.index_cast %scan3A_577 : i32 to index
          %get3A_1193 = arith.index_cast %mul3A_1027 : i32 to index
          %get3A_1194 = tpu.vector_load %arg16[%get3A_1190, %get3A_1191, %get3A_1192, %get3A_1193] {strides = array<i32>} : memref<7x2x8x128xf32, #tpu.memory_space<vmem>>, vector<1x1x1x16xf32>,
          %get3A_1195 = vector.shape_cast %get3A_1194 : vector<1x1x1x16xf32> to vector<16xf32>
          %get3A_1196 = arith.constant 6 : i32
          %get3A_1197 = arith.index_cast %get3A_1196 : i32 to index
          %get3A_1198 = arith.index_cast %shift_right_logical3A_1023 : i32 to index
          %get3A_1199 = arith.index_cast %scan3A_577 : i32 to index
          %get3A_1200 = arith.index_cast %mul3A_1027 : i32 to index
          %get3A_1201 = tpu.vector_load %arg15[%get3A_1197, %get3A_1198, %get3A_1199, %get3A_1200] {strides = array<i32>} : memref<7x2x8x128xf32, #tpu.memory_space<vmem>>, vector<1x1x1x16xf32>,
          %get3A_1202 = vector.shape_cast %get3A_1201 : vector<1x1x1x16xf32> to vector<16xf32>
          %sub3A_1203 = arith.subf %get3A_1202, %get3A_1195 : vector<16xf32>
          %mul3A_1204 = arith.constant 0.159154937 : f32
          %mul3A_1205 = vector.broadcast %mul3A_1204 : f32 to vector<16xf32>
          %mul3A_1206 = arith.mulf %sub3A_1203, %mul3A_1205 : vector<16xf32>
          %add3A_1207 = arith.constant 5.000000e-01 : f32
          %add3A_1208 = vector.broadcast %add3A_1207 : f32 to vector<16xf32>
          %add3A_1209 = arith.addf %mul3A_1206, %add3A_1208 : vector<16xf32>
          %convert_element_type3A_1210 = arith.fptosi %add3A_1209 : vector<16xf32> to vector<16xi32>
          %convert_element_type3A_1211 = arith.sitofp %convert_element_type3A_1210 : vector<16xi32> to vector<16xf32>
          %gt3A_1212 = arith.cmpf ogt, %convert_element_type3A_1211, %add3A_1209 : vector<16xf32>
          %sub3A_1213 = arith.constant 1.000000e+00 : f32
          %sub3A_1214 = vector.broadcast %sub3A_1213 : f32 to vector<16xf32>
          %sub3A_1215 = arith.subf %convert_element_type3A_1211, %sub3A_1214 : vector<16xf32>
          %select_n3A_1216 = arith.select %gt3A_1212, %sub3A_1215, %convert_element_type3A_1211 : vector<16xi1>, vector<16xf32>
          %mul3A_1217 = arith.constant 6.28318548 : f32
          %mul3A_1218 = vector.broadcast %mul3A_1217 : f32 to vector<16xf32>
          %mul3A_1219 = arith.mulf %select_n3A_1216, %mul3A_1218 : vector<16xf32>
          %sub3A_1220 = arith.subf %sub3A_1203, %mul3A_1219 : vector<16xf32>
          %mul3A_1221 = arith.mulf %sub3A_1220, %sub3A_1220 : vector<16xf32>
          %broadcast_in_dim3A_1222 = arith.constant -1.47736457E-4 : f32
          %broadcast_in_dim3A_1223 = vector.broadcast %broadcast_in_dim3A_1222 : f32 to vector<16xf32>
          %mul3A_1224 = arith.mulf %broadcast_in_dim3A_1223, %mul3A_1221 : vector<16xf32>
          %add3A_1225 = arith.constant 0.0079985205 : f32
          %add3A_1226 = vector.broadcast %add3A_1225 : f32 to vector<16xf32>
          %add3A_1227 = arith.addf %mul3A_1224, %add3A_1226 : vector<16xf32>
          %mul3A_1228 = arith.mulf %add3A_1227, %mul3A_1221 : vector<16xf32>
          %add3A_1229 = arith.constant -0.165838227 : f32
          %add3A_1230 = vector.broadcast %add3A_1229 : f32 to vector<16xf32>
          %add3A_1231 = arith.addf %mul3A_1228, %add3A_1230 : vector<16xf32>
          %mul3A_1232 = arith.mulf %add3A_1231, %mul3A_1221 : vector<16xf32>
          %add3A_1233 = arith.constant 0.999449968 : f32
          %add3A_1234 = vector.broadcast %add3A_1233 : f32 to vector<16xf32>
          %add3A_1235 = arith.addf %mul3A_1232, %add3A_1234 : vector<16xf32>
          %mul3A_1236 = arith.mulf %sub3A_1220, %add3A_1235 : vector<16xf32>
          %abs3A_1237 = math.absf %mul3A_1236 : vector<16xf32>
          %min3A_1238 = arith.constant 0.111111112 : f32
          %min3A_1239 = vector.broadcast %min3A_1238 : f32 to vector<16xf32>
          %min3A_1240 = arith.minimumf %abs3A_1237, %min3A_1239 : vector<16xf32>
          %mul3A_1241 = arith.constant 4.500000e+00 : f32
          %mul3A_1242 = vector.broadcast %mul3A_1241 : f32 to vector<16xf32>
          %mul3A_1243 = arith.mulf %mul3A_1242, %min3A_1240 : vector<16xf32>
          %mul3A_1244 = arith.mulf %mul3A_1243, %min3A_1240 : vector<16xf32>
          %sub3A_1245 = arith.subf %abs3A_1237, %min3A_1240 : vector<16xf32>
          %add3A_1246 = arith.addf %mul3A_1244, %sub3A_1245 : vector<16xf32>
          %add3A_1247 = arith.addf %add3A_1188, %add3A_1246 : vector<16xf32>
          %mul3A_1248 = arith.mulf %add3A_1247, %convert_element_type3A_1033 : vector<16xf32>
          %add3A_1249 = arith.addf %add3A_888, %mul3A_1248 : vector<16xf32>
          %get3A_1250 = arith.index_cast %scan3A_577 : i32 to index
          %get3A_1251 = arith.index_cast %shift_right_logical3A_1023 : i32 to index
          %get3A_1252 = arith.index_cast %mul3A_1027 : i32 to index
          %get3A_1253 = tpu.vector_load %arg18[%get3A_1250, %get3A_1251, %get3A_1252] {strides = array<i32>} : memref<8x2x128xf32, #tpu.memory_space<vmem>>, vector<1x1x16xf32>,
          %get3A_1254 = vector.shape_cast %get3A_1253 : vector<1x1x16xf32> to vector<16xf32>
          %abs3A_1255 = math.absf %get3A_1254 : vector<16xf32>
          %neg3A_1256 = arith.constant 0.000000e+00 : f32
          %neg3A_1257 = vector.broadcast %neg3A_1256 : f32 to vector<16xf32>
          %neg3A_1258 = arith.subf %neg3A_1257, %abs3A_1255 : vector<16xf32>
          %exp3A_1259 = math.exp %neg3A_1258 : vector<16xf32>
          %max3A_1260 = arith.constant 0.000000e+00 : f32
          %max3A_1261 = vector.broadcast %max3A_1260 : f32 to vector<16xf32>
          %max3A_1262 = arith.maximumf %get3A_1254, %max3A_1261 : vector<16xf32>
          %mul3A_1263 = arith.mulf %get3A_1254, %convert_element_type3A_1033 : vector<16xf32>
          %sub3A_1264 = arith.subf %max3A_1262, %mul3A_1263 : vector<16xf32>
          %broadcast_in_dim3A_1265 = arith.constant 0.0301026255 : f32
          %broadcast_in_dim3A_1266 = vector.broadcast %broadcast_in_dim3A_1265 : f32 to vector<16xf32>
          %mul3A_1267 = arith.mulf %broadcast_in_dim3A_1266, %exp3A_1259 : vector<16xf32>
          %add3A_1268 = arith.constant -0.130119413 : f32
          %add3A_1269 = vector.broadcast %add3A_1268 : f32 to vector<16xf32>
          %add3A_1270 = arith.addf %mul3A_1267, %add3A_1269 : vector<16xf32>
          %mul3A_1271 = arith.mulf %add3A_1270, %exp3A_1259 : vector<16xf32>
          %add3A_1272 = arith.constant 0.283304334 : f32
          %add3A_1273 = vector.broadcast %add3A_1272 : f32 to vector<16xf32>
          %add3A_1274 = arith.addf %mul3A_1271, %add3A_1273 : vector<16xf32>
          %mul3A_1275 = arith.mulf %add3A_1274, %exp3A_1259 : vector<16xf32>
          %add3A_1276 = arith.constant -0.489156842 : f32
          %add3A_1277 = vector.broadcast %add3A_1276 : f32 to vector<16xf32>
          %add3A_1278 = arith.addf %mul3A_1275, %add3A_1277 : vector<16xf32>
          %mul3A_1279 = arith.mulf %add3A_1278, %exp3A_1259 : vector<16xf32>
          %add3A_1280 = arith.constant 0.999010443 : f32
          %add3A_1281 = vector.broadcast %add3A_1280 : f32 to vector<16xf32>
          %add3A_1282 = arith.addf %mul3A_1279, %add3A_1281 : vector<16xf32>
          %mul3A_1283 = arith.mulf %add3A_1282, %exp3A_1259 : vector<16xf32>
          %add3A_1284 = arith.constant 2.21170303E-5 : f32
          %add3A_1285 = vector.broadcast %add3A_1284 : f32 to vector<16xf32>
          %add3A_1286 = arith.addf %mul3A_1283, %add3A_1285 : vector<16xf32>
          %add3A_1287 = arith.addf %sub3A_1264, %add3A_1286 : vector<16xf32>
          %add3A_1288 = arith.constant 1.000000e+00 : f32
          %add3A_1289 = vector.broadcast %add3A_1288 : f32 to vector<16xf32>
          %add3A_1290 = arith.addf %add3A_1289, %exp3A_1259 : vector<16xf32>
          %div3A_1291 = arith.constant 1.000000e+00 : f32
          %div3A_1292 = vector.broadcast %div3A_1291 : f32 to vector<16xf32>
          %div3A_1293 = arith.divf %div3A_1292, %add3A_1290 : vector<16xf32>
          %ge3A_1294 = arith.constant 0.000000e+00 : f32
          %ge3A_1295 = vector.broadcast %ge3A_1294 : f32 to vector<16xf32>
          %ge3A_1296 = arith.cmpf oge, %get3A_1254, %ge3A_1295 : vector<16xf32>
          %mul3A_1297 = arith.mulf %exp3A_1259, %div3A_1293 : vector<16xf32>
          %select_n3A_1298 = arith.select %ge3A_1296, %div3A_1293, %mul3A_1297 : vector<16xi1>, vector<16xf32>
          %gt3A_1299 = arith.constant 5.000000e-01 : f32
          %gt3A_1300 = vector.broadcast %gt3A_1299 : f32 to vector<16xf32>
          %gt3A_1301 = arith.cmpf ogt, %convert_element_type3A_1033, %gt3A_1300 : vector<16xf32>
          %sub3A_1302 = arith.constant 1.000000e+00 : f32
          %sub3A_1303 = vector.broadcast %sub3A_1302 : f32 to vector<16xf32>
          %sub3A_1304 = arith.subf %sub3A_1303, %select_n3A_1298 : vector<16xf32>
          %select_n3A_1305 = arith.select %gt3A_1301, %select_n3A_1298, %sub3A_1304 : vector<16xi1>, vector<16xf32>
          %sub3A_1306 = arith.constant 1.000000e+00 : f32
          %sub3A_1307 = vector.broadcast %sub3A_1306 : f32 to vector<16xf32>
          %sub3A_1308 = arith.subf %sub3A_1307, %select_n3A_1305 : vector<16xf32>
          %mul3A_1309 = arith.constant 5.000000e-01 : f32
          %mul3A_1310 = vector.broadcast %mul3A_1309 : f32 to vector<16xf32>
          %mul3A_1311 = arith.mulf %mul3A_1310, %convert_element_type3A_1033 : vector<16xf32>
          %sub3A_1312 = arith.constant 7.500000e-01 : f32
          %sub3A_1313 = vector.broadcast %sub3A_1312 : f32 to vector<16xf32>
          %sub3A_1314 = arith.subf %sub3A_1313, %mul3A_1311 : vector<16xf32>
          %mul3A_1315 = arith.mulf %sub3A_1308, %sub3A_1308 : vector<16xf32>
          %mul3A_1316 = arith.mulf %mul3A_1315, %sub3A_1314 : vector<16xf32>
          %mul3A_1317 = arith.mulf %mul3A_1316, %add3A_1287 : vector<16xf32>
          %add3A_1318 = arith.addf %add3A_952, %mul3A_1317 : vector<16xf32>
          %get3A_1319 = arith.index_cast %shift_right_logical3A_1023 : i32 to index
          %get3A_1320 = arith.index_cast %scan3A_577 : i32 to index
          %get3A_1321 = arith.index_cast %mul3A_1027 : i32 to index
          %get3A_1322 = tpu.vector_load %arg17[%get3A_1319, %get3A_1320, %get3A_1321] {strides = array<i32>} : memref<2x8x128xf32, #tpu.memory_space<vmem>>, vector<1x1x16xf32>,
          %get3A_1323 = vector.shape_cast %get3A_1322 : vector<1x1x16xf32> to vector<16xf32>
          %add3A_1324 = arith.addf %get3A_1195, %get3A_1323 : vector<16xf32>
          %mul3A_1325 = arith.constant 0.159154937 : f32
          %mul3A_1326 = vector.broadcast %mul3A_1325 : f32 to vector<16xf32>
          %mul3A_1327 = arith.mulf %add3A_1324, %mul3A_1326 : vector<16xf32>
          %convert_element_type3A_1328 = arith.fptosi %mul3A_1327 : vector<16xf32> to vector<16xi32>
          %convert_element_type3A_1329 = arith.sitofp %convert_element_type3A_1328 : vector<16xi32> to vector<16xf32>
          %gt3A_1330 = arith.cmpf ogt, %convert_element_type3A_1329, %mul3A_1327 : vector<16xf32>
          %sub3A_1331 = arith.constant 1.000000e+00 : f32
          %sub3A_1332 = vector.broadcast %sub3A_1331 : f32 to vector<16xf32>
          %sub3A_1333 = arith.subf %convert_element_type3A_1329, %sub3A_1332 : vector<16xf32>
          %select_n3A_1334 = arith.select %gt3A_1330, %sub3A_1333, %convert_element_type3A_1329 : vector<16xi1>, vector<16xf32>
          %sub3A_1335 = arith.subf %mul3A_1327, %select_n3A_1334 : vector<16xf32>
          %ge3A_1336 = arith.constant 5.000000e-01 : f32
          %ge3A_1337 = vector.broadcast %ge3A_1336 : f32 to vector<16xf32>
          %ge3A_1338 = arith.cmpf oge, %sub3A_1335, %ge3A_1337 : vector<16xf32>
          %get3A_1339 = arith.constant 0 : i32
          %get3A_1340 = arith.index_cast %scan3A_577 : i32 to index
          %get3A_1341 = arith.index_cast %shift_right_logical3A_1023 : i32 to index
          %get3A_1342 = arith.index_cast %get3A_1339 : i32 to index
          %get3A_1343 = arith.index_cast %mul3A_1027 : i32 to index
          %get3A_1344 = tpu.vector_load %arg19[%get3A_1340, %get3A_1341, %get3A_1342, %get3A_1343] {strides = array<i32>} : memref<8x2x2x128xf32, #tpu.memory_space<vmem>>, vector<1x1x1x16xf32>,
          %get3A_1345 = vector.shape_cast %get3A_1344 : vector<1x1x1x16xf32> to vector<16xf32>
          %get3A_1346 = arith.constant 1 : i32
          %get3A_1347 = arith.index_cast %scan3A_577 : i32 to index
          %get3A_1348 = arith.index_cast %shift_right_logical3A_1023 : i32 to index
          %get3A_1349 = arith.index_cast %get3A_1346 : i32 to index
          %get3A_1350 = arith.index_cast %mul3A_1027 : i32 to index
          %get3A_1351 = tpu.vector_load %arg19[%get3A_1347, %get3A_1348, %get3A_1349, %get3A_1350] {strides = array<i32>} : memref<8x2x2x128xf32, #tpu.memory_space<vmem>>, vector<1x1x1x16xf32>,
          %get3A_1352 = vector.shape_cast %get3A_1351 : vector<1x1x1x16xf32> to vector<16xf32>
          %max3A_1353 = arith.maximumf %get3A_1345, %get3A_1352 : vector<16xf32>
          %sub3A_1354 = arith.subf %get3A_1345, %get3A_1352 : vector<16xf32>
          %abs3A_1355 = math.absf %sub3A_1354 : vector<16xf32>
          %neg3A_1356 = arith.constant 0.000000e+00 : f32
          %neg3A_1357 = vector.broadcast %neg3A_1356 : f32 to vector<16xf32>
          %neg3A_1358 = arith.subf %neg3A_1357, %abs3A_1355 : vector<16xf32>
          %exp3A_1359 = math.exp %neg3A_1358 : vector<16xf32>
          %broadcast_in_dim3A_1360 = arith.constant 0.0301026255 : f32
          %broadcast_in_dim3A_1361 = vector.broadcast %broadcast_in_dim3A_1360 : f32 to vector<16xf32>
          %mul3A_1362 = arith.mulf %broadcast_in_dim3A_1361, %exp3A_1359 : vector<16xf32>
          %add3A_1363 = arith.constant -0.130119413 : f32
          %add3A_1364 = vector.broadcast %add3A_1363 : f32 to vector<16xf32>
          %add3A_1365 = arith.addf %mul3A_1362, %add3A_1364 : vector<16xf32>
          %mul3A_1366 = arith.mulf %add3A_1365, %exp3A_1359 : vector<16xf32>
          %add3A_1367 = arith.constant 0.283304334 : f32
          %add3A_1368 = vector.broadcast %add3A_1367 : f32 to vector<16xf32>
          %add3A_1369 = arith.addf %mul3A_1366, %add3A_1368 : vector<16xf32>
          %mul3A_1370 = arith.mulf %add3A_1369, %exp3A_1359 : vector<16xf32>
          %add3A_1371 = arith.constant -0.489156842 : f32
          %add3A_1372 = vector.broadcast %add3A_1371 : f32 to vector<16xf32>
          %add3A_1373 = arith.addf %mul3A_1370, %add3A_1372 : vector<16xf32>
          %mul3A_1374 = arith.mulf %add3A_1373, %exp3A_1359 : vector<16xf32>
          %add3A_1375 = arith.constant 0.999010443 : f32
          %add3A_1376 = vector.broadcast %add3A_1375 : f32 to vector<16xf32>
          %add3A_1377 = arith.addf %mul3A_1374, %add3A_1376 : vector<16xf32>
          %mul3A_1378 = arith.mulf %add3A_1377, %exp3A_1359 : vector<16xf32>
          %add3A_1379 = arith.constant 2.21170303E-5 : f32
          %add3A_1380 = vector.broadcast %add3A_1379 : f32 to vector<16xf32>
          %add3A_1381 = arith.addf %mul3A_1378, %add3A_1380 : vector<16xf32>
          %add3A_1382 = arith.addf %max3A_1353, %add3A_1381 : vector<16xf32>
          %select_n3A_1383 = arith.select %ge3A_1338, %get3A_1352, %get3A_1345 : vector<16xi1>, vector<16xf32>
          %sub3A_1384 = arith.subf %add3A_1382, %select_n3A_1383 : vector<16xf32>
          %mul3A_1385 = arith.mulf %sub3A_1384, %convert_element_type3A_1033 : vector<16xf32>
          %add3A_1386 = arith.addf %add3A_1020, %mul3A_1385 : vector<16xf32>
          %add3A_1387 = arith.addf %add3A_1021, %convert_element_type3A_1033 : vector<16xf32>
          scf.yield %add3A_1249, %add3A_1318, %add3A_1386, %add3A_1387 : vector<16xf32>, vector<16xf32>, vector<16xf32>, vector<16xf32>
        }
        %scan3A_583 = arith.constant 8 : i32
        %mul3A_584 = arith.constant 4 : i32
        %mul3A_585 = arith.muli %scan3A_577, %mul3A_584 : i32
        %add3A_586 = arith.constant 0 : i32
        %add3A_587 = arith.addi %mul3A_585, %add3A_586 : i32
        %get3A = arith.index_cast %add3A_587 : i32 to index
        %get3A_588 = arith.constant 0 : index
        %get3A_589 = tpu.vector_load %arg21[%get3A, %get3A_588] {strides = array<i32>} : memref<32x16xf32, #tpu.memory_space<vmem>>, vector<1x16xf32>,
        %get3A_590 = vector.shape_cast %get3A_589 : vector<1x16xf32> to vector<16xf32>
        %add3A_591 = arith.addf %get3A_590, %scan3A_582#0 : vector<16xf32>
        %mul3A_592 = arith.constant 4 : i32
        %mul3A_593 = arith.muli %scan3A_577, %mul3A_592 : i32
        %add3A_594 = arith.constant 0 : i32
        %add3A_595 = arith.addi %mul3A_593, %add3A_594 : i32
        %swap3A_596 = arith.index_cast %add3A_595 : i32 to index
        %swap3A_597 = arith.constant 0 : index
        %swap3A_598 = tpu.vector_load %arg21[%swap3A_596, %swap3A_597] {strides = array<i32>} : memref<32x16xf32, #tpu.memory_space<vmem>>, vector<1x16xf32>,
        %swap3A_599 = vector.shape_cast %swap3A_598 : vector<1x16xf32> to vector<16xf32>
        %swap3A_600 = vector.shape_cast %add3A_591 : vector<16xf32> to vector<1x16xf32>
        tpu.vector_store %arg21[%swap3A_596, %swap3A_597], %swap3A_600 {strides = array<i32>} : memref<32x16xf32, #tpu.memory_space<vmem>>, vector<1x16xf32>,
        %mul3A_601 = arith.constant 4 : i32
        %mul3A_602 = arith.muli %scan3A_577, %mul3A_601 : i32
        %add3A_603 = arith.constant 1 : i32
        %add3A_604 = arith.addi %mul3A_602, %add3A_603 : i32
        %get3A_605 = arith.index_cast %add3A_604 : i32 to index
        %get3A_606 = arith.constant 0 : index
        %get3A_607 = tpu.vector_load %arg21[%get3A_605, %get3A_606] {strides = array<i32>} : memref<32x16xf32, #tpu.memory_space<vmem>>, vector<1x16xf32>,
        %get3A_608 = vector.shape_cast %get3A_607 : vector<1x16xf32> to vector<16xf32>
        %add3A_609 = arith.addf %get3A_608, %scan3A_582#1 : vector<16xf32>
        %mul3A_610 = arith.constant 4 : i32
        %mul3A_611 = arith.muli %scan3A_577, %mul3A_610 : i32
        %add3A_612 = arith.constant 1 : i32
        %add3A_613 = arith.addi %mul3A_611, %add3A_612 : i32
        %swap3A_614 = arith.index_cast %add3A_613 : i32 to index
        %swap3A_615 = arith.constant 0 : index
        %swap3A_616 = tpu.vector_load %arg21[%swap3A_614, %swap3A_615] {strides = array<i32>} : memref<32x16xf32, #tpu.memory_space<vmem>>, vector<1x16xf32>,
        %swap3A_617 = vector.shape_cast %swap3A_616 : vector<1x16xf32> to vector<16xf32>
        %swap3A_618 = vector.shape_cast %add3A_609 : vector<16xf32> to vector<1x16xf32>
        tpu.vector_store %arg21[%swap3A_614, %swap3A_615], %swap3A_618 {strides = array<i32>} : memref<32x16xf32, #tpu.memory_space<vmem>>, vector<1x16xf32>,
        %mul3A_619 = arith.constant 4 : i32
        %mul3A_620 = arith.muli %scan3A_577, %mul3A_619 : i32
        %add3A_621 = arith.constant 2 : i32
        %add3A_622 = arith.addi %mul3A_620, %add3A_621 : i32
        %get3A_623 = arith.index_cast %add3A_622 : i32 to index
        %get3A_624 = arith.constant 0 : index
        %get3A_625 = tpu.vector_load %arg21[%get3A_623, %get3A_624] {strides = array<i32>} : memref<32x16xf32, #tpu.memory_space<vmem>>, vector<1x16xf32>,
        %get3A_626 = vector.shape_cast %get3A_625 : vector<1x16xf32> to vector<16xf32>
        %add3A_627 = arith.addf %get3A_626, %scan3A_582#2 : vector<16xf32>
        %mul3A_628 = arith.constant 4 : i32
        %mul3A_629 = arith.muli %scan3A_577, %mul3A_628 : i32
        %add3A_630 = arith.constant 2 : i32
        %add3A_631 = arith.addi %mul3A_629, %add3A_630 : i32
        %swap3A_632 = arith.index_cast %add3A_631 : i32 to index
        %swap3A_633 = arith.constant 0 : index
        %swap3A_634 = tpu.vector_load %arg21[%swap3A_632, %swap3A_633] {strides = array<i32>} : memref<32x16xf32, #tpu.memory_space<vmem>>, vector<1x16xf32>,
        %swap3A_635 = vector.shape_cast %swap3A_634 : vector<1x16xf32> to vector<16xf32>
        %swap3A_636 = vector.shape_cast %add3A_627 : vector<16xf32> to vector<1x16xf32>
        tpu.vector_store %arg21[%swap3A_632, %swap3A_633], %swap3A_636 {strides = array<i32>} : memref<32x16xf32, #tpu.memory_space<vmem>>, vector<1x16xf32>,
        %mul3A_637 = arith.constant 4 : i32
        %mul3A_638 = arith.muli %scan3A_577, %mul3A_637 : i32
        %add3A_639 = arith.constant 3 : i32
        %add3A_640 = arith.addi %mul3A_638, %add3A_639 : i32
        %get3A_641 = arith.index_cast %add3A_640 : i32 to index
        %get3A_642 = arith.constant 0 : index
        %get3A_643 = tpu.vector_load %arg21[%get3A_641, %get3A_642] {strides = array<i32>} : memref<32x16xf32, #tpu.memory_space<vmem>>, vector<1x16xf32>,
        %get3A_644 = vector.shape_cast %get3A_643 : vector<1x16xf32> to vector<16xf32>
        %add3A_645 = arith.addf %get3A_644, %scan3A_582#3 : vector<16xf32>
        %mul3A_646 = arith.constant 4 : i32
        %mul3A_647 = arith.muli %scan3A_577, %mul3A_646 : i32
        %add3A_648 = arith.constant 3 : i32
        %add3A_649 = arith.addi %mul3A_647, %add3A_648 : i32
        %swap3A_650 = arith.index_cast %add3A_649 : i32 to index
        %swap3A_651 = arith.constant 0 : index
        %swap3A_652 = tpu.vector_load %arg21[%swap3A_650, %swap3A_651] {strides = array<i32>} : memref<32x16xf32, #tpu.memory_space<vmem>>, vector<1x16xf32>,
        %swap3A_653 = vector.shape_cast %swap3A_652 : vector<1x16xf32> to vector<16xf32>
        %swap3A_654 = vector.shape_cast %add3A_645 : vector<16xf32> to vector<1x16xf32>
        tpu.vector_store %arg21[%swap3A_650, %swap3A_651], %swap3A_654 {strides = array<i32>} : memref<32x16xf32, #tpu.memory_space<vmem>>, vector<1x16xf32>,
      }
      %scan3A_576 = arith.constant 8 : i32
    }
    %scan3A_319 = arith.constant 4 : i32
    %mul3A_320 = arith.constant 16 : i32
    %mul3A_321 = arith.muli %add3A, %mul3A_320 : i32
    %add3A_322 = arith.constant 16 : i32
    %add3A_323 = arith.addi %mul3A_321, %add3A_322 : i32
    %jit3A_324 = arith.constant false
    %select_n3A_325 = arith.select %jit3A_324, %add3A_323, %add3A_5 : i32
    %dma_wait3A = arith.constant 0 : i32
    %dma_wait3A_326 = arith.constant 0 : i32
    %dma_wait3A_327 = arith.constant 0 : i32
    %dma_wait3A_328 = tpu.memref_slice %arg2[%dma_wait3A, %select_n3A_325, %dma_wait3A_326, %dma_wait3A_327] : memref<7x550x8x128xf32, #tpu.memory_space<hbm>> -> memref<7x2x8x128xf32, #tpu.memory_space<hbm>>
    %dma_wait3A_329 = arith.constant 0 : i32
    %dma_wait3A_330 = arith.constant 0 : i32
    %dma_wait3A_331 = arith.constant 0 : i32
    %dma_wait3A_332 = tpu.memref_slice %arg2[%dma_wait3A_329, %select_n3A_325, %dma_wait3A_330, %dma_wait3A_331] : memref<7x550x8x128xf32, #tpu.memory_space<hbm>> -> memref<7x2x8x128xf32, #tpu.memory_space<hbm>>
    tpu.wait_dma2 semaphore(%arg22 : memref<!tpu.dma_semaphore, #tpu.memory_space<semaphore_mem>>) src(%dma_wait3A_332 : memref<7x2x8x128xf32, #tpu.memory_space<hbm>>) dst(%arg9 : memref<7x2x8x128xf32, #tpu.memory_space<vmem>>)
    %dma_wait3A_333 = arith.constant 0 : i32
    %dma_wait3A_334 = arith.constant 0 : i32
    %dma_wait3A_335 = arith.constant 0 : i32
    %dma_wait3A_336 = tpu.memref_slice %arg5[%dma_wait3A_333, %select_n3A_325, %dma_wait3A_334, %dma_wait3A_335] : memref<7x550x8x128xf32, #tpu.memory_space<hbm>> -> memref<7x2x8x128xf32, #tpu.memory_space<hbm>>
    %dma_wait3A_337 = arith.constant 0 : i32
    %dma_wait3A_338 = arith.constant 0 : i32
    %dma_wait3A_339 = arith.constant 0 : i32
    %dma_wait3A_340 = tpu.memref_slice %arg5[%dma_wait3A_337, %select_n3A_325, %dma_wait3A_338, %dma_wait3A_339] : memref<7x550x8x128xf32, #tpu.memory_space<hbm>> -> memref<7x2x8x128xf32, #tpu.memory_space<hbm>>
    tpu.wait_dma2 semaphore(%arg22 : memref<!tpu.dma_semaphore, #tpu.memory_space<semaphore_mem>>) src(%dma_wait3A_340 : memref<7x2x8x128xf32, #tpu.memory_space<hbm>>) dst(%arg10 : memref<7x2x8x128xf32, #tpu.memory_space<vmem>>)
    %dma_wait3A_341 = arith.constant 6 : i32
    %dma_wait3A_342 = arith.constant 0 : i32
    %dma_wait3A_343 = arith.constant 0 : i32
    %dma_wait3A_344 = tpu.memref_slice %arg6[%dma_wait3A_341, %select_n3A_325, %dma_wait3A_342, %dma_wait3A_343] : memref<7x550x8x128xf32, #tpu.memory_space<hbm>> -> memref<1x2x8x128xf32, #tpu.memory_space<hbm>>
    %dma_wait3A_345 = tpu.memref_squeeze %dma_wait3A_344 : memref<1x2x8x128xf32, #tpu.memory_space<hbm>> -> memref<2x8x128xf32, #tpu.memory_space<hbm>>
    %dma_wait3A_346 = arith.constant 0 : i32
    %dma_wait3A_347 = arith.constant 0 : i32
    %dma_wait3A_348 = tpu.memref_slice %arg6[%dma_wait3A_341, %select_n3A_325, %dma_wait3A_346, %dma_wait3A_347] : memref<7x550x8x128xf32, #tpu.memory_space<hbm>> -> memref<1x2x8x128xf32, #tpu.memory_space<hbm>>
    %dma_wait3A_349 = tpu.memref_squeeze %dma_wait3A_348 : memref<1x2x8x128xf32, #tpu.memory_space<hbm>> -> memref<2x8x128xf32, #tpu.memory_space<hbm>>
    tpu.wait_dma2 semaphore(%arg22 : memref<!tpu.dma_semaphore, #tpu.memory_space<semaphore_mem>>) src(%dma_wait3A_349 : memref<2x8x128xf32, #tpu.memory_space<hbm>>) dst(%arg11 : memref<2x8x128xf32, #tpu.memory_space<vmem>>)
    %dma_wait3A_350 = arith.constant 0 : i32
    %dma_wait3A_351 = arith.constant 0 : i32
    %dma_wait3A_352 = arith.constant 0 : i32
    %dma_wait3A_353 = tpu.memref_slice %arg3[%dma_wait3A_351, %select_n3A_325, %dma_wait3A_350, %dma_wait3A_352] : memref<8x550x1x128xf32, #tpu.memory_space<hbm>> -> memref<8x2x1x128xf32, #tpu.memory_space<hbm>>
    %dma_wait3A_354 = tpu.memref_squeeze %dma_wait3A_353 : memref<8x2x1x128xf32, #tpu.memory_space<hbm>> -> memref<8x2x128xf32, #tpu.memory_space<hbm>>
    %dma_wait3A_355 = arith.constant 0 : i32
    %dma_wait3A_356 = arith.constant 0 : i32
    %dma_wait3A_357 = tpu.memref_slice %arg3[%dma_wait3A_355, %select_n3A_325, %dma_wait3A_350, %dma_wait3A_356] : memref<8x550x1x128xf32, #tpu.memory_space<hbm>> -> memref<8x2x1x128xf32, #tpu.memory_space<hbm>>
    %dma_wait3A_358 = tpu.memref_squeeze %dma_wait3A_357 : memref<8x2x1x128xf32, #tpu.memory_space<hbm>> -> memref<8x2x128xf32, #tpu.memory_space<hbm>>
    tpu.wait_dma2 semaphore(%arg22 : memref<!tpu.dma_semaphore, #tpu.memory_space<semaphore_mem>>) src(%dma_wait3A_358 : memref<8x2x128xf32, #tpu.memory_space<hbm>>) dst(%arg12 : memref<8x2x128xf32, #tpu.memory_space<vmem>>)
    %dma_wait3A_359 = arith.constant 0 : i32
    %dma_wait3A_360 = arith.constant 0 : i32
    %dma_wait3A_361 = arith.constant 0 : i32
    %dma_wait3A_362 = tpu.memref_slice %arg4[%dma_wait3A_359, %select_n3A_325, %dma_wait3A_360, %dma_wait3A_361] : memref<8x550x2x128xf32, #tpu.memory_space<hbm>> -> memref<8x2x2x128xf32, #tpu.memory_space<hbm>>
    %dma_wait3A_363 = arith.constant 0 : i32
    %dma_wait3A_364 = arith.constant 0 : i32
    %dma_wait3A_365 = arith.constant 0 : i32
    %dma_wait3A_366 = tpu.memref_slice %arg4[%dma_wait3A_363, %select_n3A_325, %dma_wait3A_364, %dma_wait3A_365] : memref<8x550x2x128xf32, #tpu.memory_space<hbm>> -> memref<8x2x2x128xf32, #tpu.memory_space<hbm>>
    tpu.wait_dma2 semaphore(%arg22 : memref<!tpu.dma_semaphore, #tpu.memory_space<semaphore_mem>>) src(%dma_wait3A_366 : memref<8x2x2x128xf32, #tpu.memory_space<hbm>>) dst(%arg13 : memref<8x2x2x128xf32, #tpu.memory_space<vmem>>)
    %dma_wait3A_367 = arith.constant 0 : i32
    %dma_wait3A_368 = arith.constant 0 : i32
    %dma_wait3A_369 = tpu.memref_slice %arg7[%select_n3A_325, %dma_wait3A_367, %dma_wait3A_368] : memref<550x8x128xi32, #tpu.memory_space<hbm>> -> memref<2x8x128xi32, #tpu.memory_space<hbm>>
    %dma_wait3A_370 = arith.constant 0 : i32
    %dma_wait3A_371 = arith.constant 0 : i32
    %dma_wait3A_372 = tpu.memref_slice %arg7[%select_n3A_325, %dma_wait3A_370, %dma_wait3A_371] : memref<550x8x128xi32, #tpu.memory_space<hbm>> -> memref<2x8x128xi32, #tpu.memory_space<hbm>>
    tpu.wait_dma2 semaphore(%arg22 : memref<!tpu.dma_semaphore, #tpu.memory_space<semaphore_mem>>) src(%dma_wait3A_372 : memref<2x8x128xi32, #tpu.memory_space<hbm>>) dst(%arg14 : memref<2x8x128xi32, #tpu.memory_space<vmem>>)
    %broadcast_in_dim3A_373 = arith.constant 0.000000e+00 : f32
    %broadcast_in_dim3A_374 = vector.broadcast %broadcast_in_dim3A_373 : f32 to vector<16xf32>
    %scan3A_375 = arith.constant 0 : i32
    %scan3A_376 = arith.constant 0 : i32
    %scan3A_377 = arith.constant 8 : i32
    %scan3A_378 = arith.addi %scan3A_376, %scan3A_377 : i32
    %scan3A_379 = arith.constant 1 : i32
    scf.for %scan3A_381 = %scan3A_376 to %scan3A_378 step %scan3A_379  : i32 {
      %scan3A_382 = arith.constant 0 : i32
      %scan3A_383 = arith.constant 8 : i32
      %scan3A_384 = arith.addi %scan3A_382, %scan3A_383 : i32
      %scan3A_385 = arith.constant 1 : i32
      %scan3A_386:4 = scf.for %scan3A_467 = %scan3A_382 to %scan3A_384 step %scan3A_385 iter_args(%scan3A_468 = %broadcast_in_dim3A_374, %scan3A_469 = %broadcast_in_dim3A_374, %scan3A_470 = %broadcast_in_dim3A_374, %scan3A_471 = %broadcast_in_dim3A_374) -> (vector<16xf32>, vector<16xf32>, vector<16xf32>, vector<16xf32>)  : i32 {
        %mul3A_472 = arith.constant 2 : i32
        %mul3A_473 = arith.muli %mul3A_472, %scan3A_467 : i32
        %add3A_474 = arith.constant 1 : i32
        %add3A_475 = arith.addi %mul3A_473, %add3A_474 : i32
        %mul3A_476 = arith.constant 2 : i32
        %mul3A_477 = arith.muli %mul3A_476, %scan3A_467 : i32
        %shift_right_logical3A = arith.constant 3 : i32
        %shift_right_logical3A_478 = arith.shrui %mul3A_477, %shift_right_logical3A : i32
        %and3A = arith.constant 7 : i32
        %and3A_479 = arith.andi %mul3A_477, %and3A : i32
        %mul3A_480 = arith.constant 16 : i32
        %mul3A_481 = arith.muli %and3A_479, %mul3A_480 : i32
        %get3A_482 = arith.index_cast %shift_right_logical3A_478 : i32 to index
        %get3A_483 = arith.index_cast %scan3A_381 : i32 to index
        %get3A_484 = arith.index_cast %mul3A_481 : i32 to index
        %get3A_485 = tpu.vector_load %arg14[%get3A_482, %get3A_483, %get3A_484] {strides = array<i32>} : memref<2x8x128xi32, #tpu.memory_space<vmem>>, vector<1x1x16xi32>,
        %get3A_486 = vector.shape_cast %get3A_485 : vector<1x1x16xi32> to vector<16xi32>
        %convert_element_type3A = arith.sitofp %get3A_486 : vector<16xi32> to vector<16xf32>
        %get3A_487 = arith.constant 0 : i32
        %get3A_488 = arith.index_cast %get3A_487 : i32 to index
        %get3A_489 = arith.index_cast %shift_right_logical3A_478 : i32 to index
        %get3A_490 = arith.index_cast %scan3A_381 : i32 to index
        %get3A_491 = arith.index_cast %mul3A_481 : i32 to index
        %get3A_492 = tpu.vector_load %arg9[%get3A_488, %get3A_489, %get3A_490, %get3A_491] {strides = array<i32>} : memref<7x2x8x128xf32, #tpu.memory_space<vmem>>, vector<1x1x1x16xf32>,
        %get3A_493 = vector.shape_cast %get3A_492 : vector<1x1x1x16xf32> to vector<16xf32>
        %get3A_494 = arith.constant 0 : i32
        %get3A_495 = arith.index_cast %get3A_494 : i32 to index
        %get3A_496 = arith.index_cast %shift_right_logical3A_478 : i32 to index
        %get3A_497 = arith.index_cast %scan3A_381 : i32 to index
        %get3A_498 = arith.index_cast %mul3A_481 : i32 to index
        %get3A_499 = tpu.vector_load %arg10[%get3A_495, %get3A_496, %get3A_497, %get3A_498] {strides = array<i32>} : memref<7x2x8x128xf32, #tpu.memory_space<vmem>>, vector<1x1x1x16xf32>,
        %get3A_500 = vector.shape_cast %get3A_499 : vector<1x1x1x16xf32> to vector<16xf32>
        %sub3A = arith.subf %get3A_493, %get3A_500 : vector<16xf32>
        %abs3A = math.absf %sub3A : vector<16xf32>
        %min3A_501 = arith.constant 0.111111112 : f32
        %min3A_502 = vector.broadcast %min3A_501 : f32 to vector<16xf32>
        %min3A_503 = arith.minimumf %abs3A, %min3A_502 : vector<16xf32>
        %mul3A_504 = arith.constant 4.500000e+00 : f32
        %mul3A_505 = vector.broadcast %mul3A_504 : f32 to vector<16xf32>
        %mul3A_506 = arith.mulf %mul3A_505, %min3A_503 : vector<16xf32>
        %mul3A_507 = arith.mulf %mul3A_506, %min3A_503 : vector<16xf32>
        %sub3A_508 = arith.subf %abs3A, %min3A_503 : vector<16xf32>
        %add3A_509 = arith.addf %mul3A_507, %sub3A_508 : vector<16xf32>
        %get3A_510 = arith.constant 1 : i32
        %get3A_511 = arith.index_cast %get3A_510 : i32 to index
        %get3A_512 = arith.index_cast %shift_right_logical3A_478 : i32 to index
        %get3A_513 = arith.index_cast %scan3A_381 : i32 to index
        %get3A_514 = arith.index_cast %mul3A_481 : i32 to index
        %get3A_515 = tpu.vector_load %arg9[%get3A_511, %get3A_512, %get3A_513, %get3A_514] {strides = array<i32>} : memref<7x2x8x128xf32, #tpu.memory_space<vmem>>, vector<1x1x1x16xf32>,
        %get3A_516 = vector.shape_cast %get3A_515 : vector<1x1x1x16xf32> to vector<16xf32>
        %get3A_517 = arith.constant 1 : i32
        %get3A_518 = arith.index_cast %get3A_517 : i32 to index
        %get3A_519 = arith.index_cast %shift_right_logical3A_478 : i32 to index
        %get3A_520 = arith.index_cast %scan3A_381 : i32 to index
        %get3A_521 = arith.index_cast %mul3A_481 : i32 to index
        %get3A_522 = tpu.vector_load %arg10[%get3A_518, %get3A_519, %get3A_520, %get3A_521] {strides = array<i32>} : memref<7x2x8x128xf32, #tpu.memory_space<vmem>>, vector<1x1x1x16xf32>,
        %get3A_523 = vector.shape_cast %get3A_522 : vector<1x1x1x16xf32> to vector<16xf32>
        %sub3A_524 = arith.subf %get3A_516, %get3A_523 : vector<16xf32>
        %abs3A_525 = math.absf %sub3A_524 : vector<16xf32>
        %min3A_526 = arith.constant 0.111111112 : f32
        %min3A_527 = vector.broadcast %min3A_526 : f32 to vector<16xf32>
        %min3A_528 = arith.minimumf %abs3A_525, %min3A_527 : vector<16xf32>
        %mul3A_529 = arith.constant 4.500000e+00 : f32
        %mul3A_530 = vector.broadcast %mul3A_529 : f32 to vector<16xf32>
        %mul3A_531 = arith.mulf %mul3A_530, %min3A_528 : vector<16xf32>
        %mul3A_532 = arith.mulf %mul3A_531, %min3A_528 : vector<16xf32>
        %sub3A_533 = arith.subf %abs3A_525, %min3A_528 : vector<16xf32>
        %add3A_534 = arith.addf %mul3A_532, %sub3A_533 : vector<16xf32>
        %add3A_535 = arith.addf %add3A_509, %add3A_534 : vector<16xf32>
        %get3A_536 = arith.constant 2 : i32
        %get3A_537 = arith.index_cast %get3A_536 : i32 to index
        %get3A_538 = arith.index_cast %shift_right_logical3A_478 : i32 to index
        %get3A_539 = arith.index_cast %scan3A_381 : i32 to index
        %get3A_540 = arith.index_cast %mul3A_481 : i32 to index
        %get3A_541 = tpu.vector_load %arg9[%get3A_537, %get3A_538, %get3A_539, %get3A_540] {strides = array<i32>} : memref<7x2x8x128xf32, #tpu.memory_space<vmem>>, vector<1x1x1x16xf32>,
        %get3A_542 = vector.shape_cast %get3A_541 : vector<1x1x1x16xf32> to vector<16xf32>
        %get3A_543 = arith.constant 2 : i32
        %get3A_544 = arith.index_cast %get3A_543 : i32 to index
        %get3A_545 = arith.index_cast %shift_right_logical3A_478 : i32 to index
        %get3A_546 = arith.index_cast %scan3A_381 : i32 to index
        %get3A_547 = arith.index_cast %mul3A_481 : i32 to index
        %get3A_548 = tpu.vector_load %arg10[%get3A_544, %get3A_545, %get3A_546, %get3A_547] {strides = array<i32>} : memref<7x2x8x128xf32, #tpu.memory_space<vmem>>, vector<1x1x1x16xf32>,
        %get3A_549 = vector.shape_cast %get3A_548 : vector<1x1x1x16xf32> to vector<16xf32>
        %sub3A_550 = arith.subf %get3A_542, %get3A_549 : vector<16xf32>
        %abs3A_551 = math.absf %sub3A_550 : vector<16xf32>
        %min3A_552 = arith.constant 0.111111112 : f32
        %min3A_553 = vector.broadcast %min3A_552 : f32 to vector<16xf32>
        %min3A_554 = arith.minimumf %abs3A_551, %min3A_553 : vector<16xf32>
        %mul3A_555 = arith.constant 4.500000e+00 : f32
        %mul3A_556 = vector.broadcast %mul3A_555 : f32 to vector<16xf32>
        %mul3A_557 = arith.mulf %mul3A_556, %min3A_554 : vector<16xf32>
        %mul3A_558 = arith.mulf %mul3A_557, %min3A_554 : vector<16xf32>
        %sub3A_559 = arith.subf %abs3A_551, %min3A_554 : vector<16xf32>
        %add3A_560 = arith.addf %mul3A_558, %sub3A_559 : vector<16xf32>
        %add3A_561 = arith.addf %add3A_535, %add3A_560 : vector<16xf32>
        %get3A_562 = arith.constant 3 : i32
        %get3A_563 = arith.index_cast %get3A_562 : i32 to index
        %get3A_564 = arith.index_cast %shift_right_logical3A_478 : i32 to index
        %get3A_565 = arith.index_cast %scan3A_381 : i32 to index
        %get3A_566 = arith.index_cast %mul3A_481 : i32 to index
        %get3A_567 = tpu.vector_load %arg9[%get3A_563, %get3A_564, %get3A_565, %get3A_566] {strides = array<i32>} : memref<7x2x8x128xf32, #tpu.memory_space<vmem>>, vector<1x1x1x16xf32>,
        %get3A_568 = vector.shape_cast %get3A_567 : vector<1x1x1x16xf32> to vector<16xf32>
        %get3A_569 = arith.constant 3 : i32
        %get3A_570 = arith.index_cast %get3A_569 : i32 to index
        %get3A_571 = arith.index_cast %shift_right_logical3A_478 : i32 to index
        %get3A_572 = arith.index_cast %scan3A_381 : i32 to index
        %get3A_573 = arith.index_cast %mul3A_481 : i32 to index
        %get3A_574 = tpu.vector_load %arg10[%get3A_570, %get3A_571, %get3A_572, %get3A_573] {strides = array<i32>} : memref<7x2x8x128xf32, #tpu.memory_space<vmem>>, vector<1x1x1x16xf32>,
        %get3A_575 = vector.shape_cast %get3A_574 : vector<1x1x1x16xf32> to vector<16xf32>
        %sub3A_576 = arith.subf %get3A_568, %get3A_575 : vector<16xf32>
        %abs3A_577 = math.absf %sub3A_576 : vector<16xf32>
        %min3A_578 = arith.constant 0.111111112 : f32
        %min3A_579 = vector.broadcast %min3A_578 : f32 to vector<16xf32>
        %min3A_580 = arith.minimumf %abs3A_577, %min3A_579 : vector<16xf32>
        %mul3A_581 = arith.constant 4.500000e+00 : f32
        %mul3A_582 = vector.broadcast %mul3A_581 : f32 to vector<16xf32>
        %mul3A_583 = arith.mulf %mul3A_582, %min3A_580 : vector<16xf32>
        %mul3A_584 = arith.mulf %mul3A_583, %min3A_580 : vector<16xf32>
        %sub3A_585 = arith.subf %abs3A_577, %min3A_580 : vector<16xf32>
        %add3A_586 = arith.addf %mul3A_584, %sub3A_585 : vector<16xf32>
        %add3A_587 = arith.addf %add3A_561, %add3A_586 : vector<16xf32>
        %get3A_588 = arith.constant 4 : i32
        %get3A_589 = arith.index_cast %get3A_588 : i32 to index
        %get3A_590 = arith.index_cast %shift_right_logical3A_478 : i32 to index
        %get3A_591 = arith.index_cast %scan3A_381 : i32 to index
        %get3A_592 = arith.index_cast %mul3A_481 : i32 to index
        %get3A_593 = tpu.vector_load %arg9[%get3A_589, %get3A_590, %get3A_591, %get3A_592] {strides = array<i32>} : memref<7x2x8x128xf32, #tpu.memory_space<vmem>>, vector<1x1x1x16xf32>,
        %get3A_594 = vector.shape_cast %get3A_593 : vector<1x1x1x16xf32> to vector<16xf32>
        %get3A_595 = arith.constant 4 : i32
        %get3A_596 = arith.index_cast %get3A_595 : i32 to index
        %get3A_597 = arith.index_cast %shift_right_logical3A_478 : i32 to index
        %get3A_598 = arith.index_cast %scan3A_381 : i32 to index
        %get3A_599 = arith.index_cast %mul3A_481 : i32 to index
        %get3A_600 = tpu.vector_load %arg10[%get3A_596, %get3A_597, %get3A_598, %get3A_599] {strides = array<i32>} : memref<7x2x8x128xf32, #tpu.memory_space<vmem>>, vector<1x1x1x16xf32>,
        %get3A_601 = vector.shape_cast %get3A_600 : vector<1x1x1x16xf32> to vector<16xf32>
        %sub3A_602 = arith.subf %get3A_594, %get3A_601 : vector<16xf32>
        %abs3A_603 = math.absf %sub3A_602 : vector<16xf32>
        %min3A_604 = arith.constant 0.111111112 : f32
        %min3A_605 = vector.broadcast %min3A_604 : f32 to vector<16xf32>
        %min3A_606 = arith.minimumf %abs3A_603, %min3A_605 : vector<16xf32>
        %mul3A_607 = arith.constant 4.500000e+00 : f32
        %mul3A_608 = vector.broadcast %mul3A_607 : f32 to vector<16xf32>
        %mul3A_609 = arith.mulf %mul3A_608, %min3A_606 : vector<16xf32>
        %mul3A_610 = arith.mulf %mul3A_609, %min3A_606 : vector<16xf32>
        %sub3A_611 = arith.subf %abs3A_603, %min3A_606 : vector<16xf32>
        %add3A_612 = arith.addf %mul3A_610, %sub3A_611 : vector<16xf32>
        %add3A_613 = arith.addf %add3A_587, %add3A_612 : vector<16xf32>
        %get3A_614 = arith.constant 5 : i32
        %get3A_615 = arith.index_cast %get3A_614 : i32 to index
        %get3A_616 = arith.index_cast %shift_right_logical3A_478 : i32 to index
        %get3A_617 = arith.index_cast %scan3A_381 : i32 to index
        %get3A_618 = arith.index_cast %mul3A_481 : i32 to index
        %get3A_619 = tpu.vector_load %arg9[%get3A_615, %get3A_616, %get3A_617, %get3A_618] {strides = array<i32>} : memref<7x2x8x128xf32, #tpu.memory_space<vmem>>, vector<1x1x1x16xf32>,
        %get3A_620 = vector.shape_cast %get3A_619 : vector<1x1x1x16xf32> to vector<16xf32>
        %get3A_621 = arith.constant 5 : i32
        %get3A_622 = arith.index_cast %get3A_621 : i32 to index
        %get3A_623 = arith.index_cast %shift_right_logical3A_478 : i32 to index
        %get3A_624 = arith.index_cast %scan3A_381 : i32 to index
        %get3A_625 = arith.index_cast %mul3A_481 : i32 to index
        %get3A_626 = tpu.vector_load %arg10[%get3A_622, %get3A_623, %get3A_624, %get3A_625] {strides = array<i32>} : memref<7x2x8x128xf32, #tpu.memory_space<vmem>>, vector<1x1x1x16xf32>,
        %get3A_627 = vector.shape_cast %get3A_626 : vector<1x1x1x16xf32> to vector<16xf32>
        %sub3A_628 = arith.subf %get3A_620, %get3A_627 : vector<16xf32>
        %abs3A_629 = math.absf %sub3A_628 : vector<16xf32>
        %min3A_630 = arith.constant 0.111111112 : f32
        %min3A_631 = vector.broadcast %min3A_630 : f32 to vector<16xf32>
        %min3A_632 = arith.minimumf %abs3A_629, %min3A_631 : vector<16xf32>
        %mul3A_633 = arith.constant 4.500000e+00 : f32
        %mul3A_634 = vector.broadcast %mul3A_633 : f32 to vector<16xf32>
        %mul3A_635 = arith.mulf %mul3A_634, %min3A_632 : vector<16xf32>
        %mul3A_636 = arith.mulf %mul3A_635, %min3A_632 : vector<16xf32>
        %sub3A_637 = arith.subf %abs3A_629, %min3A_632 : vector<16xf32>
        %add3A_638 = arith.addf %mul3A_636, %sub3A_637 : vector<16xf32>
        %add3A_639 = arith.addf %add3A_613, %add3A_638 : vector<16xf32>
        %get3A_640 = arith.constant 6 : i32
        %get3A_641 = arith.index_cast %get3A_640 : i32 to index
        %get3A_642 = arith.index_cast %shift_right_logical3A_478 : i32 to index
        %get3A_643 = arith.index_cast %scan3A_381 : i32 to index
        %get3A_644 = arith.index_cast %mul3A_481 : i32 to index
        %get3A_645 = tpu.vector_load %arg10[%get3A_641, %get3A_642, %get3A_643, %get3A_644] {strides = array<i32>} : memref<7x2x8x128xf32, #tpu.memory_space<vmem>>, vector<1x1x1x16xf32>,
        %get3A_646 = vector.shape_cast %get3A_645 : vector<1x1x1x16xf32> to vector<16xf32>
        %get3A_647 = arith.constant 6 : i32
        %get3A_648 = arith.index_cast %get3A_647 : i32 to index
        %get3A_649 = arith.index_cast %shift_right_logical3A_478 : i32 to index
        %get3A_650 = arith.index_cast %scan3A_381 : i32 to index
        %get3A_651 = arith.index_cast %mul3A_481 : i32 to index
        %get3A_652 = tpu.vector_load %arg9[%get3A_648, %get3A_649, %get3A_650, %get3A_651] {strides = array<i32>} : memref<7x2x8x128xf32, #tpu.memory_space<vmem>>, vector<1x1x1x16xf32>,
        %get3A_653 = vector.shape_cast %get3A_652 : vector<1x1x1x16xf32> to vector<16xf32>
        %sub3A_654 = arith.subf %get3A_653, %get3A_646 : vector<16xf32>
        %mul3A_655 = arith.constant 0.159154937 : f32
        %mul3A_656 = vector.broadcast %mul3A_655 : f32 to vector<16xf32>
        %mul3A_657 = arith.mulf %sub3A_654, %mul3A_656 : vector<16xf32>
        %add3A_658 = arith.constant 5.000000e-01 : f32
        %add3A_659 = vector.broadcast %add3A_658 : f32 to vector<16xf32>
        %add3A_660 = arith.addf %mul3A_657, %add3A_659 : vector<16xf32>
        %convert_element_type3A_661 = arith.fptosi %add3A_660 : vector<16xf32> to vector<16xi32>
        %convert_element_type3A_662 = arith.sitofp %convert_element_type3A_661 : vector<16xi32> to vector<16xf32>
        %gt3A = arith.cmpf ogt, %convert_element_type3A_662, %add3A_660 : vector<16xf32>
        %sub3A_663 = arith.constant 1.000000e+00 : f32
        %sub3A_664 = vector.broadcast %sub3A_663 : f32 to vector<16xf32>
        %sub3A_665 = arith.subf %convert_element_type3A_662, %sub3A_664 : vector<16xf32>
        %select_n3A_666 = arith.select %gt3A, %sub3A_665, %convert_element_type3A_662 : vector<16xi1>, vector<16xf32>
        %mul3A_667 = arith.constant 6.28318548 : f32
        %mul3A_668 = vector.broadcast %mul3A_667 : f32 to vector<16xf32>
        %mul3A_669 = arith.mulf %select_n3A_666, %mul3A_668 : vector<16xf32>
        %sub3A_670 = arith.subf %sub3A_654, %mul3A_669 : vector<16xf32>
        %mul3A_671 = arith.mulf %sub3A_670, %sub3A_670 : vector<16xf32>
        %broadcast_in_dim3A_672 = arith.constant -1.47736457E-4 : f32
        %broadcast_in_dim3A_673 = vector.broadcast %broadcast_in_dim3A_672 : f32 to vector<16xf32>
        %mul3A_674 = arith.mulf %broadcast_in_dim3A_673, %mul3A_671 : vector<16xf32>
        %add3A_675 = arith.constant 0.0079985205 : f32
        %add3A_676 = vector.broadcast %add3A_675 : f32 to vector<16xf32>
        %add3A_677 = arith.addf %mul3A_674, %add3A_676 : vector<16xf32>
        %mul3A_678 = arith.mulf %add3A_677, %mul3A_671 : vector<16xf32>
        %add3A_679 = arith.constant -0.165838227 : f32
        %add3A_680 = vector.broadcast %add3A_679 : f32 to vector<16xf32>
        %add3A_681 = arith.addf %mul3A_678, %add3A_680 : vector<16xf32>
        %mul3A_682 = arith.mulf %add3A_681, %mul3A_671 : vector<16xf32>
        %add3A_683 = arith.constant 0.999449968 : f32
        %add3A_684 = vector.broadcast %add3A_683 : f32 to vector<16xf32>
        %add3A_685 = arith.addf %mul3A_682, %add3A_684 : vector<16xf32>
        %mul3A_686 = arith.mulf %sub3A_670, %add3A_685 : vector<16xf32>
        %abs3A_687 = math.absf %mul3A_686 : vector<16xf32>
        %min3A_688 = arith.constant 0.111111112 : f32
        %min3A_689 = vector.broadcast %min3A_688 : f32 to vector<16xf32>
        %min3A_690 = arith.minimumf %abs3A_687, %min3A_689 : vector<16xf32>
        %mul3A_691 = arith.constant 4.500000e+00 : f32
        %mul3A_692 = vector.broadcast %mul3A_691 : f32 to vector<16xf32>
        %mul3A_693 = arith.mulf %mul3A_692, %min3A_690 : vector<16xf32>
        %mul3A_694 = arith.mulf %mul3A_693, %min3A_690 : vector<16xf32>
        %sub3A_695 = arith.subf %abs3A_687, %min3A_690 : vector<16xf32>
        %add3A_696 = arith.addf %mul3A_694, %sub3A_695 : vector<16xf32>
        %add3A_697 = arith.addf %add3A_639, %add3A_696 : vector<16xf32>
        %mul3A_698 = arith.mulf %add3A_697, %convert_element_type3A : vector<16xf32>
        %add3A_699 = arith.addf %scan3A_468, %mul3A_698 : vector<16xf32>
        %get3A_700 = arith.index_cast %scan3A_381 : i32 to index
        %get3A_701 = arith.index_cast %shift_right_logical3A_478 : i32 to index
        %get3A_702 = arith.index_cast %mul3A_481 : i32 to index
        %get3A_703 = tpu.vector_load %arg12[%get3A_700, %get3A_701, %get3A_702] {strides = array<i32>} : memref<8x2x128xf32, #tpu.memory_space<vmem>>, vector<1x1x16xf32>,
        %get3A_704 = vector.shape_cast %get3A_703 : vector<1x1x16xf32> to vector<16xf32>
        %abs3A_705 = math.absf %get3A_704 : vector<16xf32>
        %neg3A = arith.constant 0.000000e+00 : f32
        %neg3A_706 = vector.broadcast %neg3A : f32 to vector<16xf32>
        %neg3A_707 = arith.subf %neg3A_706, %abs3A_705 : vector<16xf32>
        %exp3A = math.exp %neg3A_707 : vector<16xf32>
        %max3A = arith.constant 0.000000e+00 : f32
        %max3A_708 = vector.broadcast %max3A : f32 to vector<16xf32>
        %max3A_709 = arith.maximumf %get3A_704, %max3A_708 : vector<16xf32>
        %mul3A_710 = arith.mulf %get3A_704, %convert_element_type3A : vector<16xf32>
        %sub3A_711 = arith.subf %max3A_709, %mul3A_710 : vector<16xf32>
        %broadcast_in_dim3A_712 = arith.constant 0.0301026255 : f32
        %broadcast_in_dim3A_713 = vector.broadcast %broadcast_in_dim3A_712 : f32 to vector<16xf32>
        %mul3A_714 = arith.mulf %broadcast_in_dim3A_713, %exp3A : vector<16xf32>
        %add3A_715 = arith.constant -0.130119413 : f32
        %add3A_716 = vector.broadcast %add3A_715 : f32 to vector<16xf32>
        %add3A_717 = arith.addf %mul3A_714, %add3A_716 : vector<16xf32>
        %mul3A_718 = arith.mulf %add3A_717, %exp3A : vector<16xf32>
        %add3A_719 = arith.constant 0.283304334 : f32
        %add3A_720 = vector.broadcast %add3A_719 : f32 to vector<16xf32>
        %add3A_721 = arith.addf %mul3A_718, %add3A_720 : vector<16xf32>
        %mul3A_722 = arith.mulf %add3A_721, %exp3A : vector<16xf32>
        %add3A_723 = arith.constant -0.489156842 : f32
        %add3A_724 = vector.broadcast %add3A_723 : f32 to vector<16xf32>
        %add3A_725 = arith.addf %mul3A_722, %add3A_724 : vector<16xf32>
        %mul3A_726 = arith.mulf %add3A_725, %exp3A : vector<16xf32>
        %add3A_727 = arith.constant 0.999010443 : f32
        %add3A_728 = vector.broadcast %add3A_727 : f32 to vector<16xf32>
        %add3A_729 = arith.addf %mul3A_726, %add3A_728 : vector<16xf32>
        %mul3A_730 = arith.mulf %add3A_729, %exp3A : vector<16xf32>
        %add3A_731 = arith.constant 2.21170303E-5 : f32
        %add3A_732 = vector.broadcast %add3A_731 : f32 to vector<16xf32>
        %add3A_733 = arith.addf %mul3A_730, %add3A_732 : vector<16xf32>
        %add3A_734 = arith.addf %sub3A_711, %add3A_733 : vector<16xf32>
        %add3A_735 = arith.constant 1.000000e+00 : f32
        %add3A_736 = vector.broadcast %add3A_735 : f32 to vector<16xf32>
        %add3A_737 = arith.addf %add3A_736, %exp3A : vector<16xf32>
        %div3A = arith.constant 1.000000e+00 : f32
        %div3A_738 = vector.broadcast %div3A : f32 to vector<16xf32>
        %div3A_739 = arith.divf %div3A_738, %add3A_737 : vector<16xf32>
        %ge3A = arith.constant 0.000000e+00 : f32
        %ge3A_740 = vector.broadcast %ge3A : f32 to vector<16xf32>
        %ge3A_741 = arith.cmpf oge, %get3A_704, %ge3A_740 : vector<16xf32>
        %mul3A_742 = arith.mulf %exp3A, %div3A_739 : vector<16xf32>
        %select_n3A_743 = arith.select %ge3A_741, %div3A_739, %mul3A_742 : vector<16xi1>, vector<16xf32>
        %gt3A_744 = arith.constant 5.000000e-01 : f32
        %gt3A_745 = vector.broadcast %gt3A_744 : f32 to vector<16xf32>
        %gt3A_746 = arith.cmpf ogt, %convert_element_type3A, %gt3A_745 : vector<16xf32>
        %sub3A_747 = arith.constant 1.000000e+00 : f32
        %sub3A_748 = vector.broadcast %sub3A_747 : f32 to vector<16xf32>
        %sub3A_749 = arith.subf %sub3A_748, %select_n3A_743 : vector<16xf32>
        %select_n3A_750 = arith.select %gt3A_746, %select_n3A_743, %sub3A_749 : vector<16xi1>, vector<16xf32>
        %sub3A_751 = arith.constant 1.000000e+00 : f32
        %sub3A_752 = vector.broadcast %sub3A_751 : f32 to vector<16xf32>
        %sub3A_753 = arith.subf %sub3A_752, %select_n3A_750 : vector<16xf32>
        %mul3A_754 = arith.constant 5.000000e-01 : f32
        %mul3A_755 = vector.broadcast %mul3A_754 : f32 to vector<16xf32>
        %mul3A_756 = arith.mulf %mul3A_755, %convert_element_type3A : vector<16xf32>
        %sub3A_757 = arith.constant 7.500000e-01 : f32
        %sub3A_758 = vector.broadcast %sub3A_757 : f32 to vector<16xf32>
        %sub3A_759 = arith.subf %sub3A_758, %mul3A_756 : vector<16xf32>
        %mul3A_760 = arith.mulf %sub3A_753, %sub3A_753 : vector<16xf32>
        %mul3A_761 = arith.mulf %mul3A_760, %sub3A_759 : vector<16xf32>
        %mul3A_762 = arith.mulf %mul3A_761, %add3A_734 : vector<16xf32>
        %add3A_763 = arith.addf %scan3A_469, %mul3A_762 : vector<16xf32>
        %get3A_764 = arith.index_cast %shift_right_logical3A_478 : i32 to index
        %get3A_765 = arith.index_cast %scan3A_381 : i32 to index
        %get3A_766 = arith.index_cast %mul3A_481 : i32 to index
        %get3A_767 = tpu.vector_load %arg11[%get3A_764, %get3A_765, %get3A_766] {strides = array<i32>} : memref<2x8x128xf32, #tpu.memory_space<vmem>>, vector<1x1x16xf32>,
        %get3A_768 = vector.shape_cast %get3A_767 : vector<1x1x16xf32> to vector<16xf32>
        %add3A_769 = arith.addf %get3A_646, %get3A_768 : vector<16xf32>
        %mul3A_770 = arith.constant 0.159154937 : f32
        %mul3A_771 = vector.broadcast %mul3A_770 : f32 to vector<16xf32>
        %mul3A_772 = arith.mulf %add3A_769, %mul3A_771 : vector<16xf32>
        %convert_element_type3A_773 = arith.fptosi %mul3A_772 : vector<16xf32> to vector<16xi32>
        %convert_element_type3A_774 = arith.sitofp %convert_element_type3A_773 : vector<16xi32> to vector<16xf32>
        %gt3A_775 = arith.cmpf ogt, %convert_element_type3A_774, %mul3A_772 : vector<16xf32>
        %sub3A_776 = arith.constant 1.000000e+00 : f32
        %sub3A_777 = vector.broadcast %sub3A_776 : f32 to vector<16xf32>
        %sub3A_778 = arith.subf %convert_element_type3A_774, %sub3A_777 : vector<16xf32>
        %select_n3A_779 = arith.select %gt3A_775, %sub3A_778, %convert_element_type3A_774 : vector<16xi1>, vector<16xf32>
        %sub3A_780 = arith.subf %mul3A_772, %select_n3A_779 : vector<16xf32>
        %ge3A_781 = arith.constant 5.000000e-01 : f32
        %ge3A_782 = vector.broadcast %ge3A_781 : f32 to vector<16xf32>
        %ge3A_783 = arith.cmpf oge, %sub3A_780, %ge3A_782 : vector<16xf32>
        %get3A_784 = arith.constant 0 : i32
        %get3A_785 = arith.index_cast %scan3A_381 : i32 to index
        %get3A_786 = arith.index_cast %shift_right_logical3A_478 : i32 to index
        %get3A_787 = arith.index_cast %get3A_784 : i32 to index
        %get3A_788 = arith.index_cast %mul3A_481 : i32 to index
        %get3A_789 = tpu.vector_load %arg13[%get3A_785, %get3A_786, %get3A_787, %get3A_788] {strides = array<i32>} : memref<8x2x2x128xf32, #tpu.memory_space<vmem>>, vector<1x1x1x16xf32>,
        %get3A_790 = vector.shape_cast %get3A_789 : vector<1x1x1x16xf32> to vector<16xf32>
        %get3A_791 = arith.constant 1 : i32
        %get3A_792 = arith.index_cast %scan3A_381 : i32 to index
        %get3A_793 = arith.index_cast %shift_right_logical3A_478 : i32 to index
        %get3A_794 = arith.index_cast %get3A_791 : i32 to index
        %get3A_795 = arith.index_cast %mul3A_481 : i32 to index
        %get3A_796 = tpu.vector_load %arg13[%get3A_792, %get3A_793, %get3A_794, %get3A_795] {strides = array<i32>} : memref<8x2x2x128xf32, #tpu.memory_space<vmem>>, vector<1x1x1x16xf32>,
        %get3A_797 = vector.shape_cast %get3A_796 : vector<1x1x1x16xf32> to vector<16xf32>
        %max3A_798 = arith.maximumf %get3A_790, %get3A_797 : vector<16xf32>
        %sub3A_799 = arith.subf %get3A_790, %get3A_797 : vector<16xf32>
        %abs3A_800 = math.absf %sub3A_799 : vector<16xf32>
        %neg3A_801 = arith.constant 0.000000e+00 : f32
        %neg3A_802 = vector.broadcast %neg3A_801 : f32 to vector<16xf32>
        %neg3A_803 = arith.subf %neg3A_802, %abs3A_800 : vector<16xf32>
        %exp3A_804 = math.exp %neg3A_803 : vector<16xf32>
        %broadcast_in_dim3A_805 = arith.constant 0.0301026255 : f32
        %broadcast_in_dim3A_806 = vector.broadcast %broadcast_in_dim3A_805 : f32 to vector<16xf32>
        %mul3A_807 = arith.mulf %broadcast_in_dim3A_806, %exp3A_804 : vector<16xf32>
        %add3A_808 = arith.constant -0.130119413 : f32
        %add3A_809 = vector.broadcast %add3A_808 : f32 to vector<16xf32>
        %add3A_810 = arith.addf %mul3A_807, %add3A_809 : vector<16xf32>
        %mul3A_811 = arith.mulf %add3A_810, %exp3A_804 : vector<16xf32>
        %add3A_812 = arith.constant 0.283304334 : f32
        %add3A_813 = vector.broadcast %add3A_812 : f32 to vector<16xf32>
        %add3A_814 = arith.addf %mul3A_811, %add3A_813 : vector<16xf32>
        %mul3A_815 = arith.mulf %add3A_814, %exp3A_804 : vector<16xf32>
        %add3A_816 = arith.constant -0.489156842 : f32
        %add3A_817 = vector.broadcast %add3A_816 : f32 to vector<16xf32>
        %add3A_818 = arith.addf %mul3A_815, %add3A_817 : vector<16xf32>
        %mul3A_819 = arith.mulf %add3A_818, %exp3A_804 : vector<16xf32>
        %add3A_820 = arith.constant 0.999010443 : f32
        %add3A_821 = vector.broadcast %add3A_820 : f32 to vector<16xf32>
        %add3A_822 = arith.addf %mul3A_819, %add3A_821 : vector<16xf32>
        %mul3A_823 = arith.mulf %add3A_822, %exp3A_804 : vector<16xf32>
        %add3A_824 = arith.constant 2.21170303E-5 : f32
        %add3A_825 = vector.broadcast %add3A_824 : f32 to vector<16xf32>
        %add3A_826 = arith.addf %mul3A_823, %add3A_825 : vector<16xf32>
        %add3A_827 = arith.addf %max3A_798, %add3A_826 : vector<16xf32>
        %select_n3A_828 = arith.select %ge3A_783, %get3A_797, %get3A_790 : vector<16xi1>, vector<16xf32>
        %sub3A_829 = arith.subf %add3A_827, %select_n3A_828 : vector<16xf32>
        %mul3A_830 = arith.mulf %sub3A_829, %convert_element_type3A : vector<16xf32>
        %add3A_831 = arith.addf %scan3A_470, %mul3A_830 : vector<16xf32>
        %add3A_832 = arith.addf %scan3A_471, %convert_element_type3A : vector<16xf32>
        %shift_right_logical3A_833 = arith.constant 3 : i32
        %shift_right_logical3A_834 = arith.shrui %add3A_475, %shift_right_logical3A_833 : i32
        %and3A_835 = arith.constant 7 : i32
        %and3A_836 = arith.andi %add3A_475, %and3A_835 : i32
        %mul3A_837 = arith.constant 16 : i32
        %mul3A_838 = arith.muli %and3A_836, %mul3A_837 : i32
        %get3A_839 = arith.index_cast %shift_right_logical3A_834 : i32 to index
        %get3A_840 = arith.index_cast %scan3A_381 : i32 to index
        %get3A_841 = arith.index_cast %mul3A_838 : i32 to index
        %get3A_842 = tpu.vector_load %arg14[%get3A_839, %get3A_840, %get3A_841] {strides = array<i32>} : memref<2x8x128xi32, #tpu.memory_space<vmem>>, vector<1x1x16xi32>,
        %get3A_843 = vector.shape_cast %get3A_842 : vector<1x1x16xi32> to vector<16xi32>
        %convert_element_type3A_844 = arith.sitofp %get3A_843 : vector<16xi32> to vector<16xf32>
        %get3A_845 = arith.constant 0 : i32
        %get3A_846 = arith.index_cast %get3A_845 : i32 to index
        %get3A_847 = arith.index_cast %shift_right_logical3A_834 : i32 to index
        %get3A_848 = arith.index_cast %scan3A_381 : i32 to index
        %get3A_849 = arith.index_cast %mul3A_838 : i32 to index
        %get3A_850 = tpu.vector_load %arg9[%get3A_846, %get3A_847, %get3A_848, %get3A_849] {strides = array<i32>} : memref<7x2x8x128xf32, #tpu.memory_space<vmem>>, vector<1x1x1x16xf32>,
        %get3A_851 = vector.shape_cast %get3A_850 : vector<1x1x1x16xf32> to vector<16xf32>
        %get3A_852 = arith.constant 0 : i32
        %get3A_853 = arith.index_cast %get3A_852 : i32 to index
        %get3A_854 = arith.index_cast %shift_right_logical3A_834 : i32 to index
        %get3A_855 = arith.index_cast %scan3A_381 : i32 to index
        %get3A_856 = arith.index_cast %mul3A_838 : i32 to index
        %get3A_857 = tpu.vector_load %arg10[%get3A_853, %get3A_854, %get3A_855, %get3A_856] {strides = array<i32>} : memref<7x2x8x128xf32, #tpu.memory_space<vmem>>, vector<1x1x1x16xf32>,
        %get3A_858 = vector.shape_cast %get3A_857 : vector<1x1x1x16xf32> to vector<16xf32>
        %sub3A_859 = arith.subf %get3A_851, %get3A_858 : vector<16xf32>
        %abs3A_860 = math.absf %sub3A_859 : vector<16xf32>
        %min3A_861 = arith.constant 0.111111112 : f32
        %min3A_862 = vector.broadcast %min3A_861 : f32 to vector<16xf32>
        %min3A_863 = arith.minimumf %abs3A_860, %min3A_862 : vector<16xf32>
        %mul3A_864 = arith.constant 4.500000e+00 : f32
        %mul3A_865 = vector.broadcast %mul3A_864 : f32 to vector<16xf32>
        %mul3A_866 = arith.mulf %mul3A_865, %min3A_863 : vector<16xf32>
        %mul3A_867 = arith.mulf %mul3A_866, %min3A_863 : vector<16xf32>
        %sub3A_868 = arith.subf %abs3A_860, %min3A_863 : vector<16xf32>
        %add3A_869 = arith.addf %mul3A_867, %sub3A_868 : vector<16xf32>
        %get3A_870 = arith.constant 1 : i32
        %get3A_871 = arith.index_cast %get3A_870 : i32 to index
        %get3A_872 = arith.index_cast %shift_right_logical3A_834 : i32 to index
        %get3A_873 = arith.index_cast %scan3A_381 : i32 to index
        %get3A_874 = arith.index_cast %mul3A_838 : i32 to index
        %get3A_875 = tpu.vector_load %arg9[%get3A_871, %get3A_872, %get3A_873, %get3A_874] {strides = array<i32>} : memref<7x2x8x128xf32, #tpu.memory_space<vmem>>, vector<1x1x1x16xf32>,
        %get3A_876 = vector.shape_cast %get3A_875 : vector<1x1x1x16xf32> to vector<16xf32>
        %get3A_877 = arith.constant 1 : i32
        %get3A_878 = arith.index_cast %get3A_877 : i32 to index
        %get3A_879 = arith.index_cast %shift_right_logical3A_834 : i32 to index
        %get3A_880 = arith.index_cast %scan3A_381 : i32 to index
        %get3A_881 = arith.index_cast %mul3A_838 : i32 to index
        %get3A_882 = tpu.vector_load %arg10[%get3A_878, %get3A_879, %get3A_880, %get3A_881] {strides = array<i32>} : memref<7x2x8x128xf32, #tpu.memory_space<vmem>>, vector<1x1x1x16xf32>,
        %get3A_883 = vector.shape_cast %get3A_882 : vector<1x1x1x16xf32> to vector<16xf32>
        %sub3A_884 = arith.subf %get3A_876, %get3A_883 : vector<16xf32>
        %abs3A_885 = math.absf %sub3A_884 : vector<16xf32>
        %min3A_886 = arith.constant 0.111111112 : f32
        %min3A_887 = vector.broadcast %min3A_886 : f32 to vector<16xf32>
        %min3A_888 = arith.minimumf %abs3A_885, %min3A_887 : vector<16xf32>
        %mul3A_889 = arith.constant 4.500000e+00 : f32
        %mul3A_890 = vector.broadcast %mul3A_889 : f32 to vector<16xf32>
        %mul3A_891 = arith.mulf %mul3A_890, %min3A_888 : vector<16xf32>
        %mul3A_892 = arith.mulf %mul3A_891, %min3A_888 : vector<16xf32>
        %sub3A_893 = arith.subf %abs3A_885, %min3A_888 : vector<16xf32>
        %add3A_894 = arith.addf %mul3A_892, %sub3A_893 : vector<16xf32>
        %add3A_895 = arith.addf %add3A_869, %add3A_894 : vector<16xf32>
        %get3A_896 = arith.constant 2 : i32
        %get3A_897 = arith.index_cast %get3A_896 : i32 to index
        %get3A_898 = arith.index_cast %shift_right_logical3A_834 : i32 to index
        %get3A_899 = arith.index_cast %scan3A_381 : i32 to index
        %get3A_900 = arith.index_cast %mul3A_838 : i32 to index
        %get3A_901 = tpu.vector_load %arg9[%get3A_897, %get3A_898, %get3A_899, %get3A_900] {strides = array<i32>} : memref<7x2x8x128xf32, #tpu.memory_space<vmem>>, vector<1x1x1x16xf32>,
        %get3A_902 = vector.shape_cast %get3A_901 : vector<1x1x1x16xf32> to vector<16xf32>
        %get3A_903 = arith.constant 2 : i32
        %get3A_904 = arith.index_cast %get3A_903 : i32 to index
        %get3A_905 = arith.index_cast %shift_right_logical3A_834 : i32 to index
        %get3A_906 = arith.index_cast %scan3A_381 : i32 to index
        %get3A_907 = arith.index_cast %mul3A_838 : i32 to index
        %get3A_908 = tpu.vector_load %arg10[%get3A_904, %get3A_905, %get3A_906, %get3A_907] {strides = array<i32>} : memref<7x2x8x128xf32, #tpu.memory_space<vmem>>, vector<1x1x1x16xf32>,
        %get3A_909 = vector.shape_cast %get3A_908 : vector<1x1x1x16xf32> to vector<16xf32>
        %sub3A_910 = arith.subf %get3A_902, %get3A_909 : vector<16xf32>
        %abs3A_911 = math.absf %sub3A_910 : vector<16xf32>
        %min3A_912 = arith.constant 0.111111112 : f32
        %min3A_913 = vector.broadcast %min3A_912 : f32 to vector<16xf32>
        %min3A_914 = arith.minimumf %abs3A_911, %min3A_913 : vector<16xf32>
        %mul3A_915 = arith.constant 4.500000e+00 : f32
        %mul3A_916 = vector.broadcast %mul3A_915 : f32 to vector<16xf32>
        %mul3A_917 = arith.mulf %mul3A_916, %min3A_914 : vector<16xf32>
        %mul3A_918 = arith.mulf %mul3A_917, %min3A_914 : vector<16xf32>
        %sub3A_919 = arith.subf %abs3A_911, %min3A_914 : vector<16xf32>
        %add3A_920 = arith.addf %mul3A_918, %sub3A_919 : vector<16xf32>
        %add3A_921 = arith.addf %add3A_895, %add3A_920 : vector<16xf32>
        %get3A_922 = arith.constant 3 : i32
        %get3A_923 = arith.index_cast %get3A_922 : i32 to index
        %get3A_924 = arith.index_cast %shift_right_logical3A_834 : i32 to index
        %get3A_925 = arith.index_cast %scan3A_381 : i32 to index
        %get3A_926 = arith.index_cast %mul3A_838 : i32 to index
        %get3A_927 = tpu.vector_load %arg9[%get3A_923, %get3A_924, %get3A_925, %get3A_926] {strides = array<i32>} : memref<7x2x8x128xf32, #tpu.memory_space<vmem>>, vector<1x1x1x16xf32>,
        %get3A_928 = vector.shape_cast %get3A_927 : vector<1x1x1x16xf32> to vector<16xf32>
        %get3A_929 = arith.constant 3 : i32
        %get3A_930 = arith.index_cast %get3A_929 : i32 to index
        %get3A_931 = arith.index_cast %shift_right_logical3A_834 : i32 to index
        %get3A_932 = arith.index_cast %scan3A_381 : i32 to index
        %get3A_933 = arith.index_cast %mul3A_838 : i32 to index
        %get3A_934 = tpu.vector_load %arg10[%get3A_930, %get3A_931, %get3A_932, %get3A_933] {strides = array<i32>} : memref<7x2x8x128xf32, #tpu.memory_space<vmem>>, vector<1x1x1x16xf32>,
        %get3A_935 = vector.shape_cast %get3A_934 : vector<1x1x1x16xf32> to vector<16xf32>
        %sub3A_936 = arith.subf %get3A_928, %get3A_935 : vector<16xf32>
        %abs3A_937 = math.absf %sub3A_936 : vector<16xf32>
        %min3A_938 = arith.constant 0.111111112 : f32
        %min3A_939 = vector.broadcast %min3A_938 : f32 to vector<16xf32>
        %min3A_940 = arith.minimumf %abs3A_937, %min3A_939 : vector<16xf32>
        %mul3A_941 = arith.constant 4.500000e+00 : f32
        %mul3A_942 = vector.broadcast %mul3A_941 : f32 to vector<16xf32>
        %mul3A_943 = arith.mulf %mul3A_942, %min3A_940 : vector<16xf32>
        %mul3A_944 = arith.mulf %mul3A_943, %min3A_940 : vector<16xf32>
        %sub3A_945 = arith.subf %abs3A_937, %min3A_940 : vector<16xf32>
        %add3A_946 = arith.addf %mul3A_944, %sub3A_945 : vector<16xf32>
        %add3A_947 = arith.addf %add3A_921, %add3A_946 : vector<16xf32>
        %get3A_948 = arith.constant 4 : i32
        %get3A_949 = arith.index_cast %get3A_948 : i32 to index
        %get3A_950 = arith.index_cast %shift_right_logical3A_834 : i32 to index
        %get3A_951 = arith.index_cast %scan3A_381 : i32 to index
        %get3A_952 = arith.index_cast %mul3A_838 : i32 to index
        %get3A_953 = tpu.vector_load %arg9[%get3A_949, %get3A_950, %get3A_951, %get3A_952] {strides = array<i32>} : memref<7x2x8x128xf32, #tpu.memory_space<vmem>>, vector<1x1x1x16xf32>,
        %get3A_954 = vector.shape_cast %get3A_953 : vector<1x1x1x16xf32> to vector<16xf32>
        %get3A_955 = arith.constant 4 : i32
        %get3A_956 = arith.index_cast %get3A_955 : i32 to index
        %get3A_957 = arith.index_cast %shift_right_logical3A_834 : i32 to index
        %get3A_958 = arith.index_cast %scan3A_381 : i32 to index
        %get3A_959 = arith.index_cast %mul3A_838 : i32 to index
        %get3A_960 = tpu.vector_load %arg10[%get3A_956, %get3A_957, %get3A_958, %get3A_959] {strides = array<i32>} : memref<7x2x8x128xf32, #tpu.memory_space<vmem>>, vector<1x1x1x16xf32>,
        %get3A_961 = vector.shape_cast %get3A_960 : vector<1x1x1x16xf32> to vector<16xf32>
        %sub3A_962 = arith.subf %get3A_954, %get3A_961 : vector<16xf32>
        %abs3A_963 = math.absf %sub3A_962 : vector<16xf32>
        %min3A_964 = arith.constant 0.111111112 : f32
        %min3A_965 = vector.broadcast %min3A_964 : f32 to vector<16xf32>
        %min3A_966 = arith.minimumf %abs3A_963, %min3A_965 : vector<16xf32>
        %mul3A_967 = arith.constant 4.500000e+00 : f32
        %mul3A_968 = vector.broadcast %mul3A_967 : f32 to vector<16xf32>
        %mul3A_969 = arith.mulf %mul3A_968, %min3A_966 : vector<16xf32>
        %mul3A_970 = arith.mulf %mul3A_969, %min3A_966 : vector<16xf32>
        %sub3A_971 = arith.subf %abs3A_963, %min3A_966 : vector<16xf32>
        %add3A_972 = arith.addf %mul3A_970, %sub3A_971 : vector<16xf32>
        %add3A_973 = arith.addf %add3A_947, %add3A_972 : vector<16xf32>
        %get3A_974 = arith.constant 5 : i32
        %get3A_975 = arith.index_cast %get3A_974 : i32 to index
        %get3A_976 = arith.index_cast %shift_right_logical3A_834 : i32 to index
        %get3A_977 = arith.index_cast %scan3A_381 : i32 to index
        %get3A_978 = arith.index_cast %mul3A_838 : i32 to index
        %get3A_979 = tpu.vector_load %arg9[%get3A_975, %get3A_976, %get3A_977, %get3A_978] {strides = array<i32>} : memref<7x2x8x128xf32, #tpu.memory_space<vmem>>, vector<1x1x1x16xf32>,
        %get3A_980 = vector.shape_cast %get3A_979 : vector<1x1x1x16xf32> to vector<16xf32>
        %get3A_981 = arith.constant 5 : i32
        %get3A_982 = arith.index_cast %get3A_981 : i32 to index
        %get3A_983 = arith.index_cast %shift_right_logical3A_834 : i32 to index
        %get3A_984 = arith.index_cast %scan3A_381 : i32 to index
        %get3A_985 = arith.index_cast %mul3A_838 : i32 to index
        %get3A_986 = tpu.vector_load %arg10[%get3A_982, %get3A_983, %get3A_984, %get3A_985] {strides = array<i32>} : memref<7x2x8x128xf32, #tpu.memory_space<vmem>>, vector<1x1x1x16xf32>,
        %get3A_987 = vector.shape_cast %get3A_986 : vector<1x1x1x16xf32> to vector<16xf32>
        %sub3A_988 = arith.subf %get3A_980, %get3A_987 : vector<16xf32>
        %abs3A_989 = math.absf %sub3A_988 : vector<16xf32>
        %min3A_990 = arith.constant 0.111111112 : f32
        %min3A_991 = vector.broadcast %min3A_990 : f32 to vector<16xf32>
        %min3A_992 = arith.minimumf %abs3A_989, %min3A_991 : vector<16xf32>
        %mul3A_993 = arith.constant 4.500000e+00 : f32
        %mul3A_994 = vector.broadcast %mul3A_993 : f32 to vector<16xf32>
        %mul3A_995 = arith.mulf %mul3A_994, %min3A_992 : vector<16xf32>
        %mul3A_996 = arith.mulf %mul3A_995, %min3A_992 : vector<16xf32>
        %sub3A_997 = arith.subf %abs3A_989, %min3A_992 : vector<16xf32>
        %add3A_998 = arith.addf %mul3A_996, %sub3A_997 : vector<16xf32>
        %add3A_999 = arith.addf %add3A_973, %add3A_998 : vector<16xf32>
        %get3A_1000 = arith.constant 6 : i32
        %get3A_1001 = arith.index_cast %get3A_1000 : i32 to index
        %get3A_1002 = arith.index_cast %shift_right_logical3A_834 : i32 to index
        %get3A_1003 = arith.index_cast %scan3A_381 : i32 to index
        %get3A_1004 = arith.index_cast %mul3A_838 : i32 to index
        %get3A_1005 = tpu.vector_load %arg10[%get3A_1001, %get3A_1002, %get3A_1003, %get3A_1004] {strides = array<i32>} : memref<7x2x8x128xf32, #tpu.memory_space<vmem>>, vector<1x1x1x16xf32>,
        %get3A_1006 = vector.shape_cast %get3A_1005 : vector<1x1x1x16xf32> to vector<16xf32>
        %get3A_1007 = arith.constant 6 : i32
        %get3A_1008 = arith.index_cast %get3A_1007 : i32 to index
        %get3A_1009 = arith.index_cast %shift_right_logical3A_834 : i32 to index
        %get3A_1010 = arith.index_cast %scan3A_381 : i32 to index
        %get3A_1011 = arith.index_cast %mul3A_838 : i32 to index
        %get3A_1012 = tpu.vector_load %arg9[%get3A_1008, %get3A_1009, %get3A_1010, %get3A_1011] {strides = array<i32>} : memref<7x2x8x128xf32, #tpu.memory_space<vmem>>, vector<1x1x1x16xf32>,
        %get3A_1013 = vector.shape_cast %get3A_1012 : vector<1x1x1x16xf32> to vector<16xf32>
        %sub3A_1014 = arith.subf %get3A_1013, %get3A_1006 : vector<16xf32>
        %mul3A_1015 = arith.constant 0.159154937 : f32
        %mul3A_1016 = vector.broadcast %mul3A_1015 : f32 to vector<16xf32>
        %mul3A_1017 = arith.mulf %sub3A_1014, %mul3A_1016 : vector<16xf32>
        %add3A_1018 = arith.constant 5.000000e-01 : f32
        %add3A_1019 = vector.broadcast %add3A_1018 : f32 to vector<16xf32>
        %add3A_1020 = arith.addf %mul3A_1017, %add3A_1019 : vector<16xf32>
        %convert_element_type3A_1021 = arith.fptosi %add3A_1020 : vector<16xf32> to vector<16xi32>
        %convert_element_type3A_1022 = arith.sitofp %convert_element_type3A_1021 : vector<16xi32> to vector<16xf32>
        %gt3A_1023 = arith.cmpf ogt, %convert_element_type3A_1022, %add3A_1020 : vector<16xf32>
        %sub3A_1024 = arith.constant 1.000000e+00 : f32
        %sub3A_1025 = vector.broadcast %sub3A_1024 : f32 to vector<16xf32>
        %sub3A_1026 = arith.subf %convert_element_type3A_1022, %sub3A_1025 : vector<16xf32>
        %select_n3A_1027 = arith.select %gt3A_1023, %sub3A_1026, %convert_element_type3A_1022 : vector<16xi1>, vector<16xf32>
        %mul3A_1028 = arith.constant 6.28318548 : f32
        %mul3A_1029 = vector.broadcast %mul3A_1028 : f32 to vector<16xf32>
        %mul3A_1030 = arith.mulf %select_n3A_1027, %mul3A_1029 : vector<16xf32>
        %sub3A_1031 = arith.subf %sub3A_1014, %mul3A_1030 : vector<16xf32>
        %mul3A_1032 = arith.mulf %sub3A_1031, %sub3A_1031 : vector<16xf32>
        %broadcast_in_dim3A_1033 = arith.constant -1.47736457E-4 : f32
        %broadcast_in_dim3A_1034 = vector.broadcast %broadcast_in_dim3A_1033 : f32 to vector<16xf32>
        %mul3A_1035 = arith.mulf %broadcast_in_dim3A_1034, %mul3A_1032 : vector<16xf32>
        %add3A_1036 = arith.constant 0.0079985205 : f32
        %add3A_1037 = vector.broadcast %add3A_1036 : f32 to vector<16xf32>
        %add3A_1038 = arith.addf %mul3A_1035, %add3A_1037 : vector<16xf32>
        %mul3A_1039 = arith.mulf %add3A_1038, %mul3A_1032 : vector<16xf32>
        %add3A_1040 = arith.constant -0.165838227 : f32
        %add3A_1041 = vector.broadcast %add3A_1040 : f32 to vector<16xf32>
        %add3A_1042 = arith.addf %mul3A_1039, %add3A_1041 : vector<16xf32>
        %mul3A_1043 = arith.mulf %add3A_1042, %mul3A_1032 : vector<16xf32>
        %add3A_1044 = arith.constant 0.999449968 : f32
        %add3A_1045 = vector.broadcast %add3A_1044 : f32 to vector<16xf32>
        %add3A_1046 = arith.addf %mul3A_1043, %add3A_1045 : vector<16xf32>
        %mul3A_1047 = arith.mulf %sub3A_1031, %add3A_1046 : vector<16xf32>
        %abs3A_1048 = math.absf %mul3A_1047 : vector<16xf32>
        %min3A_1049 = arith.constant 0.111111112 : f32
        %min3A_1050 = vector.broadcast %min3A_1049 : f32 to vector<16xf32>
        %min3A_1051 = arith.minimumf %abs3A_1048, %min3A_1050 : vector<16xf32>
        %mul3A_1052 = arith.constant 4.500000e+00 : f32
        %mul3A_1053 = vector.broadcast %mul3A_1052 : f32 to vector<16xf32>
        %mul3A_1054 = arith.mulf %mul3A_1053, %min3A_1051 : vector<16xf32>
        %mul3A_1055 = arith.mulf %mul3A_1054, %min3A_1051 : vector<16xf32>
        %sub3A_1056 = arith.subf %abs3A_1048, %min3A_1051 : vector<16xf32>
        %add3A_1057 = arith.addf %mul3A_1055, %sub3A_1056 : vector<16xf32>
        %add3A_1058 = arith.addf %add3A_999, %add3A_1057 : vector<16xf32>
        %mul3A_1059 = arith.mulf %add3A_1058, %convert_element_type3A_844 : vector<16xf32>
        %add3A_1060 = arith.addf %add3A_699, %mul3A_1059 : vector<16xf32>
        %get3A_1061 = arith.index_cast %scan3A_381 : i32 to index
        %get3A_1062 = arith.index_cast %shift_right_logical3A_834 : i32 to index
        %get3A_1063 = arith.index_cast %mul3A_838 : i32 to index
        %get3A_1064 = tpu.vector_load %arg12[%get3A_1061, %get3A_1062, %get3A_1063] {strides = array<i32>} : memref<8x2x128xf32, #tpu.memory_space<vmem>>, vector<1x1x16xf32>,
        %get3A_1065 = vector.shape_cast %get3A_1064 : vector<1x1x16xf32> to vector<16xf32>
        %abs3A_1066 = math.absf %get3A_1065 : vector<16xf32>
        %neg3A_1067 = arith.constant 0.000000e+00 : f32
        %neg3A_1068 = vector.broadcast %neg3A_1067 : f32 to vector<16xf32>
        %neg3A_1069 = arith.subf %neg3A_1068, %abs3A_1066 : vector<16xf32>
        %exp3A_1070 = math.exp %neg3A_1069 : vector<16xf32>
        %max3A_1071 = arith.constant 0.000000e+00 : f32
        %max3A_1072 = vector.broadcast %max3A_1071 : f32 to vector<16xf32>
        %max3A_1073 = arith.maximumf %get3A_1065, %max3A_1072 : vector<16xf32>
        %mul3A_1074 = arith.mulf %get3A_1065, %convert_element_type3A_844 : vector<16xf32>
        %sub3A_1075 = arith.subf %max3A_1073, %mul3A_1074 : vector<16xf32>
        %broadcast_in_dim3A_1076 = arith.constant 0.0301026255 : f32
        %broadcast_in_dim3A_1077 = vector.broadcast %broadcast_in_dim3A_1076 : f32 to vector<16xf32>
        %mul3A_1078 = arith.mulf %broadcast_in_dim3A_1077, %exp3A_1070 : vector<16xf32>
        %add3A_1079 = arith.constant -0.130119413 : f32
        %add3A_1080 = vector.broadcast %add3A_1079 : f32 to vector<16xf32>
        %add3A_1081 = arith.addf %mul3A_1078, %add3A_1080 : vector<16xf32>
        %mul3A_1082 = arith.mulf %add3A_1081, %exp3A_1070 : vector<16xf32>
        %add3A_1083 = arith.constant 0.283304334 : f32
        %add3A_1084 = vector.broadcast %add3A_1083 : f32 to vector<16xf32>
        %add3A_1085 = arith.addf %mul3A_1082, %add3A_1084 : vector<16xf32>
        %mul3A_1086 = arith.mulf %add3A_1085, %exp3A_1070 : vector<16xf32>
        %add3A_1087 = arith.constant -0.489156842 : f32
        %add3A_1088 = vector.broadcast %add3A_1087 : f32 to vector<16xf32>
        %add3A_1089 = arith.addf %mul3A_1086, %add3A_1088 : vector<16xf32>
        %mul3A_1090 = arith.mulf %add3A_1089, %exp3A_1070 : vector<16xf32>
        %add3A_1091 = arith.constant 0.999010443 : f32
        %add3A_1092 = vector.broadcast %add3A_1091 : f32 to vector<16xf32>
        %add3A_1093 = arith.addf %mul3A_1090, %add3A_1092 : vector<16xf32>
        %mul3A_1094 = arith.mulf %add3A_1093, %exp3A_1070 : vector<16xf32>
        %add3A_1095 = arith.constant 2.21170303E-5 : f32
        %add3A_1096 = vector.broadcast %add3A_1095 : f32 to vector<16xf32>
        %add3A_1097 = arith.addf %mul3A_1094, %add3A_1096 : vector<16xf32>
        %add3A_1098 = arith.addf %sub3A_1075, %add3A_1097 : vector<16xf32>
        %add3A_1099 = arith.constant 1.000000e+00 : f32
        %add3A_1100 = vector.broadcast %add3A_1099 : f32 to vector<16xf32>
        %add3A_1101 = arith.addf %add3A_1100, %exp3A_1070 : vector<16xf32>
        %div3A_1102 = arith.constant 1.000000e+00 : f32
        %div3A_1103 = vector.broadcast %div3A_1102 : f32 to vector<16xf32>
        %div3A_1104 = arith.divf %div3A_1103, %add3A_1101 : vector<16xf32>
        %ge3A_1105 = arith.constant 0.000000e+00 : f32
        %ge3A_1106 = vector.broadcast %ge3A_1105 : f32 to vector<16xf32>
        %ge3A_1107 = arith.cmpf oge, %get3A_1065, %ge3A_1106 : vector<16xf32>
        %mul3A_1108 = arith.mulf %exp3A_1070, %div3A_1104 : vector<16xf32>
        %select_n3A_1109 = arith.select %ge3A_1107, %div3A_1104, %mul3A_1108 : vector<16xi1>, vector<16xf32>
        %gt3A_1110 = arith.constant 5.000000e-01 : f32
        %gt3A_1111 = vector.broadcast %gt3A_1110 : f32 to vector<16xf32>
        %gt3A_1112 = arith.cmpf ogt, %convert_element_type3A_844, %gt3A_1111 : vector<16xf32>
        %sub3A_1113 = arith.constant 1.000000e+00 : f32
        %sub3A_1114 = vector.broadcast %sub3A_1113 : f32 to vector<16xf32>
        %sub3A_1115 = arith.subf %sub3A_1114, %select_n3A_1109 : vector<16xf32>
        %select_n3A_1116 = arith.select %gt3A_1112, %select_n3A_1109, %sub3A_1115 : vector<16xi1>, vector<16xf32>
        %sub3A_1117 = arith.constant 1.000000e+00 : f32
        %sub3A_1118 = vector.broadcast %sub3A_1117 : f32 to vector<16xf32>
        %sub3A_1119 = arith.subf %sub3A_1118, %select_n3A_1116 : vector<16xf32>
        %mul3A_1120 = arith.constant 5.000000e-01 : f32
        %mul3A_1121 = vector.broadcast %mul3A_1120 : f32 to vector<16xf32>
        %mul3A_1122 = arith.mulf %mul3A_1121, %convert_element_type3A_844 : vector<16xf32>
        %sub3A_1123 = arith.constant 7.500000e-01 : f32
        %sub3A_1124 = vector.broadcast %sub3A_1123 : f32 to vector<16xf32>
        %sub3A_1125 = arith.subf %sub3A_1124, %mul3A_1122 : vector<16xf32>
        %mul3A_1126 = arith.mulf %sub3A_1119, %sub3A_1119 : vector<16xf32>
        %mul3A_1127 = arith.mulf %mul3A_1126, %sub3A_1125 : vector<16xf32>
        %mul3A_1128 = arith.mulf %mul3A_1127, %add3A_1098 : vector<16xf32>
        %add3A_1129 = arith.addf %add3A_763, %mul3A_1128 : vector<16xf32>
        %get3A_1130 = arith.index_cast %shift_right_logical3A_834 : i32 to index
        %get3A_1131 = arith.index_cast %scan3A_381 : i32 to index
        %get3A_1132 = arith.index_cast %mul3A_838 : i32 to index
        %get3A_1133 = tpu.vector_load %arg11[%get3A_1130, %get3A_1131, %get3A_1132] {strides = array<i32>} : memref<2x8x128xf32, #tpu.memory_space<vmem>>, vector<1x1x16xf32>,
        %get3A_1134 = vector.shape_cast %get3A_1133 : vector<1x1x16xf32> to vector<16xf32>
        %add3A_1135 = arith.addf %get3A_1006, %get3A_1134 : vector<16xf32>
        %mul3A_1136 = arith.constant 0.159154937 : f32
        %mul3A_1137 = vector.broadcast %mul3A_1136 : f32 to vector<16xf32>
        %mul3A_1138 = arith.mulf %add3A_1135, %mul3A_1137 : vector<16xf32>
        %convert_element_type3A_1139 = arith.fptosi %mul3A_1138 : vector<16xf32> to vector<16xi32>
        %convert_element_type3A_1140 = arith.sitofp %convert_element_type3A_1139 : vector<16xi32> to vector<16xf32>
        %gt3A_1141 = arith.cmpf ogt, %convert_element_type3A_1140, %mul3A_1138 : vector<16xf32>
        %sub3A_1142 = arith.constant 1.000000e+00 : f32
        %sub3A_1143 = vector.broadcast %sub3A_1142 : f32 to vector<16xf32>
        %sub3A_1144 = arith.subf %convert_element_type3A_1140, %sub3A_1143 : vector<16xf32>
        %select_n3A_1145 = arith.select %gt3A_1141, %sub3A_1144, %convert_element_type3A_1140 : vector<16xi1>, vector<16xf32>
        %sub3A_1146 = arith.subf %mul3A_1138, %select_n3A_1145 : vector<16xf32>
        %ge3A_1147 = arith.constant 5.000000e-01 : f32
        %ge3A_1148 = vector.broadcast %ge3A_1147 : f32 to vector<16xf32>
        %ge3A_1149 = arith.cmpf oge, %sub3A_1146, %ge3A_1148 : vector<16xf32>
        %get3A_1150 = arith.constant 0 : i32
        %get3A_1151 = arith.index_cast %scan3A_381 : i32 to index
        %get3A_1152 = arith.index_cast %shift_right_logical3A_834 : i32 to index
        %get3A_1153 = arith.index_cast %get3A_1150 : i32 to index
        %get3A_1154 = arith.index_cast %mul3A_838 : i32 to index
        %get3A_1155 = tpu.vector_load %arg13[%get3A_1151, %get3A_1152, %get3A_1153, %get3A_1154] {strides = array<i32>} : memref<8x2x2x128xf32, #tpu.memory_space<vmem>>, vector<1x1x1x16xf32>,
        %get3A_1156 = vector.shape_cast %get3A_1155 : vector<1x1x1x16xf32> to vector<16xf32>
        %get3A_1157 = arith.constant 1 : i32
        %get3A_1158 = arith.index_cast %scan3A_381 : i32 to index
        %get3A_1159 = arith.index_cast %shift_right_logical3A_834 : i32 to index
        %get3A_1160 = arith.index_cast %get3A_1157 : i32 to index
        %get3A_1161 = arith.index_cast %mul3A_838 : i32 to index
        %get3A_1162 = tpu.vector_load %arg13[%get3A_1158, %get3A_1159, %get3A_1160, %get3A_1161] {strides = array<i32>} : memref<8x2x2x128xf32, #tpu.memory_space<vmem>>, vector<1x1x1x16xf32>,
        %get3A_1163 = vector.shape_cast %get3A_1162 : vector<1x1x1x16xf32> to vector<16xf32>
        %max3A_1164 = arith.maximumf %get3A_1156, %get3A_1163 : vector<16xf32>
        %sub3A_1165 = arith.subf %get3A_1156, %get3A_1163 : vector<16xf32>
        %abs3A_1166 = math.absf %sub3A_1165 : vector<16xf32>
        %neg3A_1167 = arith.constant 0.000000e+00 : f32
        %neg3A_1168 = vector.broadcast %neg3A_1167 : f32 to vector<16xf32>
        %neg3A_1169 = arith.subf %neg3A_1168, %abs3A_1166 : vector<16xf32>
        %exp3A_1170 = math.exp %neg3A_1169 : vector<16xf32>
        %broadcast_in_dim3A_1171 = arith.constant 0.0301026255 : f32
        %broadcast_in_dim3A_1172 = vector.broadcast %broadcast_in_dim3A_1171 : f32 to vector<16xf32>
        %mul3A_1173 = arith.mulf %broadcast_in_dim3A_1172, %exp3A_1170 : vector<16xf32>
        %add3A_1174 = arith.constant -0.130119413 : f32
        %add3A_1175 = vector.broadcast %add3A_1174 : f32 to vector<16xf32>
        %add3A_1176 = arith.addf %mul3A_1173, %add3A_1175 : vector<16xf32>
        %mul3A_1177 = arith.mulf %add3A_1176, %exp3A_1170 : vector<16xf32>
        %add3A_1178 = arith.constant 0.283304334 : f32
        %add3A_1179 = vector.broadcast %add3A_1178 : f32 to vector<16xf32>
        %add3A_1180 = arith.addf %mul3A_1177, %add3A_1179 : vector<16xf32>
        %mul3A_1181 = arith.mulf %add3A_1180, %exp3A_1170 : vector<16xf32>
        %add3A_1182 = arith.constant -0.489156842 : f32
        %add3A_1183 = vector.broadcast %add3A_1182 : f32 to vector<16xf32>
        %add3A_1184 = arith.addf %mul3A_1181, %add3A_1183 : vector<16xf32>
        %mul3A_1185 = arith.mulf %add3A_1184, %exp3A_1170 : vector<16xf32>
        %add3A_1186 = arith.constant 0.999010443 : f32
        %add3A_1187 = vector.broadcast %add3A_1186 : f32 to vector<16xf32>
        %add3A_1188 = arith.addf %mul3A_1185, %add3A_1187 : vector<16xf32>
        %mul3A_1189 = arith.mulf %add3A_1188, %exp3A_1170 : vector<16xf32>
        %add3A_1190 = arith.constant 2.21170303E-5 : f32
        %add3A_1191 = vector.broadcast %add3A_1190 : f32 to vector<16xf32>
        %add3A_1192 = arith.addf %mul3A_1189, %add3A_1191 : vector<16xf32>
        %add3A_1193 = arith.addf %max3A_1164, %add3A_1192 : vector<16xf32>
        %select_n3A_1194 = arith.select %ge3A_1149, %get3A_1163, %get3A_1156 : vector<16xi1>, vector<16xf32>
        %sub3A_1195 = arith.subf %add3A_1193, %select_n3A_1194 : vector<16xf32>
        %mul3A_1196 = arith.mulf %sub3A_1195, %convert_element_type3A_844 : vector<16xf32>
        %add3A_1197 = arith.addf %add3A_831, %mul3A_1196 : vector<16xf32>
        %add3A_1198 = arith.addf %add3A_832, %convert_element_type3A_844 : vector<16xf32>
        scf.yield %add3A_1060, %add3A_1129, %add3A_1197, %add3A_1198 : vector<16xf32>, vector<16xf32>, vector<16xf32>, vector<16xf32>
      }
      %scan3A_387 = arith.constant 8 : i32
      %mul3A_388 = vector.broadcast %select_n3A : f32 to vector<16xf32>
      %mul3A_389 = arith.mulf %scan3A_386#0, %mul3A_388 : vector<16xf32>
      %mul3A_390 = arith.constant 4 : i32
      %mul3A_391 = arith.muli %scan3A_381, %mul3A_390 : i32
      %add3A_392 = arith.constant 0 : i32
      %add3A_393 = arith.addi %mul3A_391, %add3A_392 : i32
      %get3A = arith.index_cast %add3A_393 : i32 to index
      %get3A_394 = arith.constant 0 : index
      %get3A_395 = tpu.vector_load %arg21[%get3A, %get3A_394] {strides = array<i32>} : memref<32x16xf32, #tpu.memory_space<vmem>>, vector<1x16xf32>,
      %get3A_396 = vector.shape_cast %get3A_395 : vector<1x16xf32> to vector<16xf32>
      %add3A_397 = arith.addf %get3A_396, %mul3A_389 : vector<16xf32>
      %mul3A_398 = arith.constant 4 : i32
      %mul3A_399 = arith.muli %scan3A_381, %mul3A_398 : i32
      %add3A_400 = arith.constant 0 : i32
      %add3A_401 = arith.addi %mul3A_399, %add3A_400 : i32
      %swap3A_402 = arith.index_cast %add3A_401 : i32 to index
      %swap3A_403 = arith.constant 0 : index
      %swap3A_404 = tpu.vector_load %arg21[%swap3A_402, %swap3A_403] {strides = array<i32>} : memref<32x16xf32, #tpu.memory_space<vmem>>, vector<1x16xf32>,
      %swap3A_405 = vector.shape_cast %swap3A_404 : vector<1x16xf32> to vector<16xf32>
      %swap3A_406 = vector.shape_cast %add3A_397 : vector<16xf32> to vector<1x16xf32>
      tpu.vector_store %arg21[%swap3A_402, %swap3A_403], %swap3A_406 {strides = array<i32>} : memref<32x16xf32, #tpu.memory_space<vmem>>, vector<1x16xf32>,
      %mul3A_407 = vector.broadcast %select_n3A : f32 to vector<16xf32>
      %mul3A_408 = arith.mulf %scan3A_386#1, %mul3A_407 : vector<16xf32>
      %mul3A_409 = arith.constant 4 : i32
      %mul3A_410 = arith.muli %scan3A_381, %mul3A_409 : i32
      %add3A_411 = arith.constant 1 : i32
      %add3A_412 = arith.addi %mul3A_410, %add3A_411 : i32
      %get3A_413 = arith.index_cast %add3A_412 : i32 to index
      %get3A_414 = arith.constant 0 : index
      %get3A_415 = tpu.vector_load %arg21[%get3A_413, %get3A_414] {strides = array<i32>} : memref<32x16xf32, #tpu.memory_space<vmem>>, vector<1x16xf32>,
      %get3A_416 = vector.shape_cast %get3A_415 : vector<1x16xf32> to vector<16xf32>
      %add3A_417 = arith.addf %get3A_416, %mul3A_408 : vector<16xf32>
      %mul3A_418 = arith.constant 4 : i32
      %mul3A_419 = arith.muli %scan3A_381, %mul3A_418 : i32
      %add3A_420 = arith.constant 1 : i32
      %add3A_421 = arith.addi %mul3A_419, %add3A_420 : i32
      %swap3A_422 = arith.index_cast %add3A_421 : i32 to index
      %swap3A_423 = arith.constant 0 : index
      %swap3A_424 = tpu.vector_load %arg21[%swap3A_422, %swap3A_423] {strides = array<i32>} : memref<32x16xf32, #tpu.memory_space<vmem>>, vector<1x16xf32>,
      %swap3A_425 = vector.shape_cast %swap3A_424 : vector<1x16xf32> to vector<16xf32>
      %swap3A_426 = vector.shape_cast %add3A_417 : vector<16xf32> to vector<1x16xf32>
      tpu.vector_store %arg21[%swap3A_422, %swap3A_423], %swap3A_426 {strides = array<i32>} : memref<32x16xf32, #tpu.memory_space<vmem>>, vector<1x16xf32>,
      %mul3A_427 = vector.broadcast %select_n3A : f32 to vector<16xf32>
      %mul3A_428 = arith.mulf %scan3A_386#2, %mul3A_427 : vector<16xf32>
      %mul3A_429 = arith.constant 4 : i32
      %mul3A_430 = arith.muli %scan3A_381, %mul3A_429 : i32
      %add3A_431 = arith.constant 2 : i32
      %add3A_432 = arith.addi %mul3A_430, %add3A_431 : i32
      %get3A_433 = arith.index_cast %add3A_432 : i32 to index
      %get3A_434 = arith.constant 0 : index
      %get3A_435 = tpu.vector_load %arg21[%get3A_433, %get3A_434] {strides = array<i32>} : memref<32x16xf32, #tpu.memory_space<vmem>>, vector<1x16xf32>,
      %get3A_436 = vector.shape_cast %get3A_435 : vector<1x16xf32> to vector<16xf32>
      %add3A_437 = arith.addf %get3A_436, %mul3A_428 : vector<16xf32>
      %mul3A_438 = arith.constant 4 : i32
      %mul3A_439 = arith.muli %scan3A_381, %mul3A_438 : i32
      %add3A_440 = arith.constant 2 : i32
      %add3A_441 = arith.addi %mul3A_439, %add3A_440 : i32
      %swap3A_442 = arith.index_cast %add3A_441 : i32 to index
      %swap3A_443 = arith.constant 0 : index
      %swap3A_444 = tpu.vector_load %arg21[%swap3A_442, %swap3A_443] {strides = array<i32>} : memref<32x16xf32, #tpu.memory_space<vmem>>, vector<1x16xf32>,
      %swap3A_445 = vector.shape_cast %swap3A_444 : vector<1x16xf32> to vector<16xf32>
      %swap3A_446 = vector.shape_cast %add3A_437 : vector<16xf32> to vector<1x16xf32>
      tpu.vector_store %arg21[%swap3A_442, %swap3A_443], %swap3A_446 {strides = array<i32>} : memref<32x16xf32, #tpu.memory_space<vmem>>, vector<1x16xf32>,
      %mul3A_447 = vector.broadcast %select_n3A : f32 to vector<16xf32>
      %mul3A_448 = arith.mulf %scan3A_386#3, %mul3A_447 : vector<16xf32>
      %mul3A_449 = arith.constant 4 : i32
      %mul3A_450 = arith.muli %scan3A_381, %mul3A_449 : i32
      %add3A_451 = arith.constant 3 : i32
      %add3A_452 = arith.addi %mul3A_450, %add3A_451 : i32
      %get3A_453 = arith.index_cast %add3A_452 : i32 to index
      %get3A_454 = arith.constant 0 : index
      %get3A_455 = tpu.vector_load %arg21[%get3A_453, %get3A_454] {strides = array<i32>} : memref<32x16xf32, #tpu.memory_space<vmem>>, vector<1x16xf32>,
      %get3A_456 = vector.shape_cast %get3A_455 : vector<1x16xf32> to vector<16xf32>
      %add3A_457 = arith.addf %get3A_456, %mul3A_448 : vector<16xf32>
      %mul3A_458 = arith.constant 4 : i32
      %mul3A_459 = arith.muli %scan3A_381, %mul3A_458 : i32
      %add3A_460 = arith.constant 3 : i32
      %add3A_461 = arith.addi %mul3A_459, %add3A_460 : i32
      %swap3A_462 = arith.index_cast %add3A_461 : i32 to index
      %swap3A_463 = arith.constant 0 : index
      %swap3A_464 = tpu.vector_load %arg21[%swap3A_462, %swap3A_463] {strides = array<i32>} : memref<32x16xf32, #tpu.memory_space<vmem>>, vector<1x16xf32>,
      %swap3A_465 = vector.shape_cast %swap3A_464 : vector<1x16xf32> to vector<16xf32>
      %swap3A_466 = vector.shape_cast %add3A_457 : vector<16xf32> to vector<1x16xf32>
      tpu.vector_store %arg21[%swap3A_462, %swap3A_463], %swap3A_466 {strides = array<i32>} : memref<32x16xf32, #tpu.memory_space<vmem>>, vector<1x16xf32>,
    }
    %scan3A_380 = arith.constant 8 : i32
    "tpu.region"() ({
      %run_scoped3A = tpu.sem_alloc : memref<!tpu.dma_semaphore, #tpu.memory_space<semaphore_mem>>
      %dma_start3A_381 = arith.constant 0 : i32
      %dma_start3A_382 = arith.constant 0 : i32
      %dma_start3A_383 = tpu.memref_slice %arg8[%add3A, %dma_start3A_381, %dma_start3A_382] : memref<32x32x16xf32, #tpu.memory_space<hbm>> -> memref<1x32x16xf32, #tpu.memory_space<hbm>>
      %dma_start3A_384 = tpu.memref_squeeze %dma_start3A_383 : memref<1x32x16xf32, #tpu.memory_space<hbm>> -> memref<32x16xf32, #tpu.memory_space<hbm>>
      %dma_start3A_385 = arith.constant 0 : i32
      %dma_start3A_386 = arith.constant 0 : i32
      %dma_start3A_387 = tpu.memref_slice %arg8[%add3A, %dma_start3A_385, %dma_start3A_386] : memref<32x32x16xf32, #tpu.memory_space<hbm>> -> memref<1x32x16xf32, #tpu.memory_space<hbm>>
      %dma_start3A_388 = tpu.memref_squeeze %dma_start3A_387 : memref<1x32x16xf32, #tpu.memory_space<hbm>> -> memref<32x16xf32, #tpu.memory_space<hbm>>
      tpu.enqueue_dma source(%arg21 : memref<32x16xf32, #tpu.memory_space<vmem>>) target(%dma_start3A_388 : memref<32x16xf32, #tpu.memory_space<hbm>>) target_semaphore(%run_scoped3A : memref<!tpu.dma_semaphore, #tpu.memory_space<semaphore_mem>>)
      %dma_wait3A_389 = arith.constant 0 : i32
      %dma_wait3A_390 = arith.constant 0 : i32
      %dma_wait3A_391 = tpu.memref_slice %arg8[%add3A, %dma_wait3A_389, %dma_wait3A_390] : memref<32x32x16xf32, #tpu.memory_space<hbm>> -> memref<1x32x16xf32, #tpu.memory_space<hbm>>
      %dma_wait3A_392 = tpu.memref_squeeze %dma_wait3A_391 : memref<1x32x16xf32, #tpu.memory_space<hbm>> -> memref<32x16xf32, #tpu.memory_space<hbm>>
      %dma_wait3A_393 = arith.constant 0 : i32
      %dma_wait3A_394 = arith.constant 0 : i32
      %dma_wait3A_395 = tpu.memref_slice %arg8[%add3A, %dma_wait3A_393, %dma_wait3A_394] : memref<32x32x16xf32, #tpu.memory_space<hbm>> -> memref<1x32x16xf32, #tpu.memory_space<hbm>>
      %dma_wait3A_396 = tpu.memref_squeeze %dma_wait3A_395 : memref<1x32x16xf32, #tpu.memory_space<hbm>> -> memref<32x16xf32, #tpu.memory_space<hbm>>
      tpu.wait_dma2 semaphore(%run_scoped3A : memref<!tpu.dma_semaphore, #tpu.memory_space<semaphore_mem>>) src(%arg21 : memref<32x16xf32, #tpu.memory_space<vmem>>) dst(%dma_wait3A_396 : memref<32x16xf32, #tpu.memory_space<hbm>>)
      tpu.yield
    }) : () -> ()
    return
  }
}

</mosaic_0001>

<sc_bundles>
// kernel: kernel.3.cloned.1.call-start
scs
__scs_entry_jumppad:
0x0: {  	(pc) =	sbr.rel $0x88, $3  }
0x1: {  	(tag) =	ssettag $0x0;
	lr =	simm.s32 $0x1  }
0x2: {  	[smem:$0x3F9B] =	sst lr;
	_ =	strace $0xD0000000  }
0x3: {  	_ = 	snop  }
0x4: {  	_ = 	snop  }
0x5: {  	_ = 	snop  }
0x6: {  	_ = 	snop  }
0x7: {  	_ = 	snop  }
__scs_overlays_trampoline_lowered:
0x8: {  	[smem:$0x3FAA] =	sst s0  }
0x9: {  	[smem:$0x3FAB] =	sst s1  }
0xa: {  	[smem:$0x3FAC] =	sst s2  }
0xb: {  	[smem:$0x3FAD] =	sst s3  }
0xc: {  	[smem:$0x3FAE] =	sst s4  }
0xd: {  	[smem:$0x3FAF] =	sst s5  }
0xe: {  	[smem:$0x3FB0] =	sst s6  }
0xf: {  	[smem:$0x3FB1] =	sst s7  }
0x10: {  	[smem:$0x3FB2] =	sst s8  }
0x11: {  	[smem:$0x3FB3] =	sst s9;
	s0 =	simm.s32 @!p0 $0x0  }
0x12: {  	s1 =	sld [smem:$0x3F99];
	s0 =	simm.s32 @p0 $0x1  }
0x13: {  	[smem:$0x3FB4] =	sst s0;
	s0 =	simm.s32 @!p1 $0x0  }
0x14: {  	s2 =	sld [smem:$0x3F98];
	s0 =	simm.s32 @p1 $0x1  }
0x15: {  	[smem:$0x3FB5] =	sst s0;
	s0 =	simm.s32 @!p2 $0x0  }
0x16: {  	s3 =	sld [smem:$0x3FDB];
	s0 =	simm.s32 @p2 $0x1  }
0x17: {  	s4 =	simm.s32 $0x1BF5;
	[smem:$0x3FB7] =	sst s0  }
0x18: {  	s0 =	sld [smem:$0x3F9A];
	_ =	swait.ge [sflag:s4], $0x0  }
0x19: {  	s7 =	sld [smem:$0x3F9B]  }
0x1a: {  	s8 =	sadd.s32 $0xFFFFE003, lr  }
0x1b: {  	s9 =	sadd.s32 $0xFFFFFEF7, lr;
	s5 =	simm.s32 $0xFFFFFFFF;
	p2 =	slt.u32 s8, $0xFFFFF086  }
0x1c: {  	p1 =	slt.u32 s9, $0xF7A;
	s5 =	simm.s32 @!p2 $0x0  }
0x1d: {  	s5 =	simm.s32 @p1 $0x1;
	p0 =	seq.s32 s7, s2  }
0x1e: {  	s7 =	smul.u32 @!p0 $0xF7A, s2;
	p2 =	seq.s32 @!p0 s5, $0x0  }
0x1f: {  	s9 =	smul.u32 $0xF7A, s1;
	s8 =	simm.s32 @!p0 $0x1BF5;
	p2 =	por !p2, p0  }
0x20: {  	[sflag:s8] =	ssyncset.s32 @!p0 $0xFFFFF086;
	s6 =	sadd.s32 @!p0 s3, s7;
	s7 =	simm.s32 @!p0 $0x108  }
0x21: {  	s3 =	sadd.s32 s3, s9;
	s6 =	sadd.s32 @!p0 $0x88, s6;
	s7 =	simm.s32 @p2 $0x1082  }
0x22: {  	[simem:s7], [sflag:s8] =	dma.local @!p0 [hbm:s6], $0xF7A  }
0x23: {  	s9 =	sor.u32 $0xD0000000, s2;
	s6 =	simm.s32 $0x108;
	_ =	swait.ge @!p0 [sflag:s8], $0x0  }
0x24: {  	s3 =	sadd.s32 $0x88, s3;
	s6 =	simm.s32 @!p1 $0x1082;
	[sflag:s4] =	ssyncset.s32 $0xFFFFF086  }
0x25: {  	[simem:s6], [sflag:s4] =	dma.local [hbm:s3], $0xF7A  }
0x26: {  	[smem:$0x3F9B] =	sst s1;
	(tag) =	ssettag s2;
	_ =	strace s9  }
0x27: {  	s1 =	sld [smem:$0x3FAB]  }
0x28: {  	s2 =	sld [smem:$0x3FAC]  }
0x29: {  	s4 =	sld [smem:$0x3FAE]  }
0x2a: {  	p0 =	seq.s32 s5, $0x0;
	s5 =	sld [smem:$0x3FAF]  }
0x2b: {  	s6 =	sld [smem:$0x3FB0]  }
0x2c: {  	s7 =	sld [smem:$0x3FB1]  }
0x2d: {  	s3 =	simm.s32 $0x108;
	s8 =	sld [smem:$0x3FB2]  }
0x2e: {  	s3 =	simm.s32 @!p0 $0x1082;
	s9 =	sld [smem:$0x3FB3]  }
0x2f: {  	lr =	sadd.s32 s0, s3;
	s0 =	sld [smem:$0x3FAA]  }
0x30: {  	s3 =	sld [smem:$0x3FAD]  }
0x31: {  	[smem:$0x3FB6] =	sst s10  }
0x32: {  	s10 =	sld [smem:$0x3FB4];
	_ =	sdelay $0x3  }
0x33: {  	p0 =	seq.s32 s10, $0x1;
	s10 =	sld [smem:$0x3FB6];
	_ =	sdelay $0x3  }
0x34: {  	[smem:$0x3FB6] =	sst s10  }
0x35: {  	s10 =	sld [smem:$0x3FB5];
	_ =	sdelay $0x3  }
0x36: {  	p1 =	seq.s32 s10, $0x1;
	s10 =	sld [smem:$0x3FB6];
	_ =	sdelay $0x3  }
0x37: {  	[smem:$0x3FB6] =	sst s10  }
0x38: {  	s10 =	sld [smem:$0x3FB7]  }
0x39: {  	_ = 	snop;
	(pc) =	sbr.ind lr, $3  }
0x3a: {  	_ = 	snop  }
0x3b: {  	_ = 	snop  }
0x3c: {  	p2 =	seq.s32 s10, $0x1;
	s10 =	sld [smem:$0x3FB6]  }
0x3d: {  	_ =	shalt  }
0x3e: {  	_ =	shalt  }
0x3f: {  	_ =	shalt  }
0x40: {  	_ =	shalt  }
0x41: {  	_ =	shalt  }
0x42: {  	_ =	shalt  }
0x43: {  	_ =	shalt  }
0x44: {  	_ =	shalt  }
0x45: {  	_ =	shalt  }
0x46: {  	_ =	shalt  }
0x47: {  	_ =	shalt  }
0x48: {  	_ =	shalt  }
0x49: {  	_ =	shalt  }
0x4a: {  	_ =	shalt  }
0x4b: {  	_ =	shalt  }
0x4c: {  	_ =	shalt  }
0x4d: {  	_ =	shalt  }
0x4e: {  	_ =	shalt  }
0x4f: {  	_ =	shalt  }
0x50: {  	_ =	shalt  }
0x51: {  	_ =	shalt  }
0x52: {  	_ =	shalt  }
0x53: {  	_ =	shalt  }
0x54: {  	_ =	shalt  }
0x55: {  	_ =	shalt  }
0x56: {  	_ =	shalt  }
0x57: {  	_ =	shalt  }
0x58: {  	_ =	shalt  }
0x59: {  	_ =	shalt  }
0x5a: {  	_ =	shalt  }
0x5b: {  	_ =	shalt  }
0x5c: {  	_ =	shalt  }
0x5d: {  	_ =	shalt  }
0x5e: {  	_ =	shalt  }
0x5f: {  	_ =	shalt  }
0x60: {  	_ =	shalt  }
0x61: {  	_ =	shalt  }
0x62: {  	_ =	shalt  }
0x63: {  	_ =	shalt  }
0x64: {  	_ =	shalt  }
0x65: {  	_ =	shalt  }
0x66: {  	_ =	shalt  }
0x67: {  	_ =	shalt  }
0x68: {  	_ =	shalt  }
0x69: {  	_ =	shalt  }
0x6a: {  	_ =	shalt  }
0x6b: {  	_ =	shalt  }
0x6c: {  	_ =	shalt  }
0x6d: {  	_ =	shalt  }
0x6e: {  	_ =	shalt  }
0x6f: {  	_ =	shalt  }
0x70: {  	_ =	shalt  }
0x71: {  	_ =	shalt  }
0x72: {  	_ =	shalt  }
0x73: {  	_ =	shalt  }
0x74: {  	_ =	shalt  }
0x75: {  	_ =	shalt  }
0x76: {  	_ =	shalt  }
0x77: {  	_ =	shalt  }
0x78: {  	_ =	shalt  }
0x79: {  	_ =	shalt  }
0x7a: {  	_ =	shalt  }
0x7b: {  	_ =	shalt  }
0x7c: {  	_ =	shalt  }
0x7d: {  	_ =	shalt  }
0x7e: {  	_ =	shalt  }
0x7f: {  	_ =	shalt  }
0x80: {  	_ =	shalt  }
0x81: {  	_ =	shalt  }
0x82: {  	_ =	shalt  }
0x83: {  	_ =	shalt  }
0x84: {  	_ =	shalt  }
0x85: {  	_ =	shalt  }
0x86: {  	_ =	shalt  }
0x87: {  	_ =	shalt  }
.Lfunc_end0:
.L_simem_size_0:
called_computation_lowered:
.L_overlay_start_0:
0x88: {  	s2 =	sld [smem:$0x3FD9]  }
0x89: {  	s3 =	sld [smem:$0x3FFE];
	_ =	sdelay $0x1  }
0x8a: {  	s1 =	srdreg.scid  }
0x8b: {  	s0 =	sand.u32 $0x1, s1  }
0x8c: {  	s17 =	sshll.u32 s0, $0xA;
	s2 =	sadd.s32 s3, s2  }
0x8d: {  	s2 =	sadd.s32 s2, s17  }
0x8e: {  	[smem:$0x3FC2] =	sst s2  }
0x8f: {  	_ = 	snop  }
0x90: {  	s2 =	sld [smem:$0x3FC9]  }
0x91: {  	s18 =	sld [smem:$0x3FC8]  }
0x92: {  	s4 =	sld [smem:$0x3FC7]  }
0x93: {  	s5 =	sld [smem:$0x3FC6]  }
0x94: {  	s6 =	sld [smem:$0x3FC5]  }
0x95: {  	s7 =	sld [smem:$0x3FC4];
	(tm) =	ssettm $0x1  }
0x96: {  	s8 =	sld [smem:$0x3FFB];
	_ =	sdelay $0x3  }
0x97: {  	_ =	strace s8  }
0x98: {  	s8 =	sld [smem:$0x3FFC];
	_ =	sdelay $0x3  }
0x99: {  	_ =	strace s8  }
0x9a: {  	s8 =	sld [smem:$0x3FFD];
	_ =	sdelay $0x3  }
0x9b: {  	_ =	strace s8  }
0x9c: {  	_ =	strace $0x8FFFFFFF  }
0x9d: {  	s19 =	sld [smem:$0x3FDB];
	_ =	sdelay $0x1  }
0x9e: {  	s9 =	simm.s32 $_scs_section_size  }
0x9f: {  	s10 =	simm.s32 $_size__tile_overlayer_lowered;
	s11 =	simm.s32 $_tile_overlayer_lowered  }
0xa0: {  	s22 =	simm.s32 $0x1BFF;
	s21 =	sshll.u32 s11, $0x1;
	s8 =	sadd.s32 s9, s19  }
0xa1: {  	s12 =	simm.s32 $0x0;
	s20 =	sshll.u32 s10, $0x1;
	s10 =	sadd.s32 s21, s8  }
0xa2: {  	[timem:s12], [sflag:s22] =	dma.local [hbm:s10], s20  }
0xa3: {  	_ =	swait.ge [sflag:s22], s20  }
0xa4: {  	s9 =	ssub.s32 $0x0, s20;
	[sflag:s22] =	ssyncset.done $0x0  }
0xa5: {  	[sflag:s22] =	ssyncadd.s32 s9;
	_ =	sdelay $0x1  }
0xa6: {  	s23 =	simm.s32 $0x1B8B  }
0xa7: {  	_ =	swait.ge [sflag:s23], $0x1  }
0xa8: {  	[sflag:s23] =	ssyncset.done $0x0  }
0xa9: {  	s25 =	simm.s32 $0x1B8E;
	s24 =	sld [smem:$0x3FFE];
	[sflag:s23] =	ssyncadd.s32 $0xFFFFFFFF  }
0xaa: {  	s26 =	simm.s32 $execute0_lowered;
	[smem:$0x3FD2] =	sst s25  }
0xab: {  	s10 =	sshll.u32 s26, $0x1;
	_ =	strace $0x80000046;
	[dreg:$0x1] =	wrdreg $0xFFFFFFFF  }
0xac: {  	s28 =	simm.s32 $_size_execute0_lowered;
	s8 =	sadd.s32 s8, s10;
	[dreg:$0x0] =	wrdreg $0x0  }
0xad: {  	s10 =	sshll.u32 s28, $0x1;
	[dreg:$0x2] =	wrdreg s8  }
0xae: {  	[dreg:$0x3] =	wrdreg s10  }
0xaf: {  	[dreg:$0x4] =	wrdreg $0xC0  }
0xb0: {  	_ =	task [dreg:s12], $0x5FFFF  }
0xb1: {  	[dreg:$0x1] =	wrdreg $0xFFFFFFFF  }
0xb2: {  	[dreg:$0x0] =	wrdreg $0x60  }
0xb3: {  	[dreg:$0x2] =	wrdreg s2  }
0xb4: {  	[dreg:$0x3] =	wrdreg s18  }
0xb5: {  	[dreg:$0x4] =	wrdreg s4  }
0xb6: {  	[dreg:$0x5] =	wrdreg s5  }
0xb7: {  	[dreg:$0x6] =	wrdreg s6  }
0xb8: {  	[dreg:$0x7] =	wrdreg s7  }
0xb9: {  	[dreg:$0x8] =	wrdreg s24  }
0xba: {  	[dreg:$0x9] =	wrdreg $0x9  }
0xbb: {  	_ =	task.clear_ibuf [dreg:s12], $0xAFFFF;
	_ =	strace $0x90000046  }
0xbc: {  	s29 =	simm.s32 $0x9;
	_ =	strace $0x80000048  }
0xbd: {  	_ =	swait.ge [sflag:s29], $0x1  }
0xbe: {  	[sflag:s29] =	ssyncadd.s32 $0xFFFFFFFF  }
0xbf: {  	_ =	strace $0x90000048  }
0xc0: {  	_ =	sfence  }
0xc1: {  	s30 =	sld [smem:$0x0];
	_ =	sdelay $0x2  }
0xc2: {  	s31 =	sshll.u32 s1, $0xD;
	s1 =	sshrl.u32 s1, $0x2  }
0xc3: {  	s3 =	sand.u32 $0x4000, s31;
	s1 =	sadd.s32 s1, s30  }
0xc4: {  	s0 =	sor.u32 s3, s0;
	s1 =	sshll.u32 s1, $0x11  }
0xc5: {  	s0 =	sor.u32 s1, s0  }
0xc6: {  	s0 =	sadd.s32 $0x8F2B, s0  }
0xc7: {  	[sflag:s0] =	ssyncadd.remote.s32 $0x1  }
0xc8: {  	_ =	sfence.sel $0xFFFF  }
0xc9: {  	[dreg:$0x0] =	wrdreg $0xFFFFFFFF;
	(pc) =	sbr.abs _section_cstart, $3  }
0xca: {  	[dreg:$0x1] =	wrdreg $0xFFFFFFFF  }
0xcb: {  	_ =	task.clear_ibuf [dreg:s12], $0x2FFFF;
	_ =	strace $0x9FFFFFFF  }
0xcc: {  	(tm) =	ssettm $0x7FFFFFFF  }
0xcd: {  	_ =	shalt  }
tec
execute0_lowered:
.L_overlay_start_1:
0x0: {  	(tag) =	ssettag $0x1  }
0x1: {  	s0 =	rddreg [dreg:$0x0]  }
0x2: {  	s1 =	rddreg [dreg:$0x1]  }
0x3: {  	s14 =	rddreg [dreg:$0x2]  }
0x4: {  	s3 =	rddreg [dreg:$0x3]  }
0x5: {  	s4 =	rddreg [dreg:$0x4]  }
0x6: {  	s5 =	srdreg.scid;
	s15 =	rddreg [dreg:$0x5]  }
0x7: {  	s7 =	rddreg [dreg:$0x6];
	s2 =	stileid.u32  }
0x8: {  	s18 =	simm.s32 $0x0;
	s11 =	simm.f32 $1.000000000e+00;
	s28 =	simm.s32 $0x200  }
0x9: {  	s29 =	simm.s32 $0x22600;
	s5 =	sand.u32 $0x1, s5;
	[smem:$0x7FF] =	sst s18  }
0xa: {  	s12 =	sadd.s32 $0x67200, s4;
	s6 =	smov.u32 s14;
	s4 =	simm.s32 $0x0  }
0xb: {  	s8 =	sshll.u32 s5, $0x4;
	s5 =	ssub.s32 $0x2, s5;
	_ =	strace $0x80000047  }
0xc: {  	s10 =	sor.u32 s2, s8;
	s9 =	sshrl.u32 s5, $0x1;
	s2 =	smov.u32 s0  }
0xd: {  	s8 =	smin.u32 s10, $0x12;
	s5 =	ssub.s32 s5, s9;
	s13 =	sshll.u32 s10, $0xB  }
0xe: {  	p0 =	slt.u32 s10, $0x13;
	s16 =	sshll.u32 s10, $0x4;
	s0 =	sadd.s32 s0, s13  }
0xf: {  	s20 =	sshll.u32 s10, $0x8;
	s19 =	sadd.s32 s3, s13;
	[dreg:$0xf] =	wrdreg s0  }
0x10: {  	s23 =	sshll.u32 s10, $0x9;
	s21 =	sadd.s32 s13, s12;
	[dreg:$0x10] =	wrdreg s19  }
0x11: {  	s9 =	smov.u32 s15;
	s22 =	sadd.s32 s1, s20;
	[dreg:$0x11] =	wrdreg s21  }
0x12: {  	s8 =	sshll.u32 s8, $0x1;
	s24 =	sadd.s32 s14, s23;
	[dreg:$0x12] =	wrdreg s22  }
0x13: {  	s11 =	simm.s32 @!p0 $0x0;
	s25 =	sadd.s32 s15, s13;
	[dreg:$0x13] =	wrdreg s24  }
0x14: {  	s26 =	sor.u32 $0x2, s16;
	s30 =	sadd.s32 s7, s23;
	[dreg:$0x14] =	wrdreg s25  }
0x15: {  	s31 =	smax.u32 s5, $0x1;
	s20 =	simm.s32 $0x800;
	[dreg:$0x15] =	wrdreg s26  }
0x16: {  	s15 =	simm.s32 $0x1;
	s17 =	sor.u32 $0x200, s8;
	[dreg:$0x16] =	wrdreg s30  }
0x17: {  	s8 =	smov.u32 s3;
	s3 =	smov.u32 s1;
	[dreg:$0x17] =	wrdreg s31  }
0x18: {  	s21 =	simm.s32 $0x89800;
	s24 =	simm.s32 $0x100;
	s25 =	simm.s32 $0x11300;
	v0 =	vmov s11  }
0x19: {  	[dreg:$0xe] =	wrdreg s17;
	s17 =	smov.u32 s16;
	s16 =	simm.s32 $0x2;
	[tilespmem:$0x1FFF0] =	vst v0  }
.LBB2_1:
0x1a: {  	v0 =	vimm.f32 $0.0e+00  }
0x1b: {  	[tilespmem:$0x13000] =	vst v0  }
0x1c: {  	[tilespmem:$0x13080] =	vst v0  }
0x1d: {  	[tilespmem:$0x13100] =	vst v0  }
0x1e: {  	[tilespmem:$0x13180] =	vst v0  }
0x1f: {  	[tilespmem:$0x13200] =	vst v0  }
0x20: {  	[tilespmem:$0x13280] =	vst v0  }
0x21: {  	[tilespmem:$0x13300] =	vst v0  }
0x22: {  	[tilespmem:$0x13380] =	vst v0  }
0x23: {  	[tilespmem:$0x13400] =	vst v0  }
0x24: {  	[tilespmem:$0x13480] =	vst v0  }
0x25: {  	[tilespmem:$0x13500] =	vst v0  }
0x26: {  	[tilespmem:$0x13580] =	vst v0  }
0x27: {  	[tilespmem:$0x13600] =	vst v0  }
0x28: {  	[tilespmem:$0x13680] =	vst v0  }
0x29: {  	[tilespmem:$0x13700] =	vst v0  }
0x2a: {  	[tilespmem:$0x13780] =	vst v0  }
0x2b: {  	[tilespmem:$0x13800] =	vst v0  }
0x2c: {  	[tilespmem:$0x13880] =	vst v0  }
0x2d: {  	[tilespmem:$0x13900] =	vst v0  }
0x2e: {  	[tilespmem:$0x13980] =	vst v0  }
0x2f: {  	[tilespmem:$0x13A00] =	vst v0  }
0x30: {  	[tilespmem:$0x13A80] =	vst v0  }
0x31: {  	[tilespmem:$0x13B00] =	vst v0  }
0x32: {  	[tilespmem:$0x13B80] =	vst v0  }
0x33: {  	[tilespmem:$0x13C00] =	vst v0  }
0x34: {  	[tilespmem:$0x13C80] =	vst v0  }
0x35: {  	[tilespmem:$0x13D00] =	vst v0  }
0x36: {  	[tilespmem:$0x13D80] =	vst v0  }
0x37: {  	[tilespmem:$0x13E00] =	vst v0  }
0x38: {  	[tilespmem:$0x13E80] =	vst v0  }
0x39: {  	[tilespmem:$0x13F00] =	vst v0  }
0x3a: {  	s0 =	rddreg [dreg:$0xf];
	[tilespmem:$0x13F80] =	vst v0  }
0x3b: {  	[tilespmem:s18], [sflag:$0x1] =	stream.strided.gather [hbm4b:s0+s20], $0x3800, s21, s20, $0x38;
	[tilespmem:$0x14000] =	vst v63  }
0x3c: {  	s11 =	rddreg [dreg:$0x10];
	s1 =	simm.s32 $0x3800  }
0x3d: {  	[tilespmem:s1], [sflag:$0x1] =	stream.strided.gather [hbm4b:s11+s20], $0x3800, s21, s20, $0x38;
	[tilespmem:$0x14000] =	vst v63  }
0x3e: {  	s13 =	rddreg [dreg:$0x11];
	s14 =	simm.s32 $0x7000  }
0x3f: {  	[tilespmem:s14], [sflag:$0x1] =	stream.linear.gather [hbm4b:s13+s18], $0x800, $0x38;
	[tilespmem:$0x14000] =	vst v63  }
0x40: {  	s19 =	rddreg [dreg:$0x12];
	s22 =	simm.s32 $0x7800  }
0x41: {  	[tilespmem:s22], [sflag:$0x1] =	stream.strided.gather [hbm4b:s19+s24], $0x800, s25, s24, $0x38;
	[tilespmem:$0x14000] =	vst v63  }
0x42: {  	s23 =	rddreg [dreg:$0x13];
	s26 =	simm.s32 $0x8000  }
0x43: {  	[tilespmem:s26], [sflag:$0x1] =	stream.strided.gather [hbm4b:s23+s28], $0x1000, s29, s28, $0x38;
	[tilespmem:$0x14000] =	vst v63  }
0x44: {  	s30 =	rddreg [dreg:$0x14];
	s31 =	simm.s32 $0x9000  }
0x45: {  	[tilespmem:s31], [sflag:$0x1] =	stream.linear.gather [hbm4b:s30+s18], $0x800, $0x38;
	[tilespmem:$0x14000] =	vst v63  }
0x46: {  	[dreg:$0x18] =	wrdreg s4;
	s18 =	simm.s32 $0x0  }
.LBB2_2:
0x47: {  	s4 =	sshll.u32 s18, $0x2;
	s0 =	rddreg [dreg:$0x15]  }
0x48: {  	s4 =	sadd.s32 s0, s4  }
0x49: {  	s5 =	sshll.u32 s4, $0x7  }
0x4a: {  	s11 =	simm.s32 $0x9800;
	s7 =	sadd.s32 s2, s5  }
0x4b: {  	[tilespmem:s11], [sflag:$0x2] =	stream.strided.gather [hbm4b:s7+s20], $0x3800, s21, s20, $0x38;
	[tilespmem:$0x14000] =	vst v63  }
0x4c: {  	s14 =	simm.s32 $0xD000;
	s19 =	simm.s32 $0x10800;
	s13 =	sadd.s32 s8, s5  }
0x4d: {  	[tilespmem:s14], [sflag:$0x2] =	stream.strided.gather [hbm4b:s13+s20], $0x3800, s21, s20, $0x38;
	[tilespmem:$0x14000] =	vst v63  }
0x4e: {  	s22 =	sshll.u32 s4, $0x4;
	s10 =	sadd.s32 s5, s12;
	s7 =	simm.s32 $0x0  }
0x4f: {  	[tilespmem:s19], [sflag:$0x2] =	stream.linear.gather [hbm4b:s10+s7], $0x800, $0x38;
	[tilespmem:$0x14000] =	vst v63  }
0x50: {  	s4 =	sshll.u32 s4, $0x5;
	s10 =	sand.u32 $0x1FFFFFE0, s22  }
0x51: {  	s23 =	simm.s32 $0x11000;
	s4 =	sand.u32 $0x1FFFFFC0, s4;
	s10 =	sadd.s32 s3, s10  }
0x52: {  	[tilespmem:s23], [sflag:$0x2] =	stream.strided.gather [hbm4b:s10+s24], $0x800, s25, s24, $0x38;
	[tilespmem:$0x14000] =	vst v63  }
0x53: {  	s26 =	simm.s32 $0x11800;
	s4 =	sadd.s32 s6, s4  }
0x54: {  	[tilespmem:s26], [sflag:$0x2] =	stream.strided.gather [hbm4b:s4+s28], $0x1000, s29, s28, $0x38;
	[tilespmem:$0x14000] =	vst v63  }
0x55: {  	s31 =	simm.s32 $0x12800;
	s30 =	sadd.s32 s9, s5  }
0x56: {  	[tilespmem:s31], [sflag:$0x2] =	stream.linear.gather [hbm4b:s30+s7], $0x800, $0x38;
	[tilespmem:$0x14000] =	vst v63  }
0x57: {  	_ =	swait.ge [sflag:s15], $0x3800  }
0x58: {  	[sflag:s15] =	ssyncset.done $0x0  }
0x59: {  	[sflag:s15] =	ssyncadd.s32 $0xFFFFC800  }
0x5a: {  	_ =	swait.ge [sflag:s15], $0x3800  }
0x5b: {  	[sflag:s15] =	ssyncset.done $0x0  }
0x5c: {  	[sflag:s15] =	ssyncadd.s32 $0xFFFFC800  }
0x5d: {  	_ =	swait.ge [sflag:s15], $0x800  }
0x5e: {  	[sflag:s15] =	ssyncset.done $0x0  }
0x5f: {  	[sflag:s15] =	ssyncadd.s32 $0xFFFFF800  }
0x60: {  	_ =	swait.ge [sflag:s15], $0x800  }
0x61: {  	[sflag:s15] =	ssyncset.done $0x0  }
0x62: {  	[sflag:s15] =	ssyncadd.s32 $0xFFFFF800  }
0x63: {  	_ =	swait.ge [sflag:s15], $0x1000  }
0x64: {  	[sflag:s15] =	ssyncset.done $0x0  }
0x65: {  	[sflag:s15] =	ssyncadd.s32 $0xFFFFF000  }
0x66: {  	_ =	swait.ge [sflag:s15], $0x800  }
0x67: {  	[sflag:s15] =	ssyncset.done $0x0  }
0x68: {  	s19 =	simm.s32 $0x0;
	[sflag:s15] =	ssyncadd.s32 $0xFFFFF800  }
.LBB2_3:
0x69: {  	s4 =	sshll.u32 s19, $0x7  }
0x6a: {  	s5 =	simm.s32 $0x0;
	[dreg:$0x8] =	wrdreg s4  }
0x6b: {  	s11 =	sand.u32 $0x60, s7;
	s13 =	sand.u32 $0xFFFFFC00, s5;
	s4 =	rddreg [dreg:$0x8]  }
0x6c: {  	s14 =	sor.u32 $0x10, s11;
	s4 =	sadd.s32 s4, s13  }
0x6d: {  	s10 =	sor.u32 s14, s4  }
0x6e: {  	s5 =	sor.u32 s11, s4;
	v5 =	vld [tilespmem:s10+$0x9000]  }
0x6f: {  	v9 =	vld [tilespmem:s5+$0x9000]  }
0x70: {  	v10 =	vld [tilespmem:s10+$0x6000]  }
0x71: {  	v11 =	vld [tilespmem:s5+$0x6000]  }
0x72: {  	v14 =	vld [tilespmem:s10+$0x5800]  }
0x73: {  	v15 =	vld [tilespmem:s5+$0x5800]  }
0x74: {  	v16 =	vld [tilespmem:s10+$0x5000]  }
0x75: {  	v3 =	vld [tilespmem:s10+$0x7000]  }
0x76: {  	v17 =	vld [tilespmem:s5+$0x5000]  }
0x77: {  	v8 =	vld [tilespmem:s5+$0x7000]  }
0x78: {  	v19 =	vld [tilespmem:s10+$0x4800]  }
0x79: {  	v20 =	vld [tilespmem:s5+$0x4800]  }
0x7a: {  	v21 =	vld [tilespmem:s10+$0x0]  }
0x7b: {  	v22 =	vld [tilespmem:s10+$0x3800]  }
0x7c: {  	v23 =	vld [tilespmem:s10+$0x4000]  }
0x7d: {  	v24 =	vld [tilespmem:s5+$0x0]  }
0x7e: {  	v25 =	vld [tilespmem:s5+$0x3800]  }
0x7f: {  	v26 =	vld [tilespmem:s5+$0x4000]  }
0x80: {  	s23 =	sshll.u32 s19, $0x8;
	v28 =	vld [tilespmem:s10+$0x6800]  }
0x81: {  	s22 =	sshll.u32 s19, $0xB;
	s4 =	sand.u32 $0x3FFFFF00, s23;
	v29 =	vld [tilespmem:s5+$0x6800];
	s30 =	sor.u32 $0x2800, s10  }
0x82: {  	s26 =	simm.s32 $0x0;
	s4 =	sadd.s32 $0x7800, s4;
	s31 =	sor.u32 $0x2800, s5;
	v30 =	vld [tilespmem:s30+$0x0]  }
0x83: {  	s0 =	sor.u32 $0x2000, s10;
	[dreg:$0x9] =	wrdreg s4;
	s4 =	sshrl.u32 s22, $0x2;
	v31 =	vld [tilespmem:s31+$0x0]  }
0x84: {  	s1 =	sor.u32 $0x2000, s5;
	v32 =	vld [tilespmem:s0+$0x0];
	s22 =	sadd.s32 $0x8000, s4;
	s23 =	rddreg [dreg:$0x9]  }
0x85: {  	v33 =	vld [tilespmem:s1+$0x0];
	s30 =	sor.u32 $0x800, s10;
	[dreg:$0xa] =	wrdreg s22;
	s22 =	sand.u32 $0x3FFFFF80, s26  }
0x86: {  	s31 =	sor.u32 $0x800, s5;
	s22 =	sadd.s32 s22, s23;
	v22 =	vsub.f32 v21, v22;
	v21 =	vld [tilespmem:s30+$0x0]  }
0x87: {  	s13 =	sshrl.u32 s13, $0x2;
	s26 =	rddreg [dreg:$0xa];
	s23 =	sadd.s32 s14, s22;
	v24 =	vsub.f32 v24, v25;
	v25 =	vld [tilespmem:s31+$0x0]  }
0x88: {  	s22 =	sadd.s32 s11, s22;
	s13 =	sadd.s32 s13, s26;
	v27 =	vld [tilespmem:s23+$0x0]  }
0x89: {  	v0 =	vimm.f32 $0.0e+00;
	v18 =	vld [tilespmem:s22+$0x0];
	s14 =	sadd.s32 s14, s13  }
0x8a: {  	v40 =	vadd.f32 v8, v29;
	v41 =	vadd.f32 v3, v28;
	v60 =	vcvt.s32.f32 v5;
	v12 =	vld [tilespmem:s14+$0x0]  }
0x8b: {  	vm0 =	vgt.s32 v5, $0x0;
	v5 =	vcvt.s32.f32 v9;
	s11 =	sadd.s32 s11, s13;
	v11 =	vsub.f32 v31, v11;
	v13 =	vld [tilespmem:s14+$0x80]  }
0x8c: {  	vm1 =	vgt.s32 v9, $0x0;
	v10 =	vsub.f32 v30, v10;
	v14 =	vsub.f32 v32, v14;
	v6 =	vld [tilespmem:s11+$0x0]  }
0x8d: {  	s22 =	sor.u32 $0x1800, s5;
	v15 =	vsub.f32 v33, v15;
	v7 =	vld [tilespmem:s11+$0x80];
	v46 =	vand.u32 $0x7FFFFFFF, v22;
	v22 =	vmul.f32 $1.591549370e-01, v41  }
0x8e: {  	s23 =	sor.u32 $0x1000, s10;
	v35 =	vld [tilespmem:s22+$0x0];
	v47 =	vand.u32 $0x7FFFFFFF, v24;
	v11 =	vand.u32 $0x7FFFFFFF, v11;
	v41 =	vand.u32 $0x7FFFFFFF, v14  }
0x8f: {  	s14 =	sor.u32 $0x1800, s10;
	v37 =	vld [tilespmem:s23+$0x0];
	v10 =	vand.u32 $0x7FFFFFFF, v10;
	v55 =	vmin.f32 v46, $1.111111120e-01;
	v56 =	vmin.f32 v47, $1.111111120e-01  }
0x90: {  	s26 =	sor.u32 $0x1000, s5;
	v34 =	vld [tilespmem:s14+$0x0];
	v52 =	vtrunc.f32 v22;
	v1 =	vmul.f32 $4.500000000e+00, v56;
	v25 =	vsub.f32 v25, v26  }
0x91: {  	v38 =	vld [tilespmem:s26+$0x0];
	s10 =	sor.u32 $0x3000, s10;
	v62 =	vsub.f32 v21, v23;
	v21 =	vmul.f32 $1.591549370e-01, v40;
	v36 =	vmax.f32 v27, $0.0e+00  }
0x92: {  	v30 =	vld [tilespmem:s10+$0x0];
	v39 =	vmax.f32 v18, $0.0e+00;
	vm2 =	vge.f32 v27, $0.0e+00;
	v58 =	vmax.f32 v12, v13  }
0x93: {  	s5 =	sor.u32 $0x3000, s5;
	v59 =	vmax.f32 v6, v7;
	v42 =	vsub.f32 v6, v7;
	v43 =	vsub.f32 v12, v13  }
0x94: {  	v31 =	vld [tilespmem:s5+$0x0];
	v17 =	vsub.f32 v35, v17;
	v61 =	vsub.f32 v37, v19;
	v19 =	vand.u32 $0x7FFFFFFF, v27  }
0x95: {  	v23 =	vand.u32 $0x7FFFFFFF, v25;
	v53 =	vtrunc.f32 v21;
	v9 =	vsub.f32 v34, v16  }
0x96: {  	v16 =	vsub.f32 v38, v20;
	v20 =	vand.u32 $0x7FFFFFFF, v18;
	v45 =	vsub.f32 $0.0e+00, v19  }
0x97: {  	v19 =	vsub.f32 v30, v28;
	v28 =	vmul.f32 v60, v27;
	v30 =	vmul.f32 $5.000000000e-01, v60  }
0x98: {  	[tilespmem:$0x1FFE0] =	vst v60;
	v27 =	vand.u32 $0x7FFFFFFF, v62;
	v60 =	vmin.f32 v11, $1.111111120e-01;
	v62 =	vmin.f32 v41, $1.111111120e-01  }
0x99: {  	v63 =	vsub.f32 $0.0e+00, v20;
	v20 =	vsub.f32 v31, v29;
	v29 =	vmul.f32 v5, v18  }
0x9a: {  	v31 =	vmul.f32 $5.000000000e-01, v5;
	v24 =	vand.u32 $0x7FFFFFFF, v42;
	v51 =	vand.u32 $0x7FFFFFFF, v43  }
0x9b: {  	[tilespmem:$0x1FFC0] =	vst v58;
	v58 =	vand.u32 $0x7FFFFFFF, v17;
	v42 =	vand.u32 $0x7FFFFFFF, v15;
	v2 =	vand.u32 $0x7FFFFFFF, v61  }
0x9c: {  	[tilespmem:$0x1FFB0] =	vst v0;
	v61 =	vmin.f32 v10, $1.111111120e-01;
	v0 =	vmul.f32 $4.500000000e+00, v60;
	v57 =	vmul.f32 $4.500000000e+00, v62  }
0x9d: {  	v38 =	vmin.f32 v27, $1.111111120e-01;
	v40 =	vsub.f32 v11, v60;
	v37 =	vsub.f32 v41, v62  }
0x9e: {  	v11 =	vimm.f32 $0.0e+00;
	v43 =	vand.u32 $0x7FFFFFFF, v9;
	v26 =	vand.u32 $0x7FFFFFFF, v16  }
0x9f: {  	[tilespmem:$0x1FFD0] =	vst v59;
	v54 =	vmul.f32 $1.442695020e+00, v45;
	v51 =	vsub.f32 $0.0e+00, v51;
	v59 =	vsub.f32 $0.0e+00, v24  }
0xa0: {  	v24 =	vmul.f32 $1.591549370e-01, v19;
	v16 =	vsub.f32 v36, v28;
	v14 =	vsub.f32 $7.500000000e-01, v30  }
0xa1: {  	v30 =	vmin.f32 v42, $1.111111120e-01;
	v28 =	vsub.f32 v46, v55;
	v33 =	vmin.f32 v2, $1.111111120e-01  }
0xa2: {  	v9 =	vmul.f32 $4.500000000e+00, v61;
	v35 =	vsub.f32 v10, v61;
	v10 =	vimm.f32 $0.0e+00  }
0xa3: {  	v3 =	vmul.f32 $1.442695020e+00, v63;
	v25 =	vmul.f32 $1.591549370e-01, v20;
	v17 =	vsub.f32 v39, v29  }
0xa4: {  	v15 =	vsub.f32 $7.500000000e-01, v31;
	v32 =	vmin.f32 v43, $1.111111120e-01;
	v63 =	vmul.f32 $4.500000000e+00, v55  }
0xa5: {  	v29 =	vsub.f32 v47, v56;
	v45 =	vmul.f32 $4.500000000e+00, v30;
	v47 =	vcvt.f32.s32 v52  }
0xa6: {  	v31 =	vmin.f32 v58, $1.111111120e-01;
	v52 =	vcvt.f32.s32 v53;
	v44 =	vmul.f32 $4.500000000e+00, v33  }
0xa7: {  	v34 =	vmin.f32 v26, $1.111111120e-01;
	v53 =	vmul.f32 $4.500000000e+00, v38;
	v57 =	vmul.f32 v57, v62  }
0xa8: {  	v39 =	vmin.f32 v23, $1.111111120e-01;
	v48 =	vmul.f32 $4.500000000e+00, v32;
	v46 =	vmul.f32 $4.500000000e+00, v31  }
0xa9: {  	v36 =	vsub.f32 v42, v30;
	v49 =	vmul.f32 $4.500000000e+00, v34;
	v50 =	vmul.f32 $4.500000000e+00, v39  }
0xaa: {  	v41 =	vsub.f32 v2, v33;
	(erf) = vpow2.f32 v54;
	v54 =	vmul.f32 $1.442695020e+00, v51  }
0xab: {  	v51 =	vmul.f32 $1.442695020e+00, v59;
	v42 =	vsub.f32 v43, v32;
	v59 =	vmul.f32 v1, v56  }
0xac: {  	v43 =	vsub.f32 v58, v31;
	v56 =	vmul.f32 v9, v61;
	v58 =	vmul.f32 v0, v60  }
0xad: {  	s5 =	simm.s32 $0x1;
	s10 =	simm.s32 $0x0;
	v60 =	vimm.f32 $0.0e+00;
	(erf) = vpow2.f32 v3;
	v55 =	vmul.f32 v63, v55  }
.LBB2_4:
0xae: {  	v0 =	vsub.f32 v26, v34  }
0xaf: {  	v23 =	vsub.f32 v23, v39;
	v1 =	vmul.f32 v45, v30;
	v30 =	vcvt.s32.f32 v47  }
0xb0: {  	v45 =	vcvt.s32.f32 v52;
	v47 =	vsub.f32 v27, v38;
	v32 =	vmul.f32 v48, v32  }
0xb1: {  	v31 =	vmul.f32 v46, v31;
	v33 =	vmul.f32 v44, v33;
	v24 =	vadd.f32 $5.000000000e-01, v24  }
0xb2: {  	v34 =	vmul.f32 v49, v34;
	v25 =	vadd.f32 $5.000000000e-01, v25;
	v28 =	vadd.f32 v55, v28  }
0xb3: {  	v52 =	vmul.f32 v53, v38;
	v27 =	vadd.f32 v58, v40;
	v35 =	vadd.f32 v56, v35  }
0xb4: {  	v53 =	vmul.f32 v50, v39;
	v37 =	vadd.f32 v57, v37;
	v1 =	vadd.f32 v1, v36  }
0xb5: {  	v56 =	vtrunc.f32 v24;
	v32 =	vadd.f32 v32, v42;
	v31 =	vadd.f32 v31, v43  }
0xb6: {  	v58 =	vtrunc.f32 v25;
	v63 =	vadd.f32 $-1.000000000e+00, v45;
	v0 =	vadd.f32 v34, v0  }
0xb7: {  	v33 =	vadd.f32 v33, v41;
	vm3 =	vlt.f32 v22, v30;
	v62 =	vcvt.f32.s32 v58  }
0xb8: {  	vm4 =	vlt.f32 v21, v45;
	v43 =	vadd.f32 v52, v47;
	v61 =	vcvt.f32.s32 v56  }
0xb9: {  	v23 =	vadd.f32 v53, v23;
	v47 =	vsel vm4, v63, v45;
	v46 =	vcvt.s32.f32 v62  }
0xba: {  	v34 =	vadd.f32 v43, v28;
	v36 =	vcvt.s32.f32 v61;
	v26 =	vpop (erf);
	(erf) = vpow2.f32 v54  }
0xbb: {  	v54 =	vadd.f32 v59, v29;
	v59 =	vadd.f32 $-1.000000000e+00, v30;
	v29 =	vpop (erf);
	(erf) = vpow2.f32 v51  }
0xbc: {  	vm5 =	vlt.f32 v24, v36;
	v24 =	vadd.f32 $-1.000000000e+00, v36;
	vm6 =	vlt.f32 v25, v46  }
0xbd: {  	v25 =	vadd.f32 $1.000000000e+00, v26;
	v2 =	vsel vm3, v59, v30;
	v23 =	vadd.f32 v23, v54  }
0xbe: {  	vm3 =	vge.f32 v18, $0.0e+00;
	v18 =	vsub.f32 v21, v47;
	v21 =	vsub.f32 v22, v2  }
0xbf: {  	v22 =	vadd.f32 $-1.000000000e+00, v46;
	v0 =	vadd.f32 v0, v23  }
0xc0: {  	v23 =	vadd.f32 v33, v34;
	vm14 =	vge.f32 v18, $5.000000000e-01;
	v18 =	vsel vm5, v24, v36  }
0xc1: {  	v24 =	vmul.f32 $3.010262550e-02, v26;
	vm15 =	vge.f32 v21, $5.000000000e-01;
	v21 =	vsel vm6, v22, v46  }
0xc2: {  	v18 =	vmul.f32 $6.283185480e+00, v18;
	v0 =	vadd.f32 v31, v0;
	v22 =	vadd.f32 v32, v23  }
0xc3: {  	v23 =	vmul.f32 $3.010262550e-02, v29;
	v48 =	vmul.f32 $6.283185480e+00, v21;
	v21 =	vadd.f32 $-1.301194130e-01, v24  }
0xc4: {  	v47 =	vsel vm14, v7, v6;
	v18 =	vsub.f32 v19, v18;
	v32 =	vadd.f32 v37, v22  }
0xc5: {  	s13 =	sshll.u32 s5, $0x8;
	s10 =	sadd.s32 $0x20, s10;
	v0 =	vadd.f32 v1, v0;
	v22 =	vadd.f32 $-1.301194130e-01, v23;
	v19 =	vmul.f32 v21, v26;
	v28 =	vpop (erf)  }
0xc6: {  	s11 =	rddreg [dreg:$0x8];
	s14 =	sand.u32 $0x60, s10;
	s23 =	sand.u32 $0xFFFFFC00, s13;
	v1 =	vsub.f32 v20, v48;
	v34 =	vmul.f32 v18, v18;
	v23 =	vmul.f32 $3.010262550e-02, v28  }
0xc7: {  	s11 =	sadd.s32 s11, s23;
	s22 =	sor.u32 $0x10, s14;
	v31 =	vadd.f32 $1.000000000e+00, v29;
	v30 =	vpop (erf);
	(erf) = vrcp.f32 v25;
	v22 =	vmul.f32 v22, v29  }
0xc8: {  	s13 =	sor.u32 s22, s11;
	v36 =	vsel vm15, v13, v12;
	v49 =	vmul.f32 v1, v1;
	v24 =	vmul.f32 $3.010262550e-02, v30  }
0xc9: {  	v44 =	vld [tilespmem:s13+$0x6800];
	v40 =	vadd.f32 v35, v32;
	(erf) = vrcp.f32 v31;
	v21 =	vadd.f32 $-1.301194130e-01, v23  }
0xca: {  	v50 =	vmul.f32 $1.477364570e-04, v34;
	v22 =	vadd.f32 $2.833043340e-01, v22;
	v23 =	vadd.f32 $-1.301194130e-01, v24  }
0xcb: {  	s11 =	sor.u32 s14, s11;
	v43 =	vld [tilespmem:s13+$0x3800];
	v0 =	vadd.f32 v27, v0;
	v51 =	vmul.f32 $1.477364570e-04, v49;
	v24 =	vadd.f32 $2.833043340e-01, v19  }
0xcc: {  	v45 =	vld [tilespmem:s11+$0x3800];
	v33 =	vsub.f32 $7.998520500e-03, v50;
	v53 =	vmul.f32 v22, v29;
	v31 =	vmul.f32 v23, v30  }
0xcd: {  	v37 =	vld [tilespmem:s13+$0x0];
	v25 =	vmul.f32 v21, v28;
	v54 =	vsub.f32 $7.998520500e-03, v51;
	v24 =	vmul.f32 v24, v26  }
0xce: {  	v58 =	vmul.f32 v33, v34;
	v33 =	vld [tilespmem:s13+$0x7000];
	v12 =	vadd.f32 $-4.891568420e-01, v53;
	v31 =	vadd.f32 $2.833043340e-01, v31  }
0xcf: {  	v46 =	vld [tilespmem:s11+$0x0];
	v52 =	vadd.f32 $2.833043340e-01, v25;
	v57 =	vmul.f32 v54, v49;
	v55 =	vadd.f32 $-4.891568420e-01, v24  }
0xd0: {  	v20 =	vld [tilespmem:s13+$0x9000];
	v2 =	vadd.f32 $-1.658382270e-01, v58;
	v12 =	vmul.f32 v12, v29;
	v13 =	vmul.f32 v31, v30  }
0xd1: {  	v27 =	vld [tilespmem:s11+$0x5000];
	v39 =	vadd.f32 $-1.658382270e-01, v57;
	v31 =	vmul.f32 v52, v28;
	v56 =	vpop (erf);
	v41 =	vmul.f32 v55, v26  }
0xd2: {  	v35 =	vld [tilespmem:s11+$0x7000];
	v37 =	vsub.f32 v37, v43;
	v52 =	vmul.f32 v2, v34;
	v61 =	vmul.f32 v56, v26  }
0xd3: {  	v32 =	vld [tilespmem:s11+$0x4800];
	v59 =	vpop (erf);
	v12 =	vadd.f32 $9.990104430e-01, v12;
	v7 =	vmul.f32 v39, v49;
	v33 =	vadd.f32 v33, v44  }
0xd4: {  	v19 =	vld [tilespmem:s11+$0x9000];
	v13 =	vadd.f32 $-4.891568420e-01, v13;
	v62 =	vadd.f32 $-4.891568420e-01, v31;
	v63 =	vmul.f32 v59, v29  }
0xd5: {  	s30 =	sshll.u32 s5, $0x5;
	v21 =	vld [tilespmem:s13+$0x6000];
	v6 =	vadd.f32 $9.990104430e-01, v41;
	v38 =	vsel vm2, v56, v61;
	v7 =	vadd.f32 $9.994499680e-01, v7  }
0xd6: {  	s26 =	rddreg [dreg:$0x9];
	s30 =	sand.u32 $0x3FFFFF80, s30;
	v22 =	vld [tilespmem:s13+$0x5800];
	v12 =	vmul.f32 v12, v29;
	v48 =	vsel vm3, v59, v63;
	v50 =	vmul.f32 v62, v28  }
0xd7: {  	s26 =	sadd.s32 s30, s26;
	v23 =	vld [tilespmem:s11+$0x6000];
	v13 =	vmul.f32 v13, v30;
	v49 =	vsub.f32 $1.000000000e+00, v38;
	v51 =	vsub.f32 $1.000000000e+00, v48  }
0xd8: {  	s30 =	sadd.s32 s22, s26;
	v25 =	vld [tilespmem:s11+$0x5800];
	v6 =	vmul.f32 v6, v26;
	v53 =	vadd.f32 $2.211703030e-05, v12;
	v42 =	vadd.f32 $9.990104430e-01, v50  }
0xd9: {  	v29 =	vld [tilespmem:s30+$0x0];
	v1 =	vmul.f32 v7, v1;
	v7 =	vadd.f32 $9.990104430e-01, v13;
	v13 =	vadd.f32 $9.994499680e-01, v52  }
0xda: {  	v24 =	vld [tilespmem:s13+$0x5000];
	v6 =	vadd.f32 $2.211703030e-05, v6;
	v38 =	vsel vm0, v38, v49;
	vm0 =	vgt.s32 v20, $0x0  }
0xdb: {  	v63 =	vld [tilespmem:s11+$0x6800];
	v39 =	vsel vm1, v48, v51;
	v1 =	vand.u32 $0x7FFFFFFF, v1;
	v38 =	vsub.f32 $1.000000000e+00, v38  }
0xdc: {  	s31 =	rddreg [dreg:$0xa];
	s23 =	sshrl.u32 s23, $0x2;
	v34 =	vld [tilespmem:s13+$0x4000];
	v17 =	vadd.f32 v53, v17;
	vm1 =	vgt.s32 v19, $0x0;
	v12 =	vmul.f32 v13, v18  }
0xdd: {  	s23 =	sadd.s32 s23, s31;
	v31 =	vld [tilespmem:s13+$0x4800];
	v54 =	vmin.f32 v1, $1.111111120e-01;
	v39 =	vsub.f32 $1.000000000e+00, v39;
	v28 =	vmul.f32 v42, v28  }
0xde: {  	s22 =	sadd.s32 s22, s23;
	v62 =	vld [tilespmem:$0x1FFD0];
	v7 =	vmul.f32 v7, v30;
	v16 =	vadd.f32 v6, v16;
	vm2 =	vge.f32 v29, $0.0e+00  }
0xdf: {  	s26 =	sadd.s32 s14, s26;
	s14 =	sadd.s32 s14, s23;
	v13 =	vld [tilespmem:s22+$0x80];
	v55 =	vmul.f32 $4.500000000e+00, v54;
	v1 =	vsub.f32 v1, v54;
	v38 =	vmul.f32 v38, v38  }
0xe0: {  	v6 =	vld [tilespmem:s14+$0x0];
	v35 =	vadd.f32 v35, v63;
	v56 =	vand.u32 $0x7FFFFFFF, v12;
	v39 =	vmul.f32 v39, v39  }
0xe1: {  	v59 =	vadd.f32 $2.211703030e-05, v7;
	v7 =	vld [tilespmem:s14+$0x80];
	v28 =	vadd.f32 $2.211703030e-05, v28;
	v30 =	vmin.f32 v56, $1.111111120e-01  }
0xe2: {  	v12 =	vld [tilespmem:s22+$0x0];
	v57 =	vmul.f32 v55, v54;
	v14 =	vmul.f32 v38, v14;
	v38 =	vmax.f32 v29, $0.0e+00  }
0xe3: {  	s1 =	sor.u32 $0x1800, s11;
	v49 =	vld [tilespmem:$0x1FFE0];
	v55 =	vsub.f32 v46, v45;
	v58 =	vmul.f32 $4.500000000e+00, v30;
	v8 =	vadd.f32 v59, v62  }
0xe4: {  	s31 =	sor.u32 $0x2000, s11;
	v51 =	vld [tilespmem:s1+$0x0];
	v39 =	vmul.f32 v39, v15;
	v1 =	vadd.f32 v57, v1;
	v14 =	vmul.f32 v16, v14  }
0xe5: {  	v16 =	vld [tilespmem:s31+$0x0];
	v61 =	vmul.f32 v58, v30;
	v30 =	vsub.f32 v56, v30;
	v8 =	vsub.f32 v8, v47  }
0xe6: {  	v47 =	vld [tilespmem:$0x1FFC0];
	v0 =	vadd.f32 v1, v0;
	v1 =	vmul.f32 v17, v39;
	v59 =	vsub.f32 v6, v7  }
0xe7: {  	v48 =	vld [tilespmem:$0x1FFB0];
	v15 =	vadd.f32 v61, v30;
	v8 =	vmul.f32 v5, v8;
	v61 =	vsub.f32 v12, v13  }
0xe8: {  	v18 =	vld [tilespmem:s26+$0x0];
	v0 =	vmul.f32 v5, v0;
	v1 =	vadd.f32 v1, v11;
	v5 =	vadd.f32 v5, v60  }
0xe9: {  	s30 =	sor.u32 $0x2000, s13;
	v26 =	vld [tilespmem:s11+$0x4000];
	v53 =	vmax.f32 v12, v13;
	v15 =	vadd.f32 v15, v40;
	v8 =	vadd.f32 v8, v10  }
0xea: {  	s23 =	sor.u32 $0x2800, s13;
	v17 =	vld [tilespmem:s30+$0x0];
	v46 =	vand.u32 $0x7FFFFFFF, v59;
	v16 =	vsub.f32 v16, v25;
	v25 =	vsub.f32 v51, v27  }
0xeb: {  	s30 =	sor.u32 $0x800, s13;
	v56 =	vmax.f32 v6, v7;
	v30 =	vld [tilespmem:s23+$0x0];
	v59 =	vsub.f32 $0.0e+00, v46;
	v4 =	vadd.f32 v28, v47  }
0xec: {  	s26 =	sor.u32 $0x2800, s11;
	v57 =	vld [tilespmem:s30+$0x0];
	v60 =	vcvt.s32.f32 v20;
	v0 =	vadd.f32 v0, v48;
	v3 =	vadd.f32 v14, v1  }
0xed: {  	s23 =	sor.u32 $0x1000, s13;
	v28 =	vld [tilespmem:s26+$0x0];
	v10 =	vadd.f32 v49, v5;
	v14 =	vmax.f32 v18, $0.0e+00;
	v5 =	vcvt.s32.f32 v19  }
0xee: {  	s0 =	sor.u32 $0x1800, s13;
	s13 =	sor.u32 $0x3000, s13;
	v52 =	vld [tilespmem:s23+$0x0];
	v19 =	vand.u32 $0x7FFFFFFF, v29;
	v29 =	vmul.f32 v60, v29;
	v62 =	vmul.f32 $5.000000000e-01, v60  }
0xef: {  	v20 =	vld [tilespmem:s13+$0x0];
	v47 =	vand.u32 $0x7FFFFFFF, v61;
	v50 =	vmul.f32 v49, v15;
	v17 =	vsub.f32 v17, v22  }
0xf0: {  	s26 =	sor.u32 $0x1000, s11;
	v15 =	vld [tilespmem:s0+$0x0];
	v22 =	vand.u32 $0x7FFFFFFF, v18;
	v43 =	vand.u32 $0x7FFFFFFF, v25;
	v4 =	vsub.f32 v4, v36  }
0xf1: {  	s31 =	sor.u32 $0x800, s11;
	v54 =	vld [tilespmem:s26+$0x0];
	v51 =	vand.u32 $0x7FFFFFFF, v16;
	v27 =	vsub.f32 v57, v34;
	v0 =	vadd.f32 v50, v0  }
0xf2: {  	v58 =	vld [tilespmem:s31+$0x0];
	v36 =	vmul.f32 $5.000000000e-01, v5;
	v16 =	vsub.f32 v38, v29;
	v23 =	vsub.f32 v28, v23  }
0xf3: {  	v9 =	vmul.f32 v49, v4;
	[tilespmem:$0x1FFB0] =	vst v0;
	v28 =	vsub.f32 v30, v21;
	v0 =	vsub.f32 v52, v31  }
0xf4: {  	v41 =	vand.u32 $0x7FFFFFFF, v17;
	v30 =	vsub.f32 $0.0e+00, v22;
	v31 =	vsub.f32 $0.0e+00, v19  }
0xf5: {  	v27 =	vand.u32 $0x7FFFFFFF, v27;
	v19 =	vsub.f32 v20, v44;
	v11 =	vadd.f32 v9, v8  }
0xf6: {  	v22 =	vmul.f32 $1.591549370e-01, v33;
	v15 =	vsub.f32 v15, v24;
	v1 =	vsub.f32 v54, v32  }
0xf7: {  	v38 =	vmin.f32 v27, $1.111111120e-01;
	v24 =	vsub.f32 v58, v26;
	v58 =	vsub.f32 $0.0e+00, v47  }
0xf8: {  	v40 =	vand.u32 $0x7FFFFFFF, v23;
	v42 =	vand.u32 $0x7FFFFFFF, v28;
	v0 =	vand.u32 $0x7FFFFFFF, v0  }
0xf9: {  	v54 =	vmul.f32 $1.442695020e+00, v31;
	v52 =	vtrunc.f32 v22;
	v31 =	vmin.f32 v43, $1.111111120e-01  }
0xfa: {  	[tilespmem:$0x1FFD0] =	vst v56;
	s11 =	sor.u32 $0x3000, s11;
	v56 =	vand.u32 $0x7FFFFFFF, v15;
	v26 =	vand.u32 $0x7FFFFFFF, v1;
	v23 =	vand.u32 $0x7FFFFFFF, v24  }
0xfb: {  	[tilespmem:$0x1FFE0] =	vst v60;
	v21 =	vld [tilespmem:s11+$0x0];
	v24 =	vmul.f32 $1.591549370e-01, v19;
	v60 =	vmin.f32 v40, $1.111111120e-01;
	v15 =	vsub.f32 $7.500000000e-01, v36  }
0xfc: {  	v61 =	vmin.f32 v42, $1.111111120e-01;
	v33 =	vmin.f32 v0, $1.111111120e-01;
	v47 =	vcvt.f32.s32 v52  }
0xfd: {  	v46 =	vmul.f32 $4.500000000e+00, v31;
	v43 =	vsub.f32 v43, v31;
	v32 =	vmin.f32 v56, $1.111111120e-01  }
0xfe: {  	v4 =	vmul.f32 $4.500000000e+00, v61;
	v34 =	vmin.f32 v26, $1.111111120e-01;
	v8 =	vmul.f32 $4.500000000e+00, v60  }
0xff: {  	v39 =	vmin.f32 v23, $1.111111120e-01;
	v44 =	vmul.f32 $4.500000000e+00, v33;
	v40 =	vsub.f32 v40, v60  }
0x100: {  	(erf) = vpow2.f32 v54;
	v54 =	vmul.f32 $1.442695020e+00, v58;
	v20 =	vsub.f32 v21, v63  }
0x101: {  	v63 =	vmul.f32 v5, v18;
	v21 =	vmul.f32 $1.591549370e-01, v35;
	v35 =	vand.u32 $0x7FFFFFFF, v37  }
0x102: {  	v37 =	vand.u32 $0x7FFFFFFF, v55;
	v55 =	vmul.f32 $1.442695020e+00, v30;
	v48 =	vmul.f32 $4.500000000e+00, v32  }
0x103: {  	v30 =	vmin.f32 v51, $1.111111120e-01;
	v49 =	vmul.f32 $4.500000000e+00, v34;
	v50 =	vmul.f32 $4.500000000e+00, v39  }
0x104: {  	v1 =	vmin.f32 v35, $1.111111120e-01;
	v57 =	vmin.f32 v37, $1.111111120e-01;
	v45 =	vmul.f32 $4.500000000e+00, v30  }
0x105: {  	v36 =	vsub.f32 v51, v30;
	v51 =	vmul.f32 $1.442695020e+00, v59;
	v58 =	vmul.f32 v8, v60  }
0x106: {  	v25 =	vmul.f32 $1.591549370e-01, v20;
	v17 =	vsub.f32 v14, v63;
	v14 =	vsub.f32 $7.500000000e-01, v62  }
0x107: {  	p0 =	sne.s32 s5, $0x7;
	[tilespmem:$0x1FFC0] =	vst v53;
	v62 =	vmin.f32 v41, $1.111111120e-01;
	v53 =	vtrunc.f32 v21;
	v28 =	vsub.f32 v35, v1  }
.Ltmp0:
0x108: {  	v63 =	vmul.f32 $4.500000000e+00, v1;
	v2 =	vmul.f32 $4.500000000e+00, v57;
	v35 =	vsub.f32 v42, v61;
	(pc) =	sbr.rel @p0 .LBB2_4-.Ltmp0, $4  }
0x109: {  	(erf) = vpow2.f32 v55;
	v42 =	vsub.f32 v56, v32;
	v56 =	vmul.f32 v4, v61  }
0x10a: {  	v29 =	vsub.f32 v37, v57;
	v9 =	vmul.f32 $4.500000000e+00, v62;
	v52 =	vcvt.f32.s32 v53  }
0x10b: {  	v60 =	vmovc v10;
	v10 =	vmovc v11;
	v53 =	vmul.f32 $4.500000000e+00, v38;
	v37 =	vsub.f32 v41, v62;
	v55 =	vmul.f32 v63, v1  }
0x10c: {  	s5 =	sadd.s32 $0x1, s5;
	v11 =	vmovc v3;
	v41 =	vsub.f32 v0, v33;
	v59 =	vmul.f32 v2, v57;
	v57 =	vmul.f32 v9, v62  }
0x10d: {  	v0 =	vmul.f32 v45, v30;
	v1 =	vsub.f32 v26, v34;
	v2 =	vcvt.s32.f32 v47  }
0x10e: {  	v4 =	vcvt.s32.f32 v52;
	v8 =	vsub.f32 v27, v38;
	v9 =	vmul.f32 v48, v32  }
0x10f: {  	v47 =	vmul.f32 v46, v31;
	v23 =	vsub.f32 v23, v39;
	v48 =	vmul.f32 v44, v33  }
0x110: {  	v49 =	vmul.f32 v49, v34;
	v52 =	vmul.f32 v53, v38;
	v24 =	vadd.f32 $5.000000000e-01, v24  }
0x111: {  	v53 =	vmul.f32 v50, v39;
	v25 =	vadd.f32 $5.000000000e-01, v25;
	v28 =	vadd.f32 v55, v28  }
0x112: {  	(erf) = vpow2.f32 v54;
	v33 =	vadd.f32 v58, v40;
	v34 =	vadd.f32 v56, v35  }
0x113: {  	vm13 =	vge.f32 v18, $0.0e+00;
	v29 =	vadd.f32 v59, v29;
	v37 =	vadd.f32 v57, v37  }
0x114: {  	(erf) = vpow2.f32 v51;
	v61 =	vadd.f32 $-1.000000000e+00, v2;
	v0 =	vadd.f32 v0, v36  }
0x115: {  	v58 =	vtrunc.f32 v24;
	v9 =	vadd.f32 v9, v42;
	v26 =	vadd.f32 v47, v43  }
0x116: {  	v59 =	vtrunc.f32 v25;
	v63 =	vadd.f32 $-1.000000000e+00, v4;
	v1 =	vadd.f32 v49, v1  }
0x117: {  	v27 =	vadd.f32 v48, v41;
	vm3 =	vlt.f32 v22, v2;
	v23 =	vadd.f32 v53, v23  }
0x118: {  	vm4 =	vlt.f32 v21, v4;
	v8 =	vadd.f32 v52, v8;
	v43 =	vpop (erf);
	v35 =	vcvt.f32.s32 v58  }
0x119: {  	v62 =	vcvt.f32.s32 v59;
	v47 =	vmul.f32 $3.010262550e-02, v43;
	v48 =	vadd.f32 $1.000000000e+00, v43  }
0x11a: {  	v23 =	vadd.f32 v23, v29;
	v4 =	vsel vm4, v63, v4;
	v2 =	vsel vm3, v61, v2  }
0x11b: {  	v8 =	vadd.f32 v8, v28;
	v36 =	vcvt.s32.f32 v62;
	v4 =	vsub.f32 v21, v4  }
0x11c: {  	v40 =	vcvt.s32.f32 v35;
	v2 =	vsub.f32 v22, v2;
	v18 =	vadd.f32 $-1.301194130e-01, v47  }
0x11d: {  	v44 =	vpop (erf);
	(erf) = vrcp.f32 v48;
	v1 =	vadd.f32 v1, v23;
	v8 =	vadd.f32 v27, v8  }
0x11e: {  	v46 =	vmul.f32 $3.010262550e-02, v44;
	v49 =	vadd.f32 $1.000000000e+00, v44;
	v41 =	vadd.f32 $-1.000000000e+00, v36  }
0x11f: {  	vm5 =	vlt.f32 v24, v40;
	v42 =	vadd.f32 $-1.000000000e+00, v40;
	vm6 =	vlt.f32 v25, v36  }
0x120: {  	vm14 =	vge.f32 v4, $5.000000000e-01;
	vm15 =	vge.f32 v2, $5.000000000e-01;
	v1 =	vadd.f32 v26, v1  }
0x121: {  	v18 =	vmul.f32 v18, v43;
	v8 =	vadd.f32 v9, v8;
	v9 =	vadd.f32 $-1.301194130e-01, v46  }
0x122: {  	(erf) = vrcp.f32 v49;
	v12 =	vsel vm15, v13, v12;
	v21 =	vsel vm5, v42, v40  }
0x123: {  	v45 =	vsel vm6, v41, v36;
	v50 =	vpop (erf);
	v18 =	vadd.f32 $2.833043340e-01, v18;
	v21 =	vmul.f32 $6.283185480e+00, v21  }
0x124: {  	v8 =	vadd.f32 v37, v8;
	v2 =	vmul.f32 $6.283185480e+00, v45;
	v51 =	vpop (erf);
	v52 =	vmul.f32 $3.010262550e-02, v50  }
0x125: {  	v9 =	vmul.f32 v9, v44;
	v53 =	vmul.f32 $3.010262550e-02, v51;
	v19 =	vsub.f32 v19, v21  }
0x126: {  	v18 =	vmul.f32 v18, v43;
	v2 =	vsub.f32 v20, v2;
	v54 =	vadd.f32 $-1.301194130e-01, v52  }
0x127: {  	v6 =	vsel vm14, v7, v6;
	v9 =	vadd.f32 $2.833043340e-01, v9;
	v55 =	vadd.f32 $-1.301194130e-01, v53  }
0x128: {  	v18 =	vadd.f32 $-4.891568420e-01, v18;
	v56 =	vmul.f32 v19, v19;
	v57 =	vmul.f32 v2, v2  }
0x129: {  	v0 =	vadd.f32 v0, v1;
	v20 =	vmul.f32 v54, v50;
	v9 =	vmul.f32 v9, v44  }
0x12a: {  	v8 =	vadd.f32 v34, v8;
	v63 =	vpop (erf);
	v21 =	vmul.f32 v55, v51;
	v18 =	vmul.f32 v18, v43  }
0x12b: {  	v0 =	vadd.f32 v33, v0;
	v33 =	vmul.f32 v63, v43;
	v58 =	vmul.f32 $1.477364570e-04, v56  }
0x12c: {  	v59 =	vmul.f32 $1.477364570e-04, v57;
	v20 =	vadd.f32 $2.833043340e-01, v20;
	v9 =	vadd.f32 $-4.891568420e-01, v9  }
0x12d: {  	v21 =	vadd.f32 $2.833043340e-01, v21;
	v18 =	vadd.f32 $9.990104430e-01, v18;
	v35 =	vsel vm2, v63, v33  }
0x12e: {  	v3 =	vpop (erf);
	v27 =	vsub.f32 $7.998520500e-03, v59;
	v20 =	vmul.f32 v20, v50;
	v9 =	vmul.f32 v9, v44  }
0x12f: {  	v24 =	vsub.f32 $7.998520500e-03, v58;
	v34 =	vmul.f32 v3, v44;
	v61 =	vmul.f32 v21, v51  }
0x130: {  	v37 =	vsub.f32 $1.000000000e+00, v35;
	v39 =	vmul.f32 v18, v43;
	v62 =	vmul.f32 v27, v57  }
0x131: {  	v24 =	vmul.f32 v24, v56;
	v20 =	vadd.f32 $-4.891568420e-01, v20;
	v9 =	vadd.f32 $9.990104430e-01, v9  }
0x132: {  	v36 =	vsel vm13, v3, v34;
	v13 =	vadd.f32 $-4.891568420e-01, v61;
	v21 =	vadd.f32 $-1.658382270e-01, v62  }
0x133: {  	v38 =	vsub.f32 $1.000000000e+00, v36;
	v24 =	vadd.f32 $-1.658382270e-01, v24;
	v20 =	vmul.f32 v20, v50  }
0x134: {  	v4 =	vmul.f32 v9, v44;
	v9 =	vadd.f32 $2.211703030e-05, v39;
	v21 =	vmul.f32 v21, v57  }
0x135: {  	v13 =	vmul.f32 v13, v51;
	v41 =	vsel vm1, v36, v38;
	v40 =	vadd.f32 $9.990104430e-01, v20  }
0x136: {  	v1 =	vmul.f32 v24, v56;
	v4 =	vadd.f32 $2.211703030e-05, v4;
	v21 =	vadd.f32 $9.994499680e-01, v21  }
0x137: {  	v42 =	vsel vm0, v35, v37;
	v20 =	vsub.f32 $1.000000000e+00, v41;
	v13 =	vadd.f32 $9.990104430e-01, v13  }
0x138: {  	v48 =	vld [tilespmem:$0x1FFD0];
	v53 =	vadd.f32 v9, v16;
	v1 =	vadd.f32 $9.994499680e-01, v1;
	v2 =	vmul.f32 v21, v2  }
0x139: {  	v18 =	vmul.f32 v40, v50;
	v4 =	vadd.f32 v4, v17;
	v13 =	vmul.f32 v13, v51  }
0x13a: {  	v52 =	vld [tilespmem:$0x1FFC0];
	v47 =	vmul.f32 v20, v20;
	v1 =	vmul.f32 v1, v19;
	v2 =	vand.u32 $0x7FFFFFFF, v2  }
0x13b: {  	v21 =	vsub.f32 $1.000000000e+00, v42;
	v13 =	vadd.f32 $2.211703030e-05, v13;
	v43 =	vmin.f32 v2, $1.111111120e-01  }
0x13c: {  	v18 =	vadd.f32 $2.211703030e-05, v18;
	v1 =	vand.u32 $0x7FFFFFFF, v1;
	v44 =	vmul.f32 $4.500000000e+00, v43  }
0x13d: {  	v50 =	vmul.f32 v47, v15;
	v45 =	vmin.f32 v1, $1.111111120e-01;
	v13 =	vadd.f32 v13, v48  }
0x13e: {  	v3 =	vld [tilespmem:$0x1FFE0];
	v2 =	vsub.f32 v2, v43;
	v46 =	vmul.f32 $4.500000000e+00, v45;
	v22 =	vmul.f32 v44, v43  }
0x13f: {  	v49 =	vmul.f32 v21, v21;
	v6 =	vsub.f32 v13, v6;
	v13 =	vadd.f32 v18, v52  }
0x140: {  	v1 =	vsub.f32 v1, v45;
	v19 =	vmul.f32 v46, v45;
	v2 =	vadd.f32 v22, v2  }
0x141: {  	v57 =	vld [tilespmem:$0x1FFB0];
	v51 =	vmul.f32 v49, v14;
	v54 =	vmul.f32 v5, v6;
	v56 =	vsub.f32 v13, v12  }
0x142: {  	v59 =	vld [tilespmem:s4+$0x13100];
	v1 =	vadd.f32 v19, v1;
	v0 =	vadd.f32 v2, v0;
	v2 =	vmul.f32 v4, v50  }
0x143: {  	v58 =	vld [tilespmem:s4+$0x13080];
	v7 =	vmul.f32 v53, v51;
	v9 =	vmul.f32 v3, v56;
	v4 =	vadd.f32 v54, v10  }
0x144: {  	v61 =	vld [tilespmem:s4+$0x13180];
	v1 =	vadd.f32 v1, v8;
	v0 =	vmul.f32 v5, v0;
	v2 =	vadd.f32 v2, v11  }
0x145: {  	v55 =	vld [tilespmem:s4+$0x13000];
	v62 =	vadd.f32 v5, v60;
	v4 =	vadd.f32 v9, v4  }
0x146: {  	s19 =	sadd.s32 $0x1, s19;
	v1 =	vmul.f32 v3, v1;
	v0 =	vadd.f32 v0, v57;
	v2 =	vadd.f32 v7, v2  }
0x147: {  	p0 =	sne.s32 s19, $0x8;
	v3 =	vadd.f32 v3, v62;
	v63 =	vadd.f32 v59, v4  }
.Ltmp1:
0x148: {  	v0 =	vadd.f32 v1, v0;
	v2 =	vadd.f32 v58, v2;
	(pc) =	sbr.rel @p0 .LBB2_3-.Ltmp1, $4  }
0x149: {  	v1 =	vadd.f32 v61, v3;
	[tilespmem:s4+$0x13100] =	vst v63  }
0x14a: {  	v0 =	vadd.f32 v55, v0;
	[tilespmem:s4+$0x13080] =	vst v2  }
0x14b: {  	[tilespmem:s4+$0x13180] =	vst v1  }
0x14c: {  	[tilespmem:s4+$0x13000] =	vst v0  }
0x14d: {  	s4 =	sshll.u32 s18, $0x1  }
0x14e: {  	s4 =	sadd.s32 $0x2, s4  }
0x14f: {  	s5 =	sshll.u32 s4, $0x1  }
0x150: {  	s0 =	rddreg [dreg:$0xe];
	p0 =	seq.s32 s4, $0x8;
	s4 =	sadd.s32 s17, s5  }
0x151: {  	s4 =	smov.u32 @p0 s0  }
0x152: {  	s1 =	sshll.u32 s4, $0x7  }
0x153: {  	s7 =	simm.s32 $0x0;
	s13 =	simm.s32 $0x3800;
	s10 =	sadd.s32 s2, s1  }
0x154: {  	[tilespmem:s7], [sflag:$0x1] =	stream.strided.gather [hbm4b:s10+s20], $0x3800, s21, s20, $0x38;
	[tilespmem:$0x14000] =	vst v63  }
0x155: {  	s19 =	simm.s32 $0x7000;
	s22 =	sshll.u32 s4, $0x4;
	s11 =	sadd.s32 s8, s1  }
0x156: {  	[tilespmem:s13], [sflag:$0x1] =	stream.strided.gather [hbm4b:s11+s20], $0x3800, s21, s20, $0x38;
	[tilespmem:$0x14000] =	vst v63  }
0x157: {  	s4 =	sshll.u32 s4, $0x5;
	s14 =	sadd.s32 s1, s12;
	s10 =	sand.u32 $0x1FFFFFE0, s22  }
0x158: {  	[tilespmem:s19], [sflag:$0x1] =	stream.linear.gather [hbm4b:s14+s7], $0x800, $0x38;
	[tilespmem:$0x14000] =	vst v63  }
0x159: {  	s23 =	simm.s32 $0x7800;
	s4 =	sand.u32 $0x1FFFFFC0, s4;
	s10 =	sadd.s32 s3, s10  }
0x15a: {  	[tilespmem:s23], [sflag:$0x1] =	stream.strided.gather [hbm4b:s10+s24], $0x800, s25, s24, $0x38;
	[tilespmem:$0x14000] =	vst v63  }
0x15b: {  	s26 =	simm.s32 $0x8000;
	s4 =	sadd.s32 s6, s4  }
0x15c: {  	[tilespmem:s26], [sflag:$0x1] =	stream.strided.gather [hbm4b:s4+s28], $0x1000, s29, s28, $0x38;
	[tilespmem:$0x14000] =	vst v63  }
0x15d: {  	s31 =	simm.s32 $0x9000;
	s30 =	sadd.s32 s9, s1  }
0x15e: {  	[tilespmem:s31], [sflag:$0x1] =	stream.linear.gather [hbm4b:s30+s7], $0x800, $0x38;
	[tilespmem:$0x14000] =	vst v63  }
0x15f: {  	_ =	swait.ge [sflag:s16], $0x3800  }
0x160: {  	[sflag:s16] =	ssyncset.done $0x0  }
0x161: {  	[sflag:s16] =	ssyncadd.s32 $0xFFFFC800  }
0x162: {  	_ =	swait.ge [sflag:s16], $0x3800  }
0x163: {  	[sflag:s16] =	ssyncset.done $0x0  }
0x164: {  	[sflag:s16] =	ssyncadd.s32 $0xFFFFC800  }
0x165: {  	_ =	swait.ge [sflag:s16], $0x800  }
0x166: {  	[sflag:s16] =	ssyncset.done $0x0  }
0x167: {  	[sflag:s16] =	ssyncadd.s32 $0xFFFFF800  }
0x168: {  	_ =	swait.ge [sflag:s16], $0x800  }
0x169: {  	[sflag:s16] =	ssyncset.done $0x0  }
0x16a: {  	[sflag:s16] =	ssyncadd.s32 $0xFFFFF800  }
0x16b: {  	_ =	swait.ge [sflag:s16], $0x1000  }
0x16c: {  	[sflag:s16] =	ssyncset.done $0x0  }
0x16d: {  	[sflag:s16] =	ssyncadd.s32 $0xFFFFF000  }
0x16e: {  	_ =	swait.ge [sflag:s16], $0x800  }
0x16f: {  	[sflag:s16] =	ssyncset.done $0x0  }
0x170: {  	s4 =	simm.s32 $0x0;
	[sflag:s16] =	ssyncadd.s32 $0xFFFFF800  }
.LBB2_7:
0x171: {  	s10 =	simm.s32 $0x0  }
0x172: {  	s5 =	sshll.u32 s4, $0x7;
	s13 =	sand.u32 $0x60, s7;
	s14 =	sand.u32 $0xFFFFFC00, s10  }
0x173: {  	s22 =	sor.u32 $0x10, s13;
	s10 =	sadd.s32 s5, s14  }
0x174: {  	s23 =	sor.u32 s22, s10  }
0x175: {  	s26 =	sor.u32 s13, s10;
	v0 =	vld [tilespmem:s23+$0x12800]  }
0x176: {  	v1 =	vld [tilespmem:s26+$0x12800]  }
0x177: {  	v4 =	vld [tilespmem:s23+$0xC000]  }
0x178: {  	v5 =	vld [tilespmem:s23+$0xF800]  }
0x179: {  	v2 =	vld [tilespmem:s26+$0xC000]  }
0x17a: {  	v6 =	vld [tilespmem:s26+$0xF800]  }
0x17b: {  	v7 =	vld [tilespmem:s23+$0xB800]  }
0x17c: {  	v8 =	vld [tilespmem:s23+$0xF000]  }
0x17d: {  	v9 =	vld [tilespmem:s26+$0xB800]  }
0x17e: {  	v10 =	vld [tilespmem:s26+$0xF000]  }
0x17f: {  	v11 =	vld [tilespmem:s23+$0xB000]  }
0x180: {  	v12 =	vld [tilespmem:s23+$0xE800]  }
0x181: {  	v14 =	vld [tilespmem:s23+$0x10800]  }
0x182: {  	v15 =	vld [tilespmem:s26+$0xB000]  }
0x183: {  	v18 =	vld [tilespmem:s26+$0xE800]  }
0x184: {  	v19 =	vld [tilespmem:s26+$0x10800]  }
0x185: {  	v20 =	vld [tilespmem:s23+$0xA800]  }
0x186: {  	v21 =	vld [tilespmem:s23+$0xE000]  }
0x187: {  	v22 =	vld [tilespmem:s26+$0xA800]  }
0x188: {  	v23 =	vld [tilespmem:s26+$0xE000]  }
0x189: {  	v24 =	vld [tilespmem:s23+$0x9800]  }
0x18a: {  	v25 =	vld [tilespmem:s23+$0xD000]  }
0x18b: {  	v26 =	vld [tilespmem:s23+$0xA000]  }
0x18c: {  	v27 =	vld [tilespmem:s23+$0xD800]  }
0x18d: {  	v28 =	vld [tilespmem:s26+$0x9800]  }
0x18e: {  	v29 =	vld [tilespmem:s26+$0xD000]  }
0x18f: {  	v34 =	vld [tilespmem:s23+$0x10000]  }
0x190: {  	v36 =	vld [tilespmem:s26+$0x10000]  }
0x191: {  	v30 =	vld [tilespmem:s26+$0xA000]  }
0x192: {  	v33 =	vld [tilespmem:s26+$0xD800];
	v6 =	vsub.f32 v2, v6;
	v2 =	vcvt.s32.f32 v0;
	v40 =	vsub.f32 v4, v5  }
0x193: {  	v35 =	vld [tilespmem:s23+$0xC800];
	v10 =	vsub.f32 v9, v10;
	v7 =	vsub.f32 v7, v8;
	vm0 =	vgt.s32 v0, $0x0  }
0x194: {  	s30 =	sshll.u32 s4, $0x8;
	v38 =	vld [tilespmem:s26+$0xC800];
	v4 =	vcvt.s32.f32 v1;
	v0 =	vsub.f32 v11, v12;
	v8 =	vadd.f32 v14, v34  }
0x195: {  	s11 =	simm.s32 $0x0;
	s10 =	sand.u32 $0x3FFFFF00, s30;
	v11 =	vsub.f32 v15, v18;
	vm1 =	vgt.s32 v1, $0x0;
	v1 =	vadd.f32 v19, v36  }
0x196: {  	s11 =	sand.u32 $0x3FFFFF80, s11;
	s10 =	sadd.s32 $0x11000, s10;
	v12 =	vsub.f32 v22, v23;
	v14 =	vsub.f32 v20, v21  }
0x197: {  	s11 =	sadd.s32 s11, s10;
	v22 =	vsub.f32 v24, v25;
	v24 =	vsub.f32 v26, v27  }
0x198: {  	s19 =	sadd.s32 s22, s11;
	v23 =	vsub.f32 v28, v29;
	v25 =	vsub.f32 v30, v33  }
0x199: {  	v3 =	vimm.f32 $0.0e+00;
	s11 =	sadd.s32 s13, s11;
	v31 =	vld [tilespmem:s19+$0x0];
	v18 =	vsub.f32 v38, v36;
	v19 =	vsub.f32 v35, v34  }
0x19a: {  	v32 =	vld [tilespmem:s11+$0x0];
	v62 =	vmul.f32 $5.000000000e-01, v2;
	v6 =	vand.u32 $0x7FFFFFFF, v6;
	v63 =	vmul.f32 $5.000000000e-01, v4  }
0x19b: {  	v35 =	vand.u32 $0x7FFFFFFF, v40;
	v36 =	vand.u32 $0x7FFFFFFF, v10;
	v49 =	vand.u32 $0x7FFFFFFF, v0  }
0x19c: {  	v7 =	vand.u32 $0x7FFFFFFF, v7;
	v38 =	vand.u32 $0x7FFFFFFF, v11;
	v21 =	vmul.f32 $1.591549370e-01, v1  }
0x19d: {  	v1 =	vand.u32 $0x7FFFFFFF, v12;
	v40 =	vand.u32 $0x7FFFFFFF, v14;
	v23 =	vand.u32 $0x7FFFFFFF, v23  }
0x19e: {  	v41 =	vand.u32 $0x7FFFFFFF, v24;
	v24 =	vmul.f32 $1.591549370e-01, v18;
	v54 =	vmul.f32 $1.591549370e-01, v19  }
0x19f: {  	v37 =	vmax.f32 v31, $0.0e+00;
	v39 =	vmax.f32 v32, $0.0e+00;
	vm2 =	vge.f32 v31, $0.0e+00  }
0x1a0: {  	vm3 =	vge.f32 v32, $0.0e+00;
	v5 =	vand.u32 $0x7FFFFFFF, v31;
	v20 =	vand.u32 $0x7FFFFFFF, v32  }
0x1a1: {  	v29 =	vmul.f32 v2, v31;
	v31 =	vmul.f32 v4, v32;
	v42 =	vmin.f32 v35, $1.111111120e-01  }
0x1a2: {  	v43 =	vmin.f32 v36, $1.111111120e-01;
	v44 =	vmin.f32 v6, $1.111111120e-01;
	v45 =	vmin.f32 v7, $1.111111120e-01  }
0x1a3: {  	v46 =	vmin.f32 v38, $1.111111120e-01;
	v47 =	vmin.f32 v40, $1.111111120e-01;
	v52 =	vmin.f32 v49, $1.111111120e-01  }
0x1a4: {  	s31 =	sshll.u32 s4, $0xB;
	v53 =	vmin.f32 v1, $1.111111120e-01;
	v56 =	vmin.f32 v41, $1.111111120e-01;
	v26 =	vmin.f32 v23, $1.111111120e-01  }
0x1a5: {  	s19 =	sshrl.u32 s31, $0x2;
	v27 =	vsub.f32 $0.0e+00, v5;
	v28 =	vsub.f32 $0.0e+00, v20;
	v20 =	vmul.f32 $1.591549370e-01, v8  }
0x1a6: {  	s14 =	sshrl.u32 s14, $0x2;
	s11 =	sadd.s32 $0x11800, s19;
	v8 =	vand.u32 $0x7FFFFFFF, v22;
	v22 =	vand.u32 $0x7FFFFFFF, v25;
	v58 =	vmul.f32 $4.500000000e+00, v42  }
0x1a7: {  	s14 =	sadd.s32 s14, s11;
	v10 =	vsub.f32 $7.500000000e-01, v62;
	v59 =	vmul.f32 $4.500000000e+00, v43;
	v60 =	vmul.f32 $4.500000000e+00, v45  }
0x1a8: {  	s22 =	sadd.s32 s22, s14;
	v11 =	vsub.f32 $7.500000000e-01, v63;
	v62 =	vmul.f32 $4.500000000e+00, v47;
	v0 =	vmul.f32 $4.500000000e+00, v56  }
0x1a9: {  	v16 =	vld [tilespmem:s22+$0x0];
	v32 =	vsub.f32 v49, v52;
	v49 =	vmul.f32 $4.500000000e+00, v26;
	v34 =	vsub.f32 v38, v46  }
0x1aa: {  	s13 =	sadd.s32 s13, s14;
	v17 =	vld [tilespmem:s22+$0x80];
	v33 =	vsub.f32 v40, v47;
	v55 =	vmin.f32 v8, $1.111111120e-01;
	v25 =	vmin.f32 v22, $1.111111120e-01  }
0x1ab: {  	v13 =	vld [tilespmem:s13+$0x0];
	v12 =	vsub.f32 v37, v29;
	v14 =	vsub.f32 v39, v31;
	v37 =	vmul.f32 $4.500000000e+00, v44  }
0x1ac: {  	v15 =	vld [tilespmem:s13+$0x80];
	v29 =	vsub.f32 v6, v44;
	v6 =	vmul.f32 $4.500000000e+00, v52;
	v39 =	vtrunc.f32 v21  }
0x1ad: {  	v48 =	vmul.f32 $1.442695020e+00, v27;
	v51 =	vmul.f32 $1.442695020e+00, v28;
	v27 =	vsub.f32 v35, v42  }
0x1ae: {  	v35 =	vtrunc.f32 v20;
	v28 =	vsub.f32 v7, v45;
	v7 =	vmul.f32 $4.500000000e+00, v53  }
0x1af: {  	v31 =	vsub.f32 v36, v43;
	v63 =	vmul.f32 $4.500000000e+00, v55;
	v50 =	vmul.f32 $4.500000000e+00, v25  }
0x1b0: {  	v39 =	vcvt.f32.s32 v39;
	v36 =	vsub.f32 v8, v55;
	v40 =	vmul.f32 v59, v43  }
0x1b1: {  	[tilespmem:$0x1FF90] =	vst v3;
	v9 =	vmax.f32 v13, v15;
	v3 =	vmax.f32 v16, v17;
	v30 =	vsub.f32 v16, v17  }
0x1b2: {  	v61 =	vsub.f32 v13, v15;
	v38 =	vcvt.f32.s32 v35;
	v43 =	vmul.f32 v6, v52  }
0x1b3: {  	v35 =	vsub.f32 v1, v53;
	(erf) = vpow2.f32 v48;
	v48 =	vmul.f32 v37, v44  }
0x1b4: {  	v37 =	vsub.f32 v41, v56;
	v41 =	vmul.f32 v60, v45;
	v44 =	vmul.f32 v7, v53  }
0x1b5: {  	v45 =	vmul.f32 v62, v47;
	v47 =	vmul.f32 v0, v56;
	v56 =	vimm.f32 $0.0e+00  }
0x1b6: {  	v30 =	vand.u32 $0x7FFFFFFF, v30;
	v57 =	vand.u32 $0x7FFFFFFF, v61;
	v61 =	vmul.f32 $4.500000000e+00, v46  }
0x1b7: {  	(erf) = vpow2.f32 v51;
	v51 =	vmul.f32 v58, v42;
	v52 =	vsub.f32 $0.0e+00, v30  }
0x1b8: {  	v53 =	vsub.f32 $0.0e+00, v57;
	v30 =	vadd.f32 $5.000000000e-01, v54;
	v54 =	vimm.f32 $0.0e+00  }
0x1b9: {  	s14 =	simm.s32 $0x0;
	s13 =	simm.s32 $0x1;
	[tilespmem:$0x1FFA0] =	vst v3;
	v42 =	vmul.f32 v61, v46;
	v46 =	vmul.f32 v63, v55;
	v55 =	vimm.f32 $0.0e+00  }
.LBB2_8:
0x1ba: {  	v0 =	vmul.f32 v49, v26;
	v1 =	vmul.f32 v50, v25;
	v24 =	vadd.f32 $5.000000000e-01, v24  }
0x1bb: {  	v26 =	vsub.f32 v23, v26;
	v59 =	vmul.f32 $1.442695020e+00, v53;
	v25 =	vsub.f32 v22, v25  }
0x1bc: {  	v60 =	vmul.f32 $1.442695020e+00, v52;
	v48 =	vadd.f32 v48, v29;
	v27 =	vadd.f32 v51, v27  }
0x1bd: {  	v62 =	vtrunc.f32 v30;
	v63 =	vadd.f32 v40, v31;
	v28 =	vadd.f32 v41, v28  }
0x1be: {  	v29 =	vcvt.s32.f32 v38;
	v34 =	vadd.f32 v42, v34;
	v32 =	vadd.f32 v43, v32  }
0x1bf: {  	v31 =	vcvt.s32.f32 v39;
	v35 =	vadd.f32 v44, v35;
	v33 =	vadd.f32 v45, v33  }
0x1c0: {  	v36 =	vadd.f32 v46, v36;
	v37 =	vadd.f32 v47, v37;
	v51 =	vcvt.f32.s32 v62  }
0x1c1: {  	v61 =	vtrunc.f32 v24;
	v0 =	vadd.f32 v0, v26;
	v1 =	vadd.f32 v1, v25  }
0x1c2: {  	vm4 =	vlt.f32 v21, v31;
	vm5 =	vlt.f32 v20, v29;
	v25 =	vadd.f32 $-1.000000000e+00, v29  }
0x1c3: {  	v53 =	vadd.f32 $-1.000000000e+00, v31;
	v52 =	vcvt.f32.s32 v61;
	v39 =	vcvt.s32.f32 v51  }
0x1c4: {  	v0 =	vadd.f32 v1, v0;
	v1 =	vadd.f32 v37, v36;
	v25 =	vsel vm5, v25, v29  }
0x1c5: {  	v31 =	vsel vm4, v53, v31;
	v26 =	vcvt.s32.f32 v52;
	v57 =	vadd.f32 $-1.000000000e+00, v39  }
0x1c6: {  	v21 =	vsub.f32 v21, v31;
	vm4 =	vlt.f32 v30, v39;
	v20 =	vsub.f32 v20, v25;
	v22 =	vpop (erf)  }
0x1c7: {  	v0 =	vadd.f32 v35, v0;
	v1 =	vadd.f32 v33, v1;
	v23 =	vpop (erf);
	(erf) = vpow2.f32 v60  }
0x1c8: {  	v29 =	vadd.f32 $-1.000000000e+00, v26;
	vm5 =	vlt.f32 v24, v26;
	v25 =	vsel vm4, v57, v39  }
0x1c9: {  	vm4 =	vge.f32 v20, $5.000000000e-01;
	(erf) = vpow2.f32 v59;
	v0 =	vadd.f32 v34, v0  }
0x1ca: {  	v1 =	vadd.f32 v32, v1;
	v16 =	vsel vm4, v17, v16;
	v24 =	vsel vm5, v29, v26  }
0x1cb: {  	v17 =	vmul.f32 $3.010262550e-02, v23;
	vm5 =	vge.f32 v21, $5.000000000e-01;
	v21 =	vmul.f32 $6.283185480e+00, v24  }
0x1cc: {  	v24 =	vmul.f32 $6.283185480e+00, v25;
	v20 =	vsel vm5, v15, v13;
	v1 =	vadd.f32 v28, v1  }
0x1cd: {  	v13 =	vmul.f32 $3.010262550e-02, v22;
	v0 =	vadd.f32 v63, v0;
	v17 =	vadd.f32 $-1.301194130e-01, v17  }
0x1ce: {  	v36 =	vsub.f32 v19, v24;
	v58 =	vsub.f32 v18, v21  }
0x1cf: {  	v18 =	vadd.f32 $-1.301194130e-01, v13;
	v34 =	vadd.f32 v48, v0;
	v0 =	vmul.f32 v17, v23  }
0x1d0: {  	v26 =	vadd.f32 v27, v1;
	v59 =	vmul.f32 v58, v58;
	v1 =	vmul.f32 v36, v36  }
0x1d1: {  	v15 =	vadd.f32 $1.000000000e+00, v22;
	v24 =	vmul.f32 v18, v22;
	v0 =	vadd.f32 $2.833043340e-01, v0  }
0x1d2: {  	v25 =	vadd.f32 $1.000000000e+00, v23;
	v29 =	vpop (erf);
	v27 =	vmul.f32 $1.477364570e-04, v1;
	v28 =	vmul.f32 $1.477364570e-04, v59  }
0x1d3: {  	s23 =	sshll.u32 s13, $0x8;
	s14 =	sadd.s32 $0x20, s14;
	v0 =	vmul.f32 v0, v23;
	v31 =	vpop (erf);
	(erf) = vrcp.f32 v15  }
0x1d4: {  	s22 =	sand.u32 $0x60, s14;
	s26 =	sand.u32 $0xFFFFFC00, s23;
	v30 =	vadd.f32 $2.833043340e-01, v24;
	v21 =	vmul.f32 $3.010262550e-02, v29;
	(erf) = vrcp.f32 v25  }
0x1d5: {  	s30 =	sadd.s32 s5, s26;
	s23 =	sor.u32 $0x10, s22;
	v19 =	vmul.f32 $3.010262550e-02, v31;
	v27 =	vsub.f32 $7.998520500e-03, v27;
	v28 =	vsub.f32 $7.998520500e-03, v28  }
0x1d6: {  	s31 =	sor.u32 s23, s30;
	s30 =	sor.u32 s22, s30;
	v30 =	vmul.f32 v30, v22;
	v0 =	vadd.f32 $-4.891568420e-01, v0;
	v21 =	vadd.f32 $-1.301194130e-01, v21  }
0x1d7: {  	v25 =	vadd.f32 $-1.301194130e-01, v19;
	v62 =	vmul.f32 v27, v1;
	v28 =	vmul.f32 v28, v59;
	v27 =	vld [tilespmem:s30+$0xB800]  }
0x1d8: {  	v47 =	vadd.f32 $-4.891568420e-01, v30;
	v30 =	vld [tilespmem:s30+$0xF000];
	v0 =	vmul.f32 v0, v23  }
0x1d9: {  	v60 =	vmul.f32 v21, v29;
	v25 =	vmul.f32 v25, v31;
	v49 =	vadd.f32 $-1.658382270e-01, v28  }
0x1da: {  	v38 =	vadd.f32 $-1.658382270e-01, v62;
	v40 =	vmul.f32 v47, v22;
	v0 =	vadd.f32 $9.990104430e-01, v0  }
0x1db: {  	v32 =	vadd.f32 $2.833043340e-01, v60;
	v61 =	vadd.f32 $2.833043340e-01, v25;
	v42 =	vmul.f32 v49, v59  }
0x1dc: {  	v21 =	vld [tilespmem:s31+$0xB800];
	v40 =	vadd.f32 $9.990104430e-01, v40;
	v1 =	vmul.f32 v38, v1;
	v0 =	vmul.f32 v0, v23  }
0x1dd: {  	v25 =	vld [tilespmem:s31+$0xF000];
	v32 =	vmul.f32 v32, v29;
	v27 =	vsub.f32 v27, v30;
	v42 =	vadd.f32 $9.994499680e-01, v42  }
0x1de: {  	v3 =	vld [tilespmem:$0x1FFA0];
	v63 =	vpop (erf);
	v35 =	vmul.f32 v61, v31;
	v1 =	vadd.f32 $9.994499680e-01, v1;
	v0 =	vadd.f32 $2.211703030e-05, v0  }
0x1df: {  	v44 =	vld [tilespmem:s30+$0xE800];
	v48 =	vpop (erf);
	v51 =	vmul.f32 v63, v22;
	v52 =	vadd.f32 $-4.891568420e-01, v32;
	v22 =	vmul.f32 v40, v22  }
0x1e0: {  	v13 =	vld [tilespmem:s31+$0x12800];
	v50 =	vmul.f32 v48, v23;
	v53 =	vadd.f32 $-4.891568420e-01, v35;
	v37 =	vmul.f32 v42, v58  }
0x1e1: {  	v15 =	vld [tilespmem:s30+$0x12800];
	v1 =	vmul.f32 v1, v36;
	v0 =	vadd.f32 v0, v14;
	v39 =	vsel vm2, v63, v51  }
0x1e2: {  	v28 =	vld [tilespmem:s31+$0xB000];
	v45 =	vmul.f32 v52, v29;
	v22 =	vadd.f32 $2.211703030e-05, v22;
	v21 =	vsub.f32 v21, v25  }
0x1e3: {  	v32 =	vld [tilespmem:s31+$0xE800];
	v41 =	vsel vm3, v48, v50;
	v57 =	vsub.f32 $1.000000000e+00, v39;
	v46 =	vmul.f32 v53, v31  }
0x1e4: {  	v35 =	vld [tilespmem:s30+$0xB000];
	v37 =	vand.u32 $0x7FFFFFFF, v37;
	v1 =	vand.u32 $0x7FFFFFFF, v1;
	v43 =	vsub.f32 $1.000000000e+00, v41  }
0x1e5: {  	v23 =	vld [tilespmem:s31+$0xA800];
	v60 =	vadd.f32 $9.990104430e-01, v45;
	v61 =	vmin.f32 v37, $1.111111120e-01;
	v52 =	vmin.f32 v1, $1.111111120e-01  }
0x1e6: {  	v63 =	vld [tilespmem:s31+$0xD000];
	v12 =	vadd.f32 v22, v12;
	v38 =	vsel vm0, v39, v57;
	v59 =	vadd.f32 $9.990104430e-01, v46  }
0x1e7: {  	v22 =	vld [tilespmem:s31+$0xA000];
	v62 =	vmul.f32 $4.500000000e+00, v61;
	v37 =	vsub.f32 v37, v61;
	v53 =	vmul.f32 $4.500000000e+00, v52  }
0x1e8: {  	v39 =	vld [tilespmem:s31+$0xE000];
	v1 =	vsub.f32 v1, v52;
	vm0 =	vgt.s32 v13, $0x0;
	v25 =	vsub.f32 v28, v32  }
0x1e9: {  	v46 =	vld [tilespmem:s31+$0x9800];
	v58 =	vsel vm1, v41, v43;
	v38 =	vsub.f32 $1.000000000e+00, v38;
	v29 =	vmul.f32 v60, v29  }
0x1ea: {  	v57 =	vld [tilespmem:s31+$0xD800];
	v30 =	vsub.f32 v35, v44;
	vm1 =	vgt.s32 v15, $0x0;
	v31 =	vmul.f32 v59, v31  }
0x1eb: {  	v42 =	vld [tilespmem:s30+$0xA800];
	v40 =	vsub.f32 $1.000000000e+00, v58;
	v48 =	vmul.f32 v62, v61;
	v45 =	vmul.f32 v53, v52  }
0x1ec: {  	v43 =	vld [tilespmem:s30+$0xE000];
	v44 =	vand.u32 $0x7FFFFFFF, v21;
	v29 =	vadd.f32 $2.211703030e-05, v29;
	v31 =	vadd.f32 $2.211703030e-05, v31  }
0x1ed: {  	v58 =	vld [tilespmem:s30+$0x9800];
	v53 =	vmin.f32 v44, $1.111111120e-01;
	v37 =	vadd.f32 v48, v37;
	v1 =	vadd.f32 v45, v1  }
0x1ee: {  	v59 =	vld [tilespmem:s30+$0xD000];
	v30 =	vand.u32 $0x7FFFFFFF, v30;
	v5 =	vadd.f32 v29, v3;
	v23 =	vsub.f32 v23, v39  }
0x1ef: {  	v14 =	vmul.f32 v40, v40;
	v62 =	vsub.f32 v46, v63;
	v63 =	vsub.f32 v22, v57  }
0x1f0: {  	v17 =	vld [tilespmem:s31+$0xC000];
	v9 =	vadd.f32 v31, v9;
	v31 =	vmul.f32 v38, v38;
	v34 =	vadd.f32 v37, v34  }
0x1f1: {  	s0 =	sshll.u32 s13, $0x5;
	v18 =	vld [tilespmem:s31+$0xF800];
	v11 =	vmul.f32 v14, v11;
	v1 =	vadd.f32 v1, v26;
	v61 =	vsub.f32 v42, v43  }
0x1f2: {  	s0 =	sand.u32 $0x3FFFFF80, s0;
	v3 =	vld [tilespmem:$0x1FF90];
	v42 =	vand.u32 $0x7FFFFFFF, v27;
	v43 =	vand.u32 $0x7FFFFFFF, v25;
	v5 =	vsub.f32 v5, v16  }
0x1f3: {  	s0 =	sadd.s32 s0, s10;
	v24 =	vld [tilespmem:s30+$0xF800];
	v22 =	vsub.f32 v58, v59;
	v46 =	vand.u32 $0x7FFFFFFF, v62;
	v52 =	vmin.f32 v42, $1.111111120e-01  }
0x1f4: {  	s1 =	sadd.s32 s23, s0;
	v19 =	vld [tilespmem:s30+$0xC000];
	v57 =	vmin.f32 v43, $1.111111120e-01;
	v10 =	vmul.f32 v31, v10;
	v29 =	vmul.f32 v4, v34  }
0x1f5: {  	v14 =	vld [tilespmem:s1+$0x0];
	v9 =	vsub.f32 v9, v20;
	v0 =	vmul.f32 v0, v11;
	v1 =	vmul.f32 v2, v1  }
0x1f6: {  	s0 =	sadd.s32 s22, s0;
	v60 =	vld [tilespmem:s30+$0xA000];
	v45 =	vand.u32 $0x7FFFFFFF, v61;
	v59 =	vmin.f32 v46, $1.111111120e-01;
	v32 =	vsub.f32 v43, v57  }
0x1f7: {  	v20 =	vld [tilespmem:s0+$0x0];
	v5 =	vmul.f32 v2, v5;
	v9 =	vmul.f32 v4, v9;
	v3 =	vadd.f32 v29, v3  }
0x1f8: {  	v11 =	vld [tilespmem:s30+$0xD800];
	v10 =	vmul.f32 v12, v10;
	v0 =	vadd.f32 v0, v56;
	v4 =	vadd.f32 v4, v54  }
0x1f9: {  	v58 =	vmin.f32 v45, $1.111111120e-01;
	v7 =	vadd.f32 v9, v55;
	v1 =	vadd.f32 v1, v3  }
0x1fa: {  	v33 =	vld [tilespmem:s31+$0x10800];
	v29 =	vmax.f32 v14, $0.0e+00;
	v0 =	vadd.f32 v10, v0;
	v2 =	vadd.f32 v2, v4  }
0x1fb: {  	v12 =	vld [tilespmem:s31+$0x10000];
	vm2 =	vge.f32 v14, $0.0e+00;
	v10 =	vsub.f32 v19, v24;
	v24 =	vsub.f32 v17, v18  }
0x1fc: {  	s26 =	sshrl.u32 s26, $0x2;
	v26 =	vld [tilespmem:s31+$0xC800];
	v4 =	vcvt.s32.f32 v15;
	v55 =	vmin.f32 v30, $1.111111120e-01;
	vm3 =	vge.f32 v20, $0.0e+00  }
0x1fd: {  	s0 =	sadd.s32 s26, s11;
	v11 =	vsub.f32 v60, v11;
	v34 =	vsub.f32 v30, v55;
	[tilespmem:$0x1FF90] =	vst v1;
	v1 =	vmax.f32 v20, $0.0e+00  }
0x1fe: {  	v47 =	vld [tilespmem:s30+$0x10800];
	s31 =	sadd.s32 s23, s0;
	v3 =	vadd.f32 v5, v7;
	[tilespmem:$0x1FF80] =	vst v2;
	v2 =	vcvt.s32.f32 v13;
	v5 =	vand.u32 $0x7FFFFFFF, v14  }
0x1ff: {  	v16 =	vld [tilespmem:s31+$0x0];
	v36 =	vmul.f32 v4, v20;
	v39 =	vand.u32 $0x7FFFFFFF, v10;
	v40 =	vmul.f32 $5.000000000e-01, v4  }
0x200: {  	v9 =	vld [tilespmem:s30+$0x10000];
	v41 =	vand.u32 $0x7FFFFFFF, v24;
	v7 =	vmul.f32 $4.500000000e+00, v59;
	v28 =	vadd.f32 v33, v12  }
0x201: {  	v17 =	vld [tilespmem:s31+$0x80];
	v19 =	vsub.f32 v26, v12;
	v12 =	vsub.f32 $0.0e+00, v5;
	v33 =	vand.u32 $0x7FFFFFFF, v23  }
0x202: {  	v23 =	vand.u32 $0x7FFFFFFF, v22;
	v22 =	vand.u32 $0x7FFFFFFF, v11;
	v51 =	vmin.f32 v41, $1.111111120e-01  }
0x203: {  	v48 =	vmin.f32 v39, $1.111111120e-01;
	v5 =	vmul.f32 $4.500000000e+00, v55;
	v14 =	vmul.f32 v2, v14  }
0x204: {  	v38 =	vmul.f32 $5.000000000e-01, v2;
	v56 =	vmin.f32 v33, $1.111111120e-01;
	v26 =	vmin.f32 v23, $1.111111120e-01  }
0x205: {  	s0 =	sadd.s32 s22, s0;
	v25 =	vmin.f32 v22, $1.111111120e-01;
	v11 =	vsub.f32 $7.500000000e-01, v40;
	v40 =	vmul.f32 $4.500000000e+00, v52  }
0x206: {  	v15 =	vld [tilespmem:s0+$0x80];
	[tilespmem:$0x1FF60] =	vst v3;
	v27 =	vsub.f32 v41, v51;
	v31 =	vadd.f32 v47, v9;
	v3 =	vmax.f32 v16, v17  }
0x207: {  	[tilespmem:$0x1FF70] =	vst v0;
	v0 =	vld [tilespmem:s30+$0xC800];
	v35 =	vsub.f32 v16, v17;
	v54 =	vmul.f32 $1.591549370e-01, v19;
	v61 =	vmul.f32 $1.442695020e+00, v12  }
0x208: {  	v13 =	vld [tilespmem:s0+$0x0];
	v47 =	vand.u32 $0x7FFFFFFF, v63;
	v63 =	vmul.f32 $4.500000000e+00, v53;
	v6 =	vmul.f32 $4.500000000e+00, v56  }
0x209: {  	v49 =	vmul.f32 $4.500000000e+00, v26;
	v50 =	vmul.f32 $4.500000000e+00, v25;
	v33 =	vsub.f32 v33, v56  }
0x20a: {  	v60 =	vmin.f32 v47, $1.111111120e-01;
	v12 =	vsub.f32 v29, v14;
	v14 =	vsub.f32 v1, v36  }
0x20b: {  	v10 =	vsub.f32 $7.500000000e-01, v38;
	v36 =	vmul.f32 $4.500000000e+00, v48;
	v29 =	vsub.f32 v39, v48  }
0x20c: {  	[tilespmem:$0x1FFA0] =	vst v3;
	v3 =	vmul.f32 $4.500000000e+00, v57;
	v40 =	vmul.f32 v40, v52;
	v18 =	vsub.f32 v0, v9  }
0x20d: {  	v0 =	vand.u32 $0x7FFFFFFF, v20;
	v9 =	vmax.f32 v13, v15;
	v37 =	vsub.f32 v13, v15  }
0x20e: {  	v21 =	vmul.f32 $1.591549370e-01, v31;
	v20 =	vmul.f32 $1.591549370e-01, v28;
	v62 =	vand.u32 $0x7FFFFFFF, v35  }
0x20f: {  	v28 =	vsub.f32 v44, v53;
	v44 =	vmul.f32 $4.500000000e+00, v58;
	v8 =	vmul.f32 $4.500000000e+00, v60  }
0x210: {  	v31 =	vsub.f32 v42, v52;
	(erf) = vpow2.f32 v61;
	v41 =	vmul.f32 v63, v53  }
0x211: {  	v42 =	vmul.f32 v5, v55;
	v0 =	vsub.f32 $0.0e+00, v0;
	v48 =	vmul.f32 v36, v48  }
0x212: {  	v36 =	vsub.f32 v46, v59;
	v43 =	vmul.f32 v3, v57;
	v46 =	vmul.f32 v7, v59  }
0x213: {  	p0 =	sne.s32 s13, $0x7;
	v24 =	vmul.f32 $1.591549370e-01, v18;
	v1 =	vand.u32 $0x7FFFFFFF, v37;
	v37 =	vmul.f32 $4.500000000e+00, v51  }
.Ltmp2:
0x214: {  	v30 =	vadd.f32 $5.000000000e-01, v54;
	v35 =	vtrunc.f32 v20;
	v39 =	vtrunc.f32 v21;
	(pc) =	sbr.rel @p0 .LBB2_8-.Ltmp2, $4  }
0x215: {  	v52 =	vsub.f32 $0.0e+00, v62;
	v44 =	vmul.f32 v44, v58;
	v0 =	vmul.f32 $1.442695020e+00, v0  }
0x216: {  	v55 =	vld [tilespmem:$0x1FF60];
	v38 =	vcvt.f32.s32 v35;
	v35 =	vsub.f32 v45, v58;
	v39 =	vcvt.f32.s32 v39  }
0x217: {  	v54 =	vld [tilespmem:$0x1FF80];
	v53 =	vsub.f32 $0.0e+00, v1;
	v45 =	vmul.f32 v6, v56;
	v51 =	vmul.f32 v37, v51  }
0x218: {  	s13 =	sadd.s32 $0x1, s13;
	v56 =	vld [tilespmem:$0x1FF70];
	v37 =	vsub.f32 v47, v60;
	v47 =	vmul.f32 v8, v60;
	(erf) = vpow2.f32 v0  }
0x219: {  	v0 =	vmul.f32 v49, v26  }
0x21a: {  	v1 =	vmul.f32 v50, v25;
	v3 =	vadd.f32 $5.000000000e-01, v24;
	v5 =	vsub.f32 v23, v26  }
0x21b: {  	v6 =	vmul.f32 $1.442695020e+00, v53;
	v8 =	vsub.f32 v22, v25;
	v24 =	vadd.f32 v48, v29  }
0x21c: {  	v7 =	vmul.f32 $1.442695020e+00, v52;
	v25 =	vadd.f32 v51, v27;
	v58 =	vadd.f32 v40, v31  }
0x21d: {  	v53 =	vtrunc.f32 v30;
	v28 =	vadd.f32 v41, v28;
	v60 =	vadd.f32 v42, v34  }
0x21e: {  	v57 =	vcvt.s32.f32 v38;
	v32 =	vadd.f32 v43, v32;
	v61 =	vadd.f32 v44, v35  }
0x21f: {  	v59 =	vcvt.s32.f32 v39;
	v33 =	vadd.f32 v45, v33;
	v62 =	vadd.f32 v46, v36;
	v43 =	vpop (erf)  }
0x220: {  	v23 =	vcvt.f32.s32 v53;
	v63 =	vadd.f32 v47, v37;
	v45 =	vadd.f32 $1.000000000e+00, v43  }
0x221: {  	v52 =	vtrunc.f32 v3;
	(erf) = vpow2.f32 v7;
	v0 =	vadd.f32 v0, v5  }
0x222: {  	v1 =	vadd.f32 v1, v8;
	vm4 =	vlt.f32 v21, v59;
	vm5 =	vlt.f32 v20, v57  }
0x223: {  	v38 =	vadd.f32 $-1.000000000e+00, v59;
	v39 =	vadd.f32 $-1.000000000e+00, v57;
	v22 =	vcvt.f32.s32 v52  }
0x224: {  	(erf) = vpow2.f32 v6;
	v40 =	vcvt.s32.f32 v23;
	v41 =	vadd.f32 v63, v62  }
0x225: {  	v0 =	vadd.f32 v1, v0;
	v6 =	vsel vm4, v38, v59;
	v7 =	vsel vm5, v39, v57  }
0x226: {  	v37 =	vcvt.s32.f32 v22;
	v23 =	vadd.f32 $-1.000000000e+00, v40;
	v6 =	vsub.f32 v21, v6  }
0x227: {  	v46 =	vmul.f32 $3.010262550e-02, v43;
	v7 =	vsub.f32 v20, v7;
	v1 =	vadd.f32 v33, v41  }
0x228: {  	vm13 =	vlt.f32 v30, v40;
	v0 =	vadd.f32 v61, v0;
	v22 =	vadd.f32 $-1.000000000e+00, v37  }
0x229: {  	vm12 =	vlt.f32 v3, v37;
	v42 =	vsel vm13, v23, v40;
	vm14 =	vge.f32 v7, $5.000000000e-01  }
0x22a: {  	vm15 =	vge.f32 v6, $5.000000000e-01;
	v1 =	vadd.f32 v32, v1;
	v0 =	vadd.f32 v60, v0  }
0x22b: {  	v44 =	vpop (erf);
	v5 =	vmul.f32 $6.283185480e+00, v42;
	v8 =	vsel vm14, v17, v16;
	(erf) = vrcp.f32 v45  }
0x22c: {  	v17 =	vadd.f32 $-1.301194130e-01, v46;
	v13 =	vsel vm15, v15, v13;
	v3 =	vsel vm12, v22, v37  }
0x22d: {  	v47 =	vmul.f32 $3.010262550e-02, v44;
	v48 =	vadd.f32 $1.000000000e+00, v44;
	v1 =	vadd.f32 v28, v1  }
0x22e: {  	v3 =	vmul.f32 $6.283185480e+00, v3;
	v5 =	vsub.f32 v19, v5;
	v0 =	vadd.f32 v58, v0  }
0x22f: {  	v17 =	vmul.f32 v17, v43;
	v49 =	vpop (erf);
	(erf) = vrcp.f32 v48;
	v51 =	vadd.f32 $-1.301194130e-01, v47  }
0x230: {  	v1 =	vadd.f32 v25, v1;
	v50 =	vpop (erf);
	v3 =	vsub.f32 v18, v3;
	v53 =	vmul.f32 $3.010262550e-02, v49  }
0x231: {  	v58 =	vmul.f32 v5, v5;
	v17 =	vadd.f32 $2.833043340e-01, v17;
	v52 =	vmul.f32 $3.010262550e-02, v50  }
0x232: {  	v0 =	vadd.f32 v24, v0;
	v18 =	vmul.f32 v51, v44;
	v57 =	vmul.f32 v3, v3  }
0x233: {  	v59 =	vmul.f32 $1.477364570e-04, v58;
	v20 =	vadd.f32 $-1.301194130e-01, v53;
	v17 =	vmul.f32 v17, v43  }
0x234: {  	v19 =	vadd.f32 $-1.301194130e-01, v52;
	v18 =	vadd.f32 $2.833043340e-01, v18;
	v60 =	vmul.f32 $1.477364570e-04, v57  }
0x235: {  	v25 =	vsub.f32 $7.998520500e-03, v59;
	v20 =	vmul.f32 v20, v49;
	v17 =	vadd.f32 $-4.891568420e-01, v17  }
0x236: {  	v19 =	vmul.f32 v19, v50;
	v18 =	vmul.f32 v18, v44;
	v26 =	vsub.f32 $7.998520500e-03, v60  }
0x237: {  	v61 =	vpop (erf);
	v25 =	vmul.f32 v25, v58;
	v20 =	vadd.f32 $2.833043340e-01, v20;
	v17 =	vmul.f32 v17, v43  }
0x238: {  	v32 =	vmul.f32 v61, v43;
	v19 =	vadd.f32 $2.833043340e-01, v19;
	v18 =	vadd.f32 $-4.891568420e-01, v18  }
0x239: {  	v26 =	vmul.f32 v26, v57;
	v20 =	vmul.f32 v20, v49;
	v25 =	vadd.f32 $-1.658382270e-01, v25  }
0x23a: {  	v62 =	vpop (erf);
	v17 =	vadd.f32 $9.990104430e-01, v17;
	v24 =	vsel vm2, v61, v32;
	v19 =	vmul.f32 v19, v50  }
0x23b: {  	v18 =	vmul.f32 v18, v44;
	v63 =	vmul.f32 v62, v44;
	v34 =	vsub.f32 $1.000000000e+00, v24  }
0x23c: {  	v26 =	vadd.f32 $-1.658382270e-01, v26;
	v20 =	vadd.f32 $-4.891568420e-01, v20;
	v23 =	vmul.f32 v25, v58  }
0x23d: {  	v7 =	vmul.f32 v17, v43;
	v19 =	vadd.f32 $-4.891568420e-01, v19;
	v18 =	vadd.f32 $9.990104430e-01, v18  }
0x23e: {  	v33 =	vsel vm3, v62, v63;
	v37 =	vsel vm0, v24, v34;
	v21 =	vmul.f32 v26, v57  }
0x23f: {  	v27 =	vsub.f32 $1.000000000e+00, v33;
	v20 =	vmul.f32 v20, v49;
	v35 =	vadd.f32 $9.994499680e-01, v23  }
0x240: {  	v7 =	vadd.f32 $2.211703030e-05, v7;
	v19 =	vmul.f32 v19, v50;
	v6 =	vmul.f32 v18, v44  }
0x241: {  	v21 =	vadd.f32 $9.994499680e-01, v21;
	v36 =	vsel vm1, v33, v27;
	v38 =	vadd.f32 $9.990104430e-01, v20  }
0x242: {  	v5 =	vmul.f32 v35, v5;
	v19 =	vadd.f32 $9.990104430e-01, v19;
	v6 =	vadd.f32 $2.211703030e-05, v6  }
0x243: {  	v17 =	vsub.f32 $1.000000000e+00, v36;
	v3 =	vmul.f32 v21, v3;
	v21 =	vsub.f32 $1.000000000e+00, v37  }
0x244: {  	v5 =	vand.u32 $0x7FFFFFFF, v5;
	v18 =	vmul.f32 v38, v49;
	v16 =	vmul.f32 v19, v50  }
0x245: {  	v49 =	vld [tilespmem:$0x1FFA0];
	v41 =	vmin.f32 v5, $1.111111120e-01;
	v6 =	vadd.f32 v6, v14;
	v3 =	vand.u32 $0x7FFFFFFF, v3  }
0x246: {  	v44 =	vmul.f32 v17, v17;
	v50 =	vadd.f32 v7, v12;
	v39 =	vmin.f32 v3, $1.111111120e-01  }
0x247: {  	v43 =	vmul.f32 $4.500000000e+00, v41;
	v16 =	vadd.f32 $2.211703030e-05, v16;
	v40 =	vmul.f32 $4.500000000e+00, v39  }
0x248: {  	v5 =	vsub.f32 v5, v41;
	v46 =	vmul.f32 v21, v21;
	v18 =	vadd.f32 $2.211703030e-05, v18  }
0x249: {  	v3 =	vsub.f32 v3, v39;
	v9 =	vadd.f32 v16, v9;
	v42 =	vmul.f32 v40, v39  }
0x24a: {  	v48 =	vmul.f32 v44, v11;
	v45 =	vmul.f32 v43, v41;
	v11 =	vadd.f32 v18, v49  }
0x24b: {  	v9 =	vsub.f32 v9, v13;
	v3 =	vadd.f32 v42, v3  }
0x24c: {  	v53 =	vld [tilespmem:$0x1FF90];
	v10 =	vmul.f32 v46, v10;
	v47 =	vadd.f32 v45, v5;
	v5 =	vmul.f32 v6, v48  }
0x24d: {  	v57 =	vld [tilespmem:s19+$0x13080];
	v8 =	vsub.f32 v11, v8;
	v51 =	vmul.f32 v4, v9;
	v0 =	vadd.f32 v3, v0  }
0x24e: {  	v58 =	vld [tilespmem:s19+$0x13100];
	v1 =	vadd.f32 v47, v1;
	v5 =	vadd.f32 v5, v56;
	v3 =	vmul.f32 v50, v10  }
0x24f: {  	v59 =	vld [tilespmem:s19+$0x13180];
	v8 =	vmul.f32 v2, v8;
	v6 =	vadd.f32 v51, v55;
	v0 =	vmul.f32 v4, v0  }
0x250: {  	v52 =	vld [tilespmem:s19+$0x13000];
	v60 =	vadd.f32 v4, v54;
	v3 =	vadd.f32 v3, v5  }
0x251: {  	s4 =	sadd.s32 $0x1, s4;
	v1 =	vmul.f32 v2, v1;
	v61 =	vadd.f32 v8, v6;
	v0 =	vadd.f32 v0, v53  }
0x252: {  	p0 =	sne.s32 s4, $0x8;
	v62 =	vadd.f32 v2, v60;
	v3 =	vadd.f32 v57, v3  }
.Ltmp3:
0x253: {  	v63 =	vadd.f32 v58, v61;
	v0 =	vadd.f32 v1, v0;
	(pc) =	sbr.rel @p0 .LBB2_7-.Ltmp3, $4  }
0x254: {  	[tilespmem:s19+$0x13080] =	vst v3;
	v1 =	vadd.f32 v59, v62  }
0x255: {  	[tilespmem:s19+$0x13100] =	vst v63;
	v0 =	vadd.f32 v52, v0  }
0x256: {  	[tilespmem:s19+$0x13180] =	vst v1  }
0x257: {  	[tilespmem:s19+$0x13000] =	vst v0  }
0x258: {  	s18 =	sadd.s32 $0x1, s18  }
0x259: {  	p0 =	sne.s32 s18, $0x4  }
.Ltmp4:
0x25a: {  	_ = 	snop;
	(pc) =	sbr.rel @p0 .LBB2_2-.Ltmp4, $1  }
0x25b: {  	_ =	sdelay $0x3  }
0x25c: {  	_ =	swait.ge [sflag:s15], $0x3800  }
0x25d: {  	[sflag:s15] =	ssyncset.done $0x0  }
0x25e: {  	[sflag:s15] =	ssyncadd.s32 $0xFFFFC800  }
0x25f: {  	_ =	swait.ge [sflag:s15], $0x3800  }
0x260: {  	[sflag:s15] =	ssyncset.done $0x0  }
0x261: {  	[sflag:s15] =	ssyncadd.s32 $0xFFFFC800  }
0x262: {  	_ =	swait.ge [sflag:s15], $0x800  }
0x263: {  	[sflag:s15] =	ssyncset.done $0x0  }
0x264: {  	[sflag:s15] =	ssyncadd.s32 $0xFFFFF800  }
0x265: {  	_ =	swait.ge [sflag:s15], $0x800  }
0x266: {  	[sflag:s15] =	ssyncset.done $0x0  }
0x267: {  	[sflag:s15] =	ssyncadd.s32 $0xFFFFF800  }
0x268: {  	_ =	swait.ge [sflag:s15], $0x1000  }
0x269: {  	[sflag:s15] =	ssyncset.done $0x0  }
0x26a: {  	[sflag:s15] =	ssyncadd.s32 $0xFFFFF000  }
0x26b: {  	_ =	swait.ge [sflag:s15], $0x800  }
0x26c: {  	[sflag:s15] =	ssyncset.done $0x0  }
0x26d: {  	s7 =	simm.s32 $0x0;
	s18 =	simm.s32 $0x0;
	[sflag:s15] =	ssyncadd.s32 $0xFFFFF800  }
.LBB2_12:
0x26e: {  	s0 =	sshll.u32 s18, $0x7  }
0x26f: {  	s1 =	simm.s32 $0x0;
	[dreg:$0xb] =	wrdreg s0  }
0x270: {  	s10 =	sand.u32 $0x60, s7;
	s1 =	sand.u32 $0xFFFFFC00, s1;
	s0 =	rddreg [dreg:$0xb]  }
0x271: {  	s11 =	sor.u32 $0x10, s10;
	s0 =	sadd.s32 s0, s1  }
0x272: {  	s5 =	sor.u32 s11, s0  }
0x273: {  	s4 =	sor.u32 s10, s0;
	v0 =	vld [tilespmem:s5+$0x9000]  }
0x274: {  	v1 =	vld [tilespmem:s4+$0x9000]  }
0x275: {  	v5 =	vld [tilespmem:s5+$0x6000]  }
0x276: {  	v9 =	vld [tilespmem:s4+$0x6000]  }
0x277: {  	v10 =	vld [tilespmem:s5+$0x5800]  }
0x278: {  	v11 =	vld [tilespmem:s4+$0x5800]  }
0x279: {  	v14 =	vld [tilespmem:s5+$0x5000]  }
0x27a: {  	v3 =	vld [tilespmem:s5+$0x7000]  }
0x27b: {  	v15 =	vld [tilespmem:s4+$0x5000]  }
0x27c: {  	v8 =	vld [tilespmem:s4+$0x7000]  }
0x27d: {  	v16 =	vld [tilespmem:s5+$0x4800]  }
0x27e: {  	v17 =	vld [tilespmem:s4+$0x4800]  }
0x27f: {  	v19 =	vld [tilespmem:s5+$0x0]  }
0x280: {  	v20 =	vld [tilespmem:s5+$0x3800]  }
0x281: {  	v21 =	vld [tilespmem:s5+$0x4000]  }
0x282: {  	v22 =	vld [tilespmem:s4+$0x0]  }
0x283: {  	s13 =	sshll.u32 s18, $0x8;
	v23 =	vld [tilespmem:s4+$0x3800]  }
0x284: {  	s0 =	sand.u32 $0x3FFFFF00, s13;
	v24 =	vld [tilespmem:s4+$0x4000]  }
0x285: {  	s23 =	simm.s32 $0x0;
	s13 =	sshll.u32 s18, $0xB;
	s0 =	sadd.s32 $0x7800, s0;
	v26 =	vld [tilespmem:s5+$0x6800]  }
0x286: {  	s19 =	sshrl.u32 s13, $0x2;
	v27 =	vld [tilespmem:s4+$0x6800];
	s30 =	sor.u32 $0x2800, s5;
	[dreg:$0xc] =	wrdreg s0  }
0x287: {  	s31 =	sor.u32 $0x2800, s4;
	s0 =	sand.u32 $0x3FFFFF80, s23;
	v28 =	vld [tilespmem:s30+$0x0];
	s22 =	rddreg [dreg:$0xc]  }
0x288: {  	s14 =	sadd.s32 $0x8000, s19;
	v29 =	vld [tilespmem:s31+$0x0];
	s0 =	sadd.s32 s0, s22;
	s22 =	sor.u32 $0x1000, s4  }
0x289: {  	[dreg:$0xd] =	wrdreg s14;
	s13 =	sadd.s32 s11, s0;
	v36 =	vld [tilespmem:s22+$0x0]  }
0x28a: {  	s1 =	sshrl.u32 s1, $0x2;
	s14 =	rddreg [dreg:$0xd];
	s0 =	sadd.s32 s10, s0;
	v25 =	vld [tilespmem:s13+$0x0]  }
0x28b: {  	s1 =	sadd.s32 s1, s14;
	s14 =	sor.u32 $0x1000, s5;
	v18 =	vld [tilespmem:s0+$0x0]  }
0x28c: {  	s26 =	sadd.s32 s11, s1;
	v35 =	vld [tilespmem:s14+$0x0]  }
0x28d: {  	v12 =	vld [tilespmem:s26+$0x0]  }
0x28e: {  	s1 =	sadd.s32 s10, s1;
	v13 =	vld [tilespmem:s26+$0x80]  }
0x28f: {  	v6 =	vld [tilespmem:s1+$0x0]  }
0x290: {  	v2 =	vimm.f32 $0.0e+00;
	s10 =	sor.u32 $0x2000, s4;
	v38 =	vadd.f32 v8, v27;
	v39 =	vadd.f32 v3, v26;
	v7 =	vld [tilespmem:s1+$0x80]  }
0x291: {  	s11 =	sor.u32 $0x1800, s5;
	v23 =	vsub.f32 v22, v23;
	v22 =	vsub.f32 v19, v20;
	v63 =	vcvt.s32.f32 v0;
	v31 =	vld [tilespmem:s10+$0x0]  }
0x292: {  	s13 =	sor.u32 $0x1800, s4;
	v32 =	vld [tilespmem:s11+$0x0];
	v9 =	vsub.f32 v29, v9;
	v28 =	vsub.f32 v28, v5;
	v5 =	vcvt.s32.f32 v1  }
0x293: {  	vm0 =	vgt.s32 v0, $0x0;
	vm1 =	vgt.s32 v1, $0x0;
	s1 =	sor.u32 $0x2000, s5;
	v33 =	vld [tilespmem:s13+$0x0];
	v46 =	vmul.f32 $5.000000000e-01, v63  }
0x294: {  	s26 =	sor.u32 $0x800, s4;
	v30 =	vld [tilespmem:s1+$0x0];
	v47 =	vmul.f32 $5.000000000e-01, v5;
	v9 =	vand.u32 $0x7FFFFFFF, v9;
	v34 =	vmax.f32 v25, $0.0e+00  }
0x295: {  	s23 =	sor.u32 $0x800, s5;
	v20 =	vld [tilespmem:s26+$0x0];
	v37 =	vmax.f32 v18, $0.0e+00;
	v16 =	vsub.f32 v35, v16;
	vm2 =	vge.f32 v25, $0.0e+00  }
0x296: {  	v19 =	vld [tilespmem:s23+$0x0];
	v35 =	vand.u32 $0x7FFFFFFF, v22;
	v22 =	vmul.f32 $1.591549370e-01, v39;
	v40 =	vsub.f32 v6, v7  }
0x297: {  	v61 =	vmax.f32 v12, v13;
	v41 =	vsub.f32 v12, v13;
	v44 =	vsub.f32 v31, v11  }
0x298: {  	s31 =	sor.u32 $0x3000, s4;
	v62 =	vmax.f32 v6, v7;
	v15 =	vsub.f32 v33, v15;
	v45 =	vsub.f32 v32, v14  }
0x299: {  	v29 =	vld [tilespmem:s31+$0x0];
	v14 =	vsub.f32 v36, v17;
	v17 =	vand.u32 $0x7FFFFFFF, v25;
	v36 =	vand.u32 $0x7FFFFFFF, v23  }
0x29a: {  	v42 =	vmin.f32 v35, $1.111111120e-01;
	v10 =	vsub.f32 v30, v10;
	v24 =	vsub.f32 v20, v24  }
0x29b: {  	v20 =	vand.u32 $0x7FFFFFFF, v18;
	v30 =	vsub.f32 v19, v21;
	v17 =	vsub.f32 $0.0e+00, v17  }
0x29c: {  	v21 =	vmul.f32 $1.591549370e-01, v38;
	v57 =	vand.u32 $0x7FFFFFFF, v16;
	v43 =	vmin.f32 v36, $1.111111120e-01  }
0x29d: {  	v53 =	vtrunc.f32 v22;
	v59 =	vmul.f32 $4.500000000e+00, v42;
	v31 =	vsub.f32 $0.0e+00, v20  }
0x29e: {  	v20 =	vsub.f32 v29, v27;
	v29 =	vmul.f32 v5, v18;
	v51 =	vand.u32 $0x7FFFFFFF, v41  }
0x29f: {  	v56 =	vand.u32 $0x7FFFFFFF, v15;
	v0 =	vand.u32 $0x7FFFFFFF, v44;
	v41 =	vand.u32 $0x7FFFFFFF, v45  }
0x2a0: {  	[tilespmem:$0x1FF30] =	vst v61;
	v15 =	vsub.f32 $7.500000000e-01, v47;
	v33 =	vmin.f32 v57, $1.111111120e-01;
	v61 =	vmul.f32 $4.500000000e+00, v43  }
0x2a1: {  	v47 =	vcvt.f32.s32 v53;
	v10 =	vand.u32 $0x7FFFFFFF, v10;
	v23 =	vand.u32 $0x7FFFFFFF, v24  }
0x2a2: {  	s30 =	sor.u32 $0x3000, s5;
	v27 =	vand.u32 $0x7FFFFFFF, v30;
	v54 =	vmul.f32 $1.442695020e+00, v17;
	v55 =	vsub.f32 $0.0e+00, v51  }
0x2a3: {  	v11 =	vld [tilespmem:s30+$0x0];
	v30 =	vmin.f32 v0, $1.111111120e-01;
	v44 =	vtrunc.f32 v21;
	v32 =	vmin.f32 v41, $1.111111120e-01  }
0x2a4: {  	[tilespmem:$0x1FF20] =	vst v2;
	v2 =	vmul.f32 $1.442695020e+00, v31;
	v17 =	vsub.f32 v37, v29;
	v60 =	vmin.f32 v10, $1.111111120e-01  }
0x2a5: {  	v31 =	vmin.f32 v56, $1.111111120e-01;
	v29 =	vsub.f32 v36, v43;
	v45 =	vmul.f32 $4.500000000e+00, v30  }
0x2a6: {  	v38 =	vmin.f32 v27, $1.111111120e-01;
	v39 =	vmin.f32 v23, $1.111111120e-01;
	v52 =	vcvt.f32.s32 v44  }
0x2a7: {  	v48 =	vmul.f32 $4.500000000e+00, v32;
	v44 =	vmul.f32 $4.500000000e+00, v33;
	v36 =	vsub.f32 v0, v30  }
0x2a8: {  	v19 =	vsub.f32 v11, v26;
	v11 =	vmul.f32 v63, v25;
	v25 =	vand.u32 $0x7FFFFFFF, v40  }
0x2a9: {  	v40 =	vand.u32 $0x7FFFFFFF, v28;
	v26 =	vand.u32 $0x7FFFFFFF, v14;
	v1 =	vmul.f32 $4.500000000e+00, v60  }
0x2aa: {  	v14 =	vsub.f32 $7.500000000e-01, v46;
	v46 =	vmul.f32 $4.500000000e+00, v31;
	v53 =	vmul.f32 $4.500000000e+00, v38  }
0x2ab: {  	v28 =	vsub.f32 v35, v42;
	v50 =	vmul.f32 $4.500000000e+00, v39;
	(erf) = vpow2.f32 v54  }
0x2ac: {  	v37 =	vsub.f32 v10, v60;
	v54 =	vmul.f32 $1.442695020e+00, v55;
	v55 =	vmul.f32 v59, v42  }
0x2ad: {  	v42 =	vsub.f32 v41, v32;
	v59 =	vmul.f32 v61, v43;
	v43 =	vsub.f32 v56, v31  }
0x2ae: {  	v41 =	vsub.f32 v57, v33;
	v10 =	vimm.f32 $0.0e+00;
	v51 =	vsub.f32 $0.0e+00, v25  }
0x2af: {  	v25 =	vmul.f32 $1.591549370e-01, v20;
	v58 =	vmin.f32 v40, $1.111111120e-01;
	(erf) = vpow2.f32 v2  }
0x2b0: {  	v24 =	vmul.f32 $1.591549370e-01, v19;
	v16 =	vsub.f32 v34, v11;
	v11 =	vmin.f32 v9, $1.111111120e-01  }
0x2b1: {  	[tilespmem:$0x1FF40] =	vst v62;
	v62 =	vmul.f32 $4.500000000e+00, v58;
	v34 =	vmin.f32 v26, $1.111111120e-01;
	v35 =	vsub.f32 v40, v58  }
0x2b2: {  	[tilespmem:$0x1FF50] =	vst v63;
	v57 =	vmul.f32 v1, v60;
	v60 =	vimm.f32 $0.0e+00;
	v63 =	vmul.f32 $4.500000000e+00, v11  }
0x2b3: {  	v49 =	vmul.f32 $4.500000000e+00, v34;
	v40 =	vsub.f32 v9, v11;
	v51 =	vmul.f32 $1.442695020e+00, v51  }
0x2b4: {  	s4 =	simm.s32 $0x1;
	s5 =	simm.s32 $0x0;
	v56 =	vmul.f32 v62, v58;
	v58 =	vmul.f32 v63, v11;
	v11 =	vimm.f32 $0.0e+00  }
.LBB2_13:
0x2b5: {  	v0 =	vsub.f32 v26, v34  }
0x2b6: {  	v23 =	vsub.f32 v23, v39;
	v1 =	vmul.f32 v45, v30;
	v30 =	vcvt.s32.f32 v47  }
0x2b7: {  	v45 =	vcvt.s32.f32 v52;
	v47 =	vsub.f32 v27, v38;
	v32 =	vmul.f32 v48, v32  }
0x2b8: {  	v31 =	vmul.f32 v46, v31;
	v33 =	vmul.f32 v44, v33;
	v24 =	vadd.f32 $5.000000000e-01, v24  }
0x2b9: {  	v34 =	vmul.f32 v49, v34;
	v25 =	vadd.f32 $5.000000000e-01, v25;
	v28 =	vadd.f32 v55, v28  }
0x2ba: {  	v52 =	vmul.f32 v53, v38;
	v27 =	vadd.f32 v58, v40;
	v35 =	vadd.f32 v56, v35  }
0x2bb: {  	v53 =	vmul.f32 v50, v39;
	v37 =	vadd.f32 v57, v37;
	v1 =	vadd.f32 v1, v36  }
0x2bc: {  	v56 =	vtrunc.f32 v24;
	v32 =	vadd.f32 v32, v42;
	v31 =	vadd.f32 v31, v43  }
0x2bd: {  	v58 =	vtrunc.f32 v25;
	v63 =	vadd.f32 $-1.000000000e+00, v45;
	v0 =	vadd.f32 v34, v0  }
0x2be: {  	v33 =	vadd.f32 v33, v41;
	vm3 =	vlt.f32 v22, v30;
	v62 =	vcvt.f32.s32 v58  }
0x2bf: {  	vm4 =	vlt.f32 v21, v45;
	v43 =	vadd.f32 v52, v47;
	v61 =	vcvt.f32.s32 v56  }
0x2c0: {  	v23 =	vadd.f32 v53, v23;
	v47 =	vsel vm4, v63, v45;
	v46 =	vcvt.s32.f32 v62  }
0x2c1: {  	v34 =	vadd.f32 v43, v28;
	v36 =	vcvt.s32.f32 v61;
	v26 =	vpop (erf);
	(erf) = vpow2.f32 v54  }
0x2c2: {  	v54 =	vadd.f32 v59, v29;
	v59 =	vadd.f32 $-1.000000000e+00, v30;
	v29 =	vpop (erf);
	(erf) = vpow2.f32 v51  }
0x2c3: {  	vm5 =	vlt.f32 v24, v36;
	v24 =	vadd.f32 $-1.000000000e+00, v36;
	vm6 =	vlt.f32 v25, v46  }
0x2c4: {  	v25 =	vadd.f32 $1.000000000e+00, v26;
	v2 =	vsel vm3, v59, v30;
	v23 =	vadd.f32 v23, v54  }
0x2c5: {  	vm3 =	vge.f32 v18, $0.0e+00;
	v18 =	vsub.f32 v21, v47;
	v21 =	vsub.f32 v22, v2  }
0x2c6: {  	v22 =	vadd.f32 $-1.000000000e+00, v46;
	v0 =	vadd.f32 v0, v23  }
0x2c7: {  	v23 =	vadd.f32 v33, v34;
	vm14 =	vge.f32 v18, $5.000000000e-01;
	v18 =	vsel vm5, v24, v36  }
0x2c8: {  	v24 =	vmul.f32 $3.010262550e-02, v26;
	vm15 =	vge.f32 v21, $5.000000000e-01;
	v21 =	vsel vm6, v22, v46  }
0x2c9: {  	v18 =	vmul.f32 $6.283185480e+00, v18;
	v0 =	vadd.f32 v31, v0;
	v22 =	vadd.f32 v32, v23  }
0x2ca: {  	v23 =	vmul.f32 $3.010262550e-02, v29;
	v48 =	vmul.f32 $6.283185480e+00, v21;
	v21 =	vadd.f32 $-1.301194130e-01, v24  }
0x2cb: {  	v47 =	vsel vm14, v7, v6;
	v18 =	vsub.f32 v19, v18;
	v32 =	vadd.f32 v37, v22  }
0x2cc: {  	s1 =	sshll.u32 s4, $0x8;
	s5 =	sadd.s32 $0x20, s5;
	v0 =	vadd.f32 v1, v0;
	v22 =	vadd.f32 $-1.301194130e-01, v23;
	v19 =	vmul.f32 v21, v26;
	v28 =	vpop (erf)  }
0x2cd: {  	s0 =	rddreg [dreg:$0xb];
	s13 =	sand.u32 $0x60, s5;
	s22 =	sand.u32 $0xFFFFFC00, s1;
	v1 =	vsub.f32 v20, v48;
	v34 =	vmul.f32 v18, v18;
	v23 =	vmul.f32 $3.010262550e-02, v28  }
0x2ce: {  	s0 =	sadd.s32 s0, s22;
	s14 =	sor.u32 $0x10, s13;
	v31 =	vadd.f32 $1.000000000e+00, v29;
	v30 =	vpop (erf);
	(erf) = vrcp.f32 v25;
	v22 =	vmul.f32 v22, v29  }
0x2cf: {  	s11 =	sor.u32 s14, s0;
	v36 =	vsel vm15, v13, v12;
	v49 =	vmul.f32 v1, v1;
	v24 =	vmul.f32 $3.010262550e-02, v30  }
0x2d0: {  	v44 =	vld [tilespmem:s11+$0x6800];
	v40 =	vadd.f32 v35, v32;
	(erf) = vrcp.f32 v31;
	v21 =	vadd.f32 $-1.301194130e-01, v23  }
0x2d1: {  	v50 =	vmul.f32 $1.477364570e-04, v34;
	v22 =	vadd.f32 $2.833043340e-01, v22;
	v23 =	vadd.f32 $-1.301194130e-01, v24  }
0x2d2: {  	s10 =	sor.u32 s13, s0;
	v43 =	vld [tilespmem:s11+$0x3800];
	v0 =	vadd.f32 v27, v0;
	v51 =	vmul.f32 $1.477364570e-04, v49;
	v24 =	vadd.f32 $2.833043340e-01, v19  }
0x2d3: {  	v45 =	vld [tilespmem:s10+$0x3800];
	v33 =	vsub.f32 $7.998520500e-03, v50;
	v53 =	vmul.f32 v22, v29;
	v31 =	vmul.f32 v23, v30  }
0x2d4: {  	v37 =	vld [tilespmem:s11+$0x0];
	v25 =	vmul.f32 v21, v28;
	v54 =	vsub.f32 $7.998520500e-03, v51;
	v24 =	vmul.f32 v24, v26  }
0x2d5: {  	v58 =	vmul.f32 v33, v34;
	v33 =	vld [tilespmem:s11+$0x7000];
	v12 =	vadd.f32 $-4.891568420e-01, v53;
	v31 =	vadd.f32 $2.833043340e-01, v31  }
0x2d6: {  	v46 =	vld [tilespmem:s10+$0x0];
	v52 =	vadd.f32 $2.833043340e-01, v25;
	v57 =	vmul.f32 v54, v49;
	v55 =	vadd.f32 $-4.891568420e-01, v24  }
0x2d7: {  	v20 =	vld [tilespmem:s11+$0x9000];
	v2 =	vadd.f32 $-1.658382270e-01, v58;
	v12 =	vmul.f32 v12, v29;
	v13 =	vmul.f32 v31, v30  }
0x2d8: {  	v27 =	vld [tilespmem:s10+$0x5000];
	v39 =	vadd.f32 $-1.658382270e-01, v57;
	v31 =	vmul.f32 v52, v28;
	v56 =	vpop (erf);
	v41 =	vmul.f32 v55, v26  }
0x2d9: {  	v35 =	vld [tilespmem:s10+$0x7000];
	v37 =	vsub.f32 v37, v43;
	v52 =	vmul.f32 v2, v34;
	v61 =	vmul.f32 v56, v26  }
0x2da: {  	v32 =	vld [tilespmem:s10+$0x4800];
	v59 =	vpop (erf);
	v12 =	vadd.f32 $9.990104430e-01, v12;
	v7 =	vmul.f32 v39, v49;
	v33 =	vadd.f32 v33, v44  }
0x2db: {  	v19 =	vld [tilespmem:s10+$0x9000];
	v13 =	vadd.f32 $-4.891568420e-01, v13;
	v62 =	vadd.f32 $-4.891568420e-01, v31;
	v63 =	vmul.f32 v59, v29  }
0x2dc: {  	s26 =	sshll.u32 s4, $0x5;
	v21 =	vld [tilespmem:s11+$0x6000];
	v6 =	vadd.f32 $9.990104430e-01, v41;
	v38 =	vsel vm2, v56, v61;
	v7 =	vadd.f32 $9.994499680e-01, v7  }
0x2dd: {  	s31 =	rddreg [dreg:$0xc];
	s1 =	sand.u32 $0x3FFFFF80, s26;
	v22 =	vld [tilespmem:s11+$0x5800];
	v12 =	vmul.f32 v12, v29;
	v48 =	vsel vm3, v59, v63;
	v50 =	vmul.f32 v62, v28  }
0x2de: {  	s0 =	sadd.s32 s1, s31;
	v23 =	vld [tilespmem:s10+$0x6000];
	v13 =	vmul.f32 v13, v30;
	v49 =	vsub.f32 $1.000000000e+00, v38;
	v51 =	vsub.f32 $1.000000000e+00, v48  }
0x2df: {  	s31 =	sadd.s32 s14, s0;
	v25 =	vld [tilespmem:s10+$0x5800];
	v6 =	vmul.f32 v6, v26;
	v53 =	vadd.f32 $2.211703030e-05, v12;
	v42 =	vadd.f32 $9.990104430e-01, v50  }
0x2e0: {  	v29 =	vld [tilespmem:s31+$0x0];
	v1 =	vmul.f32 v7, v1;
	v7 =	vadd.f32 $9.990104430e-01, v13;
	v13 =	vadd.f32 $9.994499680e-01, v52  }
0x2e1: {  	v24 =	vld [tilespmem:s11+$0x5000];
	v6 =	vadd.f32 $2.211703030e-05, v6;
	v38 =	vsel vm0, v38, v49;
	vm0 =	vgt.s32 v20, $0x0  }
0x2e2: {  	v63 =	vld [tilespmem:s10+$0x6800];
	v39 =	vsel vm1, v48, v51;
	v1 =	vand.u32 $0x7FFFFFFF, v1;
	v38 =	vsub.f32 $1.000000000e+00, v38  }
0x2e3: {  	s23 =	rddreg [dreg:$0xd];
	s30 =	sshrl.u32 s22, $0x2;
	v34 =	vld [tilespmem:s11+$0x4000];
	v17 =	vadd.f32 v53, v17;
	vm1 =	vgt.s32 v19, $0x0;
	v12 =	vmul.f32 v13, v18  }
0x2e4: {  	s1 =	sadd.s32 s30, s23;
	v31 =	vld [tilespmem:s11+$0x4800];
	v54 =	vmin.f32 v1, $1.111111120e-01;
	v39 =	vsub.f32 $1.000000000e+00, v39;
	v28 =	vmul.f32 v42, v28  }
0x2e5: {  	s22 =	sadd.s32 s14, s1;
	v62 =	vld [tilespmem:$0x1FF40];
	v7 =	vmul.f32 v7, v30;
	v16 =	vadd.f32 v6, v16;
	vm2 =	vge.f32 v29, $0.0e+00  }
0x2e6: {  	s1 =	sadd.s32 s13, s1;
	v13 =	vld [tilespmem:s22+$0x80];
	v55 =	vmul.f32 $4.500000000e+00, v54;
	v1 =	vsub.f32 v1, v54;
	v38 =	vmul.f32 v38, v38  }
0x2e7: {  	v6 =	vld [tilespmem:s1+$0x0];
	v35 =	vadd.f32 v35, v63;
	v56 =	vand.u32 $0x7FFFFFFF, v12;
	v39 =	vmul.f32 v39, v39  }
0x2e8: {  	v59 =	vadd.f32 $2.211703030e-05, v7;
	v7 =	vld [tilespmem:s1+$0x80];
	v28 =	vadd.f32 $2.211703030e-05, v28;
	v30 =	vmin.f32 v56, $1.111111120e-01  }
0x2e9: {  	v12 =	vld [tilespmem:s22+$0x0];
	v57 =	vmul.f32 v55, v54;
	v14 =	vmul.f32 v38, v14;
	v38 =	vmax.f32 v29, $0.0e+00  }
0x2ea: {  	s0 =	sadd.s32 s13, s0;
	s13 =	sor.u32 $0x1800, s10;
	v49 =	vld [tilespmem:$0x1FF50];
	v55 =	vsub.f32 v46, v45;
	v58 =	vmul.f32 $4.500000000e+00, v30;
	v8 =	vadd.f32 v59, v62  }
0x2eb: {  	s31 =	sor.u32 $0x2000, s10;
	v51 =	vld [tilespmem:s13+$0x0];
	v39 =	vmul.f32 v39, v15;
	v1 =	vadd.f32 v57, v1;
	v14 =	vmul.f32 v16, v14  }
0x2ec: {  	v16 =	vld [tilespmem:s31+$0x0];
	v61 =	vmul.f32 v58, v30;
	v30 =	vsub.f32 v56, v30;
	v8 =	vsub.f32 v8, v47  }
0x2ed: {  	v47 =	vld [tilespmem:$0x1FF30];
	v0 =	vadd.f32 v1, v0;
	v1 =	vmul.f32 v17, v39;
	v59 =	vsub.f32 v6, v7  }
0x2ee: {  	v48 =	vld [tilespmem:$0x1FF20];
	v15 =	vadd.f32 v61, v30;
	v8 =	vmul.f32 v5, v8;
	v61 =	vsub.f32 v12, v13  }
0x2ef: {  	v18 =	vld [tilespmem:s0+$0x0];
	s22 =	sor.u32 $0x1000, s10;
	v0 =	vmul.f32 v5, v0;
	v1 =	vadd.f32 v1, v11;
	v5 =	vadd.f32 v5, v60  }
0x2f0: {  	v54 =	vld [tilespmem:s22+$0x0];
	v53 =	vmax.f32 v12, v13;
	v15 =	vadd.f32 v15, v40;
	v8 =	vadd.f32 v8, v10  }
0x2f1: {  	s30 =	sor.u32 $0x2000, s11;
	v26 =	vld [tilespmem:s10+$0x4000];
	v46 =	vand.u32 $0x7FFFFFFF, v59;
	v16 =	vsub.f32 v16, v25;
	v25 =	vsub.f32 v51, v27  }
0x2f2: {  	s23 =	sor.u32 $0x2800, s11;
	v17 =	vld [tilespmem:s30+$0x0];
	v56 =	vmax.f32 v6, v7;
	v59 =	vsub.f32 $0.0e+00, v46;
	v4 =	vadd.f32 v28, v47  }
0x2f3: {  	v30 =	vld [tilespmem:s23+$0x0];
	s23 =	sor.u32 $0x800, s11;
	v60 =	vcvt.s32.f32 v20;
	v0 =	vadd.f32 v0, v48;
	v3 =	vadd.f32 v14, v1  }
0x2f4: {  	s26 =	sor.u32 $0x2800, s10;
	v57 =	vld [tilespmem:s23+$0x0];
	v10 =	vadd.f32 v49, v5;
	v14 =	vmax.f32 v18, $0.0e+00;
	v5 =	vcvt.s32.f32 v19  }
0x2f5: {  	s14 =	sor.u32 $0x1000, s11;
	v28 =	vld [tilespmem:s26+$0x0];
	v1 =	vsub.f32 v54, v32;
	v19 =	vand.u32 $0x7FFFFFFF, v29;
	v29 =	vmul.f32 v60, v29  }
0x2f6: {  	v52 =	vld [tilespmem:s14+$0x0];
	s30 =	sor.u32 $0x3000, s11;
	v62 =	vmul.f32 $5.000000000e-01, v60;
	v47 =	vand.u32 $0x7FFFFFFF, v61;
	v50 =	vmul.f32 v49, v15  }
0x2f7: {  	s1 =	sor.u32 $0x1800, s11;
	v20 =	vld [tilespmem:s30+$0x0];
	v17 =	vsub.f32 v17, v22;
	v22 =	vand.u32 $0x7FFFFFFF, v18;
	v43 =	vand.u32 $0x7FFFFFFF, v25  }
0x2f8: {  	s26 =	sor.u32 $0x800, s10;
	v15 =	vld [tilespmem:s1+$0x0];
	v51 =	vand.u32 $0x7FFFFFFF, v16;
	v4 =	vsub.f32 v4, v36;
	v16 =	vsub.f32 v38, v29  }
0x2f9: {  	v58 =	vld [tilespmem:s26+$0x0];
	v36 =	vmul.f32 $5.000000000e-01, v5;
	v0 =	vadd.f32 v50, v0;
	v27 =	vsub.f32 v57, v34  }
0x2fa: {  	v41 =	vand.u32 $0x7FFFFFFF, v17;
	v23 =	vsub.f32 v28, v23;
	v28 =	vsub.f32 v30, v21  }
0x2fb: {  	v9 =	vmul.f32 v49, v4;
	[tilespmem:$0x1FF20] =	vst v0;
	v0 =	vsub.f32 v52, v31;
	v30 =	vsub.f32 $0.0e+00, v22  }
0x2fc: {  	v31 =	vsub.f32 $0.0e+00, v19;
	v19 =	vsub.f32 v20, v44;
	v22 =	vmul.f32 $1.591549370e-01, v33  }
0x2fd: {  	v27 =	vand.u32 $0x7FFFFFFF, v27;
	v11 =	vadd.f32 v9, v8;
	v15 =	vsub.f32 v15, v24  }
0x2fe: {  	v24 =	vsub.f32 v58, v26;
	v26 =	vand.u32 $0x7FFFFFFF, v1;
	v58 =	vsub.f32 $0.0e+00, v47  }
0x2ff: {  	v38 =	vmin.f32 v27, $1.111111120e-01;
	v40 =	vand.u32 $0x7FFFFFFF, v23;
	v42 =	vand.u32 $0x7FFFFFFF, v28  }
0x300: {  	[tilespmem:$0x1FF40] =	vst v56;
	v0 =	vand.u32 $0x7FFFFFFF, v0;
	v54 =	vmul.f32 $1.442695020e+00, v31;
	v52 =	vtrunc.f32 v22  }
0x301: {  	s31 =	sor.u32 $0x3000, s10;
	[tilespmem:$0x1FF50] =	vst v60;
	v31 =	vmin.f32 v43, $1.111111120e-01;
	v34 =	vmin.f32 v26, $1.111111120e-01;
	v56 =	vand.u32 $0x7FFFFFFF, v15  }
0x302: {  	v23 =	vand.u32 $0x7FFFFFFF, v24;
	v24 =	vmul.f32 $1.591549370e-01, v19;
	v60 =	vmin.f32 v40, $1.111111120e-01  }
0x303: {  	v21 =	vld [tilespmem:s31+$0x0];
	v15 =	vsub.f32 $7.500000000e-01, v36;
	v61 =	vmin.f32 v42, $1.111111120e-01;
	v47 =	vcvt.f32.s32 v52  }
0x304: {  	v33 =	vmin.f32 v0, $1.111111120e-01;
	v46 =	vmul.f32 $4.500000000e+00, v31;
	v49 =	vmul.f32 $4.500000000e+00, v34  }
0x305: {  	v43 =	vsub.f32 v43, v31;
	v32 =	vmin.f32 v56, $1.111111120e-01;
	v4 =	vmul.f32 $4.500000000e+00, v61  }
0x306: {  	v8 =	vmul.f32 $4.500000000e+00, v60;
	v39 =	vmin.f32 v23, $1.111111120e-01;
	v44 =	vmul.f32 $4.500000000e+00, v33  }
0x307: {  	v40 =	vsub.f32 v40, v60;
	(erf) = vpow2.f32 v54;
	v54 =	vmul.f32 $1.442695020e+00, v58  }
0x308: {  	v20 =	vsub.f32 v21, v63;
	v63 =	vmul.f32 v5, v18;
	v21 =	vmul.f32 $1.591549370e-01, v35  }
0x309: {  	v35 =	vand.u32 $0x7FFFFFFF, v37;
	v37 =	vand.u32 $0x7FFFFFFF, v55;
	v55 =	vmul.f32 $1.442695020e+00, v30  }
0x30a: {  	v30 =	vmin.f32 v51, $1.111111120e-01;
	v48 =	vmul.f32 $4.500000000e+00, v32;
	v50 =	vmul.f32 $4.500000000e+00, v39  }
0x30b: {  	v1 =	vmin.f32 v35, $1.111111120e-01;
	v57 =	vmin.f32 v37, $1.111111120e-01;
	v45 =	vmul.f32 $4.500000000e+00, v30  }
0x30c: {  	v36 =	vsub.f32 v51, v30;
	v51 =	vmul.f32 $1.442695020e+00, v59;
	v58 =	vmul.f32 v8, v60  }
0x30d: {  	v25 =	vmul.f32 $1.591549370e-01, v20;
	v17 =	vsub.f32 v14, v63;
	v14 =	vsub.f32 $7.500000000e-01, v62  }
0x30e: {  	p0 =	sne.s32 s4, $0x7;
	[tilespmem:$0x1FF30] =	vst v53;
	v62 =	vmin.f32 v41, $1.111111120e-01;
	v53 =	vtrunc.f32 v21;
	v28 =	vsub.f32 v35, v1  }
.Ltmp5:
0x30f: {  	v63 =	vmul.f32 $4.500000000e+00, v1;
	v2 =	vmul.f32 $4.500000000e+00, v57;
	v35 =	vsub.f32 v42, v61;
	(pc) =	sbr.rel @p0 .LBB2_13-.Ltmp5, $4  }
0x310: {  	(erf) = vpow2.f32 v55;
	v42 =	vsub.f32 v56, v32;
	v56 =	vmul.f32 v4, v61  }
0x311: {  	v29 =	vsub.f32 v37, v57;
	v9 =	vmul.f32 $4.500000000e+00, v62;
	v52 =	vcvt.f32.s32 v53  }
0x312: {  	v60 =	vmovc v10;
	v10 =	vmovc v11;
	v53 =	vmul.f32 $4.500000000e+00, v38;
	v37 =	vsub.f32 v41, v62;
	v55 =	vmul.f32 v63, v1  }
0x313: {  	s4 =	sadd.s32 $0x1, s4;
	v11 =	vmovc v3;
	v41 =	vsub.f32 v0, v33;
	v59 =	vmul.f32 v2, v57;
	v57 =	vmul.f32 v9, v62  }
0x314: {  	v0 =	vmul.f32 v45, v30;
	v2 =	vcvt.s32.f32 v47  }
0x315: {  	v1 =	vsub.f32 v26, v34;
	v4 =	vcvt.s32.f32 v52;
	v9 =	vmul.f32 v48, v32  }
0x316: {  	v8 =	vsub.f32 v27, v38;
	v47 =	vmul.f32 v46, v31;
	v48 =	vmul.f32 v44, v33  }
0x317: {  	v23 =	vsub.f32 v23, v39;
	v49 =	vmul.f32 v49, v34;
	v52 =	vmul.f32 v53, v38  }
0x318: {  	v24 =	vadd.f32 $5.000000000e-01, v24;
	v53 =	vmul.f32 v50, v39;
	v25 =	vadd.f32 $5.000000000e-01, v25  }
0x319: {  	(erf) = vpow2.f32 v54;
	v28 =	vadd.f32 v55, v28;
	v33 =	vadd.f32 v58, v40  }
0x31a: {  	v34 =	vadd.f32 v56, v35;
	vm13 =	vge.f32 v18, $0.0e+00;
	v29 =	vadd.f32 v59, v29  }
0x31b: {  	(erf) = vpow2.f32 v51;
	v37 =	vadd.f32 v57, v37;
	v59 =	vadd.f32 $-1.000000000e+00, v2  }
0x31c: {  	v56 =	vtrunc.f32 v24;
	v0 =	vadd.f32 v0, v36;
	v9 =	vadd.f32 v9, v42  }
0x31d: {  	v58 =	vtrunc.f32 v25;
	v26 =	vadd.f32 v47, v43;
	v62 =	vadd.f32 $-1.000000000e+00, v4  }
0x31e: {  	v1 =	vadd.f32 v49, v1;
	v27 =	vadd.f32 v48, v41;
	vm3 =	vlt.f32 v22, v2  }
0x31f: {  	v23 =	vadd.f32 v53, v23;
	vm4 =	vlt.f32 v21, v4;
	v41 =	vpop (erf);
	v35 =	vcvt.f32.s32 v56  }
0x320: {  	v8 =	vadd.f32 v52, v8;
	v61 =	vcvt.f32.s32 v58;
	v45 =	vmul.f32 $3.010262550e-02, v41  }
0x321: {  	v46 =	vadd.f32 $1.000000000e+00, v41;
	v23 =	vadd.f32 v23, v29;
	v4 =	vsel vm4, v62, v4  }
0x322: {  	v2 =	vsel vm3, v59, v2;
	v8 =	vadd.f32 v8, v28;
	v63 =	vcvt.s32.f32 v61  }
0x323: {  	v36 =	vcvt.s32.f32 v35;
	v4 =	vsub.f32 v21, v4;
	v2 =	vsub.f32 v22, v2  }
0x324: {  	v42 =	vpop (erf);
	v18 =	vadd.f32 $-1.301194130e-01, v45;
	(erf) = vrcp.f32 v46;
	v1 =	vadd.f32 v1, v23  }
0x325: {  	v8 =	vadd.f32 v27, v8;
	v44 =	vmul.f32 $3.010262550e-02, v42;
	v47 =	vadd.f32 $1.000000000e+00, v42  }
0x326: {  	v39 =	vadd.f32 $-1.000000000e+00, v63;
	vm5 =	vlt.f32 v24, v36;
	v40 =	vadd.f32 $-1.000000000e+00, v36  }
0x327: {  	vm6 =	vlt.f32 v25, v63;
	vm14 =	vge.f32 v4, $5.000000000e-01;
	vm15 =	vge.f32 v2, $5.000000000e-01  }
0x328: {  	v18 =	vmul.f32 v18, v41;
	v1 =	vadd.f32 v26, v1;
	v8 =	vadd.f32 v9, v8  }
0x329: {  	v9 =	vadd.f32 $-1.301194130e-01, v44;
	(erf) = vrcp.f32 v47;
	v12 =	vsel vm15, v13, v12  }
0x32a: {  	v6 =	vsel vm14, v7, v6;
	v21 =	vsel vm5, v40, v36;
	v43 =	vsel vm6, v39, v63  }
0x32b: {  	v48 =	vpop (erf);
	v18 =	vadd.f32 $2.833043340e-01, v18;
	v21 =	vmul.f32 $6.283185480e+00, v21;
	v2 =	vmul.f32 $6.283185480e+00, v43  }
0x32c: {  	v8 =	vadd.f32 v37, v8;
	v49 =	vpop (erf);
	v50 =	vmul.f32 $3.010262550e-02, v48;
	v9 =	vmul.f32 v9, v42  }
0x32d: {  	v0 =	vadd.f32 v0, v1;
	v51 =	vmul.f32 $3.010262550e-02, v49;
	v19 =	vsub.f32 v19, v21  }
0x32e: {  	v18 =	vmul.f32 v18, v41;
	v2 =	vsub.f32 v20, v2;
	v52 =	vadd.f32 $-1.301194130e-01, v50  }
0x32f: {  	v9 =	vadd.f32 $2.833043340e-01, v9;
	v53 =	vadd.f32 $-1.301194130e-01, v51;
	v54 =	vmul.f32 v19, v19  }
0x330: {  	v18 =	vadd.f32 $-4.891568420e-01, v18;
	v55 =	vmul.f32 v2, v2;
	v20 =	vmul.f32 v52, v48  }
0x331: {  	v8 =	vadd.f32 v34, v8;
	v9 =	vmul.f32 v9, v42;
	v61 =	vpop (erf);
	v21 =	vmul.f32 v53, v49  }
0x332: {  	v0 =	vadd.f32 v33, v0;
	v18 =	vmul.f32 v18, v41;
	v63 =	vmul.f32 v61, v41  }
0x333: {  	v57 =	vmul.f32 $1.477364570e-04, v55;
	v20 =	vadd.f32 $2.833043340e-01, v20;
	v9 =	vadd.f32 $-4.891568420e-01, v9  }
0x334: {  	v56 =	vmul.f32 $1.477364570e-04, v54;
	v21 =	vadd.f32 $2.833043340e-01, v21;
	v18 =	vadd.f32 $9.990104430e-01, v18  }
0x335: {  	v62 =	vpop (erf);
	v33 =	vsel vm2, v61, v63;
	v27 =	vsub.f32 $7.998520500e-03, v57;
	v20 =	vmul.f32 v20, v48  }
0x336: {  	v24 =	vsub.f32 $7.998520500e-03, v56;
	v9 =	vmul.f32 v9, v42;
	v3 =	vmul.f32 v62, v42  }
0x337: {  	v35 =	vsub.f32 $1.000000000e+00, v33;
	v58 =	vmul.f32 v21, v49;
	v59 =	vmul.f32 v27, v55  }
0x338: {  	v37 =	vmul.f32 v18, v41;
	v24 =	vmul.f32 v24, v54;
	v20 =	vadd.f32 $-4.891568420e-01, v20  }
0x339: {  	v9 =	vadd.f32 $9.990104430e-01, v9;
	v34 =	vsel vm13, v62, v3;
	v21 =	vadd.f32 $-1.658382270e-01, v59  }
0x33a: {  	v40 =	vsel vm0, v33, v35;
	v13 =	vadd.f32 $-4.891568420e-01, v58;
	v36 =	vsub.f32 $1.000000000e+00, v34  }
0x33b: {  	v24 =	vadd.f32 $-1.658382270e-01, v24;
	v20 =	vmul.f32 v20, v48;
	v21 =	vmul.f32 v21, v55  }
0x33c: {  	v4 =	vmul.f32 v9, v42;
	v9 =	vadd.f32 $2.211703030e-05, v37;
	v13 =	vmul.f32 v13, v49  }
0x33d: {  	v1 =	vmul.f32 v24, v54;
	v38 =	vadd.f32 $9.990104430e-01, v20;
	v21 =	vadd.f32 $9.994499680e-01, v21  }
0x33e: {  	v39 =	vsel vm1, v34, v36;
	v4 =	vadd.f32 $2.211703030e-05, v4;
	v13 =	vadd.f32 $9.990104430e-01, v13  }
0x33f: {  	v46 =	vld [tilespmem:$0x1FF40];
	v20 =	vsub.f32 $1.000000000e+00, v39;
	v1 =	vadd.f32 $9.994499680e-01, v1;
	v2 =	vmul.f32 v21, v2  }
0x340: {  	v51 =	vadd.f32 v9, v16;
	v18 =	vmul.f32 v38, v48;
	v13 =	vmul.f32 v13, v49  }
0x341: {  	v50 =	vld [tilespmem:$0x1FF30];
	v4 =	vadd.f32 v4, v17;
	v1 =	vmul.f32 v1, v19;
	v2 =	vand.u32 $0x7FFFFFFF, v2  }
0x342: {  	v45 =	vmul.f32 v20, v20;
	v13 =	vadd.f32 $2.211703030e-05, v13;
	v41 =	vmin.f32 v2, $1.111111120e-01  }
0x343: {  	v21 =	vsub.f32 $1.000000000e+00, v40;
	v1 =	vand.u32 $0x7FFFFFFF, v1;
	v42 =	vmul.f32 $4.500000000e+00, v41  }
0x344: {  	v18 =	vadd.f32 $2.211703030e-05, v18;
	v43 =	vmin.f32 v1, $1.111111120e-01;
	v13 =	vadd.f32 v13, v46  }
0x345: {  	v3 =	vld [tilespmem:$0x1FF50];
	v2 =	vsub.f32 v2, v41;
	v44 =	vmul.f32 $4.500000000e+00, v43;
	v22 =	vmul.f32 v42, v41  }
0x346: {  	v47 =	vmul.f32 v21, v21;
	v6 =	vsub.f32 v13, v6;
	v13 =	vadd.f32 v18, v50  }
0x347: {  	v1 =	vsub.f32 v1, v43;
	v19 =	vmul.f32 v44, v43;
	v2 =	vadd.f32 v22, v2  }
0x348: {  	v54 =	vld [tilespmem:$0x1FF20];
	v48 =	vmul.f32 v45, v15;
	v52 =	vmul.f32 v5, v6;
	v53 =	vsub.f32 v13, v12  }
0x349: {  	v59 =	vld [tilespmem:$0x1FFF0];
	v49 =	vmul.f32 v47, v14;
	v1 =	vadd.f32 v19, v1;
	v0 =	vadd.f32 v2, v0  }
0x34a: {  	v6 =	vmul.f32 v3, v53;
	v2 =	vmul.f32 v4, v48;
	v4 =	vadd.f32 v52, v10  }
0x34b: {  	v57 =	vadd.f32 v5, v60;
	v58 =	vld [tilespmem:s19+$0x13100];
	v1 =	vadd.f32 v1, v8;
	v0 =	vmul.f32 v5, v0  }
0x34c: {  	v60 =	vld [tilespmem:s19+$0x13180];
	v7 =	vmul.f32 v51, v49;
	v2 =	vadd.f32 v2, v11;
	v4 =	vadd.f32 v6, v4  }
0x34d: {  	v56 =	vld [tilespmem:s19+$0x13080];
	v1 =	vmul.f32 v3, v1;
	v3 =	vadd.f32 v3, v57;
	v0 =	vadd.f32 v0, v54  }
0x34e: {  	v55 =	vld [tilespmem:s19+$0x13000];
	v2 =	vadd.f32 v7, v2;
	v4 =	vmul.f32 v4, v59  }
0x34f: {  	s18 =	sadd.s32 $0x1, s18;
	v61 =	vmul.f32 v3, v59;
	v0 =	vadd.f32 v1, v0  }
0x350: {  	p0 =	sne.s32 s18, $0x8;
	v2 =	vmul.f32 v2, v59;
	v62 =	vadd.f32 v58, v4  }
.Ltmp6:
0x351: {  	v63 =	vadd.f32 v60, v61;
	v0 =	vmul.f32 v0, v59;
	(pc) =	sbr.rel @p0 .LBB2_12-.Ltmp6, $4  }
0x352: {  	v1 =	vadd.f32 v56, v2;
	[tilespmem:s19+$0x13100] =	vst v62  }
0x353: {  	[tilespmem:s19+$0x13180] =	vst v63;
	v0 =	vadd.f32 v55, v0  }
0x354: {  	[tilespmem:s19+$0x13080] =	vst v1  }
0x355: {  	[tilespmem:s19+$0x13000] =	vst v0  }
0x356: {  	s18 =	simm.s32 $0x0  }
0x357: {  	s0 =	rddreg [dreg:$0x16];
	s1 =	simm.s32 $0x13000;
	s30 =	simm.s32 $0x3  }
0x358: {  	[hbm4b:s0+s18] =	stream.linear.scatter [tilespmem:s1], [sflag:$0x3], $0x1000, $0x38;
	[tilespmem:$0x14000] =	vst v63  }
0x359: {  	_ =	swait.ge [sflag:s30], $0x1000  }
0x35a: {  	s4 =	rddreg [dreg:$0x18]  }
0x35b: {  	s31 =	rddreg [dreg:$0x17];
	s4 =	sadd.s32 $0x1, s4  }
0x35c: {  	p0 =	sne.s32 s4, s31  }
.Ltmp7:
0x35d: {  	_ = 	snop;
	(pc) =	sbr.rel @p0 .LBB2_1-.Ltmp7, $3  }
0x35e: {  	_ =	sdelay $0x1  }
0x35f: {  	[sflag:s30] =	ssyncset.done $0x0  }
0x360: {  	[sflag:s30] =	ssyncadd.s32 $0xFFFFF000  }
0x361: {  	_ =	sfence.sel $0x180000  }
0x362: {  	[bflag:$0x0] =	sbarrier.arrive $0xFFFF  }
0x363: {  	_ =	strace $0x90000047  }
0x364: {  	s0 =	stileid.u32;
	[bflag:$0x2] =	sbarrier.arrive $0xFFFF  }
0x365: {  	p0 =	sne.s32 s0, $0x0;
	s0 =	rddreg [dreg:$0x7]  }
0x366: {  	s0 =	sadd.s32 @!p0 $0x100000, s0  }
0x367: {  	[sflag:s0] =	ssyncadd.tile.s32 @!p0 $0x1;
	_ =	shalt  }
.Lfunc_end2:
_tile_overlayer_lowered:
.L_overlay_start_2:
0x368: {  	(tag) =	ssettag $0x2  }
0x369: {  	s0 =	rddreg [dreg:$0x0];
	s2 =	stileid.u32  }
0x36a: {  	s1 =	rddreg [dreg:$0x1];
	p0 =	sne.s32 s2, $0x0  }
0x36b: {  	s3 =	rddreg [dreg:$0x2];
	[bflag:$0x3] =	sbarrier.arrive $0xFFFF;
	s2 =	simm.s32 @!p0 $0x1C03  }
0x36c: {  	[timem:s3], [sflag:s2] =	dma.local @!p0 [hbm:s0], s1  }
0x36d: {  	s0 =	simm.s32 @!p0 $0x3  }
0x36e: {  	_ =	swait.ge @!p0 [sflag:s0], s1  }
0x36f: {  	s1 =	ssub.s32 @!p0 $0x0, s1;
	[sflag:s0] =	ssyncset.done @!p0 $0x0  }
0x370: {  	[sflag:s0] =	ssyncadd.s32 @!p0 s1  }
0x371: {  	[bflag:$0x3] =	sbarrier.arrive $0xFFFF  }
0x372: {  	_ =	shalt  }

</sc_bundles>
